<compile_context>
chip_gen: v7x
topology: tpu7x:2x2x1
jax: 0.10.2.dev20260603
libtpu: 0.0.44.dev20260713+nightly
codegen_flags: <defaults>
</compile_context>

<pallas_src>
import functools

import jax
import jax.numpy as jnp
from jax import lax
from jax.experimental import pallas as pl
from jax.experimental.pallas import tpu as pltpu
from jax.experimental.pallas import tpu_sc as plsc

N_NODES = 10000
N_EDGES = 320000
D = 128

NC = 2
NS = 16
LANES = 16

NP = 10240
ROWS_PER_TILE = NP // NS
CB = 128
EP = 327680
RB = 1280
Q = NP // 4
EPS = EP // NS
EPH = EPS // 2
CROWS = 192
SB = 96
SEC = 8
TRASHI = CROWS * CB - LANES


def _vmesh():
    return plsc.VectorSubcoreMesh(core_axis_name="c", subcore_axis_name="s")


def _scale_body(x_ref, ht_ref, y_ref, dinv_ref):
    deg = jnp.sum(ht_ref[...], axis=1, keepdims=True) + 1.0
    dinv = lax.rsqrt(deg)
    dinv_ref[...] = dinv
    y_ref[...] = x_ref[...] * dinv


_scale = pl.pallas_call(
    _scale_body,
    grid=(NP // RB,),
    in_specs=[
        pl.BlockSpec((RB, D), lambda i: (i, 0)),
        pl.BlockSpec((RB, NS), lambda i: (i, 0)),
    ],
    out_specs=[
        pl.BlockSpec((RB, D), lambda i: (i, 0)),
        pl.BlockSpec((RB, 1), lambda i: (i, 0)),
    ],
    out_shape=[
        jax.ShapeDtypeStruct((NP, D), jnp.float32),
        jax.ShapeDtypeStruct((NP, 1), jnp.float32),
    ],
)


@functools.partial(
    pl.kernel,
    out_type=(
        jax.ShapeDtypeStruct((2, NC, NS, CROWS, CB), jnp.int32),
        jax.ShapeDtypeStruct((2, NC, NS, CROWS, CB), jnp.int32),
        jax.ShapeDtypeStruct((2, NC, NS, LANES), jnp.int32),
        jax.ShapeDtypeStruct((NC, NS, NP), jnp.float32),
    ),
    mesh=_vmesh(),
    compiler_params=pltpu.CompilerParams(needs_layout_passes=False),
    scratch_types=[
        pltpu.VMEM((EPH,), jnp.int32),
        pltpu.VMEM((EPH,), jnp.int32),
        pltpu.VMEM((CROWS, CB), jnp.int32),
        pltpu.VMEM((CROWS, CB), jnp.int32),
        pltpu.VMEM((CROWS, CB), jnp.int32),
        pltpu.VMEM((CROWS, CB), jnp.int32),
        pltpu.VMEM((LANES,), jnp.int32),
        pltpu.VMEM((NP,), jnp.float32),
    ],
)
def _route_sc(src_hbm, dst_hbm, csrc_hbm, cdst_hbm, cnt_hbm, hist_hbm, sraw,
              draw, sidx0, didx0, sidx1, didx1, cbuf, hist):
    cid = lax.axis_index("c")
    sid = lax.axis_index("s")
    lo0 = cid * Q
    lo1 = (2 + cid) * Q

    lanes16 = jnp.zeros((LANES,), jnp.int32)
    trash = jnp.full((LANES,), NP + Q, jnp.int32)
    lane_iota = lax.iota(jnp.int32, LANES)
    ones = jnp.ones((LANES,), jnp.float32)

    def zhist(i, carry):
        hist[pl.ds(i * LANES, LANES)] = jnp.zeros((LANES,), jnp.float32)
        return carry

    lax.fori_loop(0, NP // LANES, zhist, 0)

    def compact(d, s, lo, sidx, didx, n):
        dl = d - lo
        m = (dl >= 0) & (dl < Q)
        mi = m.astype(jnp.int32)
        cum = plsc.cumsum(mi)
        pos = jnp.where(m, n + cum - 1, TRASHI + lane_iota)
        pr = lax.shift_right_logical(pos, 7)
        pc = lax.bitwise_and(pos, CB - 1)
        plsc.store_scatter(sidx, [pr, pc], s)
        plsc.store_scatter(didx, [pr, pc], dl + NP)
        return n + jnp.sum(mi)

    def cbody(v, ns):
        n0, n1 = ns
        s = sraw[pl.ds(v * LANES, LANES)]
        d = draw[pl.ds(v * LANES, LANES)]
        plsc.addupdate_scatter(hist, [d], ones)
        n0 = compact(d, s, lo0, sidx0, didx0, n0)
        n1 = compact(d, s, lo1, sidx1, didx1, n1)
        return (n0, n1)

    ns = (jnp.int32(0), jnp.int32(0))
    for h in range(2):
        pltpu.sync_copy(src_hbm.at[sid, pl.ds(h * EPH, EPH)], sraw)
        pltpu.sync_copy(dst_hbm.at[sid, pl.ds(h * EPH, EPH)], draw)
        ns = lax.fori_loop(0, EPH // LANES, cbody, ns)
    n0, n1 = ns

    for p, n, sidx, didx in ((0, n0, sidx0, didx0), (1, n1, sidx1, didx1)):
        for k in range(CB // LANES):
            pp = n + k * LANES + lane_iota
            pr = lax.shift_right_logical(pp, 7)
            pc = lax.bitwise_and(pp, CB - 1)
            plsc.store_scatter(sidx, [pr, pc], lanes16)
            plsc.store_scatter(didx, [pr, pc], trash)
        pltpu.sync_copy(sidx, csrc_hbm.at[p, cid, sid])
        pltpu.sync_copy(didx, cdst_hbm.at[p, cid, sid])
        cbuf[...] = jnp.full((LANES,), 0, jnp.int32) + n
        pltpu.sync_copy(cbuf, cnt_hbm.at[p, cid, sid])

    pltpu.sync_copy(hist, hist_hbm.at[cid, sid])


@functools.partial(
    pl.kernel,
    out_type=jax.ShapeDtypeStruct((2, NC, Q, D), jnp.float32),
    mesh=_vmesh(),
    scratch_types=[
        pltpu.VMEM((SEC, SB), jnp.int32),
        pltpu.VMEM((SEC, SB), jnp.int32),
        pltpu.VMEM((LANES,), jnp.int32),
        pltpu.VMEM((SB, D), jnp.float32),
        pltpu.VMEM((SB, D), jnp.float32),
        pltpu.VMEM_SHARED((NP + Q + 8, D), jnp.float32),
        pltpu.SemaphoreType.DMA((2,)),
    ],
)
def _scatter_sc(y_hbm, csrc_hbm, cdst_hbm, cnt_hbm, out_hbm, sidx, didx,
                cbuf, gbuf0, gbuf1, shared, gsem):
    cid = lax.axis_index("c")
    sid = lax.axis_index("s")

    ybase = sid * ROWS_PER_TILE
    pltpu.sync_copy(y_hbm.at[pl.ds(ybase, ROWS_PER_TILE)],
                    shared.at[pl.ds(ybase, ROWS_PER_TILE)])

    zbase = sid * (Q // NS)

    for p in range(2):
        pltpu.sync_copy(cnt_hbm.at[p, cid, sid], cbuf)

        qlo = (2 * p + cid) * Q
        pltpu.sync_copy(y_hbm.at[pl.ds(qlo + zbase, Q // NS)],
                        shared.at[pl.ds(NP + zbase, Q // NS)])

        n = cbuf[...][0]
        nblocks = (n + SB - 1) // SB
        nsec = (nblocks + SEC - 1) // SEC
        bufs = (gbuf0, gbuf1)

        plsc.subcore_barrier()

        def sbody(sec, carry):
            pltpu.sync_copy(csrc_hbm.at[p, cid, sid, pl.ds(sec * SEC, SEC)],
                            sidx)
            pltpu.sync_copy(cdst_hbm.at[p, cid, sid, pl.ds(sec * SEC, SEC)],
                            didx)
            base = sec * SEC

            @pl.when(base < nblocks)
            def _():
                pltpu.async_copy(shared.at[sidx.at[0]], bufs[0], gsem.at[0])

            for j in range(SEC):
                b = j % 2

                @pl.when(base + j < nblocks)
                def _():
                    pltpu.make_async_copy(y_hbm.at[pl.ds(0, SB)], bufs[b],
                                          gsem.at[b]).wait()
                    if j + 1 < SEC:
                        @pl.when(base + j + 1 < nblocks)
                        def _():
                            pltpu.async_copy(shared.at[sidx.at[j + 1]],
                                             bufs[1 - b], gsem.at[1 - b])
                    pltpu.sync_copy(bufs[b], shared.at[didx.at[j]], add=True)
            return carry

        lax.fori_loop(0, nsec, sbody, 0)

        plsc.subcore_barrier()

        obase = sid * (Q // NS)
        pltpu.sync_copy(
            shared.at[pl.ds(NP + obase, Q // NS)],
            out_hbm.at[p, cid, pl.ds(obase, Q // NS)],
        )


def _final_body(s_ref, dinv_ref, wt_ref, b_ref, o_ref):
    agg = s_ref[...] * dinv_ref[...]
    h = jnp.dot(agg, wt_ref[...], preferred_element_type=jnp.float32)
    o_ref[...] = jnp.maximum(h + b_ref[...], 0.0)


_final = pl.pallas_call(
    _final_body,
    grid=(NP // RB,),
    in_specs=[
        pl.BlockSpec((RB, D), lambda i: (i, 0)),
        pl.BlockSpec((RB, 1), lambda i: (i, 0)),
        pl.BlockSpec((D, D), lambda i: (0, 0)),
        pl.BlockSpec((1, D), lambda i: (0, 0)),
    ],
    out_specs=pl.BlockSpec((RB, D), lambda i: (i, 0)),
    out_shape=jax.ShapeDtypeStruct((NP, D), jnp.float32),
)


def kernel(x, edge_index, W, b):
    ei = edge_index.astype(jnp.int32)
    pad = jnp.full((EP - N_EDGES,), N_NODES, jnp.int32)
    src_flat = jnp.concatenate([ei[0], pad])
    dst_flat = jnp.concatenate([ei[1], pad])
    x_pad = jnp.pad(x, ((0, NP - N_NODES), (0, 0)))

    csrc, cdst, cnt, hist = _route_sc(src_flat.reshape(NS, EPS),
                                      dst_flat.reshape(NS, EPS))
    hist_t = hist[0].reshape(NS, NP).T
    y, dinv = _scale(x_pad, hist_t)
    csrc2 = csrc.reshape(2, NC, NS, CROWS * CB // SB, SB)
    cdst2 = cdst.reshape(2, NC, NS, CROWS * CB // SB, SB)
    sq = _scatter_sc(y, csrc2, cdst2, cnt)
    s = sq.reshape(NP, D)
    out = _final(s, dinv, W.T, jnp.reshape(b, (1, D)))
    return out[:N_NODES]

# --- scband reference (transcript-rebuilt; emitter-appended) ---
"""Pipeline reference for scband-graph-cnn-18708877541515 (READ-ONLY COPY).

The authoritative reference and input builder live on the scoring server;
editing this copy changes nothing except your own understanding.
"""

import jax, jax.numpy as jnp
import numpy as np

N_NODES = 10000
N_EDGES = 320000
D = 128

def setup_inputs(seed: int = 0) -> dict:
    key = jax.random.key(seed)
    k1, k2, k3, k4 = jax.random.split(key, 4)
    x = jax.random.normal(k1, (N_NODES, D), dtype=jnp.float32)
    edge_index = jax.random.randint(k2, (2, N_EDGES), 0, N_NODES, dtype=jnp.int64)
    # GCNConv learned params: Linear(num_features, num_features, bias=False) weight [out,in] + conv bias [out]
    W = jax.random.normal(k3, (D, D), dtype=jnp.float32) * (1.0 / np.sqrt(D))
    b = jax.random.normal(k4, (D,), dtype=jnp.float32) * 0.01
    return {"x": x, "edge_index": edge_index, "W": W, "b": b}

def reference(x, edge_index, W, b):
    # Faithful GCNConv (PyG semantics): add self-loops, symmetric normalization,
    # x' = D^{-1/2} (A+I) D^{-1/2} X W^T + b, then ReLU (from GraphCNN.forward).
    N = x.shape[0]
    loop = jnp.arange(N, dtype=edge_index.dtype)
    src = jnp.concatenate([edge_index[0], loop])
    dst = jnp.concatenate([edge_index[1], loop])
    # degree computed on target nodes (col) with unit edge weights
    deg = jnp.zeros((N,), dtype=x.dtype).at[dst].add(1.0)
    dinv = jnp.where(deg > 0, jax.lax.rsqrt(deg), 0.0)
    norm = dinv[src] * dinv[dst]
    h = x @ W.T
    msg = h[src] * norm[:, None]
    out = jnp.zeros_like(h).at[dst].add(msg)
    out = out + b
    return jax.nn.relu(out)

if __name__ == "__main__":
    import jax
    _d = setup_inputs()
    print(jax.jit(kernel)(*tuple(_d.values())))

</pallas_src>

<mosaic_0001>
#map = affine_map<(d0, d1) -> (0, 0)>
#map1 = affine_map<(d0, d1) -> (0, 0, 0, 0, 0)>
#map2 = affine_map<(d0, d1) -> (0, 0, 0, 0)>
#map3 = affine_map<(d0, d1) -> (0, 0, 0)>
module attributes {stable_mosaic.version = 14 : i64} {
  func.func @_route_sc(%arg0: i32, %arg1: i32, %arg2: memref<16x20480xi32, #tpu.memory_space<hbm>>, %arg3: memref<16x20480xi32, #tpu.memory_space<hbm>>, %arg4: memref<2x2x16x192x128xi32, #tpu.memory_space<hbm>>, %arg5: memref<2x2x16x192x128xi32, #tpu.memory_space<hbm>>, %arg6: memref<2x2x16x16xi32, #tpu.memory_space<hbm>>, %arg7: memref<2x16x10240xf32, #tpu.memory_space<hbm>>, %arg8: memref<10240xi32, #tpu.memory_space<vmem>>, %arg9: memref<10240xi32, #tpu.memory_space<vmem>>, %arg10: memref<192x128xi32, #tpu.memory_space<vmem>>, %arg11: memref<192x128xi32, #tpu.memory_space<vmem>>, %arg12: memref<192x128xi32, #tpu.memory_space<vmem>>, %arg13: memref<192x128xi32, #tpu.memory_space<vmem>>, %arg14: memref<16xi32, #tpu.memory_space<vmem>>, %arg15: memref<10240xf32, #tpu.memory_space<vmem>>) attributes {dimension_semantics = [#tpu.dimension_semantics<core_parallel>, #tpu.dimension_semantics<subcore_parallel>], iteration_bounds = array<i64: 2, 16>, scalar_prefetch = 0 : i64, scratch_operands = 8 : i64, tpu.core_type = #tpu.core_type<sc_vector_subcore>, window_params = [{transform_indices = #map}, {transform_indices = #map}, {transform_indices = #map1}, {transform_indices = #map1}, {transform_indices = #map2}, {transform_indices = #map3}]} {
    %mul3A = arith.constant 2560 : i32
    %mul3A_0 = arith.muli %arg0, %mul3A : i32
    %add3A = arith.constant 2 : i32
    %add3A_1 = arith.addi %add3A, %arg0 : i32
    %mul3A_2 = arith.constant 2560 : i32
    %mul3A_3 = arith.muli %add3A_1, %mul3A_2 : i32
    %broadcast_in_dim3A = arith.constant 0 : i32
    %broadcast_in_dim3A_4 = vector.broadcast %broadcast_in_dim3A : i32 to vector<16xi32>
    %broadcast_in_dim3A_5 = arith.constant 12800 : i32
    %broadcast_in_dim3A_6 = vector.broadcast %broadcast_in_dim3A_5 : i32 to vector<16xi32>
    %iota3A = tpu.iota {dimensions = array<i32: 0>} : vector<16xi32>
    %broadcast_in_dim3A_7 = arith.constant 1.000000e+00 : f32
    %broadcast_in_dim3A_8 = vector.broadcast %broadcast_in_dim3A_7 : f32 to vector<16xf32>
    %scan3A = arith.constant 0 : i32
    %scan3A_9 = arith.constant 0 : i32
    %scan3A_10 = arith.constant 640 : i32
    %scan3A_11 = arith.addi %scan3A_9, %scan3A_10 : i32
    %scan3A_12 = arith.constant 1 : i32
    scf.for %scan3A_202 = %scan3A_9 to %scan3A_11 step %scan3A_12  : i32 {
      %broadcast_in_dim3A_203 = arith.constant 0.000000e+00 : f32
      %broadcast_in_dim3A_204 = vector.broadcast %broadcast_in_dim3A_203 : f32 to vector<16xf32>
      %mul3A_205 = arith.constant 16 : i32
      %mul3A_206 = arith.muli %scan3A_202, %mul3A_205 : i32
      %swap3A_207 = arith.index_cast %mul3A_206 : i32 to index
      %swap3A_208 = tpu.vector_load %arg15[%swap3A_207] {strides = array<i32>} : memref<10240xf32, #tpu.memory_space<vmem>>, vector<16xf32>,
      tpu.vector_store %arg15[%swap3A_207], %broadcast_in_dim3A_204 {strides = array<i32>} : memref<10240xf32, #tpu.memory_space<vmem>>, vector<16xf32>,
    }
    %scan3A_13 = arith.constant 640 : i32
    "tpu.region"() ({
      %run_scoped3A_202 = tpu.sem_alloc : memref<!tpu.dma_semaphore, #tpu.memory_space<semaphore_mem>>
      %dma_start3A = arith.constant 0 : i32
      %dma_start3A_203 = tpu.memref_slice %arg2[%arg1, %dma_start3A] : memref<16x20480xi32, #tpu.memory_space<hbm>> -> memref<1x10240xi32, #tpu.memory_space<hbm>>
      %dma_start3A_204 = tpu.memref_squeeze %dma_start3A_203 : memref<1x10240xi32, #tpu.memory_space<hbm>> -> memref<10240xi32, #tpu.memory_space<hbm>>
      %dma_start3A_205 = arith.constant 0 : i32
      %dma_start3A_206 = tpu.memref_slice %arg2[%arg1, %dma_start3A_205] : memref<16x20480xi32, #tpu.memory_space<hbm>> -> memref<1x10240xi32, #tpu.memory_space<hbm>>
      %dma_start3A_207 = tpu.memref_squeeze %dma_start3A_206 : memref<1x10240xi32, #tpu.memory_space<hbm>> -> memref<10240xi32, #tpu.memory_space<hbm>>
      tpu.enqueue_dma source(%dma_start3A_207 : memref<10240xi32, #tpu.memory_space<hbm>>) target(%arg8 : memref<10240xi32, #tpu.memory_space<vmem>>) target_semaphore(%run_scoped3A_202 : memref<!tpu.dma_semaphore, #tpu.memory_space<semaphore_mem>>)
      %dma_wait3A = arith.constant 0 : i32
      %dma_wait3A_208 = tpu.memref_slice %arg2[%arg1, %dma_wait3A] : memref<16x20480xi32, #tpu.memory_space<hbm>> -> memref<1x10240xi32, #tpu.memory_space<hbm>>
      %dma_wait3A_209 = tpu.memref_squeeze %dma_wait3A_208 : memref<1x10240xi32, #tpu.memory_space<hbm>> -> memref<10240xi32, #tpu.memory_space<hbm>>
      %dma_wait3A_210 = arith.constant 0 : i32
      %dma_wait3A_211 = tpu.memref_slice %arg2[%arg1, %dma_wait3A_210] : memref<16x20480xi32, #tpu.memory_space<hbm>> -> memref<1x10240xi32, #tpu.memory_space<hbm>>
      %dma_wait3A_212 = tpu.memref_squeeze %dma_wait3A_211 : memref<1x10240xi32, #tpu.memory_space<hbm>> -> memref<10240xi32, #tpu.memory_space<hbm>>
      tpu.wait_dma2 semaphore(%run_scoped3A_202 : memref<!tpu.dma_semaphore, #tpu.memory_space<semaphore_mem>>) src(%dma_wait3A_212 : memref<10240xi32, #tpu.memory_space<hbm>>) dst(%arg8 : memref<10240xi32, #tpu.memory_space<vmem>>)
      tpu.yield
    }) : () -> ()
    "tpu.region"() ({
      %run_scoped3A_202 = tpu.sem_alloc : memref<!tpu.dma_semaphore, #tpu.memory_space<semaphore_mem>>
      %dma_start3A = arith.constant 0 : i32
      %dma_start3A_203 = tpu.memref_slice %arg3[%arg1, %dma_start3A] : memref<16x20480xi32, #tpu.memory_space<hbm>> -> memref<1x10240xi32, #tpu.memory_space<hbm>>
      %dma_start3A_204 = tpu.memref_squeeze %dma_start3A_203 : memref<1x10240xi32, #tpu.memory_space<hbm>> -> memref<10240xi32, #tpu.memory_space<hbm>>
      %dma_start3A_205 = arith.constant 0 : i32
      %dma_start3A_206 = tpu.memref_slice %arg3[%arg1, %dma_start3A_205] : memref<16x20480xi32, #tpu.memory_space<hbm>> -> memref<1x10240xi32, #tpu.memory_space<hbm>>
      %dma_start3A_207 = tpu.memref_squeeze %dma_start3A_206 : memref<1x10240xi32, #tpu.memory_space<hbm>> -> memref<10240xi32, #tpu.memory_space<hbm>>
      tpu.enqueue_dma source(%dma_start3A_207 : memref<10240xi32, #tpu.memory_space<hbm>>) target(%arg9 : memref<10240xi32, #tpu.memory_space<vmem>>) target_semaphore(%run_scoped3A_202 : memref<!tpu.dma_semaphore, #tpu.memory_space<semaphore_mem>>)
      %dma_wait3A = arith.constant 0 : i32
      %dma_wait3A_208 = tpu.memref_slice %arg3[%arg1, %dma_wait3A] : memref<16x20480xi32, #tpu.memory_space<hbm>> -> memref<1x10240xi32, #tpu.memory_space<hbm>>
      %dma_wait3A_209 = tpu.memref_squeeze %dma_wait3A_208 : memref<1x10240xi32, #tpu.memory_space<hbm>> -> memref<10240xi32, #tpu.memory_space<hbm>>
      %dma_wait3A_210 = arith.constant 0 : i32
      %dma_wait3A_211 = tpu.memref_slice %arg3[%arg1, %dma_wait3A_210] : memref<16x20480xi32, #tpu.memory_space<hbm>> -> memref<1x10240xi32, #tpu.memory_space<hbm>>
      %dma_wait3A_212 = tpu.memref_squeeze %dma_wait3A_211 : memref<1x10240xi32, #tpu.memory_space<hbm>> -> memref<10240xi32, #tpu.memory_space<hbm>>
      tpu.wait_dma2 semaphore(%run_scoped3A_202 : memref<!tpu.dma_semaphore, #tpu.memory_space<semaphore_mem>>) src(%dma_wait3A_212 : memref<10240xi32, #tpu.memory_space<hbm>>) dst(%arg9 : memref<10240xi32, #tpu.memory_space<vmem>>)
      tpu.yield
    }) : () -> ()
    %scan3A_14 = arith.constant 0 : i32
    %scan3A_15 = arith.constant 0 : i32
    %scan3A_16 = arith.constant 0 : i32
    %scan3A_17 = arith.constant 640 : i32
    %scan3A_18 = arith.addi %scan3A_16, %scan3A_17 : i32
    %scan3A_19 = arith.constant 1 : i32
    %scan3A_20:2 = scf.for %scan3A_202 = %scan3A_16 to %scan3A_18 step %scan3A_19 iter_args(%scan3A_203 = %scan3A_14, %scan3A_204 = %scan3A_15) -> (i32, i32)  : i32 {
      %mul3A_205 = arith.constant 16 : i32
      %mul3A_206 = arith.muli %scan3A_202, %mul3A_205 : i32
      %get3A = arith.index_cast %mul3A_206 : i32 to index
      %get3A_207 = tpu.vector_load %arg8[%get3A] {strides = array<i32>} : memref<10240xi32, #tpu.memory_space<vmem>>, vector<16xi32>,
      %mul3A_208 = arith.constant 16 : i32
      %mul3A_209 = arith.muli %scan3A_202, %mul3A_208 : i32
      %get3A_210 = arith.index_cast %mul3A_209 : i32 to index
      %get3A_211 = tpu.vector_load %arg9[%get3A_210] {strides = array<i32>} : memref<10240xi32, #tpu.memory_space<vmem>>, vector<16xi32>,
      tpu.vector_store_idx %arg15[%get3A_211], %broadcast_in_dim3A_8 {add = true} : memref<10240xf32, #tpu.memory_space<vmem>>[vector<16xi32>], vector<16xf32>,
      %sub3A = vector.broadcast %mul3A_0 : i32 to vector<16xi32>
      %sub3A_212 = arith.subi %get3A_211, %sub3A : vector<16xi32>
      %ge3A = arith.constant 0 : i32
      %ge3A_213 = vector.broadcast %ge3A : i32 to vector<16xi32>
      %ge3A_214 = arith.cmpi sge, %sub3A_212, %ge3A_213 : vector<16xi32>
      %lt3A = arith.constant 2560 : i32
      %lt3A_215 = vector.broadcast %lt3A : i32 to vector<16xi32>
      %lt3A_216 = arith.cmpi slt, %sub3A_212, %lt3A_215 : vector<16xi32>
      %and3A_217 = arith.andi %ge3A_214, %lt3A_216 : vector<16xi1>
      %convert_element_type3A = arith.extui %and3A_217 : vector<16xi1> to vector<16xi32>
      %broadcast_in_dim3A_218 = arith.constant true
      %broadcast_in_dim3A_219 = vector.broadcast %broadcast_in_dim3A_218 : i1 to vector<16xi1>
      %masked_cumsum3A = tpu.scan <sum>, %convert_element_type3A masked %broadcast_in_dim3A_219 : vector<16xi32>, vector<16xi1> -> vector<16xi32>
      %add3A_220 = vector.broadcast %scan3A_203 : i32 to vector<16xi32>
      %add3A_221 = arith.addi %add3A_220, %masked_cumsum3A : vector<16xi32>
      %sub3A_222 = arith.constant 1 : i32
      %sub3A_223 = vector.broadcast %sub3A_222 : i32 to vector<16xi32>
      %sub3A_224 = arith.subi %add3A_221, %sub3A_223 : vector<16xi32>
      %add3A_225 = arith.constant 24560 : i32
      %add3A_226 = vector.broadcast %add3A_225 : i32 to vector<16xi32>
      %add3A_227 = arith.addi %add3A_226, %iota3A : vector<16xi32>
      %select_n3A = arith.select %and3A_217, %sub3A_224, %add3A_227 : vector<16xi1>, vector<16xi32>
      %shift_right_logical3A_228 = arith.constant 7 : i32
      %shift_right_logical3A_229 = vector.broadcast %shift_right_logical3A_228 : i32 to vector<16xi32>
      %shift_right_logical3A_230 = arith.shrui %select_n3A, %shift_right_logical3A_229 : vector<16xi32>
      %and3A_231 = arith.constant 127 : i32
      %and3A_232 = vector.broadcast %and3A_231 : i32 to vector<16xi32>
      %and3A_233 = arith.andi %select_n3A, %and3A_232 : vector<16xi32>
      tpu.vector_store_idx %arg10[%shift_right_logical3A_230, %and3A_233], %get3A_207 : memref<192x128xi32, #tpu.memory_space<vmem>>[vector<16xi32>, vector<16xi32>], vector<16xi32>,
      %add3A_234 = arith.constant 10240 : i32
      %add3A_235 = vector.broadcast %add3A_234 : i32 to vector<16xi32>
      %add3A_236 = arith.addi %sub3A_212, %add3A_235 : vector<16xi32>
      tpu.vector_store_idx %arg11[%shift_right_logical3A_230, %and3A_233], %add3A_236 : memref<192x128xi32, #tpu.memory_space<vmem>>[vector<16xi32>, vector<16xi32>], vector<16xi32>,
      %reduce_sum3A = arith.constant true
      %reduce_sum3A_237 = vector.broadcast %reduce_sum3A : i1 to vector<16xi1>
      %reduce_sum3A_238 = tpu.scan <sum>, %convert_element_type3A masked %reduce_sum3A_237 : vector<16xi32>, vector<16xi1> -> vector<16xi32>
      %reduce_sum3A_239 = vector.extract %reduce_sum3A_238[15] : i32 from vector<16xi32>
      %add3A_240 = arith.addi %scan3A_203, %reduce_sum3A_239 : i32
      %sub3A_241 = vector.broadcast %mul3A_3 : i32 to vector<16xi32>
      %sub3A_242 = arith.subi %get3A_211, %sub3A_241 : vector<16xi32>
      %ge3A_243 = arith.constant 0 : i32
      %ge3A_244 = vector.broadcast %ge3A_243 : i32 to vector<16xi32>
      %ge3A_245 = arith.cmpi sge, %sub3A_242, %ge3A_244 : vector<16xi32>
      %lt3A_246 = arith.constant 2560 : i32
      %lt3A_247 = vector.broadcast %lt3A_246 : i32 to vector<16xi32>
      %lt3A_248 = arith.cmpi slt, %sub3A_242, %lt3A_247 : vector<16xi32>
      %and3A_249 = arith.andi %ge3A_245, %lt3A_248 : vector<16xi1>
      %convert_element_type3A_250 = arith.extui %and3A_249 : vector<16xi1> to vector<16xi32>
      %broadcast_in_dim3A_251 = arith.constant true
      %broadcast_in_dim3A_252 = vector.broadcast %broadcast_in_dim3A_251 : i1 to vector<16xi1>
      %masked_cumsum3A_253 = tpu.scan <sum>, %convert_element_type3A_250 masked %broadcast_in_dim3A_252 : vector<16xi32>, vector<16xi1> -> vector<16xi32>
      %add3A_254 = vector.broadcast %scan3A_204 : i32 to vector<16xi32>
      %add3A_255 = arith.addi %add3A_254, %masked_cumsum3A_253 : vector<16xi32>
      %sub3A_256 = arith.constant 1 : i32
      %sub3A_257 = vector.broadcast %sub3A_256 : i32 to vector<16xi32>
      %sub3A_258 = arith.subi %add3A_255, %sub3A_257 : vector<16xi32>
      %add3A_259 = arith.constant 24560 : i32
      %add3A_260 = vector.broadcast %add3A_259 : i32 to vector<16xi32>
      %add3A_261 = arith.addi %add3A_260, %iota3A : vector<16xi32>
      %select_n3A_262 = arith.select %and3A_249, %sub3A_258, %add3A_261 : vector<16xi1>, vector<16xi32>
      %shift_right_logical3A_263 = arith.constant 7 : i32
      %shift_right_logical3A_264 = vector.broadcast %shift_right_logical3A_263 : i32 to vector<16xi32>
      %shift_right_logical3A_265 = arith.shrui %select_n3A_262, %shift_right_logical3A_264 : vector<16xi32>
      %and3A_266 = arith.constant 127 : i32
      %and3A_267 = vector.broadcast %and3A_266 : i32 to vector<16xi32>
      %and3A_268 = arith.andi %select_n3A_262, %and3A_267 : vector<16xi32>
      tpu.vector_store_idx %arg12[%shift_right_logical3A_265, %and3A_268], %get3A_207 : memref<192x128xi32, #tpu.memory_space<vmem>>[vector<16xi32>, vector<16xi32>], vector<16xi32>,
      %add3A_269 = arith.constant 10240 : i32
      %add3A_270 = vector.broadcast %add3A_269 : i32 to vector<16xi32>
      %add3A_271 = arith.addi %sub3A_242, %add3A_270 : vector<16xi32>
      tpu.vector_store_idx %arg13[%shift_right_logical3A_265, %and3A_268], %add3A_271 : memref<192x128xi32, #tpu.memory_space<vmem>>[vector<16xi32>, vector<16xi32>], vector<16xi32>,
      %reduce_sum3A_272 = arith.constant true
      %reduce_sum3A_273 = vector.broadcast %reduce_sum3A_272 : i1 to vector<16xi1>
      %reduce_sum3A_274 = tpu.scan <sum>, %convert_element_type3A_250 masked %reduce_sum3A_273 : vector<16xi32>, vector<16xi1> -> vector<16xi32>
      %reduce_sum3A_275 = vector.extract %reduce_sum3A_274[15] : i32 from vector<16xi32>
      %add3A_276 = arith.addi %scan3A_204, %reduce_sum3A_275 : i32
      scf.yield %add3A_240, %add3A_276 : i32, i32
    }
    %scan3A_21 = arith.constant 640 : i32
    "tpu.region"() ({
      %run_scoped3A_202 = tpu.sem_alloc : memref<!tpu.dma_semaphore, #tpu.memory_space<semaphore_mem>>
      %dma_start3A = arith.constant 10240 : i32
      %dma_start3A_203 = tpu.memref_slice %arg2[%arg1, %dma_start3A] : memref<16x20480xi32, #tpu.memory_space<hbm>> -> memref<1x10240xi32, #tpu.memory_space<hbm>>
      %dma_start3A_204 = tpu.memref_squeeze %dma_start3A_203 : memref<1x10240xi32, #tpu.memory_space<hbm>> -> memref<10240xi32, #tpu.memory_space<hbm>>
      %dma_start3A_205 = arith.constant 10240 : i32
      %dma_start3A_206 = tpu.memref_slice %arg2[%arg1, %dma_start3A_205] : memref<16x20480xi32, #tpu.memory_space<hbm>> -> memref<1x10240xi32, #tpu.memory_space<hbm>>
      %dma_start3A_207 = tpu.memref_squeeze %dma_start3A_206 : memref<1x10240xi32, #tpu.memory_space<hbm>> -> memref<10240xi32, #tpu.memory_space<hbm>>
      tpu.enqueue_dma source(%dma_start3A_207 : memref<10240xi32, #tpu.memory_space<hbm>>) target(%arg8 : memref<10240xi32, #tpu.memory_space<vmem>>) target_semaphore(%run_scoped3A_202 : memref<!tpu.dma_semaphore, #tpu.memory_space<semaphore_mem>>)
      %dma_wait3A = arith.constant 10240 : i32
      %dma_wait3A_208 = tpu.memref_slice %arg2[%arg1, %dma_wait3A] : memref<16x20480xi32, #tpu.memory_space<hbm>> -> memref<1x10240xi32, #tpu.memory_space<hbm>>
      %dma_wait3A_209 = tpu.memref_squeeze %dma_wait3A_208 : memref<1x10240xi32, #tpu.memory_space<hbm>> -> memref<10240xi32, #tpu.memory_space<hbm>>
      %dma_wait3A_210 = arith.constant 10240 : i32
      %dma_wait3A_211 = tpu.memref_slice %arg2[%arg1, %dma_wait3A_210] : memref<16x20480xi32, #tpu.memory_space<hbm>> -> memref<1x10240xi32, #tpu.memory_space<hbm>>
      %dma_wait3A_212 = tpu.memref_squeeze %dma_wait3A_211 : memref<1x10240xi32, #tpu.memory_space<hbm>> -> memref<10240xi32, #tpu.memory_space<hbm>>
      tpu.wait_dma2 semaphore(%run_scoped3A_202 : memref<!tpu.dma_semaphore, #tpu.memory_space<semaphore_mem>>) src(%dma_wait3A_212 : memref<10240xi32, #tpu.memory_space<hbm>>) dst(%arg8 : memref<10240xi32, #tpu.memory_space<vmem>>)
      tpu.yield
    }) : () -> ()
    "tpu.region"() ({
      %run_scoped3A_202 = tpu.sem_alloc : memref<!tpu.dma_semaphore, #tpu.memory_space<semaphore_mem>>
      %dma_start3A = arith.constant 10240 : i32
      %dma_start3A_203 = tpu.memref_slice %arg3[%arg1, %dma_start3A] : memref<16x20480xi32, #tpu.memory_space<hbm>> -> memref<1x10240xi32, #tpu.memory_space<hbm>>
      %dma_start3A_204 = tpu.memref_squeeze %dma_start3A_203 : memref<1x10240xi32, #tpu.memory_space<hbm>> -> memref<10240xi32, #tpu.memory_space<hbm>>
      %dma_start3A_205 = arith.constant 10240 : i32
      %dma_start3A_206 = tpu.memref_slice %arg3[%arg1, %dma_start3A_205] : memref<16x20480xi32, #tpu.memory_space<hbm>> -> memref<1x10240xi32, #tpu.memory_space<hbm>>
      %dma_start3A_207 = tpu.memref_squeeze %dma_start3A_206 : memref<1x10240xi32, #tpu.memory_space<hbm>> -> memref<10240xi32, #tpu.memory_space<hbm>>
      tpu.enqueue_dma source(%dma_start3A_207 : memref<10240xi32, #tpu.memory_space<hbm>>) target(%arg9 : memref<10240xi32, #tpu.memory_space<vmem>>) target_semaphore(%run_scoped3A_202 : memref<!tpu.dma_semaphore, #tpu.memory_space<semaphore_mem>>)
      %dma_wait3A = arith.constant 10240 : i32
      %dma_wait3A_208 = tpu.memref_slice %arg3[%arg1, %dma_wait3A] : memref<16x20480xi32, #tpu.memory_space<hbm>> -> memref<1x10240xi32, #tpu.memory_space<hbm>>
      %dma_wait3A_209 = tpu.memref_squeeze %dma_wait3A_208 : memref<1x10240xi32, #tpu.memory_space<hbm>> -> memref<10240xi32, #tpu.memory_space<hbm>>
      %dma_wait3A_210 = arith.constant 10240 : i32
      %dma_wait3A_211 = tpu.memref_slice %arg3[%arg1, %dma_wait3A_210] : memref<16x20480xi32, #tpu.memory_space<hbm>> -> memref<1x10240xi32, #tpu.memory_space<hbm>>
      %dma_wait3A_212 = tpu.memref_squeeze %dma_wait3A_211 : memref<1x10240xi32, #tpu.memory_space<hbm>> -> memref<10240xi32, #tpu.memory_space<hbm>>
      tpu.wait_dma2 semaphore(%run_scoped3A_202 : memref<!tpu.dma_semaphore, #tpu.memory_space<semaphore_mem>>) src(%dma_wait3A_212 : memref<10240xi32, #tpu.memory_space<hbm>>) dst(%arg9 : memref<10240xi32, #tpu.memory_space<vmem>>)
      tpu.yield
    }) : () -> ()
    %scan3A_22 = arith.constant 0 : i32
    %scan3A_23 = arith.constant 640 : i32
    %scan3A_24 = arith.addi %scan3A_22, %scan3A_23 : i32
    %scan3A_25 = arith.constant 1 : i32
    %scan3A_26:2 = scf.for %scan3A_202 = %scan3A_22 to %scan3A_24 step %scan3A_25 iter_args(%scan3A_203 = %scan3A_20#0, %scan3A_204 = %scan3A_20#1) -> (i32, i32)  : i32 {
      %mul3A_205 = arith.constant 16 : i32
      %mul3A_206 = arith.muli %scan3A_202, %mul3A_205 : i32
      %get3A = arith.index_cast %mul3A_206 : i32 to index
      %get3A_207 = tpu.vector_load %arg8[%get3A] {strides = array<i32>} : memref<10240xi32, #tpu.memory_space<vmem>>, vector<16xi32>,
      %mul3A_208 = arith.constant 16 : i32
      %mul3A_209 = arith.muli %scan3A_202, %mul3A_208 : i32
      %get3A_210 = arith.index_cast %mul3A_209 : i32 to index
      %get3A_211 = tpu.vector_load %arg9[%get3A_210] {strides = array<i32>} : memref<10240xi32, #tpu.memory_space<vmem>>, vector<16xi32>,
      tpu.vector_store_idx %arg15[%get3A_211], %broadcast_in_dim3A_8 {add = true} : memref<10240xf32, #tpu.memory_space<vmem>>[vector<16xi32>], vector<16xf32>,
      %sub3A = vector.broadcast %mul3A_0 : i32 to vector<16xi32>
      %sub3A_212 = arith.subi %get3A_211, %sub3A : vector<16xi32>
      %ge3A = arith.constant 0 : i32
      %ge3A_213 = vector.broadcast %ge3A : i32 to vector<16xi32>
      %ge3A_214 = arith.cmpi sge, %sub3A_212, %ge3A_213 : vector<16xi32>
      %lt3A = arith.constant 2560 : i32
      %lt3A_215 = vector.broadcast %lt3A : i32 to vector<16xi32>
      %lt3A_216 = arith.cmpi slt, %sub3A_212, %lt3A_215 : vector<16xi32>
      %and3A_217 = arith.andi %ge3A_214, %lt3A_216 : vector<16xi1>
      %convert_element_type3A = arith.extui %and3A_217 : vector<16xi1> to vector<16xi32>
      %broadcast_in_dim3A_218 = arith.constant true
      %broadcast_in_dim3A_219 = vector.broadcast %broadcast_in_dim3A_218 : i1 to vector<16xi1>
      %masked_cumsum3A = tpu.scan <sum>, %convert_element_type3A masked %broadcast_in_dim3A_219 : vector<16xi32>, vector<16xi1> -> vector<16xi32>
      %add3A_220 = vector.broadcast %scan3A_203 : i32 to vector<16xi32>
      %add3A_221 = arith.addi %add3A_220, %masked_cumsum3A : vector<16xi32>
      %sub3A_222 = arith.constant 1 : i32
      %sub3A_223 = vector.broadcast %sub3A_222 : i32 to vector<16xi32>
      %sub3A_224 = arith.subi %add3A_221, %sub3A_223 : vector<16xi32>
      %add3A_225 = arith.constant 24560 : i32
      %add3A_226 = vector.broadcast %add3A_225 : i32 to vector<16xi32>
      %add3A_227 = arith.addi %add3A_226, %iota3A : vector<16xi32>
      %select_n3A = arith.select %and3A_217, %sub3A_224, %add3A_227 : vector<16xi1>, vector<16xi32>
      %shift_right_logical3A_228 = arith.constant 7 : i32
      %shift_right_logical3A_229 = vector.broadcast %shift_right_logical3A_228 : i32 to vector<16xi32>
      %shift_right_logical3A_230 = arith.shrui %select_n3A, %shift_right_logical3A_229 : vector<16xi32>
      %and3A_231 = arith.constant 127 : i32
      %and3A_232 = vector.broadcast %and3A_231 : i32 to vector<16xi32>
      %and3A_233 = arith.andi %select_n3A, %and3A_232 : vector<16xi32>
      tpu.vector_store_idx %arg10[%shift_right_logical3A_230, %and3A_233], %get3A_207 : memref<192x128xi32, #tpu.memory_space<vmem>>[vector<16xi32>, vector<16xi32>], vector<16xi32>,
      %add3A_234 = arith.constant 10240 : i32
      %add3A_235 = vector.broadcast %add3A_234 : i32 to vector<16xi32>
      %add3A_236 = arith.addi %sub3A_212, %add3A_235 : vector<16xi32>
      tpu.vector_store_idx %arg11[%shift_right_logical3A_230, %and3A_233], %add3A_236 : memref<192x128xi32, #tpu.memory_space<vmem>>[vector<16xi32>, vector<16xi32>], vector<16xi32>,
      %reduce_sum3A = arith.constant true
      %reduce_sum3A_237 = vector.broadcast %reduce_sum3A : i1 to vector<16xi1>
      %reduce_sum3A_238 = tpu.scan <sum>, %convert_element_type3A masked %reduce_sum3A_237 : vector<16xi32>, vector<16xi1> -> vector<16xi32>
      %reduce_sum3A_239 = vector.extract %reduce_sum3A_238[15] : i32 from vector<16xi32>
      %add3A_240 = arith.addi %scan3A_203, %reduce_sum3A_239 : i32
      %sub3A_241 = vector.broadcast %mul3A_3 : i32 to vector<16xi32>
      %sub3A_242 = arith.subi %get3A_211, %sub3A_241 : vector<16xi32>
      %ge3A_243 = arith.constant 0 : i32
      %ge3A_244 = vector.broadcast %ge3A_243 : i32 to vector<16xi32>
      %ge3A_245 = arith.cmpi sge, %sub3A_242, %ge3A_244 : vector<16xi32>
      %lt3A_246 = arith.constant 2560 : i32
      %lt3A_247 = vector.broadcast %lt3A_246 : i32 to vector<16xi32>
      %lt3A_248 = arith.cmpi slt, %sub3A_242, %lt3A_247 : vector<16xi32>
      %and3A_249 = arith.andi %ge3A_245, %lt3A_248 : vector<16xi1>
      %convert_element_type3A_250 = arith.extui %and3A_249 : vector<16xi1> to vector<16xi32>
      %broadcast_in_dim3A_251 = arith.constant true
      %broadcast_in_dim3A_252 = vector.broadcast %broadcast_in_dim3A_251 : i1 to vector<16xi1>
      %masked_cumsum3A_253 = tpu.scan <sum>, %convert_element_type3A_250 masked %broadcast_in_dim3A_252 : vector<16xi32>, vector<16xi1> -> vector<16xi32>
      %add3A_254 = vector.broadcast %scan3A_204 : i32 to vector<16xi32>
      %add3A_255 = arith.addi %add3A_254, %masked_cumsum3A_253 : vector<16xi32>
      %sub3A_256 = arith.constant 1 : i32
      %sub3A_257 = vector.broadcast %sub3A_256 : i32 to vector<16xi32>
      %sub3A_258 = arith.subi %add3A_255, %sub3A_257 : vector<16xi32>
      %add3A_259 = arith.constant 24560 : i32
      %add3A_260 = vector.broadcast %add3A_259 : i32 to vector<16xi32>
      %add3A_261 = arith.addi %add3A_260, %iota3A : vector<16xi32>
      %select_n3A_262 = arith.select %and3A_249, %sub3A_258, %add3A_261 : vector<16xi1>, vector<16xi32>
      %shift_right_logical3A_263 = arith.constant 7 : i32
      %shift_right_logical3A_264 = vector.broadcast %shift_right_logical3A_263 : i32 to vector<16xi32>
      %shift_right_logical3A_265 = arith.shrui %select_n3A_262, %shift_right_logical3A_264 : vector<16xi32>
      %and3A_266 = arith.constant 127 : i32
      %and3A_267 = vector.broadcast %and3A_266 : i32 to vector<16xi32>
      %and3A_268 = arith.andi %select_n3A_262, %and3A_267 : vector<16xi32>
      tpu.vector_store_idx %arg12[%shift_right_logical3A_265, %and3A_268], %get3A_207 : memref<192x128xi32, #tpu.memory_space<vmem>>[vector<16xi32>, vector<16xi32>], vector<16xi32>,
      %add3A_269 = arith.constant 10240 : i32
      %add3A_270 = vector.broadcast %add3A_269 : i32 to vector<16xi32>
      %add3A_271 = arith.addi %sub3A_242, %add3A_270 : vector<16xi32>
      tpu.vector_store_idx %arg13[%shift_right_logical3A_265, %and3A_268], %add3A_271 : memref<192x128xi32, #tpu.memory_space<vmem>>[vector<16xi32>, vector<16xi32>], vector<16xi32>,
      %reduce_sum3A_272 = arith.constant true
      %reduce_sum3A_273 = vector.broadcast %reduce_sum3A_272 : i1 to vector<16xi1>
      %reduce_sum3A_274 = tpu.scan <sum>, %convert_element_type3A_250 masked %reduce_sum3A_273 : vector<16xi32>, vector<16xi1> -> vector<16xi32>
      %reduce_sum3A_275 = vector.extract %reduce_sum3A_274[15] : i32 from vector<16xi32>
      %add3A_276 = arith.addi %scan3A_204, %reduce_sum3A_275 : i32
      scf.yield %add3A_240, %add3A_276 : i32, i32
    }
    %scan3A_27 = arith.constant 640 : i32
    %add3A_28 = arith.constant 0 : i32
    %add3A_29 = arith.addi %scan3A_26#0, %add3A_28 : i32
    %add3A_30 = vector.broadcast %add3A_29 : i32 to vector<16xi32>
    %add3A_31 = arith.addi %add3A_30, %iota3A : vector<16xi32>
    %shift_right_logical3A = arith.constant 7 : i32
    %shift_right_logical3A_32 = vector.broadcast %shift_right_logical3A : i32 to vector<16xi32>
    %shift_right_logical3A_33 = arith.shrui %add3A_31, %shift_right_logical3A_32 : vector<16xi32>
    %and3A = arith.constant 127 : i32
    %and3A_34 = vector.broadcast %and3A : i32 to vector<16xi32>
    %and3A_35 = arith.andi %add3A_31, %and3A_34 : vector<16xi32>
    tpu.vector_store_idx %arg10[%shift_right_logical3A_33, %and3A_35], %broadcast_in_dim3A_4 : memref<192x128xi32, #tpu.memory_space<vmem>>[vector<16xi32>, vector<16xi32>], vector<16xi32>,
    tpu.vector_store_idx %arg11[%shift_right_logical3A_33, %and3A_35], %broadcast_in_dim3A_6 : memref<192x128xi32, #tpu.memory_space<vmem>>[vector<16xi32>, vector<16xi32>], vector<16xi32>,
    %add3A_36 = arith.constant 16 : i32
    %add3A_37 = arith.addi %scan3A_26#0, %add3A_36 : i32
    %add3A_38 = vector.broadcast %add3A_37 : i32 to vector<16xi32>
    %add3A_39 = arith.addi %add3A_38, %iota3A : vector<16xi32>
    %shift_right_logical3A_40 = arith.constant 7 : i32
    %shift_right_logical3A_41 = vector.broadcast %shift_right_logical3A_40 : i32 to vector<16xi32>
    %shift_right_logical3A_42 = arith.shrui %add3A_39, %shift_right_logical3A_41 : vector<16xi32>
    %and3A_43 = arith.constant 127 : i32
    %and3A_44 = vector.broadcast %and3A_43 : i32 to vector<16xi32>
    %and3A_45 = arith.andi %add3A_39, %and3A_44 : vector<16xi32>
    tpu.vector_store_idx %arg10[%shift_right_logical3A_42, %and3A_45], %broadcast_in_dim3A_4 : memref<192x128xi32, #tpu.memory_space<vmem>>[vector<16xi32>, vector<16xi32>], vector<16xi32>,
    tpu.vector_store_idx %arg11[%shift_right_logical3A_42, %and3A_45], %broadcast_in_dim3A_6 : memref<192x128xi32, #tpu.memory_space<vmem>>[vector<16xi32>, vector<16xi32>], vector<16xi32>,
    %add3A_46 = arith.constant 32 : i32
    %add3A_47 = arith.addi %scan3A_26#0, %add3A_46 : i32
    %add3A_48 = vector.broadcast %add3A_47 : i32 to vector<16xi32>
    %add3A_49 = arith.addi %add3A_48, %iota3A : vector<16xi32>
    %shift_right_logical3A_50 = arith.constant 7 : i32
    %shift_right_logical3A_51 = vector.broadcast %shift_right_logical3A_50 : i32 to vector<16xi32>
    %shift_right_logical3A_52 = arith.shrui %add3A_49, %shift_right_logical3A_51 : vector<16xi32>
    %and3A_53 = arith.constant 127 : i32
    %and3A_54 = vector.broadcast %and3A_53 : i32 to vector<16xi32>
    %and3A_55 = arith.andi %add3A_49, %and3A_54 : vector<16xi32>
    tpu.vector_store_idx %arg10[%shift_right_logical3A_52, %and3A_55], %broadcast_in_dim3A_4 : memref<192x128xi32, #tpu.memory_space<vmem>>[vector<16xi32>, vector<16xi32>], vector<16xi32>,
    tpu.vector_store_idx %arg11[%shift_right_logical3A_52, %and3A_55], %broadcast_in_dim3A_6 : memref<192x128xi32, #tpu.memory_space<vmem>>[vector<16xi32>, vector<16xi32>], vector<16xi32>,
    %add3A_56 = arith.constant 48 : i32
    %add3A_57 = arith.addi %scan3A_26#0, %add3A_56 : i32
    %add3A_58 = vector.broadcast %add3A_57 : i32 to vector<16xi32>
    %add3A_59 = arith.addi %add3A_58, %iota3A : vector<16xi32>
    %shift_right_logical3A_60 = arith.constant 7 : i32
    %shift_right_logical3A_61 = vector.broadcast %shift_right_logical3A_60 : i32 to vector<16xi32>
    %shift_right_logical3A_62 = arith.shrui %add3A_59, %shift_right_logical3A_61 : vector<16xi32>
    %and3A_63 = arith.constant 127 : i32
    %and3A_64 = vector.broadcast %and3A_63 : i32 to vector<16xi32>
    %and3A_65 = arith.andi %add3A_59, %and3A_64 : vector<16xi32>
    tpu.vector_store_idx %arg10[%shift_right_logical3A_62, %and3A_65], %broadcast_in_dim3A_4 : memref<192x128xi32, #tpu.memory_space<vmem>>[vector<16xi32>, vector<16xi32>], vector<16xi32>,
    tpu.vector_store_idx %arg11[%shift_right_logical3A_62, %and3A_65], %broadcast_in_dim3A_6 : memref<192x128xi32, #tpu.memory_space<vmem>>[vector<16xi32>, vector<16xi32>], vector<16xi32>,
    %add3A_66 = arith.constant 64 : i32
    %add3A_67 = arith.addi %scan3A_26#0, %add3A_66 : i32
    %add3A_68 = vector.broadcast %add3A_67 : i32 to vector<16xi32>
    %add3A_69 = arith.addi %add3A_68, %iota3A : vector<16xi32>
    %shift_right_logical3A_70 = arith.constant 7 : i32
    %shift_right_logical3A_71 = vector.broadcast %shift_right_logical3A_70 : i32 to vector<16xi32>
    %shift_right_logical3A_72 = arith.shrui %add3A_69, %shift_right_logical3A_71 : vector<16xi32>
    %and3A_73 = arith.constant 127 : i32
    %and3A_74 = vector.broadcast %and3A_73 : i32 to vector<16xi32>
    %and3A_75 = arith.andi %add3A_69, %and3A_74 : vector<16xi32>
    tpu.vector_store_idx %arg10[%shift_right_logical3A_72, %and3A_75], %broadcast_in_dim3A_4 : memref<192x128xi32, #tpu.memory_space<vmem>>[vector<16xi32>, vector<16xi32>], vector<16xi32>,
    tpu.vector_store_idx %arg11[%shift_right_logical3A_72, %and3A_75], %broadcast_in_dim3A_6 : memref<192x128xi32, #tpu.memory_space<vmem>>[vector<16xi32>, vector<16xi32>], vector<16xi32>,
    %add3A_76 = arith.constant 80 : i32
    %add3A_77 = arith.addi %scan3A_26#0, %add3A_76 : i32
    %add3A_78 = vector.broadcast %add3A_77 : i32 to vector<16xi32>
    %add3A_79 = arith.addi %add3A_78, %iota3A : vector<16xi32>
    %shift_right_logical3A_80 = arith.constant 7 : i32
    %shift_right_logical3A_81 = vector.broadcast %shift_right_logical3A_80 : i32 to vector<16xi32>
    %shift_right_logical3A_82 = arith.shrui %add3A_79, %shift_right_logical3A_81 : vector<16xi32>
    %and3A_83 = arith.constant 127 : i32
    %and3A_84 = vector.broadcast %and3A_83 : i32 to vector<16xi32>
    %and3A_85 = arith.andi %add3A_79, %and3A_84 : vector<16xi32>
    tpu.vector_store_idx %arg10[%shift_right_logical3A_82, %and3A_85], %broadcast_in_dim3A_4 : memref<192x128xi32, #tpu.memory_space<vmem>>[vector<16xi32>, vector<16xi32>], vector<16xi32>,
    tpu.vector_store_idx %arg11[%shift_right_logical3A_82, %and3A_85], %broadcast_in_dim3A_6 : memref<192x128xi32, #tpu.memory_space<vmem>>[vector<16xi32>, vector<16xi32>], vector<16xi32>,
    %add3A_86 = arith.constant 96 : i32
    %add3A_87 = arith.addi %scan3A_26#0, %add3A_86 : i32
    %add3A_88 = vector.broadcast %add3A_87 : i32 to vector<16xi32>
    %add3A_89 = arith.addi %add3A_88, %iota3A : vector<16xi32>
    %shift_right_logical3A_90 = arith.constant 7 : i32
    %shift_right_logical3A_91 = vector.broadcast %shift_right_logical3A_90 : i32 to vector<16xi32>
    %shift_right_logical3A_92 = arith.shrui %add3A_89, %shift_right_logical3A_91 : vector<16xi32>
    %and3A_93 = arith.constant 127 : i32
    %and3A_94 = vector.broadcast %and3A_93 : i32 to vector<16xi32>
    %and3A_95 = arith.andi %add3A_89, %and3A_94 : vector<16xi32>
    tpu.vector_store_idx %arg10[%shift_right_logical3A_92, %and3A_95], %broadcast_in_dim3A_4 : memref<192x128xi32, #tpu.memory_space<vmem>>[vector<16xi32>, vector<16xi32>], vector<16xi32>,
    tpu.vector_store_idx %arg11[%shift_right_logical3A_92, %and3A_95], %broadcast_in_dim3A_6 : memref<192x128xi32, #tpu.memory_space<vmem>>[vector<16xi32>, vector<16xi32>], vector<16xi32>,
    %add3A_96 = arith.constant 112 : i32
    %add3A_97 = arith.addi %scan3A_26#0, %add3A_96 : i32
    %add3A_98 = vector.broadcast %add3A_97 : i32 to vector<16xi32>
    %add3A_99 = arith.addi %add3A_98, %iota3A : vector<16xi32>
    %shift_right_logical3A_100 = arith.constant 7 : i32
    %shift_right_logical3A_101 = vector.broadcast %shift_right_logical3A_100 : i32 to vector<16xi32>
    %shift_right_logical3A_102 = arith.shrui %add3A_99, %shift_right_logical3A_101 : vector<16xi32>
    %and3A_103 = arith.constant 127 : i32
    %and3A_104 = vector.broadcast %and3A_103 : i32 to vector<16xi32>
    %and3A_105 = arith.andi %add3A_99, %and3A_104 : vector<16xi32>
    tpu.vector_store_idx %arg10[%shift_right_logical3A_102, %and3A_105], %broadcast_in_dim3A_4 : memref<192x128xi32, #tpu.memory_space<vmem>>[vector<16xi32>, vector<16xi32>], vector<16xi32>,
    tpu.vector_store_idx %arg11[%shift_right_logical3A_102, %and3A_105], %broadcast_in_dim3A_6 : memref<192x128xi32, #tpu.memory_space<vmem>>[vector<16xi32>, vector<16xi32>], vector<16xi32>,
    %run_scoped3A = arith.constant 0 : i32
    "tpu.region"() ({
      %run_scoped3A_202 = tpu.sem_alloc : memref<!tpu.dma_semaphore, #tpu.memory_space<semaphore_mem>>
      %dma_start3A = arith.constant 0 : i32
      %dma_start3A_203 = arith.constant 0 : i32
      %dma_start3A_204 = tpu.memref_slice %arg4[%run_scoped3A, %arg0, %arg1, %dma_start3A, %dma_start3A_203] : memref<2x2x16x192x128xi32, #tpu.memory_space<hbm>> -> memref<1x1x1x192x128xi32, #tpu.memory_space<hbm>>
      %dma_start3A_205 = tpu.memref_squeeze %dma_start3A_204 : memref<1x1x1x192x128xi32, #tpu.memory_space<hbm>> -> memref<192x128xi32, #tpu.memory_space<hbm>>
      %dma_start3A_206 = arith.constant 0 : i32
      %dma_start3A_207 = arith.constant 0 : i32
      %dma_start3A_208 = tpu.memref_slice %arg4[%run_scoped3A, %arg0, %arg1, %dma_start3A_206, %dma_start3A_207] : memref<2x2x16x192x128xi32, #tpu.memory_space<hbm>> -> memref<1x1x1x192x128xi32, #tpu.memory_space<hbm>>
      %dma_start3A_209 = tpu.memref_squeeze %dma_start3A_208 : memref<1x1x1x192x128xi32, #tpu.memory_space<hbm>> -> memref<192x128xi32, #tpu.memory_space<hbm>>
      tpu.enqueue_dma source(%arg10 : memref<192x128xi32, #tpu.memory_space<vmem>>) target(%dma_start3A_209 : memref<192x128xi32, #tpu.memory_space<hbm>>) target_semaphore(%run_scoped3A_202 : memref<!tpu.dma_semaphore, #tpu.memory_space<semaphore_mem>>)
      %dma_wait3A = arith.constant 0 : i32
      %dma_wait3A_210 = arith.constant 0 : i32
      %dma_wait3A_211 = tpu.memref_slice %arg4[%run_scoped3A, %arg0, %arg1, %dma_wait3A, %dma_wait3A_210] : memref<2x2x16x192x128xi32, #tpu.memory_space<hbm>> -> memref<1x1x1x192x128xi32, #tpu.memory_space<hbm>>
      %dma_wait3A_212 = tpu.memref_squeeze %dma_wait3A_211 : memref<1x1x1x192x128xi32, #tpu.memory_space<hbm>> -> memref<192x128xi32, #tpu.memory_space<hbm>>
      %dma_wait3A_213 = arith.constant 0 : i32
      %dma_wait3A_214 = arith.constant 0 : i32
      %dma_wait3A_215 = tpu.memref_slice %arg4[%run_scoped3A, %arg0, %arg1, %dma_wait3A_213, %dma_wait3A_214] : memref<2x2x16x192x128xi32, #tpu.memory_space<hbm>> -> memref<1x1x1x192x128xi32, #tpu.memory_space<hbm>>
      %dma_wait3A_216 = tpu.memref_squeeze %dma_wait3A_215 : memref<1x1x1x192x128xi32, #tpu.memory_space<hbm>> -> memref<192x128xi32, #tpu.memory_space<hbm>>
      tpu.wait_dma2 semaphore(%run_scoped3A_202 : memref<!tpu.dma_semaphore, #tpu.memory_space<semaphore_mem>>) src(%arg10 : memref<192x128xi32, #tpu.memory_space<vmem>>) dst(%dma_wait3A_216 : memref<192x128xi32, #tpu.memory_space<hbm>>)
      tpu.yield
    }) : () -> ()
    %run_scoped3A_106 = arith.constant 0 : i32
    "tpu.region"() ({
      %run_scoped3A_202 = tpu.sem_alloc : memref<!tpu.dma_semaphore, #tpu.memory_space<semaphore_mem>>
      %dma_start3A = arith.constant 0 : i32
      %dma_start3A_203 = arith.constant 0 : i32
      %dma_start3A_204 = tpu.memref_slice %arg5[%run_scoped3A_106, %arg0, %arg1, %dma_start3A, %dma_start3A_203] : memref<2x2x16x192x128xi32, #tpu.memory_space<hbm>> -> memref<1x1x1x192x128xi32, #tpu.memory_space<hbm>>
      %dma_start3A_205 = tpu.memref_squeeze %dma_start3A_204 : memref<1x1x1x192x128xi32, #tpu.memory_space<hbm>> -> memref<192x128xi32, #tpu.memory_space<hbm>>
      %dma_start3A_206 = arith.constant 0 : i32
      %dma_start3A_207 = arith.constant 0 : i32
      %dma_start3A_208 = tpu.memref_slice %arg5[%run_scoped3A_106, %arg0, %arg1, %dma_start3A_206, %dma_start3A_207] : memref<2x2x16x192x128xi32, #tpu.memory_space<hbm>> -> memref<1x1x1x192x128xi32, #tpu.memory_space<hbm>>
      %dma_start3A_209 = tpu.memref_squeeze %dma_start3A_208 : memref<1x1x1x192x128xi32, #tpu.memory_space<hbm>> -> memref<192x128xi32, #tpu.memory_space<hbm>>
      tpu.enqueue_dma source(%arg11 : memref<192x128xi32, #tpu.memory_space<vmem>>) target(%dma_start3A_209 : memref<192x128xi32, #tpu.memory_space<hbm>>) target_semaphore(%run_scoped3A_202 : memref<!tpu.dma_semaphore, #tpu.memory_space<semaphore_mem>>)
      %dma_wait3A = arith.constant 0 : i32
      %dma_wait3A_210 = arith.constant 0 : i32
      %dma_wait3A_211 = tpu.memref_slice %arg5[%run_scoped3A_106, %arg0, %arg1, %dma_wait3A, %dma_wait3A_210] : memref<2x2x16x192x128xi32, #tpu.memory_space<hbm>> -> memref<1x1x1x192x128xi32, #tpu.memory_space<hbm>>
      %dma_wait3A_212 = tpu.memref_squeeze %dma_wait3A_211 : memref<1x1x1x192x128xi32, #tpu.memory_space<hbm>> -> memref<192x128xi32, #tpu.memory_space<hbm>>
      %dma_wait3A_213 = arith.constant 0 : i32
      %dma_wait3A_214 = arith.constant 0 : i32
      %dma_wait3A_215 = tpu.memref_slice %arg5[%run_scoped3A_106, %arg0, %arg1, %dma_wait3A_213, %dma_wait3A_214] : memref<2x2x16x192x128xi32, #tpu.memory_space<hbm>> -> memref<1x1x1x192x128xi32, #tpu.memory_space<hbm>>
      %dma_wait3A_216 = tpu.memref_squeeze %dma_wait3A_215 : memref<1x1x1x192x128xi32, #tpu.memory_space<hbm>> -> memref<192x128xi32, #tpu.memory_space<hbm>>
      tpu.wait_dma2 semaphore(%run_scoped3A_202 : memref<!tpu.dma_semaphore, #tpu.memory_space<semaphore_mem>>) src(%arg11 : memref<192x128xi32, #tpu.memory_space<vmem>>) dst(%dma_wait3A_216 : memref<192x128xi32, #tpu.memory_space<hbm>>)
      tpu.yield
    }) : () -> ()
    %broadcast_in_dim3A_107 = arith.constant 0 : i32
    %broadcast_in_dim3A_108 = vector.broadcast %broadcast_in_dim3A_107 : i32 to vector<16xi32>
    %add3A_109 = vector.broadcast %scan3A_26#0 : i32 to vector<16xi32>
    %add3A_110 = arith.addi %broadcast_in_dim3A_108, %add3A_109 : vector<16xi32>
    %swap3A = arith.constant 0 : index
    %swap3A_111 = tpu.vector_load %arg14[%swap3A] {strides = array<i32>} : memref<16xi32, #tpu.memory_space<vmem>>, vector<16xi32>,
    tpu.vector_store %arg14[%swap3A], %add3A_110 {strides = array<i32>} : memref<16xi32, #tpu.memory_space<vmem>>, vector<16xi32>,
    %run_scoped3A_112 = arith.constant 0 : i32
    "tpu.region"() ({
      %run_scoped3A_202 = tpu.sem_alloc : memref<!tpu.dma_semaphore, #tpu.memory_space<semaphore_mem>>
      %dma_start3A = arith.constant 0 : i32
      %dma_start3A_203 = tpu.memref_slice %arg6[%run_scoped3A_112, %arg0, %arg1, %dma_start3A] : memref<2x2x16x16xi32, #tpu.memory_space<hbm>> -> memref<1x1x1x16xi32, #tpu.memory_space<hbm>>
      %dma_start3A_204 = tpu.memref_squeeze %dma_start3A_203 : memref<1x1x1x16xi32, #tpu.memory_space<hbm>> -> memref<16xi32, #tpu.memory_space<hbm>>
      %dma_start3A_205 = arith.constant 0 : i32
      %dma_start3A_206 = tpu.memref_slice %arg6[%run_scoped3A_112, %arg0, %arg1, %dma_start3A_205] : memref<2x2x16x16xi32, #tpu.memory_space<hbm>> -> memref<1x1x1x16xi32, #tpu.memory_space<hbm>>
      %dma_start3A_207 = tpu.memref_squeeze %dma_start3A_206 : memref<1x1x1x16xi32, #tpu.memory_space<hbm>> -> memref<16xi32, #tpu.memory_space<hbm>>
      tpu.enqueue_dma source(%arg14 : memref<16xi32, #tpu.memory_space<vmem>>) target(%dma_start3A_207 : memref<16xi32, #tpu.memory_space<hbm>>) target_semaphore(%run_scoped3A_202 : memref<!tpu.dma_semaphore, #tpu.memory_space<semaphore_mem>>)
      %dma_wait3A = arith.constant 0 : i32
      %dma_wait3A_208 = tpu.memref_slice %arg6[%run_scoped3A_112, %arg0, %arg1, %dma_wait3A] : memref<2x2x16x16xi32, #tpu.memory_space<hbm>> -> memref<1x1x1x16xi32, #tpu.memory_space<hbm>>
      %dma_wait3A_209 = tpu.memref_squeeze %dma_wait3A_208 : memref<1x1x1x16xi32, #tpu.memory_space<hbm>> -> memref<16xi32, #tpu.memory_space<hbm>>
      %dma_wait3A_210 = arith.constant 0 : i32
      %dma_wait3A_211 = tpu.memref_slice %arg6[%run_scoped3A_112, %arg0, %arg1, %dma_wait3A_210] : memref<2x2x16x16xi32, #tpu.memory_space<hbm>> -> memref<1x1x1x16xi32, #tpu.memory_space<hbm>>
      %dma_wait3A_212 = tpu.memref_squeeze %dma_wait3A_211 : memref<1x1x1x16xi32, #tpu.memory_space<hbm>> -> memref<16xi32, #tpu.memory_space<hbm>>
      tpu.wait_dma2 semaphore(%run_scoped3A_202 : memref<!tpu.dma_semaphore, #tpu.memory_space<semaphore_mem>>) src(%arg14 : memref<16xi32, #tpu.memory_space<vmem>>) dst(%dma_wait3A_212 : memref<16xi32, #tpu.memory_space<hbm>>)
      tpu.yield
    }) : () -> ()
    %add3A_113 = arith.constant 0 : i32
    %add3A_114 = arith.addi %scan3A_26#1, %add3A_113 : i32
    %add3A_115 = vector.broadcast %add3A_114 : i32 to vector<16xi32>
    %add3A_116 = arith.addi %add3A_115, %iota3A : vector<16xi32>
    %shift_right_logical3A_117 = arith.constant 7 : i32
    %shift_right_logical3A_118 = vector.broadcast %shift_right_logical3A_117 : i32 to vector<16xi32>
    %shift_right_logical3A_119 = arith.shrui %add3A_116, %shift_right_logical3A_118 : vector<16xi32>
    %and3A_120 = arith.constant 127 : i32
    %and3A_121 = vector.broadcast %and3A_120 : i32 to vector<16xi32>
    %and3A_122 = arith.andi %add3A_116, %and3A_121 : vector<16xi32>
    tpu.vector_store_idx %arg12[%shift_right_logical3A_119, %and3A_122], %broadcast_in_dim3A_4 : memref<192x128xi32, #tpu.memory_space<vmem>>[vector<16xi32>, vector<16xi32>], vector<16xi32>,
    tpu.vector_store_idx %arg13[%shift_right_logical3A_119, %and3A_122], %broadcast_in_dim3A_6 : memref<192x128xi32, #tpu.memory_space<vmem>>[vector<16xi32>, vector<16xi32>], vector<16xi32>,
    %add3A_123 = arith.constant 16 : i32
    %add3A_124 = arith.addi %scan3A_26#1, %add3A_123 : i32
    %add3A_125 = vector.broadcast %add3A_124 : i32 to vector<16xi32>
    %add3A_126 = arith.addi %add3A_125, %iota3A : vector<16xi32>
    %shift_right_logical3A_127 = arith.constant 7 : i32
    %shift_right_logical3A_128 = vector.broadcast %shift_right_logical3A_127 : i32 to vector<16xi32>
    %shift_right_logical3A_129 = arith.shrui %add3A_126, %shift_right_logical3A_128 : vector<16xi32>
    %and3A_130 = arith.constant 127 : i32
    %and3A_131 = vector.broadcast %and3A_130 : i32 to vector<16xi32>
    %and3A_132 = arith.andi %add3A_126, %and3A_131 : vector<16xi32>
    tpu.vector_store_idx %arg12[%shift_right_logical3A_129, %and3A_132], %broadcast_in_dim3A_4 : memref<192x128xi32, #tpu.memory_space<vmem>>[vector<16xi32>, vector<16xi32>], vector<16xi32>,
    tpu.vector_store_idx %arg13[%shift_right_logical3A_129, %and3A_132], %broadcast_in_dim3A_6 : memref<192x128xi32, #tpu.memory_space<vmem>>[vector<16xi32>, vector<16xi32>], vector<16xi32>,
    %add3A_133 = arith.constant 32 : i32
    %add3A_134 = arith.addi %scan3A_26#1, %add3A_133 : i32
    %add3A_135 = vector.broadcast %add3A_134 : i32 to vector<16xi32>
    %add3A_136 = arith.addi %add3A_135, %iota3A : vector<16xi32>
    %shift_right_logical3A_137 = arith.constant 7 : i32
    %shift_right_logical3A_138 = vector.broadcast %shift_right_logical3A_137 : i32 to vector<16xi32>
    %shift_right_logical3A_139 = arith.shrui %add3A_136, %shift_right_logical3A_138 : vector<16xi32>
    %and3A_140 = arith.constant 127 : i32
    %and3A_141 = vector.broadcast %and3A_140 : i32 to vector<16xi32>
    %and3A_142 = arith.andi %add3A_136, %and3A_141 : vector<16xi32>
    tpu.vector_store_idx %arg12[%shift_right_logical3A_139, %and3A_142], %broadcast_in_dim3A_4 : memref<192x128xi32, #tpu.memory_space<vmem>>[vector<16xi32>, vector<16xi32>], vector<16xi32>,
    tpu.vector_store_idx %arg13[%shift_right_logical3A_139, %and3A_142], %broadcast_in_dim3A_6 : memref<192x128xi32, #tpu.memory_space<vmem>>[vector<16xi32>, vector<16xi32>], vector<16xi32>,
    %add3A_143 = arith.constant 48 : i32
    %add3A_144 = arith.addi %scan3A_26#1, %add3A_143 : i32
    %add3A_145 = vector.broadcast %add3A_144 : i32 to vector<16xi32>
    %add3A_146 = arith.addi %add3A_145, %iota3A : vector<16xi32>
    %shift_right_logical3A_147 = arith.constant 7 : i32
    %shift_right_logical3A_148 = vector.broadcast %shift_right_logical3A_147 : i32 to vector<16xi32>
    %shift_right_logical3A_149 = arith.shrui %add3A_146, %shift_right_logical3A_148 : vector<16xi32>
    %and3A_150 = arith.constant 127 : i32
    %and3A_151 = vector.broadcast %and3A_150 : i32 to vector<16xi32>
    %and3A_152 = arith.andi %add3A_146, %and3A_151 : vector<16xi32>
    tpu.vector_store_idx %arg12[%shift_right_logical3A_149, %and3A_152], %broadcast_in_dim3A_4 : memref<192x128xi32, #tpu.memory_space<vmem>>[vector<16xi32>, vector<16xi32>], vector<16xi32>,
    tpu.vector_store_idx %arg13[%shift_right_logical3A_149, %and3A_152], %broadcast_in_dim3A_6 : memref<192x128xi32, #tpu.memory_space<vmem>>[vector<16xi32>, vector<16xi32>], vector<16xi32>,
    %add3A_153 = arith.constant 64 : i32
    %add3A_154 = arith.addi %scan3A_26#1, %add3A_153 : i32
    %add3A_155 = vector.broadcast %add3A_154 : i32 to vector<16xi32>
    %add3A_156 = arith.addi %add3A_155, %iota3A : vector<16xi32>
    %shift_right_logical3A_157 = arith.constant 7 : i32
    %shift_right_logical3A_158 = vector.broadcast %shift_right_logical3A_157 : i32 to vector<16xi32>
    %shift_right_logical3A_159 = arith.shrui %add3A_156, %shift_right_logical3A_158 : vector<16xi32>
    %and3A_160 = arith.constant 127 : i32
    %and3A_161 = vector.broadcast %and3A_160 : i32 to vector<16xi32>
    %and3A_162 = arith.andi %add3A_156, %and3A_161 : vector<16xi32>
    tpu.vector_store_idx %arg12[%shift_right_logical3A_159, %and3A_162], %broadcast_in_dim3A_4 : memref<192x128xi32, #tpu.memory_space<vmem>>[vector<16xi32>, vector<16xi32>], vector<16xi32>,
    tpu.vector_store_idx %arg13[%shift_right_logical3A_159, %and3A_162], %broadcast_in_dim3A_6 : memref<192x128xi32, #tpu.memory_space<vmem>>[vector<16xi32>, vector<16xi32>], vector<16xi32>,
    %add3A_163 = arith.constant 80 : i32
    %add3A_164 = arith.addi %scan3A_26#1, %add3A_163 : i32
    %add3A_165 = vector.broadcast %add3A_164 : i32 to vector<16xi32>
    %add3A_166 = arith.addi %add3A_165, %iota3A : vector<16xi32>
    %shift_right_logical3A_167 = arith.constant 7 : i32
    %shift_right_logical3A_168 = vector.broadcast %shift_right_logical3A_167 : i32 to vector<16xi32>
    %shift_right_logical3A_169 = arith.shrui %add3A_166, %shift_right_logical3A_168 : vector<16xi32>
    %and3A_170 = arith.constant 127 : i32
    %and3A_171 = vector.broadcast %and3A_170 : i32 to vector<16xi32>
    %and3A_172 = arith.andi %add3A_166, %and3A_171 : vector<16xi32>
    tpu.vector_store_idx %arg12[%shift_right_logical3A_169, %and3A_172], %broadcast_in_dim3A_4 : memref<192x128xi32, #tpu.memory_space<vmem>>[vector<16xi32>, vector<16xi32>], vector<16xi32>,
    tpu.vector_store_idx %arg13[%shift_right_logical3A_169, %and3A_172], %broadcast_in_dim3A_6 : memref<192x128xi32, #tpu.memory_space<vmem>>[vector<16xi32>, vector<16xi32>], vector<16xi32>,
    %add3A_173 = arith.constant 96 : i32
    %add3A_174 = arith.addi %scan3A_26#1, %add3A_173 : i32
    %add3A_175 = vector.broadcast %add3A_174 : i32 to vector<16xi32>
    %add3A_176 = arith.addi %add3A_175, %iota3A : vector<16xi32>
    %shift_right_logical3A_177 = arith.constant 7 : i32
    %shift_right_logical3A_178 = vector.broadcast %shift_right_logical3A_177 : i32 to vector<16xi32>
    %shift_right_logical3A_179 = arith.shrui %add3A_176, %shift_right_logical3A_178 : vector<16xi32>
    %and3A_180 = arith.constant 127 : i32
    %and3A_181 = vector.broadcast %and3A_180 : i32 to vector<16xi32>
    %and3A_182 = arith.andi %add3A_176, %and3A_181 : vector<16xi32>
    tpu.vector_store_idx %arg12[%shift_right_logical3A_179, %and3A_182], %broadcast_in_dim3A_4 : memref<192x128xi32, #tpu.memory_space<vmem>>[vector<16xi32>, vector<16xi32>], vector<16xi32>,
    tpu.vector_store_idx %arg13[%shift_right_logical3A_179, %and3A_182], %broadcast_in_dim3A_6 : memref<192x128xi32, #tpu.memory_space<vmem>>[vector<16xi32>, vector<16xi32>], vector<16xi32>,
    %add3A_183 = arith.constant 112 : i32
    %add3A_184 = arith.addi %scan3A_26#1, %add3A_183 : i32
    %add3A_185 = vector.broadcast %add3A_184 : i32 to vector<16xi32>
    %add3A_186 = arith.addi %add3A_185, %iota3A : vector<16xi32>
    %shift_right_logical3A_187 = arith.constant 7 : i32
    %shift_right_logical3A_188 = vector.broadcast %shift_right_logical3A_187 : i32 to vector<16xi32>
    %shift_right_logical3A_189 = arith.shrui %add3A_186, %shift_right_logical3A_188 : vector<16xi32>
    %and3A_190 = arith.constant 127 : i32
    %and3A_191 = vector.broadcast %and3A_190 : i32 to vector<16xi32>
    %and3A_192 = arith.andi %add3A_186, %and3A_191 : vector<16xi32>
    tpu.vector_store_idx %arg12[%shift_right_logical3A_189, %and3A_192], %broadcast_in_dim3A_4 : memref<192x128xi32, #tpu.memory_space<vmem>>[vector<16xi32>, vector<16xi32>], vector<16xi32>,
    tpu.vector_store_idx %arg13[%shift_right_logical3A_189, %and3A_192], %broadcast_in_dim3A_6 : memref<192x128xi32, #tpu.memory_space<vmem>>[vector<16xi32>, vector<16xi32>], vector<16xi32>,
    %run_scoped3A_193 = arith.constant 1 : i32
    "tpu.region"() ({
      %run_scoped3A_202 = tpu.sem_alloc : memref<!tpu.dma_semaphore, #tpu.memory_space<semaphore_mem>>
      %dma_start3A = arith.constant 0 : i32
      %dma_start3A_203 = arith.constant 0 : i32
      %dma_start3A_204 = tpu.memref_slice %arg4[%run_scoped3A_193, %arg0, %arg1, %dma_start3A, %dma_start3A_203] : memref<2x2x16x192x128xi32, #tpu.memory_space<hbm>> -> memref<1x1x1x192x128xi32, #tpu.memory_space<hbm>>
      %dma_start3A_205 = tpu.memref_squeeze %dma_start3A_204 : memref<1x1x1x192x128xi32, #tpu.memory_space<hbm>> -> memref<192x128xi32, #tpu.memory_space<hbm>>
      %dma_start3A_206 = arith.constant 0 : i32
      %dma_start3A_207 = arith.constant 0 : i32
      %dma_start3A_208 = tpu.memref_slice %arg4[%run_scoped3A_193, %arg0, %arg1, %dma_start3A_206, %dma_start3A_207] : memref<2x2x16x192x128xi32, #tpu.memory_space<hbm>> -> memref<1x1x1x192x128xi32, #tpu.memory_space<hbm>>
      %dma_start3A_209 = tpu.memref_squeeze %dma_start3A_208 : memref<1x1x1x192x128xi32, #tpu.memory_space<hbm>> -> memref<192x128xi32, #tpu.memory_space<hbm>>
      tpu.enqueue_dma source(%arg12 : memref<192x128xi32, #tpu.memory_space<vmem>>) target(%dma_start3A_209 : memref<192x128xi32, #tpu.memory_space<hbm>>) target_semaphore(%run_scoped3A_202 : memref<!tpu.dma_semaphore, #tpu.memory_space<semaphore_mem>>)
      %dma_wait3A = arith.constant 0 : i32
      %dma_wait3A_210 = arith.constant 0 : i32
      %dma_wait3A_211 = tpu.memref_slice %arg4[%run_scoped3A_193, %arg0, %arg1, %dma_wait3A, %dma_wait3A_210] : memref<2x2x16x192x128xi32, #tpu.memory_space<hbm>> -> memref<1x1x1x192x128xi32, #tpu.memory_space<hbm>>
      %dma_wait3A_212 = tpu.memref_squeeze %dma_wait3A_211 : memref<1x1x1x192x128xi32, #tpu.memory_space<hbm>> -> memref<192x128xi32, #tpu.memory_space<hbm>>
      %dma_wait3A_213 = arith.constant 0 : i32
      %dma_wait3A_214 = arith.constant 0 : i32
      %dma_wait3A_215 = tpu.memref_slice %arg4[%run_scoped3A_193, %arg0, %arg1, %dma_wait3A_213, %dma_wait3A_214] : memref<2x2x16x192x128xi32, #tpu.memory_space<hbm>> -> memref<1x1x1x192x128xi32, #tpu.memory_space<hbm>>
      %dma_wait3A_216 = tpu.memref_squeeze %dma_wait3A_215 : memref<1x1x1x192x128xi32, #tpu.memory_space<hbm>> -> memref<192x128xi32, #tpu.memory_space<hbm>>
      tpu.wait_dma2 semaphore(%run_scoped3A_202 : memref<!tpu.dma_semaphore, #tpu.memory_space<semaphore_mem>>) src(%arg12 : memref<192x128xi32, #tpu.memory_space<vmem>>) dst(%dma_wait3A_216 : memref<192x128xi32, #tpu.memory_space<hbm>>)
      tpu.yield
    }) : () -> ()
    %run_scoped3A_194 = arith.constant 1 : i32
    "tpu.region"() ({
      %run_scoped3A_202 = tpu.sem_alloc : memref<!tpu.dma_semaphore, #tpu.memory_space<semaphore_mem>>
      %dma_start3A = arith.constant 0 : i32
      %dma_start3A_203 = arith.constant 0 : i32
      %dma_start3A_204 = tpu.memref_slice %arg5[%run_scoped3A_194, %arg0, %arg1, %dma_start3A, %dma_start3A_203] : memref<2x2x16x192x128xi32, #tpu.memory_space<hbm>> -> memref<1x1x1x192x128xi32, #tpu.memory_space<hbm>>
      %dma_start3A_205 = tpu.memref_squeeze %dma_start3A_204 : memref<1x1x1x192x128xi32, #tpu.memory_space<hbm>> -> memref<192x128xi32, #tpu.memory_space<hbm>>
      %dma_start3A_206 = arith.constant 0 : i32
      %dma_start3A_207 = arith.constant 0 : i32
      %dma_start3A_208 = tpu.memref_slice %arg5[%run_scoped3A_194, %arg0, %arg1, %dma_start3A_206, %dma_start3A_207] : memref<2x2x16x192x128xi32, #tpu.memory_space<hbm>> -> memref<1x1x1x192x128xi32, #tpu.memory_space<hbm>>
      %dma_start3A_209 = tpu.memref_squeeze %dma_start3A_208 : memref<1x1x1x192x128xi32, #tpu.memory_space<hbm>> -> memref<192x128xi32, #tpu.memory_space<hbm>>
      tpu.enqueue_dma source(%arg13 : memref<192x128xi32, #tpu.memory_space<vmem>>) target(%dma_start3A_209 : memref<192x128xi32, #tpu.memory_space<hbm>>) target_semaphore(%run_scoped3A_202 : memref<!tpu.dma_semaphore, #tpu.memory_space<semaphore_mem>>)
      %dma_wait3A = arith.constant 0 : i32
      %dma_wait3A_210 = arith.constant 0 : i32
      %dma_wait3A_211 = tpu.memref_slice %arg5[%run_scoped3A_194, %arg0, %arg1, %dma_wait3A, %dma_wait3A_210] : memref<2x2x16x192x128xi32, #tpu.memory_space<hbm>> -> memref<1x1x1x192x128xi32, #tpu.memory_space<hbm>>
      %dma_wait3A_212 = tpu.memref_squeeze %dma_wait3A_211 : memref<1x1x1x192x128xi32, #tpu.memory_space<hbm>> -> memref<192x128xi32, #tpu.memory_space<hbm>>
      %dma_wait3A_213 = arith.constant 0 : i32
      %dma_wait3A_214 = arith.constant 0 : i32
      %dma_wait3A_215 = tpu.memref_slice %arg5[%run_scoped3A_194, %arg0, %arg1, %dma_wait3A_213, %dma_wait3A_214] : memref<2x2x16x192x128xi32, #tpu.memory_space<hbm>> -> memref<1x1x1x192x128xi32, #tpu.memory_space<hbm>>
      %dma_wait3A_216 = tpu.memref_squeeze %dma_wait3A_215 : memref<1x1x1x192x128xi32, #tpu.memory_space<hbm>> -> memref<192x128xi32, #tpu.memory_space<hbm>>
      tpu.wait_dma2 semaphore(%run_scoped3A_202 : memref<!tpu.dma_semaphore, #tpu.memory_space<semaphore_mem>>) src(%arg13 : memref<192x128xi32, #tpu.memory_space<vmem>>) dst(%dma_wait3A_216 : memref<192x128xi32, #tpu.memory_space<hbm>>)
      tpu.yield
    }) : () -> ()
    %broadcast_in_dim3A_195 = arith.constant 0 : i32
    %broadcast_in_dim3A_196 = vector.broadcast %broadcast_in_dim3A_195 : i32 to vector<16xi32>
    %add3A_197 = vector.broadcast %scan3A_26#1 : i32 to vector<16xi32>
    %add3A_198 = arith.addi %broadcast_in_dim3A_196, %add3A_197 : vector<16xi32>
    %swap3A_199 = arith.constant 0 : index
    %swap3A_200 = tpu.vector_load %arg14[%swap3A_199] {strides = array<i32>} : memref<16xi32, #tpu.memory_space<vmem>>, vector<16xi32>,
    tpu.vector_store %arg14[%swap3A_199], %add3A_198 {strides = array<i32>} : memref<16xi32, #tpu.memory_space<vmem>>, vector<16xi32>,
    %run_scoped3A_201 = arith.constant 1 : i32
    "tpu.region"() ({
      %run_scoped3A_202 = tpu.sem_alloc : memref<!tpu.dma_semaphore, #tpu.memory_space<semaphore_mem>>
      %dma_start3A = arith.constant 0 : i32
      %dma_start3A_203 = tpu.memref_slice %arg6[%run_scoped3A_201, %arg0, %arg1, %dma_start3A] : memref<2x2x16x16xi32, #tpu.memory_space<hbm>> -> memref<1x1x1x16xi32, #tpu.memory_space<hbm>>
      %dma_start3A_204 = tpu.memref_squeeze %dma_start3A_203 : memref<1x1x1x16xi32, #tpu.memory_space<hbm>> -> memref<16xi32, #tpu.memory_space<hbm>>
      %dma_start3A_205 = arith.constant 0 : i32
      %dma_start3A_206 = tpu.memref_slice %arg6[%run_scoped3A_201, %arg0, %arg1, %dma_start3A_205] : memref<2x2x16x16xi32, #tpu.memory_space<hbm>> -> memref<1x1x1x16xi32, #tpu.memory_space<hbm>>
      %dma_start3A_207 = tpu.memref_squeeze %dma_start3A_206 : memref<1x1x1x16xi32, #tpu.memory_space<hbm>> -> memref<16xi32, #tpu.memory_space<hbm>>
      tpu.enqueue_dma source(%arg14 : memref<16xi32, #tpu.memory_space<vmem>>) target(%dma_start3A_207 : memref<16xi32, #tpu.memory_space<hbm>>) target_semaphore(%run_scoped3A_202 : memref<!tpu.dma_semaphore, #tpu.memory_space<semaphore_mem>>)
      %dma_wait3A = arith.constant 0 : i32
      %dma_wait3A_208 = tpu.memref_slice %arg6[%run_scoped3A_201, %arg0, %arg1, %dma_wait3A] : memref<2x2x16x16xi32, #tpu.memory_space<hbm>> -> memref<1x1x1x16xi32, #tpu.memory_space<hbm>>
      %dma_wait3A_209 = tpu.memref_squeeze %dma_wait3A_208 : memref<1x1x1x16xi32, #tpu.memory_space<hbm>> -> memref<16xi32, #tpu.memory_space<hbm>>
      %dma_wait3A_210 = arith.constant 0 : i32
      %dma_wait3A_211 = tpu.memref_slice %arg6[%run_scoped3A_201, %arg0, %arg1, %dma_wait3A_210] : memref<2x2x16x16xi32, #tpu.memory_space<hbm>> -> memref<1x1x1x16xi32, #tpu.memory_space<hbm>>
      %dma_wait3A_212 = tpu.memref_squeeze %dma_wait3A_211 : memref<1x1x1x16xi32, #tpu.memory_space<hbm>> -> memref<16xi32, #tpu.memory_space<hbm>>
      tpu.wait_dma2 semaphore(%run_scoped3A_202 : memref<!tpu.dma_semaphore, #tpu.memory_space<semaphore_mem>>) src(%arg14 : memref<16xi32, #tpu.memory_space<vmem>>) dst(%dma_wait3A_212 : memref<16xi32, #tpu.memory_space<hbm>>)
      tpu.yield
    }) : () -> ()
    "tpu.region"() ({
      %run_scoped3A_202 = tpu.sem_alloc : memref<!tpu.dma_semaphore, #tpu.memory_space<semaphore_mem>>
      %dma_start3A = arith.constant 0 : i32
      %dma_start3A_203 = tpu.memref_slice %arg7[%arg0, %arg1, %dma_start3A] : memref<2x16x10240xf32, #tpu.memory_space<hbm>> -> memref<1x1x10240xf32, #tpu.memory_space<hbm>>
      %dma_start3A_204 = tpu.memref_squeeze %dma_start3A_203 : memref<1x1x10240xf32, #tpu.memory_space<hbm>> -> memref<10240xf32, #tpu.memory_space<hbm>>
      %dma_start3A_205 = arith.constant 0 : i32
      %dma_start3A_206 = tpu.memref_slice %arg7[%arg0, %arg1, %dma_start3A_205] : memref<2x16x10240xf32, #tpu.memory_space<hbm>> -> memref<1x1x10240xf32, #tpu.memory_space<hbm>>
      %dma_start3A_207 = tpu.memref_squeeze %dma_start3A_206 : memref<1x1x10240xf32, #tpu.memory_space<hbm>> -> memref<10240xf32, #tpu.memory_space<hbm>>
      tpu.enqueue_dma source(%arg15 : memref<10240xf32, #tpu.memory_space<vmem>>) target(%dma_start3A_207 : memref<10240xf32, #tpu.memory_space<hbm>>) target_semaphore(%run_scoped3A_202 : memref<!tpu.dma_semaphore, #tpu.memory_space<semaphore_mem>>)
      %dma_wait3A = arith.constant 0 : i32
      %dma_wait3A_208 = tpu.memref_slice %arg7[%arg0, %arg1, %dma_wait3A] : memref<2x16x10240xf32, #tpu.memory_space<hbm>> -> memref<1x1x10240xf32, #tpu.memory_space<hbm>>
      %dma_wait3A_209 = tpu.memref_squeeze %dma_wait3A_208 : memref<1x1x10240xf32, #tpu.memory_space<hbm>> -> memref<10240xf32, #tpu.memory_space<hbm>>
      %dma_wait3A_210 = arith.constant 0 : i32
      %dma_wait3A_211 = tpu.memref_slice %arg7[%arg0, %arg1, %dma_wait3A_210] : memref<2x16x10240xf32, #tpu.memory_space<hbm>> -> memref<1x1x10240xf32, #tpu.memory_space<hbm>>
      %dma_wait3A_212 = tpu.memref_squeeze %dma_wait3A_211 : memref<1x1x10240xf32, #tpu.memory_space<hbm>> -> memref<10240xf32, #tpu.memory_space<hbm>>
      tpu.wait_dma2 semaphore(%run_scoped3A_202 : memref<!tpu.dma_semaphore, #tpu.memory_space<semaphore_mem>>) src(%arg15 : memref<10240xf32, #tpu.memory_space<vmem>>) dst(%dma_wait3A_212 : memref<10240xf32, #tpu.memory_space<hbm>>)
      tpu.yield
    }) : () -> ()
    return
  }
}

#map = affine_map<(d0, d1) -> (0, 0)>
#map1 = affine_map<(d0, d1) -> (0, 0, 0, 0, 0)>
#map2 = affine_map<(d0, d1) -> (0, 0, 0, 0)>
module attributes {stable_mosaic.version = 14 : i64} {
  func.func @_scatter_sc(%arg0: i32, %arg1: i32, %arg2: memref<10240x128xf32, #tpu.memory_space<hbm>>, %arg3: memref<2x2x16x256x96xi32, #tpu.memory_space<hbm>>, %arg4: memref<2x2x16x256x96xi32, #tpu.memory_space<hbm>>, %arg5: memref<2x2x16x16xi32, #tpu.memory_space<hbm>>, %arg6: memref<2x2x2560x128xf32, #tpu.memory_space<hbm>>, %arg7: memref<8x96xi32, #tpu.memory_space<vmem>>, %arg8: memref<8x96xi32, #tpu.memory_space<vmem>>, %arg9: memref<16xi32, #tpu.memory_space<vmem>>, %arg10: memref<96x128xf32, #tpu.memory_space<vmem>>, %arg11: memref<96x128xf32, #tpu.memory_space<vmem>>, %arg12: memref<12808x128xf32, #tpu.memory_space<vmem_shared>>, %arg13: memref<2x!tpu.dma_semaphore, #tpu.memory_space<semaphore_mem>>) attributes {dimension_semantics = [#tpu.dimension_semantics<core_parallel>, #tpu.dimension_semantics<subcore_parallel>], iteration_bounds = array<i64: 2, 16>, scalar_prefetch = 0 : i64, scratch_operands = 7 : i64, tpu.core_type = #tpu.core_type<sc_vector_subcore>, window_params = [{transform_indices = #map}, {transform_indices = #map1}, {transform_indices = #map1}, {transform_indices = #map2}, {transform_indices = #map2}]} {
    %mul3A = arith.constant 640 : i32
    %mul3A_0 = arith.muli %arg1, %mul3A : i32
    "tpu.region"() ({
      %run_scoped3A_160 = tpu.sem_alloc : memref<!tpu.dma_semaphore, #tpu.memory_space<semaphore_mem>>
      %dma_start3A = arith.constant 0 : i32
      %dma_start3A_161 = tpu.memref_slice %arg12[%mul3A_0, %dma_start3A] : memref<12808x128xf32, #tpu.memory_space<vmem_shared>> -> memref<640x128xf32, #tpu.memory_space<vmem_shared>>
      %dma_start3A_162 = arith.constant 0 : i32
      %dma_start3A_163 = tpu.memref_slice %arg2[%mul3A_0, %dma_start3A_162] : memref<10240x128xf32, #tpu.memory_space<hbm>> -> memref<640x128xf32, #tpu.memory_space<hbm>>
      tpu.enqueue_dma source(%dma_start3A_163 : memref<640x128xf32, #tpu.memory_space<hbm>>) target(%dma_start3A_161 : memref<640x128xf32, #tpu.memory_space<vmem_shared>>) target_semaphore(%run_scoped3A_160 : memref<!tpu.dma_semaphore, #tpu.memory_space<semaphore_mem>>)
      %dma_wait3A = arith.constant 0 : i32
      %dma_wait3A_164 = tpu.memref_slice %arg12[%mul3A_0, %dma_wait3A] : memref<12808x128xf32, #tpu.memory_space<vmem_shared>> -> memref<640x128xf32, #tpu.memory_space<vmem_shared>>
      %dma_wait3A_165 = arith.constant 0 : i32
      %dma_wait3A_166 = tpu.memref_slice %arg2[%mul3A_0, %dma_wait3A_165] : memref<10240x128xf32, #tpu.memory_space<hbm>> -> memref<640x128xf32, #tpu.memory_space<hbm>>
      tpu.wait_dma2 semaphore(%run_scoped3A_160 : memref<!tpu.dma_semaphore, #tpu.memory_space<semaphore_mem>>) src(%dma_wait3A_166 : memref<640x128xf32, #tpu.memory_space<hbm>>) dst(%dma_wait3A_164 : memref<640x128xf32, #tpu.memory_space<vmem_shared>>)
      tpu.yield
    }) : () -> ()
    %mul3A_1 = arith.constant 160 : i32
    %mul3A_2 = arith.muli %arg1, %mul3A_1 : i32
    %run_scoped3A = arith.constant 0 : i32
    "tpu.region"() ({
      %run_scoped3A_160 = tpu.sem_alloc : memref<!tpu.dma_semaphore, #tpu.memory_space<semaphore_mem>>
      %dma_start3A = arith.constant 0 : i32
      %dma_start3A_161 = tpu.memref_slice %arg5[%run_scoped3A, %arg0, %arg1, %dma_start3A] : memref<2x2x16x16xi32, #tpu.memory_space<hbm>> -> memref<1x1x1x16xi32, #tpu.memory_space<hbm>>
      %dma_start3A_162 = tpu.memref_squeeze %dma_start3A_161 : memref<1x1x1x16xi32, #tpu.memory_space<hbm>> -> memref<16xi32, #tpu.memory_space<hbm>>
      %dma_start3A_163 = arith.constant 0 : i32
      %dma_start3A_164 = tpu.memref_slice %arg5[%run_scoped3A, %arg0, %arg1, %dma_start3A_163] : memref<2x2x16x16xi32, #tpu.memory_space<hbm>> -> memref<1x1x1x16xi32, #tpu.memory_space<hbm>>
      %dma_start3A_165 = tpu.memref_squeeze %dma_start3A_164 : memref<1x1x1x16xi32, #tpu.memory_space<hbm>> -> memref<16xi32, #tpu.memory_space<hbm>>
      tpu.enqueue_dma source(%dma_start3A_165 : memref<16xi32, #tpu.memory_space<hbm>>) target(%arg9 : memref<16xi32, #tpu.memory_space<vmem>>) target_semaphore(%run_scoped3A_160 : memref<!tpu.dma_semaphore, #tpu.memory_space<semaphore_mem>>)
      %dma_wait3A = arith.constant 0 : i32
      %dma_wait3A_166 = tpu.memref_slice %arg5[%run_scoped3A, %arg0, %arg1, %dma_wait3A] : memref<2x2x16x16xi32, #tpu.memory_space<hbm>> -> memref<1x1x1x16xi32, #tpu.memory_space<hbm>>
      %dma_wait3A_167 = tpu.memref_squeeze %dma_wait3A_166 : memref<1x1x1x16xi32, #tpu.memory_space<hbm>> -> memref<16xi32, #tpu.memory_space<hbm>>
      %dma_wait3A_168 = arith.constant 0 : i32
      %dma_wait3A_169 = tpu.memref_slice %arg5[%run_scoped3A, %arg0, %arg1, %dma_wait3A_168] : memref<2x2x16x16xi32, #tpu.memory_space<hbm>> -> memref<1x1x1x16xi32, #tpu.memory_space<hbm>>
      %dma_wait3A_170 = tpu.memref_squeeze %dma_wait3A_169 : memref<1x1x1x16xi32, #tpu.memory_space<hbm>> -> memref<16xi32, #tpu.memory_space<hbm>>
      tpu.wait_dma2 semaphore(%run_scoped3A_160 : memref<!tpu.dma_semaphore, #tpu.memory_space<semaphore_mem>>) src(%dma_wait3A_170 : memref<16xi32, #tpu.memory_space<hbm>>) dst(%arg9 : memref<16xi32, #tpu.memory_space<vmem>>)
      tpu.yield
    }) : () -> ()
    %add3A = arith.constant 0 : i32
    %add3A_3 = arith.addi %add3A, %arg0 : i32
    %mul3A_4 = arith.constant 2560 : i32
    %mul3A_5 = arith.muli %add3A_3, %mul3A_4 : i32
    %add3A_6 = arith.addi %mul3A_5, %mul3A_2 : i32
    %add3A_7 = arith.constant 10240 : i32
    %add3A_8 = arith.addi %add3A_7, %mul3A_2 : i32
    "tpu.region"() ({
      %run_scoped3A_160 = tpu.sem_alloc : memref<!tpu.dma_semaphore, #tpu.memory_space<semaphore_mem>>
      %dma_start3A = arith.constant 0 : i32
      %dma_start3A_161 = tpu.memref_slice %arg12[%add3A_8, %dma_start3A] : memref<12808x128xf32, #tpu.memory_space<vmem_shared>> -> memref<160x128xf32, #tpu.memory_space<vmem_shared>>
      %dma_start3A_162 = arith.constant 0 : i32
      %dma_start3A_163 = tpu.memref_slice %arg2[%add3A_6, %dma_start3A_162] : memref<10240x128xf32, #tpu.memory_space<hbm>> -> memref<160x128xf32, #tpu.memory_space<hbm>>
      tpu.enqueue_dma source(%dma_start3A_163 : memref<160x128xf32, #tpu.memory_space<hbm>>) target(%dma_start3A_161 : memref<160x128xf32, #tpu.memory_space<vmem_shared>>) target_semaphore(%run_scoped3A_160 : memref<!tpu.dma_semaphore, #tpu.memory_space<semaphore_mem>>)
      %dma_wait3A = arith.constant 0 : i32
      %dma_wait3A_164 = tpu.memref_slice %arg12[%add3A_8, %dma_wait3A] : memref<12808x128xf32, #tpu.memory_space<vmem_shared>> -> memref<160x128xf32, #tpu.memory_space<vmem_shared>>
      %dma_wait3A_165 = arith.constant 0 : i32
      %dma_wait3A_166 = tpu.memref_slice %arg2[%add3A_6, %dma_wait3A_165] : memref<10240x128xf32, #tpu.memory_space<hbm>> -> memref<160x128xf32, #tpu.memory_space<hbm>>
      tpu.wait_dma2 semaphore(%run_scoped3A_160 : memref<!tpu.dma_semaphore, #tpu.memory_space<semaphore_mem>>) src(%dma_wait3A_166 : memref<160x128xf32, #tpu.memory_space<hbm>>) dst(%dma_wait3A_164 : memref<160x128xf32, #tpu.memory_space<vmem_shared>>)
      tpu.yield
    }) : () -> ()
    %get3A = arith.constant 0 : index
    %get3A_9 = tpu.vector_load %arg9[%get3A] {strides = array<i32>} : memref<16xi32, #tpu.memory_space<vmem>>, vector<16xi32>,
    %get3A_10 = vector.shape_cast %get3A_9 : vector<16xi32> to vector<16xi32>
    %slice3A = vector.extract_strided_slice %get3A_10 {offsets = [0], sizes = [1], strides = [1]} : vector<16xi32> to vector<1xi32>
    %squeeze3A = vector.extract %slice3A[0] : i32 from vector<1xi32>
    %add3A_11 = arith.constant 96 : i32
    %add3A_12 = arith.addi %squeeze3A, %add3A_11 : i32
    %sub3A = arith.constant 1 : i32
    %sub3A_13 = arith.subi %add3A_12, %sub3A : i32
    %jit3A = arith.constant 96 : i32
    %div3A = arith.divsi %sub3A_13, %jit3A : i32
    %sign3A = arith.constant 0 : i32
    %sign3A_14 = arith.cmpi sgt, %sub3A_13, %sign3A : i32
    %sign3A_15 = arith.extui %sign3A_14 : i1 to i32
    %sign3A_16 = arith.constant 0 : i32
    %sign3A_17 = arith.cmpi slt, %sub3A_13, %sign3A_16 : i32
    %sign3A_18 = arith.extui %sign3A_17 : i1 to i32
    %sign3A_19 = arith.subi %sign3A_15, %sign3A_18 : i32
    %sign3A_20 = arith.constant 0 : i32
    %sign3A_21 = arith.cmpi sgt, %jit3A, %sign3A_20 : i32
    %sign3A_22 = arith.extui %sign3A_21 : i1 to i32
    %sign3A_23 = arith.constant 0 : i32
    %sign3A_24 = arith.cmpi slt, %jit3A, %sign3A_23 : i32
    %sign3A_25 = arith.extui %sign3A_24 : i1 to i32
    %sign3A_26 = arith.subi %sign3A_22, %sign3A_25 : i32
    %ne3A = arith.cmpi ne, %sign3A_19, %sign3A_26 : i32
    %rem3A = arith.remsi %sub3A_13, %jit3A : i32
    %ne3A_27 = arith.constant 0 : i32
    %ne3A_28 = arith.cmpi ne, %rem3A, %ne3A_27 : i32
    %and3A = arith.andi %ne3A, %ne3A_28 : i1
    %sub3A_29 = arith.constant 1 : i32
    %sub3A_30 = arith.subi %div3A, %sub3A_29 : i32
    %select_n3A = arith.select %and3A, %sub3A_30, %div3A : i32
    %add3A_31 = arith.constant 8 : i32
    %add3A_32 = arith.addi %select_n3A, %add3A_31 : i32
    %sub3A_33 = arith.constant 1 : i32
    %sub3A_34 = arith.subi %add3A_32, %sub3A_33 : i32
    %jit3A_35 = arith.constant 8 : i32
    %div3A_36 = arith.divsi %sub3A_34, %jit3A_35 : i32
    %sign3A_37 = arith.constant 0 : i32
    %sign3A_38 = arith.cmpi sgt, %sub3A_34, %sign3A_37 : i32
    %sign3A_39 = arith.extui %sign3A_38 : i1 to i32
    %sign3A_40 = arith.constant 0 : i32
    %sign3A_41 = arith.cmpi slt, %sub3A_34, %sign3A_40 : i32
    %sign3A_42 = arith.extui %sign3A_41 : i1 to i32
    %sign3A_43 = arith.subi %sign3A_39, %sign3A_42 : i32
    %sign3A_44 = arith.constant 0 : i32
    %sign3A_45 = arith.cmpi sgt, %jit3A_35, %sign3A_44 : i32
    %sign3A_46 = arith.extui %sign3A_45 : i1 to i32
    %sign3A_47 = arith.constant 0 : i32
    %sign3A_48 = arith.cmpi slt, %jit3A_35, %sign3A_47 : i32
    %sign3A_49 = arith.extui %sign3A_48 : i1 to i32
    %sign3A_50 = arith.subi %sign3A_46, %sign3A_49 : i32
    %ne3A_51 = arith.cmpi ne, %sign3A_43, %sign3A_50 : i32
    %rem3A_52 = arith.remsi %sub3A_34, %jit3A_35 : i32
    %ne3A_53 = arith.constant 0 : i32
    %ne3A_54 = arith.cmpi ne, %rem3A_52, %ne3A_53 : i32
    %and3A_55 = arith.andi %ne3A_51, %ne3A_54 : i1
    %sub3A_56 = arith.constant 1 : i32
    %sub3A_57 = arith.subi %div3A_36, %sub3A_56 : i32
    %select_n3A_58 = arith.select %and3A_55, %sub3A_57, %div3A_36 : i32
    %barrier3A = arith.constant 0 : index
    tpu.barrier barrier_id(%barrier3A)
    %while3A = arith.constant 0 : i32
    %while3A_59 = arith.constant 0 : i32
    %while3A_60 = arith.subi %select_n3A_58, %while3A_59 : i32
    %while3A_61 = arith.addi %while3A_59, %while3A_60 : i32
    %while3A_62 = arith.constant 1 : i32
    %while3A_63 = arith.divsi %while3A_60, %while3A_62 : i32
    %while3A_64 = arith.muli %while3A_63, %while3A_62 : i32
    %while3A_65 = arith.addi %while3A_59, %while3A_64 : i32
    %while3A_66 = arith.constant 1 : i32
    scf.for %while3A_160 = %while3A_59 to %while3A_65 step %while3A_66  : i32 {
      %mul3A_161 = arith.constant 8 : i32
      %mul3A_162 = arith.muli %while3A_160, %mul3A_161 : i32
      %run_scoped3A_163 = arith.constant 0 : i32
      "tpu.region"() ({
        %run_scoped3A_218 = tpu.sem_alloc : memref<!tpu.dma_semaphore, #tpu.memory_space<semaphore_mem>>
        %dma_start3A = arith.constant 0 : i32
        %dma_start3A_219 = tpu.memref_slice %arg3[%run_scoped3A_163, %arg0, %arg1, %mul3A_162, %dma_start3A] : memref<2x2x16x256x96xi32, #tpu.memory_space<hbm>> -> memref<1x1x1x8x96xi32, #tpu.memory_space<hbm>>
        %dma_start3A_220 = tpu.memref_squeeze %dma_start3A_219 : memref<1x1x1x8x96xi32, #tpu.memory_space<hbm>> -> memref<8x96xi32, #tpu.memory_space<hbm>>
        %dma_start3A_221 = arith.constant 0 : i32
        %dma_start3A_222 = tpu.memref_slice %arg3[%run_scoped3A_163, %arg0, %arg1, %mul3A_162, %dma_start3A_221] : memref<2x2x16x256x96xi32, #tpu.memory_space<hbm>> -> memref<1x1x1x8x96xi32, #tpu.memory_space<hbm>>
        %dma_start3A_223 = tpu.memref_squeeze %dma_start3A_222 : memref<1x1x1x8x96xi32, #tpu.memory_space<hbm>> -> memref<8x96xi32, #tpu.memory_space<hbm>>
        tpu.enqueue_dma source(%dma_start3A_223 : memref<8x96xi32, #tpu.memory_space<hbm>>) target(%arg7 : memref<8x96xi32, #tpu.memory_space<vmem>>) target_semaphore(%run_scoped3A_218 : memref<!tpu.dma_semaphore, #tpu.memory_space<semaphore_mem>>)
        %dma_wait3A = arith.constant 0 : i32
        %dma_wait3A_224 = tpu.memref_slice %arg3[%run_scoped3A_163, %arg0, %arg1, %mul3A_162, %dma_wait3A] : memref<2x2x16x256x96xi32, #tpu.memory_space<hbm>> -> memref<1x1x1x8x96xi32, #tpu.memory_space<hbm>>
        %dma_wait3A_225 = tpu.memref_squeeze %dma_wait3A_224 : memref<1x1x1x8x96xi32, #tpu.memory_space<hbm>> -> memref<8x96xi32, #tpu.memory_space<hbm>>
        %dma_wait3A_226 = arith.constant 0 : i32
        %dma_wait3A_227 = tpu.memref_slice %arg3[%run_scoped3A_163, %arg0, %arg1, %mul3A_162, %dma_wait3A_226] : memref<2x2x16x256x96xi32, #tpu.memory_space<hbm>> -> memref<1x1x1x8x96xi32, #tpu.memory_space<hbm>>
        %dma_wait3A_228 = tpu.memref_squeeze %dma_wait3A_227 : memref<1x1x1x8x96xi32, #tpu.memory_space<hbm>> -> memref<8x96xi32, #tpu.memory_space<hbm>>
        tpu.wait_dma2 semaphore(%run_scoped3A_218 : memref<!tpu.dma_semaphore, #tpu.memory_space<semaphore_mem>>) src(%dma_wait3A_228 : memref<8x96xi32, #tpu.memory_space<hbm>>) dst(%arg7 : memref<8x96xi32, #tpu.memory_space<vmem>>)
        tpu.yield
      }) : () -> ()
      %mul3A_164 = arith.constant 8 : i32
      %mul3A_165 = arith.muli %while3A_160, %mul3A_164 : i32
      %run_scoped3A_166 = arith.constant 0 : i32
      "tpu.region"() ({
        %run_scoped3A_218 = tpu.sem_alloc : memref<!tpu.dma_semaphore, #tpu.memory_space<semaphore_mem>>
        %dma_start3A = arith.constant 0 : i32
        %dma_start3A_219 = tpu.memref_slice %arg4[%run_scoped3A_166, %arg0, %arg1, %mul3A_165, %dma_start3A] : memref<2x2x16x256x96xi32, #tpu.memory_space<hbm>> -> memref<1x1x1x8x96xi32, #tpu.memory_space<hbm>>
        %dma_start3A_220 = tpu.memref_squeeze %dma_start3A_219 : memref<1x1x1x8x96xi32, #tpu.memory_space<hbm>> -> memref<8x96xi32, #tpu.memory_space<hbm>>
        %dma_start3A_221 = arith.constant 0 : i32
        %dma_start3A_222 = tpu.memref_slice %arg4[%run_scoped3A_166, %arg0, %arg1, %mul3A_165, %dma_start3A_221] : memref<2x2x16x256x96xi32, #tpu.memory_space<hbm>> -> memref<1x1x1x8x96xi32, #tpu.memory_space<hbm>>
        %dma_start3A_223 = tpu.memref_squeeze %dma_start3A_222 : memref<1x1x1x8x96xi32, #tpu.memory_space<hbm>> -> memref<8x96xi32, #tpu.memory_space<hbm>>
        tpu.enqueue_dma source(%dma_start3A_223 : memref<8x96xi32, #tpu.memory_space<hbm>>) target(%arg8 : memref<8x96xi32, #tpu.memory_space<vmem>>) target_semaphore(%run_scoped3A_218 : memref<!tpu.dma_semaphore, #tpu.memory_space<semaphore_mem>>)
        %dma_wait3A = arith.constant 0 : i32
        %dma_wait3A_224 = tpu.memref_slice %arg4[%run_scoped3A_166, %arg0, %arg1, %mul3A_165, %dma_wait3A] : memref<2x2x16x256x96xi32, #tpu.memory_space<hbm>> -> memref<1x1x1x8x96xi32, #tpu.memory_space<hbm>>
        %dma_wait3A_225 = tpu.memref_squeeze %dma_wait3A_224 : memref<1x1x1x8x96xi32, #tpu.memory_space<hbm>> -> memref<8x96xi32, #tpu.memory_space<hbm>>
        %dma_wait3A_226 = arith.constant 0 : i32
        %dma_wait3A_227 = tpu.memref_slice %arg4[%run_scoped3A_166, %arg0, %arg1, %mul3A_165, %dma_wait3A_226] : memref<2x2x16x256x96xi32, #tpu.memory_space<hbm>> -> memref<1x1x1x8x96xi32, #tpu.memory_space<hbm>>
        %dma_wait3A_228 = tpu.memref_squeeze %dma_wait3A_227 : memref<1x1x1x8x96xi32, #tpu.memory_space<hbm>> -> memref<8x96xi32, #tpu.memory_space<hbm>>
        tpu.wait_dma2 semaphore(%run_scoped3A_218 : memref<!tpu.dma_semaphore, #tpu.memory_space<semaphore_mem>>) src(%dma_wait3A_228 : memref<8x96xi32, #tpu.memory_space<hbm>>) dst(%arg8 : memref<8x96xi32, #tpu.memory_space<vmem>>)
        tpu.yield
      }) : () -> ()
      %mul3A_167 = arith.constant 8 : i32
      %mul3A_168 = arith.muli %while3A_160, %mul3A_167 : i32
      %lt3A = arith.cmpi slt, %mul3A_168, %select_n3A : i32
      %convert_element_type3A = arith.extui %lt3A : i1 to i32
      %cond3A = arith.constant 0 : i32
      %cond3A_169 = arith.cmpi ne, %convert_element_type3A, %cond3A : i32
      scf.if %cond3A_169 {
        %dma_start3A = arith.constant 0 : i32
        %dma_start3A_218 = arith.constant 0 : i32
        %dma_start3A_219 = arith.constant 0 : i32
        %dma_start3A_220 = tpu.memref_slice %arg7[%dma_start3A, %dma_start3A_219] : memref<8x96xi32, #tpu.memory_space<vmem>> -> memref<1x96xi32, #tpu.memory_space<vmem>>
        %dma_start3A_221 = tpu.memref_squeeze %dma_start3A_220 : memref<1x96xi32, #tpu.memory_space<vmem>> -> memref<96xi32, #tpu.memory_space<vmem>>
        %dma_start3A_222 = arith.constant 0 : i32
        %dma_start3A_223 = arith.constant 0 : i32
        %dma_start3A_224 = tpu.memref_slice %arg12[%dma_start3A_222, %dma_start3A_223] : memref<12808x128xf32, #tpu.memory_space<vmem_shared>> -> memref<12808x128xf32, #tpu.memory_space<vmem_shared>>
        %dma_start3A_225 = tpu.memref_slice %arg13[%dma_start3A_218] : memref<2x!tpu.dma_semaphore, #tpu.memory_space<semaphore_mem>> -> memref<1x!tpu.dma_semaphore, #tpu.memory_space<semaphore_mem>>
        %dma_start3A_226 = tpu.memref_squeeze %dma_start3A_225 : memref<1x!tpu.dma_semaphore, #tpu.memory_space<semaphore_mem>> -> memref<!tpu.dma_semaphore, #tpu.memory_space<semaphore_mem>>
        tpu.enqueue_indirect_dma source(%dma_start3A_224 : memref<12808x128xf32, #tpu.memory_space<vmem_shared>>) target(%arg10 : memref<96x128xf32, #tpu.memory_space<vmem>>) offsets(%dma_start3A_221 : memref<96xi32, #tpu.memory_space<vmem>>) semaphore(%dma_start3A_226 : memref<!tpu.dma_semaphore, #tpu.memory_space<semaphore_mem>>)
      } else {
      }
      %add3A_170 = arith.constant 0 : i32
      %add3A_171 = arith.addi %mul3A_168, %add3A_170 : i32
      %lt3A_172 = arith.cmpi slt, %add3A_171, %select_n3A : i32
      %convert_element_type3A_173 = arith.extui %lt3A_172 : i1 to i32
      %cond3A_174 = arith.constant 0 : i32
      %cond3A_175 = arith.cmpi ne, %convert_element_type3A_173, %cond3A_174 : i32
      scf.if %cond3A_175 {
        %dma_wait3A = arith.constant 0 : i32
        %dma_wait3A_218 = arith.constant 0 : i32
        %dma_wait3A_219 = arith.constant 0 : i32
        %dma_wait3A_220 = tpu.memref_slice %arg2[%dma_wait3A_218, %dma_wait3A_219] : memref<10240x128xf32, #tpu.memory_space<hbm>> -> memref<96x128xf32, #tpu.memory_space<hbm>>
        %dma_wait3A_221 = tpu.memref_slice %arg13[%dma_wait3A] : memref<2x!tpu.dma_semaphore, #tpu.memory_space<semaphore_mem>> -> memref<1x!tpu.dma_semaphore, #tpu.memory_space<semaphore_mem>>
        %dma_wait3A_222 = tpu.memref_squeeze %dma_wait3A_221 : memref<1x!tpu.dma_semaphore, #tpu.memory_space<semaphore_mem>> -> memref<!tpu.dma_semaphore, #tpu.memory_space<semaphore_mem>>
        %dma_wait3A_223 = arith.constant 0 : i32
        %dma_wait3A_224 = arith.constant 0 : i32
        %dma_wait3A_225 = tpu.memref_slice %arg2[%dma_wait3A_223, %dma_wait3A_224] : memref<10240x128xf32, #tpu.memory_space<hbm>> -> memref<96x128xf32, #tpu.memory_space<hbm>>
        tpu.wait_dma2 semaphore(%dma_wait3A_222 : memref<!tpu.dma_semaphore, #tpu.memory_space<semaphore_mem>>) src(%dma_wait3A_225 : memref<96x128xf32, #tpu.memory_space<hbm>>) dst(%arg10 : memref<96x128xf32, #tpu.memory_space<vmem>>)
        %add3A_226 = arith.constant 0 : i32
        %add3A_227 = arith.addi %mul3A_168, %add3A_226 : i32
        %add3A_228 = arith.constant 1 : i32
        %add3A_229 = arith.addi %add3A_227, %add3A_228 : i32
        %lt3A_230 = arith.cmpi slt, %add3A_229, %select_n3A : i32
        %convert_element_type3A_231 = arith.extui %lt3A_230 : i1 to i32
        %cond3A_232 = arith.constant 0 : i32
        %cond3A_233 = arith.cmpi ne, %convert_element_type3A_231, %cond3A_232 : i32
        scf.if %cond3A_233 {
          %dma_start3A = arith.constant 1 : i32
          %dma_start3A_235 = arith.constant 1 : i32
          %dma_start3A_236 = arith.constant 0 : i32
          %dma_start3A_237 = tpu.memref_slice %arg7[%dma_start3A, %dma_start3A_236] : memref<8x96xi32, #tpu.memory_space<vmem>> -> memref<1x96xi32, #tpu.memory_space<vmem>>
          %dma_start3A_238 = tpu.memref_squeeze %dma_start3A_237 : memref<1x96xi32, #tpu.memory_space<vmem>> -> memref<96xi32, #tpu.memory_space<vmem>>
          %dma_start3A_239 = arith.constant 0 : i32
          %dma_start3A_240 = arith.constant 0 : i32
          %dma_start3A_241 = tpu.memref_slice %arg12[%dma_start3A_239, %dma_start3A_240] : memref<12808x128xf32, #tpu.memory_space<vmem_shared>> -> memref<12808x128xf32, #tpu.memory_space<vmem_shared>>
          %dma_start3A_242 = tpu.memref_slice %arg13[%dma_start3A_235] : memref<2x!tpu.dma_semaphore, #tpu.memory_space<semaphore_mem>> -> memref<1x!tpu.dma_semaphore, #tpu.memory_space<semaphore_mem>>
          %dma_start3A_243 = tpu.memref_squeeze %dma_start3A_242 : memref<1x!tpu.dma_semaphore, #tpu.memory_space<semaphore_mem>> -> memref<!tpu.dma_semaphore, #tpu.memory_space<semaphore_mem>>
          tpu.enqueue_indirect_dma source(%dma_start3A_241 : memref<12808x128xf32, #tpu.memory_space<vmem_shared>>) target(%arg11 : memref<96x128xf32, #tpu.memory_space<vmem>>) offsets(%dma_start3A_238 : memref<96xi32, #tpu.memory_space<vmem>>) semaphore(%dma_start3A_243 : memref<!tpu.dma_semaphore, #tpu.memory_space<semaphore_mem>>)
        } else {
        }
        %run_scoped3A_234 = arith.constant 0 : i32
        "tpu.region"() ({
          %run_scoped3A_235 = tpu.sem_alloc : memref<!tpu.dma_semaphore, #tpu.memory_space<semaphore_mem>>
          %dma_start3A = arith.constant 0 : i32
          %dma_start3A_236 = tpu.memref_slice %arg8[%run_scoped3A_234, %dma_start3A] : memref<8x96xi32, #tpu.memory_space<vmem>> -> memref<1x96xi32, #tpu.memory_space<vmem>>
          %dma_start3A_237 = tpu.memref_squeeze %dma_start3A_236 : memref<1x96xi32, #tpu.memory_space<vmem>> -> memref<96xi32, #tpu.memory_space<vmem>>
          %dma_start3A_238 = arith.constant 0 : i32
          %dma_start3A_239 = arith.constant 0 : i32
          %dma_start3A_240 = tpu.memref_slice %arg12[%dma_start3A_238, %dma_start3A_239] : memref<12808x128xf32, #tpu.memory_space<vmem_shared>> -> memref<12808x128xf32, #tpu.memory_space<vmem_shared>>
          tpu.enqueue_indirect_dma source(%arg10 : memref<96x128xf32, #tpu.memory_space<vmem>>) target(%dma_start3A_240 : memref<12808x128xf32, #tpu.memory_space<vmem_shared>>) offsets(%dma_start3A_237 : memref<96xi32, #tpu.memory_space<vmem>>) semaphore(%run_scoped3A_235 : memref<!tpu.dma_semaphore, #tpu.memory_space<semaphore_mem>>) {add = true}
          %dma_wait3A_241 = arith.constant 0 : i32
          %dma_wait3A_242 = tpu.memref_slice %arg8[%run_scoped3A_234, %dma_wait3A_241] : memref<8x96xi32, #tpu.memory_space<vmem>> -> memref<1x96xi32, #tpu.memory_space<vmem>>
          %dma_wait3A_243 = tpu.memref_squeeze %dma_wait3A_242 : memref<1x96xi32, #tpu.memory_space<vmem>> -> memref<96xi32, #tpu.memory_space<vmem>>
          %dma_wait3A_244 = arith.constant 0 : i32
          %dma_wait3A_245 = arith.constant 0 : i32
          %dma_wait3A_246 = tpu.memref_slice %arg12[%dma_wait3A_244, %dma_wait3A_245] : memref<12808x128xf32, #tpu.memory_space<vmem_shared>> -> memref<12808x128xf32, #tpu.memory_space<vmem_shared>>
          tpu.wait_indirect_dma semaphore(%run_scoped3A_235 : memref<!tpu.dma_semaphore, #tpu.memory_space<semaphore_mem>>) src(%arg10 : memref<96x128xf32, #tpu.memory_space<vmem>>) dst(%dma_wait3A_246 : memref<12808x128xf32, #tpu.memory_space<vmem_shared>>)
          tpu.yield
        }) : () -> ()
      } else {
      }
      %add3A_176 = arith.constant 1 : i32
      %add3A_177 = arith.addi %mul3A_168, %add3A_176 : i32
      %lt3A_178 = arith.cmpi slt, %add3A_177, %select_n3A : i32
      %convert_element_type3A_179 = arith.extui %lt3A_178 : i1 to i32
      %cond3A_180 = arith.constant 0 : i32
      %cond3A_181 = arith.cmpi ne, %convert_element_type3A_179, %cond3A_180 : i32
      scf.if %cond3A_181 {
        %dma_wait3A = arith.constant 1 : i32
        %dma_wait3A_218 = arith.constant 0 : i32
        %dma_wait3A_219 = arith.constant 0 : i32
        %dma_wait3A_220 = tpu.memref_slice %arg2[%dma_wait3A_218, %dma_wait3A_219] : memref<10240x128xf32, #tpu.memory_space<hbm>> -> memref<96x128xf32, #tpu.memory_space<hbm>>
        %dma_wait3A_221 = tpu.memref_slice %arg13[%dma_wait3A] : memref<2x!tpu.dma_semaphore, #tpu.memory_space<semaphore_mem>> -> memref<1x!tpu.dma_semaphore, #tpu.memory_space<semaphore_mem>>
        %dma_wait3A_222 = tpu.memref_squeeze %dma_wait3A_221 : memref<1x!tpu.dma_semaphore, #tpu.memory_space<semaphore_mem>> -> memref<!tpu.dma_semaphore, #tpu.memory_space<semaphore_mem>>
        %dma_wait3A_223 = arith.constant 0 : i32
        %dma_wait3A_224 = arith.constant 0 : i32
        %dma_wait3A_225 = tpu.memref_slice %arg2[%dma_wait3A_223, %dma_wait3A_224] : memref<10240x128xf32, #tpu.memory_space<hbm>> -> memref<96x128xf32, #tpu.memory_space<hbm>>
        tpu.wait_dma2 semaphore(%dma_wait3A_222 : memref<!tpu.dma_semaphore, #tpu.memory_space<semaphore_mem>>) src(%dma_wait3A_225 : memref<96x128xf32, #tpu.memory_space<hbm>>) dst(%arg11 : memref<96x128xf32, #tpu.memory_space<vmem>>)
        %add3A_226 = arith.constant 1 : i32
        %add3A_227 = arith.addi %mul3A_168, %add3A_226 : i32
        %add3A_228 = arith.constant 1 : i32
        %add3A_229 = arith.addi %add3A_227, %add3A_228 : i32
        %lt3A_230 = arith.cmpi slt, %add3A_229, %select_n3A : i32
        %convert_element_type3A_231 = arith.extui %lt3A_230 : i1 to i32
        %cond3A_232 = arith.constant 0 : i32
        %cond3A_233 = arith.cmpi ne, %convert_element_type3A_231, %cond3A_232 : i32
        scf.if %cond3A_233 {
          %dma_start3A = arith.constant 2 : i32
          %dma_start3A_235 = arith.constant 0 : i32
          %dma_start3A_236 = arith.constant 0 : i32
          %dma_start3A_237 = tpu.memref_slice %arg7[%dma_start3A, %dma_start3A_236] : memref<8x96xi32, #tpu.memory_space<vmem>> -> memref<1x96xi32, #tpu.memory_space<vmem>>
          %dma_start3A_238 = tpu.memref_squeeze %dma_start3A_237 : memref<1x96xi32, #tpu.memory_space<vmem>> -> memref<96xi32, #tpu.memory_space<vmem>>
          %dma_start3A_239 = arith.constant 0 : i32
          %dma_start3A_240 = arith.constant 0 : i32
          %dma_start3A_241 = tpu.memref_slice %arg12[%dma_start3A_239, %dma_start3A_240] : memref<12808x128xf32, #tpu.memory_space<vmem_shared>> -> memref<12808x128xf32, #tpu.memory_space<vmem_shared>>
          %dma_start3A_242 = tpu.memref_slice %arg13[%dma_start3A_235] : memref<2x!tpu.dma_semaphore, #tpu.memory_space<semaphore_mem>> -> memref<1x!tpu.dma_semaphore, #tpu.memory_space<semaphore_mem>>
          %dma_start3A_243 = tpu.memref_squeeze %dma_start3A_242 : memref<1x!tpu.dma_semaphore, #tpu.memory_space<semaphore_mem>> -> memref<!tpu.dma_semaphore, #tpu.memory_space<semaphore_mem>>
          tpu.enqueue_indirect_dma source(%dma_start3A_241 : memref<12808x128xf32, #tpu.memory_space<vmem_shared>>) target(%arg10 : memref<96x128xf32, #tpu.memory_space<vmem>>) offsets(%dma_start3A_238 : memref<96xi32, #tpu.memory_space<vmem>>) semaphore(%dma_start3A_243 : memref<!tpu.dma_semaphore, #tpu.memory_space<semaphore_mem>>)
        } else {
        }
        %run_scoped3A_234 = arith.constant 1 : i32
        "tpu.region"() ({
          %run_scoped3A_235 = tpu.sem_alloc : memref<!tpu.dma_semaphore, #tpu.memory_space<semaphore_mem>>
          %dma_start3A = arith.constant 0 : i32
          %dma_start3A_236 = tpu.memref_slice %arg8[%run_scoped3A_234, %dma_start3A] : memref<8x96xi32, #tpu.memory_space<vmem>> -> memref<1x96xi32, #tpu.memory_space<vmem>>
          %dma_start3A_237 = tpu.memref_squeeze %dma_start3A_236 : memref<1x96xi32, #tpu.memory_space<vmem>> -> memref<96xi32, #tpu.memory_space<vmem>>
          %dma_start3A_238 = arith.constant 0 : i32
          %dma_start3A_239 = arith.constant 0 : i32
          %dma_start3A_240 = tpu.memref_slice %arg12[%dma_start3A_238, %dma_start3A_239] : memref<12808x128xf32, #tpu.memory_space<vmem_shared>> -> memref<12808x128xf32, #tpu.memory_space<vmem_shared>>
          tpu.enqueue_indirect_dma source(%arg11 : memref<96x128xf32, #tpu.memory_space<vmem>>) target(%dma_start3A_240 : memref<12808x128xf32, #tpu.memory_space<vmem_shared>>) offsets(%dma_start3A_237 : memref<96xi32, #tpu.memory_space<vmem>>) semaphore(%run_scoped3A_235 : memref<!tpu.dma_semaphore, #tpu.memory_space<semaphore_mem>>) {add = true}
          %dma_wait3A_241 = arith.constant 0 : i32
          %dma_wait3A_242 = tpu.memref_slice %arg8[%run_scoped3A_234, %dma_wait3A_241] : memref<8x96xi32, #tpu.memory_space<vmem>> -> memref<1x96xi32, #tpu.memory_space<vmem>>
          %dma_wait3A_243 = tpu.memref_squeeze %dma_wait3A_242 : memref<1x96xi32, #tpu.memory_space<vmem>> -> memref<96xi32, #tpu.memory_space<vmem>>
          %dma_wait3A_244 = arith.constant 0 : i32
          %dma_wait3A_245 = arith.constant 0 : i32
          %dma_wait3A_246 = tpu.memref_slice %arg12[%dma_wait3A_244, %dma_wait3A_245] : memref<12808x128xf32, #tpu.memory_space<vmem_shared>> -> memref<12808x128xf32, #tpu.memory_space<vmem_shared>>
          tpu.wait_indirect_dma semaphore(%run_scoped3A_235 : memref<!tpu.dma_semaphore, #tpu.memory_space<semaphore_mem>>) src(%arg11 : memref<96x128xf32, #tpu.memory_space<vmem>>) dst(%dma_wait3A_246 : memref<12808x128xf32, #tpu.memory_space<vmem_shared>>)
          tpu.yield
        }) : () -> ()
      } else {
      }
      %add3A_182 = arith.constant 2 : i32
      %add3A_183 = arith.addi %mul3A_168, %add3A_182 : i32
      %lt3A_184 = arith.cmpi slt, %add3A_183, %select_n3A : i32
      %convert_element_type3A_185 = arith.extui %lt3A_184 : i1 to i32
      %cond3A_186 = arith.constant 0 : i32
      %cond3A_187 = arith.cmpi ne, %convert_element_type3A_185, %cond3A_186 : i32
      scf.if %cond3A_187 {
        %dma_wait3A = arith.constant 0 : i32
        %dma_wait3A_218 = arith.constant 0 : i32
        %dma_wait3A_219 = arith.constant 0 : i32
        %dma_wait3A_220 = tpu.memref_slice %arg2[%dma_wait3A_218, %dma_wait3A_219] : memref<10240x128xf32, #tpu.memory_space<hbm>> -> memref<96x128xf32, #tpu.memory_space<hbm>>
        %dma_wait3A_221 = tpu.memref_slice %arg13[%dma_wait3A] : memref<2x!tpu.dma_semaphore, #tpu.memory_space<semaphore_mem>> -> memref<1x!tpu.dma_semaphore, #tpu.memory_space<semaphore_mem>>
        %dma_wait3A_222 = tpu.memref_squeeze %dma_wait3A_221 : memref<1x!tpu.dma_semaphore, #tpu.memory_space<semaphore_mem>> -> memref<!tpu.dma_semaphore, #tpu.memory_space<semaphore_mem>>
        %dma_wait3A_223 = arith.constant 0 : i32
        %dma_wait3A_224 = arith.constant 0 : i32
        %dma_wait3A_225 = tpu.memref_slice %arg2[%dma_wait3A_223, %dma_wait3A_224] : memref<10240x128xf32, #tpu.memory_space<hbm>> -> memref<96x128xf32, #tpu.memory_space<hbm>>
        tpu.wait_dma2 semaphore(%dma_wait3A_222 : memref<!tpu.dma_semaphore, #tpu.memory_space<semaphore_mem>>) src(%dma_wait3A_225 : memref<96x128xf32, #tpu.memory_space<hbm>>) dst(%arg10 : memref<96x128xf32, #tpu.memory_space<vmem>>)
        %add3A_226 = arith.constant 2 : i32
        %add3A_227 = arith.addi %mul3A_168, %add3A_226 : i32
        %add3A_228 = arith.constant 1 : i32
        %add3A_229 = arith.addi %add3A_227, %add3A_228 : i32
        %lt3A_230 = arith.cmpi slt, %add3A_229, %select_n3A : i32
        %convert_element_type3A_231 = arith.extui %lt3A_230 : i1 to i32
        %cond3A_232 = arith.constant 0 : i32
        %cond3A_233 = arith.cmpi ne, %convert_element_type3A_231, %cond3A_232 : i32
        scf.if %cond3A_233 {
          %dma_start3A = arith.constant 3 : i32
          %dma_start3A_235 = arith.constant 1 : i32
          %dma_start3A_236 = arith.constant 0 : i32
          %dma_start3A_237 = tpu.memref_slice %arg7[%dma_start3A, %dma_start3A_236] : memref<8x96xi32, #tpu.memory_space<vmem>> -> memref<1x96xi32, #tpu.memory_space<vmem>>
          %dma_start3A_238 = tpu.memref_squeeze %dma_start3A_237 : memref<1x96xi32, #tpu.memory_space<vmem>> -> memref<96xi32, #tpu.memory_space<vmem>>
          %dma_start3A_239 = arith.constant 0 : i32
          %dma_start3A_240 = arith.constant 0 : i32
          %dma_start3A_241 = tpu.memref_slice %arg12[%dma_start3A_239, %dma_start3A_240] : memref<12808x128xf32, #tpu.memory_space<vmem_shared>> -> memref<12808x128xf32, #tpu.memory_space<vmem_shared>>
          %dma_start3A_242 = tpu.memref_slice %arg13[%dma_start3A_235] : memref<2x!tpu.dma_semaphore, #tpu.memory_space<semaphore_mem>> -> memref<1x!tpu.dma_semaphore, #tpu.memory_space<semaphore_mem>>
          %dma_start3A_243 = tpu.memref_squeeze %dma_start3A_242 : memref<1x!tpu.dma_semaphore, #tpu.memory_space<semaphore_mem>> -> memref<!tpu.dma_semaphore, #tpu.memory_space<semaphore_mem>>
          tpu.enqueue_indirect_dma source(%dma_start3A_241 : memref<12808x128xf32, #tpu.memory_space<vmem_shared>>) target(%arg11 : memref<96x128xf32, #tpu.memory_space<vmem>>) offsets(%dma_start3A_238 : memref<96xi32, #tpu.memory_space<vmem>>) semaphore(%dma_start3A_243 : memref<!tpu.dma_semaphore, #tpu.memory_space<semaphore_mem>>)
        } else {
        }
        %run_scoped3A_234 = arith.constant 2 : i32
        "tpu.region"() ({
          %run_scoped3A_235 = tpu.sem_alloc : memref<!tpu.dma_semaphore, #tpu.memory_space<semaphore_mem>>
          %dma_start3A = arith.constant 0 : i32
          %dma_start3A_236 = tpu.memref_slice %arg8[%run_scoped3A_234, %dma_start3A] : memref<8x96xi32, #tpu.memory_space<vmem>> -> memref<1x96xi32, #tpu.memory_space<vmem>>
          %dma_start3A_237 = tpu.memref_squeeze %dma_start3A_236 : memref<1x96xi32, #tpu.memory_space<vmem>> -> memref<96xi32, #tpu.memory_space<vmem>>
          %dma_start3A_238 = arith.constant 0 : i32
          %dma_start3A_239 = arith.constant 0 : i32
          %dma_start3A_240 = tpu.memref_slice %arg12[%dma_start3A_238, %dma_start3A_239] : memref<12808x128xf32, #tpu.memory_space<vmem_shared>> -> memref<12808x128xf32, #tpu.memory_space<vmem_shared>>
          tpu.enqueue_indirect_dma source(%arg10 : memref<96x128xf32, #tpu.memory_space<vmem>>) target(%dma_start3A_240 : memref<12808x128xf32, #tpu.memory_space<vmem_shared>>) offsets(%dma_start3A_237 : memref<96xi32, #tpu.memory_space<vmem>>) semaphore(%run_scoped3A_235 : memref<!tpu.dma_semaphore, #tpu.memory_space<semaphore_mem>>) {add = true}
          %dma_wait3A_241 = arith.constant 0 : i32
          %dma_wait3A_242 = tpu.memref_slice %arg8[%run_scoped3A_234, %dma_wait3A_241] : memref<8x96xi32, #tpu.memory_space<vmem>> -> memref<1x96xi32, #tpu.memory_space<vmem>>
          %dma_wait3A_243 = tpu.memref_squeeze %dma_wait3A_242 : memref<1x96xi32, #tpu.memory_space<vmem>> -> memref<96xi32, #tpu.memory_space<vmem>>
          %dma_wait3A_244 = arith.constant 0 : i32
          %dma_wait3A_245 = arith.constant 0 : i32
          %dma_wait3A_246 = tpu.memref_slice %arg12[%dma_wait3A_244, %dma_wait3A_245] : memref<12808x128xf32, #tpu.memory_space<vmem_shared>> -> memref<12808x128xf32, #tpu.memory_space<vmem_shared>>
          tpu.wait_indirect_dma semaphore(%run_scoped3A_235 : memref<!tpu.dma_semaphore, #tpu.memory_space<semaphore_mem>>) src(%arg10 : memref<96x128xf32, #tpu.memory_space<vmem>>) dst(%dma_wait3A_246 : memref<12808x128xf32, #tpu.memory_space<vmem_shared>>)
          tpu.yield
        }) : () -> ()
      } else {
      }
      %add3A_188 = arith.constant 3 : i32
      %add3A_189 = arith.addi %mul3A_168, %add3A_188 : i32
      %lt3A_190 = arith.cmpi slt, %add3A_189, %select_n3A : i32
      %convert_element_type3A_191 = arith.extui %lt3A_190 : i1 to i32
      %cond3A_192 = arith.constant 0 : i32
      %cond3A_193 = arith.cmpi ne, %convert_element_type3A_191, %cond3A_192 : i32
      scf.if %cond3A_193 {
        %dma_wait3A = arith.constant 1 : i32
        %dma_wait3A_218 = arith.constant 0 : i32
        %dma_wait3A_219 = arith.constant 0 : i32
        %dma_wait3A_220 = tpu.memref_slice %arg2[%dma_wait3A_218, %dma_wait3A_219] : memref<10240x128xf32, #tpu.memory_space<hbm>> -> memref<96x128xf32, #tpu.memory_space<hbm>>
        %dma_wait3A_221 = tpu.memref_slice %arg13[%dma_wait3A] : memref<2x!tpu.dma_semaphore, #tpu.memory_space<semaphore_mem>> -> memref<1x!tpu.dma_semaphore, #tpu.memory_space<semaphore_mem>>
        %dma_wait3A_222 = tpu.memref_squeeze %dma_wait3A_221 : memref<1x!tpu.dma_semaphore, #tpu.memory_space<semaphore_mem>> -> memref<!tpu.dma_semaphore, #tpu.memory_space<semaphore_mem>>
        %dma_wait3A_223 = arith.constant 0 : i32
        %dma_wait3A_224 = arith.constant 0 : i32
        %dma_wait3A_225 = tpu.memref_slice %arg2[%dma_wait3A_223, %dma_wait3A_224] : memref<10240x128xf32, #tpu.memory_space<hbm>> -> memref<96x128xf32, #tpu.memory_space<hbm>>
        tpu.wait_dma2 semaphore(%dma_wait3A_222 : memref<!tpu.dma_semaphore, #tpu.memory_space<semaphore_mem>>) src(%dma_wait3A_225 : memref<96x128xf32, #tpu.memory_space<hbm>>) dst(%arg11 : memref<96x128xf32, #tpu.memory_space<vmem>>)
        %add3A_226 = arith.constant 3 : i32
        %add3A_227 = arith.addi %mul3A_168, %add3A_226 : i32
        %add3A_228 = arith.constant 1 : i32
        %add3A_229 = arith.addi %add3A_227, %add3A_228 : i32
        %lt3A_230 = arith.cmpi slt, %add3A_229, %select_n3A : i32
        %convert_element_type3A_231 = arith.extui %lt3A_230 : i1 to i32
        %cond3A_232 = arith.constant 0 : i32
        %cond3A_233 = arith.cmpi ne, %convert_element_type3A_231, %cond3A_232 : i32
        scf.if %cond3A_233 {
          %dma_start3A = arith.constant 4 : i32
          %dma_start3A_235 = arith.constant 0 : i32
          %dma_start3A_236 = arith.constant 0 : i32
          %dma_start3A_237 = tpu.memref_slice %arg7[%dma_start3A, %dma_start3A_236] : memref<8x96xi32, #tpu.memory_space<vmem>> -> memref<1x96xi32, #tpu.memory_space<vmem>>
          %dma_start3A_238 = tpu.memref_squeeze %dma_start3A_237 : memref<1x96xi32, #tpu.memory_space<vmem>> -> memref<96xi32, #tpu.memory_space<vmem>>
          %dma_start3A_239 = arith.constant 0 : i32
          %dma_start3A_240 = arith.constant 0 : i32
          %dma_start3A_241 = tpu.memref_slice %arg12[%dma_start3A_239, %dma_start3A_240] : memref<12808x128xf32, #tpu.memory_space<vmem_shared>> -> memref<12808x128xf32, #tpu.memory_space<vmem_shared>>
          %dma_start3A_242 = tpu.memref_slice %arg13[%dma_start3A_235] : memref<2x!tpu.dma_semaphore, #tpu.memory_space<semaphore_mem>> -> memref<1x!tpu.dma_semaphore, #tpu.memory_space<semaphore_mem>>
          %dma_start3A_243 = tpu.memref_squeeze %dma_start3A_242 : memref<1x!tpu.dma_semaphore, #tpu.memory_space<semaphore_mem>> -> memref<!tpu.dma_semaphore, #tpu.memory_space<semaphore_mem>>
          tpu.enqueue_indirect_dma source(%dma_start3A_241 : memref<12808x128xf32, #tpu.memory_space<vmem_shared>>) target(%arg10 : memref<96x128xf32, #tpu.memory_space<vmem>>) offsets(%dma_start3A_238 : memref<96xi32, #tpu.memory_space<vmem>>) semaphore(%dma_start3A_243 : memref<!tpu.dma_semaphore, #tpu.memory_space<semaphore_mem>>)
        } else {
        }
        %run_scoped3A_234 = arith.constant 3 : i32
        "tpu.region"() ({
          %run_scoped3A_235 = tpu.sem_alloc : memref<!tpu.dma_semaphore, #tpu.memory_space<semaphore_mem>>
          %dma_start3A = arith.constant 0 : i32
          %dma_start3A_236 = tpu.memref_slice %arg8[%run_scoped3A_234, %dma_start3A] : memref<8x96xi32, #tpu.memory_space<vmem>> -> memref<1x96xi32, #tpu.memory_space<vmem>>
          %dma_start3A_237 = tpu.memref_squeeze %dma_start3A_236 : memref<1x96xi32, #tpu.memory_space<vmem>> -> memref<96xi32, #tpu.memory_space<vmem>>
          %dma_start3A_238 = arith.constant 0 : i32
          %dma_start3A_239 = arith.constant 0 : i32
          %dma_start3A_240 = tpu.memref_slice %arg12[%dma_start3A_238, %dma_start3A_239] : memref<12808x128xf32, #tpu.memory_space<vmem_shared>> -> memref<12808x128xf32, #tpu.memory_space<vmem_shared>>
          tpu.enqueue_indirect_dma source(%arg11 : memref<96x128xf32, #tpu.memory_space<vmem>>) target(%dma_start3A_240 : memref<12808x128xf32, #tpu.memory_space<vmem_shared>>) offsets(%dma_start3A_237 : memref<96xi32, #tpu.memory_space<vmem>>) semaphore(%run_scoped3A_235 : memref<!tpu.dma_semaphore, #tpu.memory_space<semaphore_mem>>) {add = true}
          %dma_wait3A_241 = arith.constant 0 : i32
          %dma_wait3A_242 = tpu.memref_slice %arg8[%run_scoped3A_234, %dma_wait3A_241] : memref<8x96xi32, #tpu.memory_space<vmem>> -> memref<1x96xi32, #tpu.memory_space<vmem>>
          %dma_wait3A_243 = tpu.memref_squeeze %dma_wait3A_242 : memref<1x96xi32, #tpu.memory_space<vmem>> -> memref<96xi32, #tpu.memory_space<vmem>>
          %dma_wait3A_244 = arith.constant 0 : i32
          %dma_wait3A_245 = arith.constant 0 : i32
          %dma_wait3A_246 = tpu.memref_slice %arg12[%dma_wait3A_244, %dma_wait3A_245] : memref<12808x128xf32, #tpu.memory_space<vmem_shared>> -> memref<12808x128xf32, #tpu.memory_space<vmem_shared>>
          tpu.wait_indirect_dma semaphore(%run_scoped3A_235 : memref<!tpu.dma_semaphore, #tpu.memory_space<semaphore_mem>>) src(%arg11 : memref<96x128xf32, #tpu.memory_space<vmem>>) dst(%dma_wait3A_246 : memref<12808x128xf32, #tpu.memory_space<vmem_shared>>)
          tpu.yield
        }) : () -> ()
      } else {
      }
      %add3A_194 = arith.constant 4 : i32
      %add3A_195 = arith.addi %mul3A_168, %add3A_194 : i32
      %lt3A_196 = arith.cmpi slt, %add3A_195, %select_n3A : i32
      %convert_element_type3A_197 = arith.extui %lt3A_196 : i1 to i32
      %cond3A_198 = arith.constant 0 : i32
      %cond3A_199 = arith.cmpi ne, %convert_element_type3A_197, %cond3A_198 : i32
      scf.if %cond3A_199 {
        %dma_wait3A = arith.constant 0 : i32
        %dma_wait3A_218 = arith.constant 0 : i32
        %dma_wait3A_219 = arith.constant 0 : i32
        %dma_wait3A_220 = tpu.memref_slice %arg2[%dma_wait3A_218, %dma_wait3A_219] : memref<10240x128xf32, #tpu.memory_space<hbm>> -> memref<96x128xf32, #tpu.memory_space<hbm>>
        %dma_wait3A_221 = tpu.memref_slice %arg13[%dma_wait3A] : memref<2x!tpu.dma_semaphore, #tpu.memory_space<semaphore_mem>> -> memref<1x!tpu.dma_semaphore, #tpu.memory_space<semaphore_mem>>
        %dma_wait3A_222 = tpu.memref_squeeze %dma_wait3A_221 : memref<1x!tpu.dma_semaphore, #tpu.memory_space<semaphore_mem>> -> memref<!tpu.dma_semaphore, #tpu.memory_space<semaphore_mem>>
        %dma_wait3A_223 = arith.constant 0 : i32
        %dma_wait3A_224 = arith.constant 0 : i32
        %dma_wait3A_225 = tpu.memref_slice %arg2[%dma_wait3A_223, %dma_wait3A_224] : memref<10240x128xf32, #tpu.memory_space<hbm>> -> memref<96x128xf32, #tpu.memory_space<hbm>>
        tpu.wait_dma2 semaphore(%dma_wait3A_222 : memref<!tpu.dma_semaphore, #tpu.memory_space<semaphore_mem>>) src(%dma_wait3A_225 : memref<96x128xf32, #tpu.memory_space<hbm>>) dst(%arg10 : memref<96x128xf32, #tpu.memory_space<vmem>>)
        %add3A_226 = arith.constant 4 : i32
        %add3A_227 = arith.addi %mul3A_168, %add3A_226 : i32
        %add3A_228 = arith.constant 1 : i32
        %add3A_229 = arith.addi %add3A_227, %add3A_228 : i32
        %lt3A_230 = arith.cmpi slt, %add3A_229, %select_n3A : i32
        %convert_element_type3A_231 = arith.extui %lt3A_230 : i1 to i32
        %cond3A_232 = arith.constant 0 : i32
        %cond3A_233 = arith.cmpi ne, %convert_element_type3A_231, %cond3A_232 : i32
        scf.if %cond3A_233 {
          %dma_start3A = arith.constant 5 : i32
          %dma_start3A_235 = arith.constant 1 : i32
          %dma_start3A_236 = arith.constant 0 : i32
          %dma_start3A_237 = tpu.memref_slice %arg7[%dma_start3A, %dma_start3A_236] : memref<8x96xi32, #tpu.memory_space<vmem>> -> memref<1x96xi32, #tpu.memory_space<vmem>>
          %dma_start3A_238 = tpu.memref_squeeze %dma_start3A_237 : memref<1x96xi32, #tpu.memory_space<vmem>> -> memref<96xi32, #tpu.memory_space<vmem>>
          %dma_start3A_239 = arith.constant 0 : i32
          %dma_start3A_240 = arith.constant 0 : i32
          %dma_start3A_241 = tpu.memref_slice %arg12[%dma_start3A_239, %dma_start3A_240] : memref<12808x128xf32, #tpu.memory_space<vmem_shared>> -> memref<12808x128xf32, #tpu.memory_space<vmem_shared>>
          %dma_start3A_242 = tpu.memref_slice %arg13[%dma_start3A_235] : memref<2x!tpu.dma_semaphore, #tpu.memory_space<semaphore_mem>> -> memref<1x!tpu.dma_semaphore, #tpu.memory_space<semaphore_mem>>
          %dma_start3A_243 = tpu.memref_squeeze %dma_start3A_242 : memref<1x!tpu.dma_semaphore, #tpu.memory_space<semaphore_mem>> -> memref<!tpu.dma_semaphore, #tpu.memory_space<semaphore_mem>>
          tpu.enqueue_indirect_dma source(%dma_start3A_241 : memref<12808x128xf32, #tpu.memory_space<vmem_shared>>) target(%arg11 : memref<96x128xf32, #tpu.memory_space<vmem>>) offsets(%dma_start3A_238 : memref<96xi32, #tpu.memory_space<vmem>>) semaphore(%dma_start3A_243 : memref<!tpu.dma_semaphore, #tpu.memory_space<semaphore_mem>>)
        } else {
        }
        %run_scoped3A_234 = arith.constant 4 : i32
        "tpu.region"() ({
          %run_scoped3A_235 = tpu.sem_alloc : memref<!tpu.dma_semaphore, #tpu.memory_space<semaphore_mem>>
          %dma_start3A = arith.constant 0 : i32
          %dma_start3A_236 = tpu.memref_slice %arg8[%run_scoped3A_234, %dma_start3A] : memref<8x96xi32, #tpu.memory_space<vmem>> -> memref<1x96xi32, #tpu.memory_space<vmem>>
          %dma_start3A_237 = tpu.memref_squeeze %dma_start3A_236 : memref<1x96xi32, #tpu.memory_space<vmem>> -> memref<96xi32, #tpu.memory_space<vmem>>
          %dma_start3A_238 = arith.constant 0 : i32
          %dma_start3A_239 = arith.constant 0 : i32
          %dma_start3A_240 = tpu.memref_slice %arg12[%dma_start3A_238, %dma_start3A_239] : memref<12808x128xf32, #tpu.memory_space<vmem_shared>> -> memref<12808x128xf32, #tpu.memory_space<vmem_shared>>
          tpu.enqueue_indirect_dma source(%arg10 : memref<96x128xf32, #tpu.memory_space<vmem>>) target(%dma_start3A_240 : memref<12808x128xf32, #tpu.memory_space<vmem_shared>>) offsets(%dma_start3A_237 : memref<96xi32, #tpu.memory_space<vmem>>) semaphore(%run_scoped3A_235 : memref<!tpu.dma_semaphore, #tpu.memory_space<semaphore_mem>>) {add = true}
          %dma_wait3A_241 = arith.constant 0 : i32
          %dma_wait3A_242 = tpu.memref_slice %arg8[%run_scoped3A_234, %dma_wait3A_241] : memref<8x96xi32, #tpu.memory_space<vmem>> -> memref<1x96xi32, #tpu.memory_space<vmem>>
          %dma_wait3A_243 = tpu.memref_squeeze %dma_wait3A_242 : memref<1x96xi32, #tpu.memory_space<vmem>> -> memref<96xi32, #tpu.memory_space<vmem>>
          %dma_wait3A_244 = arith.constant 0 : i32
          %dma_wait3A_245 = arith.constant 0 : i32
          %dma_wait3A_246 = tpu.memref_slice %arg12[%dma_wait3A_244, %dma_wait3A_245] : memref<12808x128xf32, #tpu.memory_space<vmem_shared>> -> memref<12808x128xf32, #tpu.memory_space<vmem_shared>>
          tpu.wait_indirect_dma semaphore(%run_scoped3A_235 : memref<!tpu.dma_semaphore, #tpu.memory_space<semaphore_mem>>) src(%arg10 : memref<96x128xf32, #tpu.memory_space<vmem>>) dst(%dma_wait3A_246 : memref<12808x128xf32, #tpu.memory_space<vmem_shared>>)
          tpu.yield
        }) : () -> ()
      } else {
      }
      %add3A_200 = arith.constant 5 : i32
      %add3A_201 = arith.addi %mul3A_168, %add3A_200 : i32
      %lt3A_202 = arith.cmpi slt, %add3A_201, %select_n3A : i32
      %convert_element_type3A_203 = arith.extui %lt3A_202 : i1 to i32
      %cond3A_204 = arith.constant 0 : i32
      %cond3A_205 = arith.cmpi ne, %convert_element_type3A_203, %cond3A_204 : i32
      scf.if %cond3A_205 {
        %dma_wait3A = arith.constant 1 : i32
        %dma_wait3A_218 = arith.constant 0 : i32
        %dma_wait3A_219 = arith.constant 0 : i32
        %dma_wait3A_220 = tpu.memref_slice %arg2[%dma_wait3A_218, %dma_wait3A_219] : memref<10240x128xf32, #tpu.memory_space<hbm>> -> memref<96x128xf32, #tpu.memory_space<hbm>>
        %dma_wait3A_221 = tpu.memref_slice %arg13[%dma_wait3A] : memref<2x!tpu.dma_semaphore, #tpu.memory_space<semaphore_mem>> -> memref<1x!tpu.dma_semaphore, #tpu.memory_space<semaphore_mem>>
        %dma_wait3A_222 = tpu.memref_squeeze %dma_wait3A_221 : memref<1x!tpu.dma_semaphore, #tpu.memory_space<semaphore_mem>> -> memref<!tpu.dma_semaphore, #tpu.memory_space<semaphore_mem>>
        %dma_wait3A_223 = arith.constant 0 : i32
        %dma_wait3A_224 = arith.constant 0 : i32
        %dma_wait3A_225 = tpu.memref_slice %arg2[%dma_wait3A_223, %dma_wait3A_224] : memref<10240x128xf32, #tpu.memory_space<hbm>> -> memref<96x128xf32, #tpu.memory_space<hbm>>
        tpu.wait_dma2 semaphore(%dma_wait3A_222 : memref<!tpu.dma_semaphore, #tpu.memory_space<semaphore_mem>>) src(%dma_wait3A_225 : memref<96x128xf32, #tpu.memory_space<hbm>>) dst(%arg11 : memref<96x128xf32, #tpu.memory_space<vmem>>)
        %add3A_226 = arith.constant 5 : i32
        %add3A_227 = arith.addi %mul3A_168, %add3A_226 : i32
        %add3A_228 = arith.constant 1 : i32
        %add3A_229 = arith.addi %add3A_227, %add3A_228 : i32
        %lt3A_230 = arith.cmpi slt, %add3A_229, %select_n3A : i32
        %convert_element_type3A_231 = arith.extui %lt3A_230 : i1 to i32
        %cond3A_232 = arith.constant 0 : i32
        %cond3A_233 = arith.cmpi ne, %convert_element_type3A_231, %cond3A_232 : i32
        scf.if %cond3A_233 {
          %dma_start3A = arith.constant 6 : i32
          %dma_start3A_235 = arith.constant 0 : i32
          %dma_start3A_236 = arith.constant 0 : i32
          %dma_start3A_237 = tpu.memref_slice %arg7[%dma_start3A, %dma_start3A_236] : memref<8x96xi32, #tpu.memory_space<vmem>> -> memref<1x96xi32, #tpu.memory_space<vmem>>
          %dma_start3A_238 = tpu.memref_squeeze %dma_start3A_237 : memref<1x96xi32, #tpu.memory_space<vmem>> -> memref<96xi32, #tpu.memory_space<vmem>>
          %dma_start3A_239 = arith.constant 0 : i32
          %dma_start3A_240 = arith.constant 0 : i32
          %dma_start3A_241 = tpu.memref_slice %arg12[%dma_start3A_239, %dma_start3A_240] : memref<12808x128xf32, #tpu.memory_space<vmem_shared>> -> memref<12808x128xf32, #tpu.memory_space<vmem_shared>>
          %dma_start3A_242 = tpu.memref_slice %arg13[%dma_start3A_235] : memref<2x!tpu.dma_semaphore, #tpu.memory_space<semaphore_mem>> -> memref<1x!tpu.dma_semaphore, #tpu.memory_space<semaphore_mem>>
          %dma_start3A_243 = tpu.memref_squeeze %dma_start3A_242 : memref<1x!tpu.dma_semaphore, #tpu.memory_space<semaphore_mem>> -> memref<!tpu.dma_semaphore, #tpu.memory_space<semaphore_mem>>
          tpu.enqueue_indirect_dma source(%dma_start3A_241 : memref<12808x128xf32, #tpu.memory_space<vmem_shared>>) target(%arg10 : memref<96x128xf32, #tpu.memory_space<vmem>>) offsets(%dma_start3A_238 : memref<96xi32, #tpu.memory_space<vmem>>) semaphore(%dma_start3A_243 : memref<!tpu.dma_semaphore, #tpu.memory_space<semaphore_mem>>)
        } else {
        }
        %run_scoped3A_234 = arith.constant 5 : i32
        "tpu.region"() ({
          %run_scoped3A_235 = tpu.sem_alloc : memref<!tpu.dma_semaphore, #tpu.memory_space<semaphore_mem>>
          %dma_start3A = arith.constant 0 : i32
          %dma_start3A_236 = tpu.memref_slice %arg8[%run_scoped3A_234, %dma_start3A] : memref<8x96xi32, #tpu.memory_space<vmem>> -> memref<1x96xi32, #tpu.memory_space<vmem>>
          %dma_start3A_237 = tpu.memref_squeeze %dma_start3A_236 : memref<1x96xi32, #tpu.memory_space<vmem>> -> memref<96xi32, #tpu.memory_space<vmem>>
          %dma_start3A_238 = arith.constant 0 : i32
          %dma_start3A_239 = arith.constant 0 : i32
          %dma_start3A_240 = tpu.memref_slice %arg12[%dma_start3A_238, %dma_start3A_239] : memref<12808x128xf32, #tpu.memory_space<vmem_shared>> -> memref<12808x128xf32, #tpu.memory_space<vmem_shared>>
          tpu.enqueue_indirect_dma source(%arg11 : memref<96x128xf32, #tpu.memory_space<vmem>>) target(%dma_start3A_240 : memref<12808x128xf32, #tpu.memory_space<vmem_shared>>) offsets(%dma_start3A_237 : memref<96xi32, #tpu.memory_space<vmem>>) semaphore(%run_scoped3A_235 : memref<!tpu.dma_semaphore, #tpu.memory_space<semaphore_mem>>) {add = true}
          %dma_wait3A_241 = arith.constant 0 : i32
          %dma_wait3A_242 = tpu.memref_slice %arg8[%run_scoped3A_234, %dma_wait3A_241] : memref<8x96xi32, #tpu.memory_space<vmem>> -> memref<1x96xi32, #tpu.memory_space<vmem>>
          %dma_wait3A_243 = tpu.memref_squeeze %dma_wait3A_242 : memref<1x96xi32, #tpu.memory_space<vmem>> -> memref<96xi32, #tpu.memory_space<vmem>>
          %dma_wait3A_244 = arith.constant 0 : i32
          %dma_wait3A_245 = arith.constant 0 : i32
          %dma_wait3A_246 = tpu.memref_slice %arg12[%dma_wait3A_244, %dma_wait3A_245] : memref<12808x128xf32, #tpu.memory_space<vmem_shared>> -> memref<12808x128xf32, #tpu.memory_space<vmem_shared>>
          tpu.wait_indirect_dma semaphore(%run_scoped3A_235 : memref<!tpu.dma_semaphore, #tpu.memory_space<semaphore_mem>>) src(%arg11 : memref<96x128xf32, #tpu.memory_space<vmem>>) dst(%dma_wait3A_246 : memref<12808x128xf32, #tpu.memory_space<vmem_shared>>)
          tpu.yield
        }) : () -> ()
      } else {
      }
      %add3A_206 = arith.constant 6 : i32
      %add3A_207 = arith.addi %mul3A_168, %add3A_206 : i32
      %lt3A_208 = arith.cmpi slt, %add3A_207, %select_n3A : i32
      %convert_element_type3A_209 = arith.extui %lt3A_208 : i1 to i32
      %cond3A_210 = arith.constant 0 : i32
      %cond3A_211 = arith.cmpi ne, %convert_element_type3A_209, %cond3A_210 : i32
      scf.if %cond3A_211 {
        %dma_wait3A = arith.constant 0 : i32
        %dma_wait3A_218 = arith.constant 0 : i32
        %dma_wait3A_219 = arith.constant 0 : i32
        %dma_wait3A_220 = tpu.memref_slice %arg2[%dma_wait3A_218, %dma_wait3A_219] : memref<10240x128xf32, #tpu.memory_space<hbm>> -> memref<96x128xf32, #tpu.memory_space<hbm>>
        %dma_wait3A_221 = tpu.memref_slice %arg13[%dma_wait3A] : memref<2x!tpu.dma_semaphore, #tpu.memory_space<semaphore_mem>> -> memref<1x!tpu.dma_semaphore, #tpu.memory_space<semaphore_mem>>
        %dma_wait3A_222 = tpu.memref_squeeze %dma_wait3A_221 : memref<1x!tpu.dma_semaphore, #tpu.memory_space<semaphore_mem>> -> memref<!tpu.dma_semaphore, #tpu.memory_space<semaphore_mem>>
        %dma_wait3A_223 = arith.constant 0 : i32
        %dma_wait3A_224 = arith.constant 0 : i32
        %dma_wait3A_225 = tpu.memref_slice %arg2[%dma_wait3A_223, %dma_wait3A_224] : memref<10240x128xf32, #tpu.memory_space<hbm>> -> memref<96x128xf32, #tpu.memory_space<hbm>>
        tpu.wait_dma2 semaphore(%dma_wait3A_222 : memref<!tpu.dma_semaphore, #tpu.memory_space<semaphore_mem>>) src(%dma_wait3A_225 : memref<96x128xf32, #tpu.memory_space<hbm>>) dst(%arg10 : memref<96x128xf32, #tpu.memory_space<vmem>>)
        %add3A_226 = arith.constant 6 : i32
        %add3A_227 = arith.addi %mul3A_168, %add3A_226 : i32
        %add3A_228 = arith.constant 1 : i32
        %add3A_229 = arith.addi %add3A_227, %add3A_228 : i32
        %lt3A_230 = arith.cmpi slt, %add3A_229, %select_n3A : i32
        %convert_element_type3A_231 = arith.extui %lt3A_230 : i1 to i32
        %cond3A_232 = arith.constant 0 : i32
        %cond3A_233 = arith.cmpi ne, %convert_element_type3A_231, %cond3A_232 : i32
        scf.if %cond3A_233 {
          %dma_start3A = arith.constant 7 : i32
          %dma_start3A_235 = arith.constant 1 : i32
          %dma_start3A_236 = arith.constant 0 : i32
          %dma_start3A_237 = tpu.memref_slice %arg7[%dma_start3A, %dma_start3A_236] : memref<8x96xi32, #tpu.memory_space<vmem>> -> memref<1x96xi32, #tpu.memory_space<vmem>>
          %dma_start3A_238 = tpu.memref_squeeze %dma_start3A_237 : memref<1x96xi32, #tpu.memory_space<vmem>> -> memref<96xi32, #tpu.memory_space<vmem>>
          %dma_start3A_239 = arith.constant 0 : i32
          %dma_start3A_240 = arith.constant 0 : i32
          %dma_start3A_241 = tpu.memref_slice %arg12[%dma_start3A_239, %dma_start3A_240] : memref<12808x128xf32, #tpu.memory_space<vmem_shared>> -> memref<12808x128xf32, #tpu.memory_space<vmem_shared>>
          %dma_start3A_242 = tpu.memref_slice %arg13[%dma_start3A_235] : memref<2x!tpu.dma_semaphore, #tpu.memory_space<semaphore_mem>> -> memref<1x!tpu.dma_semaphore, #tpu.memory_space<semaphore_mem>>
          %dma_start3A_243 = tpu.memref_squeeze %dma_start3A_242 : memref<1x!tpu.dma_semaphore, #tpu.memory_space<semaphore_mem>> -> memref<!tpu.dma_semaphore, #tpu.memory_space<semaphore_mem>>
          tpu.enqueue_indirect_dma source(%dma_start3A_241 : memref<12808x128xf32, #tpu.memory_space<vmem_shared>>) target(%arg11 : memref<96x128xf32, #tpu.memory_space<vmem>>) offsets(%dma_start3A_238 : memref<96xi32, #tpu.memory_space<vmem>>) semaphore(%dma_start3A_243 : memref<!tpu.dma_semaphore, #tpu.memory_space<semaphore_mem>>)
        } else {
        }
        %run_scoped3A_234 = arith.constant 6 : i32
        "tpu.region"() ({
          %run_scoped3A_235 = tpu.sem_alloc : memref<!tpu.dma_semaphore, #tpu.memory_space<semaphore_mem>>
          %dma_start3A = arith.constant 0 : i32
          %dma_start3A_236 = tpu.memref_slice %arg8[%run_scoped3A_234, %dma_start3A] : memref<8x96xi32, #tpu.memory_space<vmem>> -> memref<1x96xi32, #tpu.memory_space<vmem>>
          %dma_start3A_237 = tpu.memref_squeeze %dma_start3A_236 : memref<1x96xi32, #tpu.memory_space<vmem>> -> memref<96xi32, #tpu.memory_space<vmem>>
          %dma_start3A_238 = arith.constant 0 : i32
          %dma_start3A_239 = arith.constant 0 : i32
          %dma_start3A_240 = tpu.memref_slice %arg12[%dma_start3A_238, %dma_start3A_239] : memref<12808x128xf32, #tpu.memory_space<vmem_shared>> -> memref<12808x128xf32, #tpu.memory_space<vmem_shared>>
          tpu.enqueue_indirect_dma source(%arg10 : memref<96x128xf32, #tpu.memory_space<vmem>>) target(%dma_start3A_240 : memref<12808x128xf32, #tpu.memory_space<vmem_shared>>) offsets(%dma_start3A_237 : memref<96xi32, #tpu.memory_space<vmem>>) semaphore(%run_scoped3A_235 : memref<!tpu.dma_semaphore, #tpu.memory_space<semaphore_mem>>) {add = true}
          %dma_wait3A_241 = arith.constant 0 : i32
          %dma_wait3A_242 = tpu.memref_slice %arg8[%run_scoped3A_234, %dma_wait3A_241] : memref<8x96xi32, #tpu.memory_space<vmem>> -> memref<1x96xi32, #tpu.memory_space<vmem>>
          %dma_wait3A_243 = tpu.memref_squeeze %dma_wait3A_242 : memref<1x96xi32, #tpu.memory_space<vmem>> -> memref<96xi32, #tpu.memory_space<vmem>>
          %dma_wait3A_244 = arith.constant 0 : i32
          %dma_wait3A_245 = arith.constant 0 : i32
          %dma_wait3A_246 = tpu.memref_slice %arg12[%dma_wait3A_244, %dma_wait3A_245] : memref<12808x128xf32, #tpu.memory_space<vmem_shared>> -> memref<12808x128xf32, #tpu.memory_space<vmem_shared>>
          tpu.wait_indirect_dma semaphore(%run_scoped3A_235 : memref<!tpu.dma_semaphore, #tpu.memory_space<semaphore_mem>>) src(%arg10 : memref<96x128xf32, #tpu.memory_space<vmem>>) dst(%dma_wait3A_246 : memref<12808x128xf32, #tpu.memory_space<vmem_shared>>)
          tpu.yield
        }) : () -> ()
      } else {
      }
      %add3A_212 = arith.constant 7 : i32
      %add3A_213 = arith.addi %mul3A_168, %add3A_212 : i32
      %lt3A_214 = arith.cmpi slt, %add3A_213, %select_n3A : i32
      %convert_element_type3A_215 = arith.extui %lt3A_214 : i1 to i32
      %cond3A_216 = arith.constant 0 : i32
      %cond3A_217 = arith.cmpi ne, %convert_element_type3A_215, %cond3A_216 : i32
      scf.if %cond3A_217 {
        %dma_wait3A = arith.constant 1 : i32
        %dma_wait3A_218 = arith.constant 0 : i32
        %dma_wait3A_219 = arith.constant 0 : i32
        %dma_wait3A_220 = tpu.memref_slice %arg2[%dma_wait3A_218, %dma_wait3A_219] : memref<10240x128xf32, #tpu.memory_space<hbm>> -> memref<96x128xf32, #tpu.memory_space<hbm>>
        %dma_wait3A_221 = tpu.memref_slice %arg13[%dma_wait3A] : memref<2x!tpu.dma_semaphore, #tpu.memory_space<semaphore_mem>> -> memref<1x!tpu.dma_semaphore, #tpu.memory_space<semaphore_mem>>
        %dma_wait3A_222 = tpu.memref_squeeze %dma_wait3A_221 : memref<1x!tpu.dma_semaphore, #tpu.memory_space<semaphore_mem>> -> memref<!tpu.dma_semaphore, #tpu.memory_space<semaphore_mem>>
        %dma_wait3A_223 = arith.constant 0 : i32
        %dma_wait3A_224 = arith.constant 0 : i32
        %dma_wait3A_225 = tpu.memref_slice %arg2[%dma_wait3A_223, %dma_wait3A_224] : memref<10240x128xf32, #tpu.memory_space<hbm>> -> memref<96x128xf32, #tpu.memory_space<hbm>>
        tpu.wait_dma2 semaphore(%dma_wait3A_222 : memref<!tpu.dma_semaphore, #tpu.memory_space<semaphore_mem>>) src(%dma_wait3A_225 : memref<96x128xf32, #tpu.memory_space<hbm>>) dst(%arg11 : memref<96x128xf32, #tpu.memory_space<vmem>>)
        %run_scoped3A_226 = arith.constant 7 : i32
        "tpu.region"() ({
          %run_scoped3A_227 = tpu.sem_alloc : memref<!tpu.dma_semaphore, #tpu.memory_space<semaphore_mem>>
          %dma_start3A = arith.constant 0 : i32
          %dma_start3A_228 = tpu.memref_slice %arg8[%run_scoped3A_226, %dma_start3A] : memref<8x96xi32, #tpu.memory_space<vmem>> -> memref<1x96xi32, #tpu.memory_space<vmem>>
          %dma_start3A_229 = tpu.memref_squeeze %dma_start3A_228 : memref<1x96xi32, #tpu.memory_space<vmem>> -> memref<96xi32, #tpu.memory_space<vmem>>
          %dma_start3A_230 = arith.constant 0 : i32
          %dma_start3A_231 = arith.constant 0 : i32
          %dma_start3A_232 = tpu.memref_slice %arg12[%dma_start3A_230, %dma_start3A_231] : memref<12808x128xf32, #tpu.memory_space<vmem_shared>> -> memref<12808x128xf32, #tpu.memory_space<vmem_shared>>
          tpu.enqueue_indirect_dma source(%arg11 : memref<96x128xf32, #tpu.memory_space<vmem>>) target(%dma_start3A_232 : memref<12808x128xf32, #tpu.memory_space<vmem_shared>>) offsets(%dma_start3A_229 : memref<96xi32, #tpu.memory_space<vmem>>) semaphore(%run_scoped3A_227 : memref<!tpu.dma_semaphore, #tpu.memory_space<semaphore_mem>>) {add = true}
          %dma_wait3A_233 = arith.constant 0 : i32
          %dma_wait3A_234 = tpu.memref_slice %arg8[%run_scoped3A_226, %dma_wait3A_233] : memref<8x96xi32, #tpu.memory_space<vmem>> -> memref<1x96xi32, #tpu.memory_space<vmem>>
          %dma_wait3A_235 = tpu.memref_squeeze %dma_wait3A_234 : memref<1x96xi32, #tpu.memory_space<vmem>> -> memref<96xi32, #tpu.memory_space<vmem>>
          %dma_wait3A_236 = arith.constant 0 : i32
          %dma_wait3A_237 = arith.constant 0 : i32
          %dma_wait3A_238 = tpu.memref_slice %arg12[%dma_wait3A_236, %dma_wait3A_237] : memref<12808x128xf32, #tpu.memory_space<vmem_shared>> -> memref<12808x128xf32, #tpu.memory_space<vmem_shared>>
          tpu.wait_indirect_dma semaphore(%run_scoped3A_227 : memref<!tpu.dma_semaphore, #tpu.memory_space<semaphore_mem>>) src(%arg11 : memref<96x128xf32, #tpu.memory_space<vmem>>) dst(%dma_wait3A_238 : memref<12808x128xf32, #tpu.memory_space<vmem_shared>>)
          tpu.yield
        }) : () -> ()
      } else {
      }
    }
    %while3A_67 = arith.constant 1 : i32
    scf.for %while3A_160 = %while3A_65 to %while3A_61 step %while3A_67  : i32 {
      %mul3A_161 = arith.constant 8 : i32
      %mul3A_162 = arith.muli %while3A_160, %mul3A_161 : i32
      %run_scoped3A_163 = arith.constant 0 : i32
      "tpu.region"() ({
        %run_scoped3A_218 = tpu.sem_alloc : memref<!tpu.dma_semaphore, #tpu.memory_space<semaphore_mem>>
        %dma_start3A = arith.constant 0 : i32
        %dma_start3A_219 = tpu.memref_slice %arg3[%run_scoped3A_163, %arg0, %arg1, %mul3A_162, %dma_start3A] : memref<2x2x16x256x96xi32, #tpu.memory_space<hbm>> -> memref<1x1x1x8x96xi32, #tpu.memory_space<hbm>>
        %dma_start3A_220 = tpu.memref_squeeze %dma_start3A_219 : memref<1x1x1x8x96xi32, #tpu.memory_space<hbm>> -> memref<8x96xi32, #tpu.memory_space<hbm>>
        %dma_start3A_221 = arith.constant 0 : i32
        %dma_start3A_222 = tpu.memref_slice %arg3[%run_scoped3A_163, %arg0, %arg1, %mul3A_162, %dma_start3A_221] : memref<2x2x16x256x96xi32, #tpu.memory_space<hbm>> -> memref<1x1x1x8x96xi32, #tpu.memory_space<hbm>>
        %dma_start3A_223 = tpu.memref_squeeze %dma_start3A_222 : memref<1x1x1x8x96xi32, #tpu.memory_space<hbm>> -> memref<8x96xi32, #tpu.memory_space<hbm>>
        tpu.enqueue_dma source(%dma_start3A_223 : memref<8x96xi32, #tpu.memory_space<hbm>>) target(%arg7 : memref<8x96xi32, #tpu.memory_space<vmem>>) target_semaphore(%run_scoped3A_218 : memref<!tpu.dma_semaphore, #tpu.memory_space<semaphore_mem>>)
        %dma_wait3A = arith.constant 0 : i32
        %dma_wait3A_224 = tpu.memref_slice %arg3[%run_scoped3A_163, %arg0, %arg1, %mul3A_162, %dma_wait3A] : memref<2x2x16x256x96xi32, #tpu.memory_space<hbm>> -> memref<1x1x1x8x96xi32, #tpu.memory_space<hbm>>
        %dma_wait3A_225 = tpu.memref_squeeze %dma_wait3A_224 : memref<1x1x1x8x96xi32, #tpu.memory_space<hbm>> -> memref<8x96xi32, #tpu.memory_space<hbm>>
        %dma_wait3A_226 = arith.constant 0 : i32
        %dma_wait3A_227 = tpu.memref_slice %arg3[%run_scoped3A_163, %arg0, %arg1, %mul3A_162, %dma_wait3A_226] : memref<2x2x16x256x96xi32, #tpu.memory_space<hbm>> -> memref<1x1x1x8x96xi32, #tpu.memory_space<hbm>>
        %dma_wait3A_228 = tpu.memref_squeeze %dma_wait3A_227 : memref<1x1x1x8x96xi32, #tpu.memory_space<hbm>> -> memref<8x96xi32, #tpu.memory_space<hbm>>
        tpu.wait_dma2 semaphore(%run_scoped3A_218 : memref<!tpu.dma_semaphore, #tpu.memory_space<semaphore_mem>>) src(%dma_wait3A_228 : memref<8x96xi32, #tpu.memory_space<hbm>>) dst(%arg7 : memref<8x96xi32, #tpu.memory_space<vmem>>)
        tpu.yield
      }) : () -> ()
      %mul3A_164 = arith.constant 8 : i32
      %mul3A_165 = arith.muli %while3A_160, %mul3A_164 : i32
      %run_scoped3A_166 = arith.constant 0 : i32
      "tpu.region"() ({
        %run_scoped3A_218 = tpu.sem_alloc : memref<!tpu.dma_semaphore, #tpu.memory_space<semaphore_mem>>
        %dma_start3A = arith.constant 0 : i32
        %dma_start3A_219 = tpu.memref_slice %arg4[%run_scoped3A_166, %arg0, %arg1, %mul3A_165, %dma_start3A] : memref<2x2x16x256x96xi32, #tpu.memory_space<hbm>> -> memref<1x1x1x8x96xi32, #tpu.memory_space<hbm>>
        %dma_start3A_220 = tpu.memref_squeeze %dma_start3A_219 : memref<1x1x1x8x96xi32, #tpu.memory_space<hbm>> -> memref<8x96xi32, #tpu.memory_space<hbm>>
        %dma_start3A_221 = arith.constant 0 : i32
        %dma_start3A_222 = tpu.memref_slice %arg4[%run_scoped3A_166, %arg0, %arg1, %mul3A_165, %dma_start3A_221] : memref<2x2x16x256x96xi32, #tpu.memory_space<hbm>> -> memref<1x1x1x8x96xi32, #tpu.memory_space<hbm>>
        %dma_start3A_223 = tpu.memref_squeeze %dma_start3A_222 : memref<1x1x1x8x96xi32, #tpu.memory_space<hbm>> -> memref<8x96xi32, #tpu.memory_space<hbm>>
        tpu.enqueue_dma source(%dma_start3A_223 : memref<8x96xi32, #tpu.memory_space<hbm>>) target(%arg8 : memref<8x96xi32, #tpu.memory_space<vmem>>) target_semaphore(%run_scoped3A_218 : memref<!tpu.dma_semaphore, #tpu.memory_space<semaphore_mem>>)
        %dma_wait3A = arith.constant 0 : i32
        %dma_wait3A_224 = tpu.memref_slice %arg4[%run_scoped3A_166, %arg0, %arg1, %mul3A_165, %dma_wait3A] : memref<2x2x16x256x96xi32, #tpu.memory_space<hbm>> -> memref<1x1x1x8x96xi32, #tpu.memory_space<hbm>>
        %dma_wait3A_225 = tpu.memref_squeeze %dma_wait3A_224 : memref<1x1x1x8x96xi32, #tpu.memory_space<hbm>> -> memref<8x96xi32, #tpu.memory_space<hbm>>
        %dma_wait3A_226 = arith.constant 0 : i32
        %dma_wait3A_227 = tpu.memref_slice %arg4[%run_scoped3A_166, %arg0, %arg1, %mul3A_165, %dma_wait3A_226] : memref<2x2x16x256x96xi32, #tpu.memory_space<hbm>> -> memref<1x1x1x8x96xi32, #tpu.memory_space<hbm>>
        %dma_wait3A_228 = tpu.memref_squeeze %dma_wait3A_227 : memref<1x1x1x8x96xi32, #tpu.memory_space<hbm>> -> memref<8x96xi32, #tpu.memory_space<hbm>>
        tpu.wait_dma2 semaphore(%run_scoped3A_218 : memref<!tpu.dma_semaphore, #tpu.memory_space<semaphore_mem>>) src(%dma_wait3A_228 : memref<8x96xi32, #tpu.memory_space<hbm>>) dst(%arg8 : memref<8x96xi32, #tpu.memory_space<vmem>>)
        tpu.yield
      }) : () -> ()
      %mul3A_167 = arith.constant 8 : i32
      %mul3A_168 = arith.muli %while3A_160, %mul3A_167 : i32
      %lt3A = arith.cmpi slt, %mul3A_168, %select_n3A : i32
      %convert_element_type3A = arith.extui %lt3A : i1 to i32
      %cond3A = arith.constant 0 : i32
      %cond3A_169 = arith.cmpi ne, %convert_element_type3A, %cond3A : i32
      scf.if %cond3A_169 {
        %dma_start3A = arith.constant 0 : i32
        %dma_start3A_218 = arith.constant 0 : i32
        %dma_start3A_219 = arith.constant 0 : i32
        %dma_start3A_220 = tpu.memref_slice %arg7[%dma_start3A, %dma_start3A_219] : memref<8x96xi32, #tpu.memory_space<vmem>> -> memref<1x96xi32, #tpu.memory_space<vmem>>
        %dma_start3A_221 = tpu.memref_squeeze %dma_start3A_220 : memref<1x96xi32, #tpu.memory_space<vmem>> -> memref<96xi32, #tpu.memory_space<vmem>>
        %dma_start3A_222 = arith.constant 0 : i32
        %dma_start3A_223 = arith.constant 0 : i32
        %dma_start3A_224 = tpu.memref_slice %arg12[%dma_start3A_222, %dma_start3A_223] : memref<12808x128xf32, #tpu.memory_space<vmem_shared>> -> memref<12808x128xf32, #tpu.memory_space<vmem_shared>>
        %dma_start3A_225 = tpu.memref_slice %arg13[%dma_start3A_218] : memref<2x!tpu.dma_semaphore, #tpu.memory_space<semaphore_mem>> -> memref<1x!tpu.dma_semaphore, #tpu.memory_space<semaphore_mem>>
        %dma_start3A_226 = tpu.memref_squeeze %dma_start3A_225 : memref<1x!tpu.dma_semaphore, #tpu.memory_space<semaphore_mem>> -> memref<!tpu.dma_semaphore, #tpu.memory_space<semaphore_mem>>
        tpu.enqueue_indirect_dma source(%dma_start3A_224 : memref<12808x128xf32, #tpu.memory_space<vmem_shared>>) target(%arg10 : memref<96x128xf32, #tpu.memory_space<vmem>>) offsets(%dma_start3A_221 : memref<96xi32, #tpu.memory_space<vmem>>) semaphore(%dma_start3A_226 : memref<!tpu.dma_semaphore, #tpu.memory_space<semaphore_mem>>)
      } else {
      }
      %add3A_170 = arith.constant 0 : i32
      %add3A_171 = arith.addi %mul3A_168, %add3A_170 : i32
      %lt3A_172 = arith.cmpi slt, %add3A_171, %select_n3A : i32
      %convert_element_type3A_173 = arith.extui %lt3A_172 : i1 to i32
      %cond3A_174 = arith.constant 0 : i32
      %cond3A_175 = arith.cmpi ne, %convert_element_type3A_173, %cond3A_174 : i32
      scf.if %cond3A_175 {
        %dma_wait3A = arith.constant 0 : i32
        %dma_wait3A_218 = arith.constant 0 : i32
        %dma_wait3A_219 = arith.constant 0 : i32
        %dma_wait3A_220 = tpu.memref_slice %arg2[%dma_wait3A_218, %dma_wait3A_219] : memref<10240x128xf32, #tpu.memory_space<hbm>> -> memref<96x128xf32, #tpu.memory_space<hbm>>
        %dma_wait3A_221 = tpu.memref_slice %arg13[%dma_wait3A] : memref<2x!tpu.dma_semaphore, #tpu.memory_space<semaphore_mem>> -> memref<1x!tpu.dma_semaphore, #tpu.memory_space<semaphore_mem>>
        %dma_wait3A_222 = tpu.memref_squeeze %dma_wait3A_221 : memref<1x!tpu.dma_semaphore, #tpu.memory_space<semaphore_mem>> -> memref<!tpu.dma_semaphore, #tpu.memory_space<semaphore_mem>>
        %dma_wait3A_223 = arith.constant 0 : i32
        %dma_wait3A_224 = arith.constant 0 : i32
        %dma_wait3A_225 = tpu.memref_slice %arg2[%dma_wait3A_223, %dma_wait3A_224] : memref<10240x128xf32, #tpu.memory_space<hbm>> -> memref<96x128xf32, #tpu.memory_space<hbm>>
        tpu.wait_dma2 semaphore(%dma_wait3A_222 : memref<!tpu.dma_semaphore, #tpu.memory_space<semaphore_mem>>) src(%dma_wait3A_225 : memref<96x128xf32, #tpu.memory_space<hbm>>) dst(%arg10 : memref<96x128xf32, #tpu.memory_space<vmem>>)
        %add3A_226 = arith.constant 0 : i32
        %add3A_227 = arith.addi %mul3A_168, %add3A_226 : i32
        %add3A_228 = arith.constant 1 : i32
        %add3A_229 = arith.addi %add3A_227, %add3A_228 : i32
        %lt3A_230 = arith.cmpi slt, %add3A_229, %select_n3A : i32
        %convert_element_type3A_231 = arith.extui %lt3A_230 : i1 to i32
        %cond3A_232 = arith.constant 0 : i32
        %cond3A_233 = arith.cmpi ne, %convert_element_type3A_231, %cond3A_232 : i32
        scf.if %cond3A_233 {
          %dma_start3A = arith.constant 1 : i32
          %dma_start3A_235 = arith.constant 1 : i32
          %dma_start3A_236 = arith.constant 0 : i32
          %dma_start3A_237 = tpu.memref_slice %arg7[%dma_start3A, %dma_start3A_236] : memref<8x96xi32, #tpu.memory_space<vmem>> -> memref<1x96xi32, #tpu.memory_space<vmem>>
          %dma_start3A_238 = tpu.memref_squeeze %dma_start3A_237 : memref<1x96xi32, #tpu.memory_space<vmem>> -> memref<96xi32, #tpu.memory_space<vmem>>
          %dma_start3A_239 = arith.constant 0 : i32
          %dma_start3A_240 = arith.constant 0 : i32
          %dma_start3A_241 = tpu.memref_slice %arg12[%dma_start3A_239, %dma_start3A_240] : memref<12808x128xf32, #tpu.memory_space<vmem_shared>> -> memref<12808x128xf32, #tpu.memory_space<vmem_shared>>
          %dma_start3A_242 = tpu.memref_slice %arg13[%dma_start3A_235] : memref<2x!tpu.dma_semaphore, #tpu.memory_space<semaphore_mem>> -> memref<1x!tpu.dma_semaphore, #tpu.memory_space<semaphore_mem>>
          %dma_start3A_243 = tpu.memref_squeeze %dma_start3A_242 : memref<1x!tpu.dma_semaphore, #tpu.memory_space<semaphore_mem>> -> memref<!tpu.dma_semaphore, #tpu.memory_space<semaphore_mem>>
          tpu.enqueue_indirect_dma source(%dma_start3A_241 : memref<12808x128xf32, #tpu.memory_space<vmem_shared>>) target(%arg11 : memref<96x128xf32, #tpu.memory_space<vmem>>) offsets(%dma_start3A_238 : memref<96xi32, #tpu.memory_space<vmem>>) semaphore(%dma_start3A_243 : memref<!tpu.dma_semaphore, #tpu.memory_space<semaphore_mem>>)
        } else {
        }
        %run_scoped3A_234 = arith.constant 0 : i32
        "tpu.region"() ({
          %run_scoped3A_235 = tpu.sem_alloc : memref<!tpu.dma_semaphore, #tpu.memory_space<semaphore_mem>>
          %dma_start3A = arith.constant 0 : i32
          %dma_start3A_236 = tpu.memref_slice %arg8[%run_scoped3A_234, %dma_start3A] : memref<8x96xi32, #tpu.memory_space<vmem>> -> memref<1x96xi32, #tpu.memory_space<vmem>>
          %dma_start3A_237 = tpu.memref_squeeze %dma_start3A_236 : memref<1x96xi32, #tpu.memory_space<vmem>> -> memref<96xi32, #tpu.memory_space<vmem>>
          %dma_start3A_238 = arith.constant 0 : i32
          %dma_start3A_239 = arith.constant 0 : i32
          %dma_start3A_240 = tpu.memref_slice %arg12[%dma_start3A_238, %dma_start3A_239] : memref<12808x128xf32, #tpu.memory_space<vmem_shared>> -> memref<12808x128xf32, #tpu.memory_space<vmem_shared>>
          tpu.enqueue_indirect_dma source(%arg10 : memref<96x128xf32, #tpu.memory_space<vmem>>) target(%dma_start3A_240 : memref<12808x128xf32, #tpu.memory_space<vmem_shared>>) offsets(%dma_start3A_237 : memref<96xi32, #tpu.memory_space<vmem>>) semaphore(%run_scoped3A_235 : memref<!tpu.dma_semaphore, #tpu.memory_space<semaphore_mem>>) {add = true}
          %dma_wait3A_241 = arith.constant 0 : i32
          %dma_wait3A_242 = tpu.memref_slice %arg8[%run_scoped3A_234, %dma_wait3A_241] : memref<8x96xi32, #tpu.memory_space<vmem>> -> memref<1x96xi32, #tpu.memory_space<vmem>>
          %dma_wait3A_243 = tpu.memref_squeeze %dma_wait3A_242 : memref<1x96xi32, #tpu.memory_space<vmem>> -> memref<96xi32, #tpu.memory_space<vmem>>
          %dma_wait3A_244 = arith.constant 0 : i32
          %dma_wait3A_245 = arith.constant 0 : i32
          %dma_wait3A_246 = tpu.memref_slice %arg12[%dma_wait3A_244, %dma_wait3A_245] : memref<12808x128xf32, #tpu.memory_space<vmem_shared>> -> memref<12808x128xf32, #tpu.memory_space<vmem_shared>>
          tpu.wait_indirect_dma semaphore(%run_scoped3A_235 : memref<!tpu.dma_semaphore, #tpu.memory_space<semaphore_mem>>) src(%arg10 : memref<96x128xf32, #tpu.memory_space<vmem>>) dst(%dma_wait3A_246 : memref<12808x128xf32, #tpu.memory_space<vmem_shared>>)
          tpu.yield
        }) : () -> ()
      } else {
      }
      %add3A_176 = arith.constant 1 : i32
      %add3A_177 = arith.addi %mul3A_168, %add3A_176 : i32
      %lt3A_178 = arith.cmpi slt, %add3A_177, %select_n3A : i32
      %convert_element_type3A_179 = arith.extui %lt3A_178 : i1 to i32
      %cond3A_180 = arith.constant 0 : i32
      %cond3A_181 = arith.cmpi ne, %convert_element_type3A_179, %cond3A_180 : i32
      scf.if %cond3A_181 {
        %dma_wait3A = arith.constant 1 : i32
        %dma_wait3A_218 = arith.constant 0 : i32
        %dma_wait3A_219 = arith.constant 0 : i32
        %dma_wait3A_220 = tpu.memref_slice %arg2[%dma_wait3A_218, %dma_wait3A_219] : memref<10240x128xf32, #tpu.memory_space<hbm>> -> memref<96x128xf32, #tpu.memory_space<hbm>>
        %dma_wait3A_221 = tpu.memref_slice %arg13[%dma_wait3A] : memref<2x!tpu.dma_semaphore, #tpu.memory_space<semaphore_mem>> -> memref<1x!tpu.dma_semaphore, #tpu.memory_space<semaphore_mem>>
        %dma_wait3A_222 = tpu.memref_squeeze %dma_wait3A_221 : memref<1x!tpu.dma_semaphore, #tpu.memory_space<semaphore_mem>> -> memref<!tpu.dma_semaphore, #tpu.memory_space<semaphore_mem>>
        %dma_wait3A_223 = arith.constant 0 : i32
        %dma_wait3A_224 = arith.constant 0 : i32
        %dma_wait3A_225 = tpu.memref_slice %arg2[%dma_wait3A_223, %dma_wait3A_224] : memref<10240x128xf32, #tpu.memory_space<hbm>> -> memref<96x128xf32, #tpu.memory_space<hbm>>
        tpu.wait_dma2 semaphore(%dma_wait3A_222 : memref<!tpu.dma_semaphore, #tpu.memory_space<semaphore_mem>>) src(%dma_wait3A_225 : memref<96x128xf32, #tpu.memory_space<hbm>>) dst(%arg11 : memref<96x128xf32, #tpu.memory_space<vmem>>)
        %add3A_226 = arith.constant 1 : i32
        %add3A_227 = arith.addi %mul3A_168, %add3A_226 : i32
        %add3A_228 = arith.constant 1 : i32
        %add3A_229 = arith.addi %add3A_227, %add3A_228 : i32
        %lt3A_230 = arith.cmpi slt, %add3A_229, %select_n3A : i32
        %convert_element_type3A_231 = arith.extui %lt3A_230 : i1 to i32
        %cond3A_232 = arith.constant 0 : i32
        %cond3A_233 = arith.cmpi ne, %convert_element_type3A_231, %cond3A_232 : i32
        scf.if %cond3A_233 {
          %dma_start3A = arith.constant 2 : i32
          %dma_start3A_235 = arith.constant 0 : i32
          %dma_start3A_236 = arith.constant 0 : i32
          %dma_start3A_237 = tpu.memref_slice %arg7[%dma_start3A, %dma_start3A_236] : memref<8x96xi32, #tpu.memory_space<vmem>> -> memref<1x96xi32, #tpu.memory_space<vmem>>
          %dma_start3A_238 = tpu.memref_squeeze %dma_start3A_237 : memref<1x96xi32, #tpu.memory_space<vmem>> -> memref<96xi32, #tpu.memory_space<vmem>>
          %dma_start3A_239 = arith.constant 0 : i32
          %dma_start3A_240 = arith.constant 0 : i32
          %dma_start3A_241 = tpu.memref_slice %arg12[%dma_start3A_239, %dma_start3A_240] : memref<12808x128xf32, #tpu.memory_space<vmem_shared>> -> memref<12808x128xf32, #tpu.memory_space<vmem_shared>>
          %dma_start3A_242 = tpu.memref_slice %arg13[%dma_start3A_235] : memref<2x!tpu.dma_semaphore, #tpu.memory_space<semaphore_mem>> -> memref<1x!tpu.dma_semaphore, #tpu.memory_space<semaphore_mem>>
          %dma_start3A_243 = tpu.memref_squeeze %dma_start3A_242 : memref<1x!tpu.dma_semaphore, #tpu.memory_space<semaphore_mem>> -> memref<!tpu.dma_semaphore, #tpu.memory_space<semaphore_mem>>
          tpu.enqueue_indirect_dma source(%dma_start3A_241 : memref<12808x128xf32, #tpu.memory_space<vmem_shared>>) target(%arg10 : memref<96x128xf32, #tpu.memory_space<vmem>>) offsets(%dma_start3A_238 : memref<96xi32, #tpu.memory_space<vmem>>) semaphore(%dma_start3A_243 : memref<!tpu.dma_semaphore, #tpu.memory_space<semaphore_mem>>)
        } else {
        }
        %run_scoped3A_234 = arith.constant 1 : i32
        "tpu.region"() ({
          %run_scoped3A_235 = tpu.sem_alloc : memref<!tpu.dma_semaphore, #tpu.memory_space<semaphore_mem>>
          %dma_start3A = arith.constant 0 : i32
          %dma_start3A_236 = tpu.memref_slice %arg8[%run_scoped3A_234, %dma_start3A] : memref<8x96xi32, #tpu.memory_space<vmem>> -> memref<1x96xi32, #tpu.memory_space<vmem>>
          %dma_start3A_237 = tpu.memref_squeeze %dma_start3A_236 : memref<1x96xi32, #tpu.memory_space<vmem>> -> memref<96xi32, #tpu.memory_space<vmem>>
          %dma_start3A_238 = arith.constant 0 : i32
          %dma_start3A_239 = arith.constant 0 : i32
          %dma_start3A_240 = tpu.memref_slice %arg12[%dma_start3A_238, %dma_start3A_239] : memref<12808x128xf32, #tpu.memory_space<vmem_shared>> -> memref<12808x128xf32, #tpu.memory_space<vmem_shared>>
          tpu.enqueue_indirect_dma source(%arg11 : memref<96x128xf32, #tpu.memory_space<vmem>>) target(%dma_start3A_240 : memref<12808x128xf32, #tpu.memory_space<vmem_shared>>) offsets(%dma_start3A_237 : memref<96xi32, #tpu.memory_space<vmem>>) semaphore(%run_scoped3A_235 : memref<!tpu.dma_semaphore, #tpu.memory_space<semaphore_mem>>) {add = true}
          %dma_wait3A_241 = arith.constant 0 : i32
          %dma_wait3A_242 = tpu.memref_slice %arg8[%run_scoped3A_234, %dma_wait3A_241] : memref<8x96xi32, #tpu.memory_space<vmem>> -> memref<1x96xi32, #tpu.memory_space<vmem>>
          %dma_wait3A_243 = tpu.memref_squeeze %dma_wait3A_242 : memref<1x96xi32, #tpu.memory_space<vmem>> -> memref<96xi32, #tpu.memory_space<vmem>>
          %dma_wait3A_244 = arith.constant 0 : i32
          %dma_wait3A_245 = arith.constant 0 : i32
          %dma_wait3A_246 = tpu.memref_slice %arg12[%dma_wait3A_244, %dma_wait3A_245] : memref<12808x128xf32, #tpu.memory_space<vmem_shared>> -> memref<12808x128xf32, #tpu.memory_space<vmem_shared>>
          tpu.wait_indirect_dma semaphore(%run_scoped3A_235 : memref<!tpu.dma_semaphore, #tpu.memory_space<semaphore_mem>>) src(%arg11 : memref<96x128xf32, #tpu.memory_space<vmem>>) dst(%dma_wait3A_246 : memref<12808x128xf32, #tpu.memory_space<vmem_shared>>)
          tpu.yield
        }) : () -> ()
      } else {
      }
      %add3A_182 = arith.constant 2 : i32
      %add3A_183 = arith.addi %mul3A_168, %add3A_182 : i32
      %lt3A_184 = arith.cmpi slt, %add3A_183, %select_n3A : i32
      %convert_element_type3A_185 = arith.extui %lt3A_184 : i1 to i32
      %cond3A_186 = arith.constant 0 : i32
      %cond3A_187 = arith.cmpi ne, %convert_element_type3A_185, %cond3A_186 : i32
      scf.if %cond3A_187 {
        %dma_wait3A = arith.constant 0 : i32
        %dma_wait3A_218 = arith.constant 0 : i32
        %dma_wait3A_219 = arith.constant 0 : i32
        %dma_wait3A_220 = tpu.memref_slice %arg2[%dma_wait3A_218, %dma_wait3A_219] : memref<10240x128xf32, #tpu.memory_space<hbm>> -> memref<96x128xf32, #tpu.memory_space<hbm>>
        %dma_wait3A_221 = tpu.memref_slice %arg13[%dma_wait3A] : memref<2x!tpu.dma_semaphore, #tpu.memory_space<semaphore_mem>> -> memref<1x!tpu.dma_semaphore, #tpu.memory_space<semaphore_mem>>
        %dma_wait3A_222 = tpu.memref_squeeze %dma_wait3A_221 : memref<1x!tpu.dma_semaphore, #tpu.memory_space<semaphore_mem>> -> memref<!tpu.dma_semaphore, #tpu.memory_space<semaphore_mem>>
        %dma_wait3A_223 = arith.constant 0 : i32
        %dma_wait3A_224 = arith.constant 0 : i32
        %dma_wait3A_225 = tpu.memref_slice %arg2[%dma_wait3A_223, %dma_wait3A_224] : memref<10240x128xf32, #tpu.memory_space<hbm>> -> memref<96x128xf32, #tpu.memory_space<hbm>>
        tpu.wait_dma2 semaphore(%dma_wait3A_222 : memref<!tpu.dma_semaphore, #tpu.memory_space<semaphore_mem>>) src(%dma_wait3A_225 : memref<96x128xf32, #tpu.memory_space<hbm>>) dst(%arg10 : memref<96x128xf32, #tpu.memory_space<vmem>>)
        %add3A_226 = arith.constant 2 : i32
        %add3A_227 = arith.addi %mul3A_168, %add3A_226 : i32
        %add3A_228 = arith.constant 1 : i32
        %add3A_229 = arith.addi %add3A_227, %add3A_228 : i32
        %lt3A_230 = arith.cmpi slt, %add3A_229, %select_n3A : i32
        %convert_element_type3A_231 = arith.extui %lt3A_230 : i1 to i32
        %cond3A_232 = arith.constant 0 : i32
        %cond3A_233 = arith.cmpi ne, %convert_element_type3A_231, %cond3A_232 : i32
        scf.if %cond3A_233 {
          %dma_start3A = arith.constant 3 : i32
          %dma_start3A_235 = arith.constant 1 : i32
          %dma_start3A_236 = arith.constant 0 : i32
          %dma_start3A_237 = tpu.memref_slice %arg7[%dma_start3A, %dma_start3A_236] : memref<8x96xi32, #tpu.memory_space<vmem>> -> memref<1x96xi32, #tpu.memory_space<vmem>>
          %dma_start3A_238 = tpu.memref_squeeze %dma_start3A_237 : memref<1x96xi32, #tpu.memory_space<vmem>> -> memref<96xi32, #tpu.memory_space<vmem>>
          %dma_start3A_239 = arith.constant 0 : i32
          %dma_start3A_240 = arith.constant 0 : i32
          %dma_start3A_241 = tpu.memref_slice %arg12[%dma_start3A_239, %dma_start3A_240] : memref<12808x128xf32, #tpu.memory_space<vmem_shared>> -> memref<12808x128xf32, #tpu.memory_space<vmem_shared>>
          %dma_start3A_242 = tpu.memref_slice %arg13[%dma_start3A_235] : memref<2x!tpu.dma_semaphore, #tpu.memory_space<semaphore_mem>> -> memref<1x!tpu.dma_semaphore, #tpu.memory_space<semaphore_mem>>
          %dma_start3A_243 = tpu.memref_squeeze %dma_start3A_242 : memref<1x!tpu.dma_semaphore, #tpu.memory_space<semaphore_mem>> -> memref<!tpu.dma_semaphore, #tpu.memory_space<semaphore_mem>>
          tpu.enqueue_indirect_dma source(%dma_start3A_241 : memref<12808x128xf32, #tpu.memory_space<vmem_shared>>) target(%arg11 : memref<96x128xf32, #tpu.memory_space<vmem>>) offsets(%dma_start3A_238 : memref<96xi32, #tpu.memory_space<vmem>>) semaphore(%dma_start3A_243 : memref<!tpu.dma_semaphore, #tpu.memory_space<semaphore_mem>>)
        } else {
        }
        %run_scoped3A_234 = arith.constant 2 : i32
        "tpu.region"() ({
          %run_scoped3A_235 = tpu.sem_alloc : memref<!tpu.dma_semaphore, #tpu.memory_space<semaphore_mem>>
          %dma_start3A = arith.constant 0 : i32
          %dma_start3A_236 = tpu.memref_slice %arg8[%run_scoped3A_234, %dma_start3A] : memref<8x96xi32, #tpu.memory_space<vmem>> -> memref<1x96xi32, #tpu.memory_space<vmem>>
          %dma_start3A_237 = tpu.memref_squeeze %dma_start3A_236 : memref<1x96xi32, #tpu.memory_space<vmem>> -> memref<96xi32, #tpu.memory_space<vmem>>
          %dma_start3A_238 = arith.constant 0 : i32
          %dma_start3A_239 = arith.constant 0 : i32
          %dma_start3A_240 = tpu.memref_slice %arg12[%dma_start3A_238, %dma_start3A_239] : memref<12808x128xf32, #tpu.memory_space<vmem_shared>> -> memref<12808x128xf32, #tpu.memory_space<vmem_shared>>
          tpu.enqueue_indirect_dma source(%arg10 : memref<96x128xf32, #tpu.memory_space<vmem>>) target(%dma_start3A_240 : memref<12808x128xf32, #tpu.memory_space<vmem_shared>>) offsets(%dma_start3A_237 : memref<96xi32, #tpu.memory_space<vmem>>) semaphore(%run_scoped3A_235 : memref<!tpu.dma_semaphore, #tpu.memory_space<semaphore_mem>>) {add = true}
          %dma_wait3A_241 = arith.constant 0 : i32
          %dma_wait3A_242 = tpu.memref_slice %arg8[%run_scoped3A_234, %dma_wait3A_241] : memref<8x96xi32, #tpu.memory_space<vmem>> -> memref<1x96xi32, #tpu.memory_space<vmem>>
          %dma_wait3A_243 = tpu.memref_squeeze %dma_wait3A_242 : memref<1x96xi32, #tpu.memory_space<vmem>> -> memref<96xi32, #tpu.memory_space<vmem>>
          %dma_wait3A_244 = arith.constant 0 : i32
          %dma_wait3A_245 = arith.constant 0 : i32
          %dma_wait3A_246 = tpu.memref_slice %arg12[%dma_wait3A_244, %dma_wait3A_245] : memref<12808x128xf32, #tpu.memory_space<vmem_shared>> -> memref<12808x128xf32, #tpu.memory_space<vmem_shared>>
          tpu.wait_indirect_dma semaphore(%run_scoped3A_235 : memref<!tpu.dma_semaphore, #tpu.memory_space<semaphore_mem>>) src(%arg10 : memref<96x128xf32, #tpu.memory_space<vmem>>) dst(%dma_wait3A_246 : memref<12808x128xf32, #tpu.memory_space<vmem_shared>>)
          tpu.yield
        }) : () -> ()
      } else {
      }
      %add3A_188 = arith.constant 3 : i32
      %add3A_189 = arith.addi %mul3A_168, %add3A_188 : i32
      %lt3A_190 = arith.cmpi slt, %add3A_189, %select_n3A : i32
      %convert_element_type3A_191 = arith.extui %lt3A_190 : i1 to i32
      %cond3A_192 = arith.constant 0 : i32
      %cond3A_193 = arith.cmpi ne, %convert_element_type3A_191, %cond3A_192 : i32
      scf.if %cond3A_193 {
        %dma_wait3A = arith.constant 1 : i32
        %dma_wait3A_218 = arith.constant 0 : i32
        %dma_wait3A_219 = arith.constant 0 : i32
        %dma_wait3A_220 = tpu.memref_slice %arg2[%dma_wait3A_218, %dma_wait3A_219] : memref<10240x128xf32, #tpu.memory_space<hbm>> -> memref<96x128xf32, #tpu.memory_space<hbm>>
        %dma_wait3A_221 = tpu.memref_slice %arg13[%dma_wait3A] : memref<2x!tpu.dma_semaphore, #tpu.memory_space<semaphore_mem>> -> memref<1x!tpu.dma_semaphore, #tpu.memory_space<semaphore_mem>>
        %dma_wait3A_222 = tpu.memref_squeeze %dma_wait3A_221 : memref<1x!tpu.dma_semaphore, #tpu.memory_space<semaphore_mem>> -> memref<!tpu.dma_semaphore, #tpu.memory_space<semaphore_mem>>
        %dma_wait3A_223 = arith.constant 0 : i32
        %dma_wait3A_224 = arith.constant 0 : i32
        %dma_wait3A_225 = tpu.memref_slice %arg2[%dma_wait3A_223, %dma_wait3A_224] : memref<10240x128xf32, #tpu.memory_space<hbm>> -> memref<96x128xf32, #tpu.memory_space<hbm>>
        tpu.wait_dma2 semaphore(%dma_wait3A_222 : memref<!tpu.dma_semaphore, #tpu.memory_space<semaphore_mem>>) src(%dma_wait3A_225 : memref<96x128xf32, #tpu.memory_space<hbm>>) dst(%arg11 : memref<96x128xf32, #tpu.memory_space<vmem>>)
        %add3A_226 = arith.constant 3 : i32
        %add3A_227 = arith.addi %mul3A_168, %add3A_226 : i32
        %add3A_228 = arith.constant 1 : i32
        %add3A_229 = arith.addi %add3A_227, %add3A_228 : i32
        %lt3A_230 = arith.cmpi slt, %add3A_229, %select_n3A : i32
        %convert_element_type3A_231 = arith.extui %lt3A_230 : i1 to i32
        %cond3A_232 = arith.constant 0 : i32
        %cond3A_233 = arith.cmpi ne, %convert_element_type3A_231, %cond3A_232 : i32
        scf.if %cond3A_233 {
          %dma_start3A = arith.constant 4 : i32
          %dma_start3A_235 = arith.constant 0 : i32
          %dma_start3A_236 = arith.constant 0 : i32
          %dma_start3A_237 = tpu.memref_slice %arg7[%dma_start3A, %dma_start3A_236] : memref<8x96xi32, #tpu.memory_space<vmem>> -> memref<1x96xi32, #tpu.memory_space<vmem>>
          %dma_start3A_238 = tpu.memref_squeeze %dma_start3A_237 : memref<1x96xi32, #tpu.memory_space<vmem>> -> memref<96xi32, #tpu.memory_space<vmem>>
          %dma_start3A_239 = arith.constant 0 : i32
          %dma_start3A_240 = arith.constant 0 : i32
          %dma_start3A_241 = tpu.memref_slice %arg12[%dma_start3A_239, %dma_start3A_240] : memref<12808x128xf32, #tpu.memory_space<vmem_shared>> -> memref<12808x128xf32, #tpu.memory_space<vmem_shared>>
          %dma_start3A_242 = tpu.memref_slice %arg13[%dma_start3A_235] : memref<2x!tpu.dma_semaphore, #tpu.memory_space<semaphore_mem>> -> memref<1x!tpu.dma_semaphore, #tpu.memory_space<semaphore_mem>>
          %dma_start3A_243 = tpu.memref_squeeze %dma_start3A_242 : memref<1x!tpu.dma_semaphore, #tpu.memory_space<semaphore_mem>> -> memref<!tpu.dma_semaphore, #tpu.memory_space<semaphore_mem>>
          tpu.enqueue_indirect_dma source(%dma_start3A_241 : memref<12808x128xf32, #tpu.memory_space<vmem_shared>>) target(%arg10 : memref<96x128xf32, #tpu.memory_space<vmem>>) offsets(%dma_start3A_238 : memref<96xi32, #tpu.memory_space<vmem>>) semaphore(%dma_start3A_243 : memref<!tpu.dma_semaphore, #tpu.memory_space<semaphore_mem>>)
        } else {
        }
        %run_scoped3A_234 = arith.constant 3 : i32
        "tpu.region"() ({
          %run_scoped3A_235 = tpu.sem_alloc : memref<!tpu.dma_semaphore, #tpu.memory_space<semaphore_mem>>
          %dma_start3A = arith.constant 0 : i32
          %dma_start3A_236 = tpu.memref_slice %arg8[%run_scoped3A_234, %dma_start3A] : memref<8x96xi32, #tpu.memory_space<vmem>> -> memref<1x96xi32, #tpu.memory_space<vmem>>
          %dma_start3A_237 = tpu.memref_squeeze %dma_start3A_236 : memref<1x96xi32, #tpu.memory_space<vmem>> -> memref<96xi32, #tpu.memory_space<vmem>>
          %dma_start3A_238 = arith.constant 0 : i32
          %dma_start3A_239 = arith.constant 0 : i32
          %dma_start3A_240 = tpu.memref_slice %arg12[%dma_start3A_238, %dma_start3A_239] : memref<12808x128xf32, #tpu.memory_space<vmem_shared>> -> memref<12808x128xf32, #tpu.memory_space<vmem_shared>>
          tpu.enqueue_indirect_dma source(%arg11 : memref<96x128xf32, #tpu.memory_space<vmem>>) target(%dma_start3A_240 : memref<12808x128xf32, #tpu.memory_space<vmem_shared>>) offsets(%dma_start3A_237 : memref<96xi32, #tpu.memory_space<vmem>>) semaphore(%run_scoped3A_235 : memref<!tpu.dma_semaphore, #tpu.memory_space<semaphore_mem>>) {add = true}
          %dma_wait3A_241 = arith.constant 0 : i32
          %dma_wait3A_242 = tpu.memref_slice %arg8[%run_scoped3A_234, %dma_wait3A_241] : memref<8x96xi32, #tpu.memory_space<vmem>> -> memref<1x96xi32, #tpu.memory_space<vmem>>
          %dma_wait3A_243 = tpu.memref_squeeze %dma_wait3A_242 : memref<1x96xi32, #tpu.memory_space<vmem>> -> memref<96xi32, #tpu.memory_space<vmem>>
          %dma_wait3A_244 = arith.constant 0 : i32
          %dma_wait3A_245 = arith.constant 0 : i32
          %dma_wait3A_246 = tpu.memref_slice %arg12[%dma_wait3A_244, %dma_wait3A_245] : memref<12808x128xf32, #tpu.memory_space<vmem_shared>> -> memref<12808x128xf32, #tpu.memory_space<vmem_shared>>
          tpu.wait_indirect_dma semaphore(%run_scoped3A_235 : memref<!tpu.dma_semaphore, #tpu.memory_space<semaphore_mem>>) src(%arg11 : memref<96x128xf32, #tpu.memory_space<vmem>>) dst(%dma_wait3A_246 : memref<12808x128xf32, #tpu.memory_space<vmem_shared>>)
          tpu.yield
        }) : () -> ()
      } else {
      }
      %add3A_194 = arith.constant 4 : i32
      %add3A_195 = arith.addi %mul3A_168, %add3A_194 : i32
      %lt3A_196 = arith.cmpi slt, %add3A_195, %select_n3A : i32
      %convert_element_type3A_197 = arith.extui %lt3A_196 : i1 to i32
      %cond3A_198 = arith.constant 0 : i32
      %cond3A_199 = arith.cmpi ne, %convert_element_type3A_197, %cond3A_198 : i32
      scf.if %cond3A_199 {
        %dma_wait3A = arith.constant 0 : i32
        %dma_wait3A_218 = arith.constant 0 : i32
        %dma_wait3A_219 = arith.constant 0 : i32
        %dma_wait3A_220 = tpu.memref_slice %arg2[%dma_wait3A_218, %dma_wait3A_219] : memref<10240x128xf32, #tpu.memory_space<hbm>> -> memref<96x128xf32, #tpu.memory_space<hbm>>
        %dma_wait3A_221 = tpu.memref_slice %arg13[%dma_wait3A] : memref<2x!tpu.dma_semaphore, #tpu.memory_space<semaphore_mem>> -> memref<1x!tpu.dma_semaphore, #tpu.memory_space<semaphore_mem>>
        %dma_wait3A_222 = tpu.memref_squeeze %dma_wait3A_221 : memref<1x!tpu.dma_semaphore, #tpu.memory_space<semaphore_mem>> -> memref<!tpu.dma_semaphore, #tpu.memory_space<semaphore_mem>>
        %dma_wait3A_223 = arith.constant 0 : i32
        %dma_wait3A_224 = arith.constant 0 : i32
        %dma_wait3A_225 = tpu.memref_slice %arg2[%dma_wait3A_223, %dma_wait3A_224] : memref<10240x128xf32, #tpu.memory_space<hbm>> -> memref<96x128xf32, #tpu.memory_space<hbm>>
        tpu.wait_dma2 semaphore(%dma_wait3A_222 : memref<!tpu.dma_semaphore, #tpu.memory_space<semaphore_mem>>) src(%dma_wait3A_225 : memref<96x128xf32, #tpu.memory_space<hbm>>) dst(%arg10 : memref<96x128xf32, #tpu.memory_space<vmem>>)
        %add3A_226 = arith.constant 4 : i32
        %add3A_227 = arith.addi %mul3A_168, %add3A_226 : i32
        %add3A_228 = arith.constant 1 : i32
        %add3A_229 = arith.addi %add3A_227, %add3A_228 : i32
        %lt3A_230 = arith.cmpi slt, %add3A_229, %select_n3A : i32
        %convert_element_type3A_231 = arith.extui %lt3A_230 : i1 to i32
        %cond3A_232 = arith.constant 0 : i32
        %cond3A_233 = arith.cmpi ne, %convert_element_type3A_231, %cond3A_232 : i32
        scf.if %cond3A_233 {
          %dma_start3A = arith.constant 5 : i32
          %dma_start3A_235 = arith.constant 1 : i32
          %dma_start3A_236 = arith.constant 0 : i32
          %dma_start3A_237 = tpu.memref_slice %arg7[%dma_start3A, %dma_start3A_236] : memref<8x96xi32, #tpu.memory_space<vmem>> -> memref<1x96xi32, #tpu.memory_space<vmem>>
          %dma_start3A_238 = tpu.memref_squeeze %dma_start3A_237 : memref<1x96xi32, #tpu.memory_space<vmem>> -> memref<96xi32, #tpu.memory_space<vmem>>
          %dma_start3A_239 = arith.constant 0 : i32
          %dma_start3A_240 = arith.constant 0 : i32
          %dma_start3A_241 = tpu.memref_slice %arg12[%dma_start3A_239, %dma_start3A_240] : memref<12808x128xf32, #tpu.memory_space<vmem_shared>> -> memref<12808x128xf32, #tpu.memory_space<vmem_shared>>
          %dma_start3A_242 = tpu.memref_slice %arg13[%dma_start3A_235] : memref<2x!tpu.dma_semaphore, #tpu.memory_space<semaphore_mem>> -> memref<1x!tpu.dma_semaphore, #tpu.memory_space<semaphore_mem>>
          %dma_start3A_243 = tpu.memref_squeeze %dma_start3A_242 : memref<1x!tpu.dma_semaphore, #tpu.memory_space<semaphore_mem>> -> memref<!tpu.dma_semaphore, #tpu.memory_space<semaphore_mem>>
          tpu.enqueue_indirect_dma source(%dma_start3A_241 : memref<12808x128xf32, #tpu.memory_space<vmem_shared>>) target(%arg11 : memref<96x128xf32, #tpu.memory_space<vmem>>) offsets(%dma_start3A_238 : memref<96xi32, #tpu.memory_space<vmem>>) semaphore(%dma_start3A_243 : memref<!tpu.dma_semaphore, #tpu.memory_space<semaphore_mem>>)
        } else {
        }
        %run_scoped3A_234 = arith.constant 4 : i32
        "tpu.region"() ({
          %run_scoped3A_235 = tpu.sem_alloc : memref<!tpu.dma_semaphore, #tpu.memory_space<semaphore_mem>>
          %dma_start3A = arith.constant 0 : i32
          %dma_start3A_236 = tpu.memref_slice %arg8[%run_scoped3A_234, %dma_start3A] : memref<8x96xi32, #tpu.memory_space<vmem>> -> memref<1x96xi32, #tpu.memory_space<vmem>>
          %dma_start3A_237 = tpu.memref_squeeze %dma_start3A_236 : memref<1x96xi32, #tpu.memory_space<vmem>> -> memref<96xi32, #tpu.memory_space<vmem>>
          %dma_start3A_238 = arith.constant 0 : i32
          %dma_start3A_239 = arith.constant 0 : i32
          %dma_start3A_240 = tpu.memref_slice %arg12[%dma_start3A_238, %dma_start3A_239] : memref<12808x128xf32, #tpu.memory_space<vmem_shared>> -> memref<12808x128xf32, #tpu.memory_space<vmem_shared>>
          tpu.enqueue_indirect_dma source(%arg10 : memref<96x128xf32, #tpu.memory_space<vmem>>) target(%dma_start3A_240 : memref<12808x128xf32, #tpu.memory_space<vmem_shared>>) offsets(%dma_start3A_237 : memref<96xi32, #tpu.memory_space<vmem>>) semaphore(%run_scoped3A_235 : memref<!tpu.dma_semaphore, #tpu.memory_space<semaphore_mem>>) {add = true}
          %dma_wait3A_241 = arith.constant 0 : i32
          %dma_wait3A_242 = tpu.memref_slice %arg8[%run_scoped3A_234, %dma_wait3A_241] : memref<8x96xi32, #tpu.memory_space<vmem>> -> memref<1x96xi32, #tpu.memory_space<vmem>>
          %dma_wait3A_243 = tpu.memref_squeeze %dma_wait3A_242 : memref<1x96xi32, #tpu.memory_space<vmem>> -> memref<96xi32, #tpu.memory_space<vmem>>
          %dma_wait3A_244 = arith.constant 0 : i32
          %dma_wait3A_245 = arith.constant 0 : i32
          %dma_wait3A_246 = tpu.memref_slice %arg12[%dma_wait3A_244, %dma_wait3A_245] : memref<12808x128xf32, #tpu.memory_space<vmem_shared>> -> memref<12808x128xf32, #tpu.memory_space<vmem_shared>>
          tpu.wait_indirect_dma semaphore(%run_scoped3A_235 : memref<!tpu.dma_semaphore, #tpu.memory_space<semaphore_mem>>) src(%arg10 : memref<96x128xf32, #tpu.memory_space<vmem>>) dst(%dma_wait3A_246 : memref<12808x128xf32, #tpu.memory_space<vmem_shared>>)
          tpu.yield
        }) : () -> ()
      } else {
      }
      %add3A_200 = arith.constant 5 : i32
      %add3A_201 = arith.addi %mul3A_168, %add3A_200 : i32
      %lt3A_202 = arith.cmpi slt, %add3A_201, %select_n3A : i32
      %convert_element_type3A_203 = arith.extui %lt3A_202 : i1 to i32
      %cond3A_204 = arith.constant 0 : i32
      %cond3A_205 = arith.cmpi ne, %convert_element_type3A_203, %cond3A_204 : i32
      scf.if %cond3A_205 {
        %dma_wait3A = arith.constant 1 : i32
        %dma_wait3A_218 = arith.constant 0 : i32
        %dma_wait3A_219 = arith.constant 0 : i32
        %dma_wait3A_220 = tpu.memref_slice %arg2[%dma_wait3A_218, %dma_wait3A_219] : memref<10240x128xf32, #tpu.memory_space<hbm>> -> memref<96x128xf32, #tpu.memory_space<hbm>>
        %dma_wait3A_221 = tpu.memref_slice %arg13[%dma_wait3A] : memref<2x!tpu.dma_semaphore, #tpu.memory_space<semaphore_mem>> -> memref<1x!tpu.dma_semaphore, #tpu.memory_space<semaphore_mem>>
        %dma_wait3A_222 = tpu.memref_squeeze %dma_wait3A_221 : memref<1x!tpu.dma_semaphore, #tpu.memory_space<semaphore_mem>> -> memref<!tpu.dma_semaphore, #tpu.memory_space<semaphore_mem>>
        %dma_wait3A_223 = arith.constant 0 : i32
        %dma_wait3A_224 = arith.constant 0 : i32
        %dma_wait3A_225 = tpu.memref_slice %arg2[%dma_wait3A_223, %dma_wait3A_224] : memref<10240x128xf32, #tpu.memory_space<hbm>> -> memref<96x128xf32, #tpu.memory_space<hbm>>
        tpu.wait_dma2 semaphore(%dma_wait3A_222 : memref<!tpu.dma_semaphore, #tpu.memory_space<semaphore_mem>>) src(%dma_wait3A_225 : memref<96x128xf32, #tpu.memory_space<hbm>>) dst(%arg11 : memref<96x128xf32, #tpu.memory_space<vmem>>)
        %add3A_226 = arith.constant 5 : i32
        %add3A_227 = arith.addi %mul3A_168, %add3A_226 : i32
        %add3A_228 = arith.constant 1 : i32
        %add3A_229 = arith.addi %add3A_227, %add3A_228 : i32
        %lt3A_230 = arith.cmpi slt, %add3A_229, %select_n3A : i32
        %convert_element_type3A_231 = arith.extui %lt3A_230 : i1 to i32
        %cond3A_232 = arith.constant 0 : i32
        %cond3A_233 = arith.cmpi ne, %convert_element_type3A_231, %cond3A_232 : i32
        scf.if %cond3A_233 {
          %dma_start3A = arith.constant 6 : i32
          %dma_start3A_235 = arith.constant 0 : i32
          %dma_start3A_236 = arith.constant 0 : i32
          %dma_start3A_237 = tpu.memref_slice %arg7[%dma_start3A, %dma_start3A_236] : memref<8x96xi32, #tpu.memory_space<vmem>> -> memref<1x96xi32, #tpu.memory_space<vmem>>
          %dma_start3A_238 = tpu.memref_squeeze %dma_start3A_237 : memref<1x96xi32, #tpu.memory_space<vmem>> -> memref<96xi32, #tpu.memory_space<vmem>>
          %dma_start3A_239 = arith.constant 0 : i32
          %dma_start3A_240 = arith.constant 0 : i32
          %dma_start3A_241 = tpu.memref_slice %arg12[%dma_start3A_239, %dma_start3A_240] : memref<12808x128xf32, #tpu.memory_space<vmem_shared>> -> memref<12808x128xf32, #tpu.memory_space<vmem_shared>>
          %dma_start3A_242 = tpu.memref_slice %arg13[%dma_start3A_235] : memref<2x!tpu.dma_semaphore, #tpu.memory_space<semaphore_mem>> -> memref<1x!tpu.dma_semaphore, #tpu.memory_space<semaphore_mem>>
          %dma_start3A_243 = tpu.memref_squeeze %dma_start3A_242 : memref<1x!tpu.dma_semaphore, #tpu.memory_space<semaphore_mem>> -> memref<!tpu.dma_semaphore, #tpu.memory_space<semaphore_mem>>
          tpu.enqueue_indirect_dma source(%dma_start3A_241 : memref<12808x128xf32, #tpu.memory_space<vmem_shared>>) target(%arg10 : memref<96x128xf32, #tpu.memory_space<vmem>>) offsets(%dma_start3A_238 : memref<96xi32, #tpu.memory_space<vmem>>) semaphore(%dma_start3A_243 : memref<!tpu.dma_semaphore, #tpu.memory_space<semaphore_mem>>)
        } else {
        }
        %run_scoped3A_234 = arith.constant 5 : i32
        "tpu.region"() ({
          %run_scoped3A_235 = tpu.sem_alloc : memref<!tpu.dma_semaphore, #tpu.memory_space<semaphore_mem>>
          %dma_start3A = arith.constant 0 : i32
          %dma_start3A_236 = tpu.memref_slice %arg8[%run_scoped3A_234, %dma_start3A] : memref<8x96xi32, #tpu.memory_space<vmem>> -> memref<1x96xi32, #tpu.memory_space<vmem>>
          %dma_start3A_237 = tpu.memref_squeeze %dma_start3A_236 : memref<1x96xi32, #tpu.memory_space<vmem>> -> memref<96xi32, #tpu.memory_space<vmem>>
          %dma_start3A_238 = arith.constant 0 : i32
          %dma_start3A_239 = arith.constant 0 : i32
          %dma_start3A_240 = tpu.memref_slice %arg12[%dma_start3A_238, %dma_start3A_239] : memref<12808x128xf32, #tpu.memory_space<vmem_shared>> -> memref<12808x128xf32, #tpu.memory_space<vmem_shared>>
          tpu.enqueue_indirect_dma source(%arg11 : memref<96x128xf32, #tpu.memory_space<vmem>>) target(%dma_start3A_240 : memref<12808x128xf32, #tpu.memory_space<vmem_shared>>) offsets(%dma_start3A_237 : memref<96xi32, #tpu.memory_space<vmem>>) semaphore(%run_scoped3A_235 : memref<!tpu.dma_semaphore, #tpu.memory_space<semaphore_mem>>) {add = true}
          %dma_wait3A_241 = arith.constant 0 : i32
          %dma_wait3A_242 = tpu.memref_slice %arg8[%run_scoped3A_234, %dma_wait3A_241] : memref<8x96xi32, #tpu.memory_space<vmem>> -> memref<1x96xi32, #tpu.memory_space<vmem>>
          %dma_wait3A_243 = tpu.memref_squeeze %dma_wait3A_242 : memref<1x96xi32, #tpu.memory_space<vmem>> -> memref<96xi32, #tpu.memory_space<vmem>>
          %dma_wait3A_244 = arith.constant 0 : i32
          %dma_wait3A_245 = arith.constant 0 : i32
          %dma_wait3A_246 = tpu.memref_slice %arg12[%dma_wait3A_244, %dma_wait3A_245] : memref<12808x128xf32, #tpu.memory_space<vmem_shared>> -> memref<12808x128xf32, #tpu.memory_space<vmem_shared>>
          tpu.wait_indirect_dma semaphore(%run_scoped3A_235 : memref<!tpu.dma_semaphore, #tpu.memory_space<semaphore_mem>>) src(%arg11 : memref<96x128xf32, #tpu.memory_space<vmem>>) dst(%dma_wait3A_246 : memref<12808x128xf32, #tpu.memory_space<vmem_shared>>)
          tpu.yield
        }) : () -> ()
      } else {
      }
      %add3A_206 = arith.constant 6 : i32
      %add3A_207 = arith.addi %mul3A_168, %add3A_206 : i32
      %lt3A_208 = arith.cmpi slt, %add3A_207, %select_n3A : i32
      %convert_element_type3A_209 = arith.extui %lt3A_208 : i1 to i32
      %cond3A_210 = arith.constant 0 : i32
      %cond3A_211 = arith.cmpi ne, %convert_element_type3A_209, %cond3A_210 : i32
      scf.if %cond3A_211 {
        %dma_wait3A = arith.constant 0 : i32
        %dma_wait3A_218 = arith.constant 0 : i32
        %dma_wait3A_219 = arith.constant 0 : i32
        %dma_wait3A_220 = tpu.memref_slice %arg2[%dma_wait3A_218, %dma_wait3A_219] : memref<10240x128xf32, #tpu.memory_space<hbm>> -> memref<96x128xf32, #tpu.memory_space<hbm>>
        %dma_wait3A_221 = tpu.memref_slice %arg13[%dma_wait3A] : memref<2x!tpu.dma_semaphore, #tpu.memory_space<semaphore_mem>> -> memref<1x!tpu.dma_semaphore, #tpu.memory_space<semaphore_mem>>
        %dma_wait3A_222 = tpu.memref_squeeze %dma_wait3A_221 : memref<1x!tpu.dma_semaphore, #tpu.memory_space<semaphore_mem>> -> memref<!tpu.dma_semaphore, #tpu.memory_space<semaphore_mem>>
        %dma_wait3A_223 = arith.constant 0 : i32
        %dma_wait3A_224 = arith.constant 0 : i32
        %dma_wait3A_225 = tpu.memref_slice %arg2[%dma_wait3A_223, %dma_wait3A_224] : memref<10240x128xf32, #tpu.memory_space<hbm>> -> memref<96x128xf32, #tpu.memory_space<hbm>>
        tpu.wait_dma2 semaphore(%dma_wait3A_222 : memref<!tpu.dma_semaphore, #tpu.memory_space<semaphore_mem>>) src(%dma_wait3A_225 : memref<96x128xf32, #tpu.memory_space<hbm>>) dst(%arg10 : memref<96x128xf32, #tpu.memory_space<vmem>>)
        %add3A_226 = arith.constant 6 : i32
        %add3A_227 = arith.addi %mul3A_168, %add3A_226 : i32
        %add3A_228 = arith.constant 1 : i32
        %add3A_229 = arith.addi %add3A_227, %add3A_228 : i32
        %lt3A_230 = arith.cmpi slt, %add3A_229, %select_n3A : i32
        %convert_element_type3A_231 = arith.extui %lt3A_230 : i1 to i32
        %cond3A_232 = arith.constant 0 : i32
        %cond3A_233 = arith.cmpi ne, %convert_element_type3A_231, %cond3A_232 : i32
        scf.if %cond3A_233 {
          %dma_start3A = arith.constant 7 : i32
          %dma_start3A_235 = arith.constant 1 : i32
          %dma_start3A_236 = arith.constant 0 : i32
          %dma_start3A_237 = tpu.memref_slice %arg7[%dma_start3A, %dma_start3A_236] : memref<8x96xi32, #tpu.memory_space<vmem>> -> memref<1x96xi32, #tpu.memory_space<vmem>>
          %dma_start3A_238 = tpu.memref_squeeze %dma_start3A_237 : memref<1x96xi32, #tpu.memory_space<vmem>> -> memref<96xi32, #tpu.memory_space<vmem>>
          %dma_start3A_239 = arith.constant 0 : i32
          %dma_start3A_240 = arith.constant 0 : i32
          %dma_start3A_241 = tpu.memref_slice %arg12[%dma_start3A_239, %dma_start3A_240] : memref<12808x128xf32, #tpu.memory_space<vmem_shared>> -> memref<12808x128xf32, #tpu.memory_space<vmem_shared>>
          %dma_start3A_242 = tpu.memref_slice %arg13[%dma_start3A_235] : memref<2x!tpu.dma_semaphore, #tpu.memory_space<semaphore_mem>> -> memref<1x!tpu.dma_semaphore, #tpu.memory_space<semaphore_mem>>
          %dma_start3A_243 = tpu.memref_squeeze %dma_start3A_242 : memref<1x!tpu.dma_semaphore, #tpu.memory_space<semaphore_mem>> -> memref<!tpu.dma_semaphore, #tpu.memory_space<semaphore_mem>>
          tpu.enqueue_indirect_dma source(%dma_start3A_241 : memref<12808x128xf32, #tpu.memory_space<vmem_shared>>) target(%arg11 : memref<96x128xf32, #tpu.memory_space<vmem>>) offsets(%dma_start3A_238 : memref<96xi32, #tpu.memory_space<vmem>>) semaphore(%dma_start3A_243 : memref<!tpu.dma_semaphore, #tpu.memory_space<semaphore_mem>>)
        } else {
        }
        %run_scoped3A_234 = arith.constant 6 : i32
        "tpu.region"() ({
          %run_scoped3A_235 = tpu.sem_alloc : memref<!tpu.dma_semaphore, #tpu.memory_space<semaphore_mem>>
          %dma_start3A = arith.constant 0 : i32
          %dma_start3A_236 = tpu.memref_slice %arg8[%run_scoped3A_234, %dma_start3A] : memref<8x96xi32, #tpu.memory_space<vmem>> -> memref<1x96xi32, #tpu.memory_space<vmem>>
          %dma_start3A_237 = tpu.memref_squeeze %dma_start3A_236 : memref<1x96xi32, #tpu.memory_space<vmem>> -> memref<96xi32, #tpu.memory_space<vmem>>
          %dma_start3A_238 = arith.constant 0 : i32
          %dma_start3A_239 = arith.constant 0 : i32
          %dma_start3A_240 = tpu.memref_slice %arg12[%dma_start3A_238, %dma_start3A_239] : memref<12808x128xf32, #tpu.memory_space<vmem_shared>> -> memref<12808x128xf32, #tpu.memory_space<vmem_shared>>
          tpu.enqueue_indirect_dma source(%arg10 : memref<96x128xf32, #tpu.memory_space<vmem>>) target(%dma_start3A_240 : memref<12808x128xf32, #tpu.memory_space<vmem_shared>>) offsets(%dma_start3A_237 : memref<96xi32, #tpu.memory_space<vmem>>) semaphore(%run_scoped3A_235 : memref<!tpu.dma_semaphore, #tpu.memory_space<semaphore_mem>>) {add = true}
          %dma_wait3A_241 = arith.constant 0 : i32
          %dma_wait3A_242 = tpu.memref_slice %arg8[%run_scoped3A_234, %dma_wait3A_241] : memref<8x96xi32, #tpu.memory_space<vmem>> -> memref<1x96xi32, #tpu.memory_space<vmem>>
          %dma_wait3A_243 = tpu.memref_squeeze %dma_wait3A_242 : memref<1x96xi32, #tpu.memory_space<vmem>> -> memref<96xi32, #tpu.memory_space<vmem>>
          %dma_wait3A_244 = arith.constant 0 : i32
          %dma_wait3A_245 = arith.constant 0 : i32
          %dma_wait3A_246 = tpu.memref_slice %arg12[%dma_wait3A_244, %dma_wait3A_245] : memref<12808x128xf32, #tpu.memory_space<vmem_shared>> -> memref<12808x128xf32, #tpu.memory_space<vmem_shared>>
          tpu.wait_indirect_dma semaphore(%run_scoped3A_235 : memref<!tpu.dma_semaphore, #tpu.memory_space<semaphore_mem>>) src(%arg10 : memref<96x128xf32, #tpu.memory_space<vmem>>) dst(%dma_wait3A_246 : memref<12808x128xf32, #tpu.memory_space<vmem_shared>>)
          tpu.yield
        }) : () -> ()
      } else {
      }
      %add3A_212 = arith.constant 7 : i32
      %add3A_213 = arith.addi %mul3A_168, %add3A_212 : i32
      %lt3A_214 = arith.cmpi slt, %add3A_213, %select_n3A : i32
      %convert_element_type3A_215 = arith.extui %lt3A_214 : i1 to i32
      %cond3A_216 = arith.constant 0 : i32
      %cond3A_217 = arith.cmpi ne, %convert_element_type3A_215, %cond3A_216 : i32
      scf.if %cond3A_217 {
        %dma_wait3A = arith.constant 1 : i32
        %dma_wait3A_218 = arith.constant 0 : i32
        %dma_wait3A_219 = arith.constant 0 : i32
        %dma_wait3A_220 = tpu.memref_slice %arg2[%dma_wait3A_218, %dma_wait3A_219] : memref<10240x128xf32, #tpu.memory_space<hbm>> -> memref<96x128xf32, #tpu.memory_space<hbm>>
        %dma_wait3A_221 = tpu.memref_slice %arg13[%dma_wait3A] : memref<2x!tpu.dma_semaphore, #tpu.memory_space<semaphore_mem>> -> memref<1x!tpu.dma_semaphore, #tpu.memory_space<semaphore_mem>>
        %dma_wait3A_222 = tpu.memref_squeeze %dma_wait3A_221 : memref<1x!tpu.dma_semaphore, #tpu.memory_space<semaphore_mem>> -> memref<!tpu.dma_semaphore, #tpu.memory_space<semaphore_mem>>
        %dma_wait3A_223 = arith.constant 0 : i32
        %dma_wait3A_224 = arith.constant 0 : i32
        %dma_wait3A_225 = tpu.memref_slice %arg2[%dma_wait3A_223, %dma_wait3A_224] : memref<10240x128xf32, #tpu.memory_space<hbm>> -> memref<96x128xf32, #tpu.memory_space<hbm>>
        tpu.wait_dma2 semaphore(%dma_wait3A_222 : memref<!tpu.dma_semaphore, #tpu.memory_space<semaphore_mem>>) src(%dma_wait3A_225 : memref<96x128xf32, #tpu.memory_space<hbm>>) dst(%arg11 : memref<96x128xf32, #tpu.memory_space<vmem>>)
        %run_scoped3A_226 = arith.constant 7 : i32
        "tpu.region"() ({
          %run_scoped3A_227 = tpu.sem_alloc : memref<!tpu.dma_semaphore, #tpu.memory_space<semaphore_mem>>
          %dma_start3A = arith.constant 0 : i32
          %dma_start3A_228 = tpu.memref_slice %arg8[%run_scoped3A_226, %dma_start3A] : memref<8x96xi32, #tpu.memory_space<vmem>> -> memref<1x96xi32, #tpu.memory_space<vmem>>
          %dma_start3A_229 = tpu.memref_squeeze %dma_start3A_228 : memref<1x96xi32, #tpu.memory_space<vmem>> -> memref<96xi32, #tpu.memory_space<vmem>>
          %dma_start3A_230 = arith.constant 0 : i32
          %dma_start3A_231 = arith.constant 0 : i32
          %dma_start3A_232 = tpu.memref_slice %arg12[%dma_start3A_230, %dma_start3A_231] : memref<12808x128xf32, #tpu.memory_space<vmem_shared>> -> memref<12808x128xf32, #tpu.memory_space<vmem_shared>>
          tpu.enqueue_indirect_dma source(%arg11 : memref<96x128xf32, #tpu.memory_space<vmem>>) target(%dma_start3A_232 : memref<12808x128xf32, #tpu.memory_space<vmem_shared>>) offsets(%dma_start3A_229 : memref<96xi32, #tpu.memory_space<vmem>>) semaphore(%run_scoped3A_227 : memref<!tpu.dma_semaphore, #tpu.memory_space<semaphore_mem>>) {add = true}
          %dma_wait3A_233 = arith.constant 0 : i32
          %dma_wait3A_234 = tpu.memref_slice %arg8[%run_scoped3A_226, %dma_wait3A_233] : memref<8x96xi32, #tpu.memory_space<vmem>> -> memref<1x96xi32, #tpu.memory_space<vmem>>
          %dma_wait3A_235 = tpu.memref_squeeze %dma_wait3A_234 : memref<1x96xi32, #tpu.memory_space<vmem>> -> memref<96xi32, #tpu.memory_space<vmem>>
          %dma_wait3A_236 = arith.constant 0 : i32
          %dma_wait3A_237 = arith.constant 0 : i32
          %dma_wait3A_238 = tpu.memref_slice %arg12[%dma_wait3A_236, %dma_wait3A_237] : memref<12808x128xf32, #tpu.memory_space<vmem_shared>> -> memref<12808x128xf32, #tpu.memory_space<vmem_shared>>
          tpu.wait_indirect_dma semaphore(%run_scoped3A_227 : memref<!tpu.dma_semaphore, #tpu.memory_space<semaphore_mem>>) src(%arg11 : memref<96x128xf32, #tpu.memory_space<vmem>>) dst(%dma_wait3A_238 : memref<12808x128xf32, #tpu.memory_space<vmem_shared>>)
          tpu.yield
        }) : () -> ()
      } else {
      }
    }
    %barrier3A_68 = arith.constant 0 : index
    tpu.barrier barrier_id(%barrier3A_68)
    %mul3A_69 = arith.constant 160 : i32
    %mul3A_70 = arith.muli %arg1, %mul3A_69 : i32
    %add3A_71 = arith.constant 10240 : i32
    %add3A_72 = arith.addi %add3A_71, %mul3A_70 : i32
    %run_scoped3A_73 = arith.constant 0 : i32
    "tpu.region"() ({
      %run_scoped3A_160 = tpu.sem_alloc : memref<!tpu.dma_semaphore, #tpu.memory_space<semaphore_mem>>
      %dma_start3A = arith.constant 0 : i32
      %dma_start3A_161 = tpu.memref_slice %arg6[%run_scoped3A_73, %arg0, %mul3A_70, %dma_start3A] : memref<2x2x2560x128xf32, #tpu.memory_space<hbm>> -> memref<1x1x160x128xf32, #tpu.memory_space<hbm>>
      %dma_start3A_162 = tpu.memref_squeeze %dma_start3A_161 : memref<1x1x160x128xf32, #tpu.memory_space<hbm>> -> memref<160x128xf32, #tpu.memory_space<hbm>>
      %dma_start3A_163 = arith.constant 0 : i32
      %dma_start3A_164 = tpu.memref_slice %arg12[%add3A_72, %dma_start3A_163] : memref<12808x128xf32, #tpu.memory_space<vmem_shared>> -> memref<160x128xf32, #tpu.memory_space<vmem_shared>>
      tpu.enqueue_dma source(%dma_start3A_164 : memref<160x128xf32, #tpu.memory_space<vmem_shared>>) target(%dma_start3A_162 : memref<160x128xf32, #tpu.memory_space<hbm>>) target_semaphore(%run_scoped3A_160 : memref<!tpu.dma_semaphore, #tpu.memory_space<semaphore_mem>>)
      %dma_wait3A = arith.constant 0 : i32
      %dma_wait3A_165 = tpu.memref_slice %arg6[%run_scoped3A_73, %arg0, %mul3A_70, %dma_wait3A] : memref<2x2x2560x128xf32, #tpu.memory_space<hbm>> -> memref<1x1x160x128xf32, #tpu.memory_space<hbm>>
      %dma_wait3A_166 = tpu.memref_squeeze %dma_wait3A_165 : memref<1x1x160x128xf32, #tpu.memory_space<hbm>> -> memref<160x128xf32, #tpu.memory_space<hbm>>
      %dma_wait3A_167 = arith.constant 0 : i32
      %dma_wait3A_168 = tpu.memref_slice %arg12[%add3A_72, %dma_wait3A_167] : memref<12808x128xf32, #tpu.memory_space<vmem_shared>> -> memref<160x128xf32, #tpu.memory_space<vmem_shared>>
      tpu.wait_dma2 semaphore(%run_scoped3A_160 : memref<!tpu.dma_semaphore, #tpu.memory_space<semaphore_mem>>) src(%dma_wait3A_168 : memref<160x128xf32, #tpu.memory_space<vmem_shared>>) dst(%dma_wait3A_166 : memref<160x128xf32, #tpu.memory_space<hbm>>)
      tpu.yield
    }) : () -> ()
    %run_scoped3A_74 = arith.constant 1 : i32
    "tpu.region"() ({
      %run_scoped3A_160 = tpu.sem_alloc : memref<!tpu.dma_semaphore, #tpu.memory_space<semaphore_mem>>
      %dma_start3A = arith.constant 0 : i32
      %dma_start3A_161 = tpu.memref_slice %arg5[%run_scoped3A_74, %arg0, %arg1, %dma_start3A] : memref<2x2x16x16xi32, #tpu.memory_space<hbm>> -> memref<1x1x1x16xi32, #tpu.memory_space<hbm>>
      %dma_start3A_162 = tpu.memref_squeeze %dma_start3A_161 : memref<1x1x1x16xi32, #tpu.memory_space<hbm>> -> memref<16xi32, #tpu.memory_space<hbm>>
      %dma_start3A_163 = arith.constant 0 : i32
      %dma_start3A_164 = tpu.memref_slice %arg5[%run_scoped3A_74, %arg0, %arg1, %dma_start3A_163] : memref<2x2x16x16xi32, #tpu.memory_space<hbm>> -> memref<1x1x1x16xi32, #tpu.memory_space<hbm>>
      %dma_start3A_165 = tpu.memref_squeeze %dma_start3A_164 : memref<1x1x1x16xi32, #tpu.memory_space<hbm>> -> memref<16xi32, #tpu.memory_space<hbm>>
      tpu.enqueue_dma source(%dma_start3A_165 : memref<16xi32, #tpu.memory_space<hbm>>) target(%arg9 : memref<16xi32, #tpu.memory_space<vmem>>) target_semaphore(%run_scoped3A_160 : memref<!tpu.dma_semaphore, #tpu.memory_space<semaphore_mem>>)
      %dma_wait3A = arith.constant 0 : i32
      %dma_wait3A_166 = tpu.memref_slice %arg5[%run_scoped3A_74, %arg0, %arg1, %dma_wait3A] : memref<2x2x16x16xi32, #tpu.memory_space<hbm>> -> memref<1x1x1x16xi32, #tpu.memory_space<hbm>>
      %dma_wait3A_167 = tpu.memref_squeeze %dma_wait3A_166 : memref<1x1x1x16xi32, #tpu.memory_space<hbm>> -> memref<16xi32, #tpu.memory_space<hbm>>
      %dma_wait3A_168 = arith.constant 0 : i32
      %dma_wait3A_169 = tpu.memref_slice %arg5[%run_scoped3A_74, %arg0, %arg1, %dma_wait3A_168] : memref<2x2x16x16xi32, #tpu.memory_space<hbm>> -> memref<1x1x1x16xi32, #tpu.memory_space<hbm>>
      %dma_wait3A_170 = tpu.memref_squeeze %dma_wait3A_169 : memref<1x1x1x16xi32, #tpu.memory_space<hbm>> -> memref<16xi32, #tpu.memory_space<hbm>>
      tpu.wait_dma2 semaphore(%run_scoped3A_160 : memref<!tpu.dma_semaphore, #tpu.memory_space<semaphore_mem>>) src(%dma_wait3A_170 : memref<16xi32, #tpu.memory_space<hbm>>) dst(%arg9 : memref<16xi32, #tpu.memory_space<vmem>>)
      tpu.yield
    }) : () -> ()
    %add3A_75 = arith.constant 2 : i32
    %add3A_76 = arith.addi %add3A_75, %arg0 : i32
    %mul3A_77 = arith.constant 2560 : i32
    %mul3A_78 = arith.muli %add3A_76, %mul3A_77 : i32
    %add3A_79 = arith.addi %mul3A_78, %mul3A_2 : i32
    %add3A_80 = arith.constant 10240 : i32
    %add3A_81 = arith.addi %add3A_80, %mul3A_2 : i32
    "tpu.region"() ({
      %run_scoped3A_160 = tpu.sem_alloc : memref<!tpu.dma_semaphore, #tpu.memory_space<semaphore_mem>>
      %dma_start3A = arith.constant 0 : i32
      %dma_start3A_161 = tpu.memref_slice %arg12[%add3A_81, %dma_start3A] : memref<12808x128xf32, #tpu.memory_space<vmem_shared>> -> memref<160x128xf32, #tpu.memory_space<vmem_shared>>
      %dma_start3A_162 = arith.constant 0 : i32
      %dma_start3A_163 = tpu.memref_slice %arg2[%add3A_79, %dma_start3A_162] : memref<10240x128xf32, #tpu.memory_space<hbm>> -> memref<160x128xf32, #tpu.memory_space<hbm>>
      tpu.enqueue_dma source(%dma_start3A_163 : memref<160x128xf32, #tpu.memory_space<hbm>>) target(%dma_start3A_161 : memref<160x128xf32, #tpu.memory_space<vmem_shared>>) target_semaphore(%run_scoped3A_160 : memref<!tpu.dma_semaphore, #tpu.memory_space<semaphore_mem>>)
      %dma_wait3A = arith.constant 0 : i32
      %dma_wait3A_164 = tpu.memref_slice %arg12[%add3A_81, %dma_wait3A] : memref<12808x128xf32, #tpu.memory_space<vmem_shared>> -> memref<160x128xf32, #tpu.memory_space<vmem_shared>>
      %dma_wait3A_165 = arith.constant 0 : i32
      %dma_wait3A_166 = tpu.memref_slice %arg2[%add3A_79, %dma_wait3A_165] : memref<10240x128xf32, #tpu.memory_space<hbm>> -> memref<160x128xf32, #tpu.memory_space<hbm>>
      tpu.wait_dma2 semaphore(%run_scoped3A_160 : memref<!tpu.dma_semaphore, #tpu.memory_space<semaphore_mem>>) src(%dma_wait3A_166 : memref<160x128xf32, #tpu.memory_space<hbm>>) dst(%dma_wait3A_164 : memref<160x128xf32, #tpu.memory_space<vmem_shared>>)
      tpu.yield
    }) : () -> ()
    %get3A_82 = arith.constant 0 : index
    %get3A_83 = tpu.vector_load %arg9[%get3A_82] {strides = array<i32>} : memref<16xi32, #tpu.memory_space<vmem>>, vector<16xi32>,
    %get3A_84 = vector.shape_cast %get3A_83 : vector<16xi32> to vector<16xi32>
    %slice3A_85 = vector.extract_strided_slice %get3A_84 {offsets = [0], sizes = [1], strides = [1]} : vector<16xi32> to vector<1xi32>
    %squeeze3A_86 = vector.extract %slice3A_85[0] : i32 from vector<1xi32>
    %add3A_87 = arith.constant 96 : i32
    %add3A_88 = arith.addi %squeeze3A_86, %add3A_87 : i32
    %sub3A_89 = arith.constant 1 : i32
    %sub3A_90 = arith.subi %add3A_88, %sub3A_89 : i32
    %jit3A_91 = arith.constant 96 : i32
    %div3A_92 = arith.divsi %sub3A_90, %jit3A_91 : i32
    %sign3A_93 = arith.constant 0 : i32
    %sign3A_94 = arith.cmpi sgt, %sub3A_90, %sign3A_93 : i32
    %sign3A_95 = arith.extui %sign3A_94 : i1 to i32
    %sign3A_96 = arith.constant 0 : i32
    %sign3A_97 = arith.cmpi slt, %sub3A_90, %sign3A_96 : i32
    %sign3A_98 = arith.extui %sign3A_97 : i1 to i32
    %sign3A_99 = arith.subi %sign3A_95, %sign3A_98 : i32
    %sign3A_100 = arith.constant 0 : i32
    %sign3A_101 = arith.cmpi sgt, %jit3A_91, %sign3A_100 : i32
    %sign3A_102 = arith.extui %sign3A_101 : i1 to i32
    %sign3A_103 = arith.constant 0 : i32
    %sign3A_104 = arith.cmpi slt, %jit3A_91, %sign3A_103 : i32
    %sign3A_105 = arith.extui %sign3A_104 : i1 to i32
    %sign3A_106 = arith.subi %sign3A_102, %sign3A_105 : i32
    %ne3A_107 = arith.cmpi ne, %sign3A_99, %sign3A_106 : i32
    %rem3A_108 = arith.remsi %sub3A_90, %jit3A_91 : i32
    %ne3A_109 = arith.constant 0 : i32
    %ne3A_110 = arith.cmpi ne, %rem3A_108, %ne3A_109 : i32
    %and3A_111 = arith.andi %ne3A_107, %ne3A_110 : i1
    %sub3A_112 = arith.constant 1 : i32
    %sub3A_113 = arith.subi %div3A_92, %sub3A_112 : i32
    %select_n3A_114 = arith.select %and3A_111, %sub3A_113, %div3A_92 : i32
    %add3A_115 = arith.constant 8 : i32
    %add3A_116 = arith.addi %select_n3A_114, %add3A_115 : i32
    %sub3A_117 = arith.constant 1 : i32
    %sub3A_118 = arith.subi %add3A_116, %sub3A_117 : i32
    %jit3A_119 = arith.constant 8 : i32
    %div3A_120 = arith.divsi %sub3A_118, %jit3A_119 : i32
    %sign3A_121 = arith.constant 0 : i32
    %sign3A_122 = arith.cmpi sgt, %sub3A_118, %sign3A_121 : i32
    %sign3A_123 = arith.extui %sign3A_122 : i1 to i32
    %sign3A_124 = arith.constant 0 : i32
    %sign3A_125 = arith.cmpi slt, %sub3A_118, %sign3A_124 : i32
    %sign3A_126 = arith.extui %sign3A_125 : i1 to i32
    %sign3A_127 = arith.subi %sign3A_123, %sign3A_126 : i32
    %sign3A_128 = arith.constant 0 : i32
    %sign3A_129 = arith.cmpi sgt, %jit3A_119, %sign3A_128 : i32
    %sign3A_130 = arith.extui %sign3A_129 : i1 to i32
    %sign3A_131 = arith.constant 0 : i32
    %sign3A_132 = arith.cmpi slt, %jit3A_119, %sign3A_131 : i32
    %sign3A_133 = arith.extui %sign3A_132 : i1 to i32
    %sign3A_134 = arith.subi %sign3A_130, %sign3A_133 : i32
    %ne3A_135 = arith.cmpi ne, %sign3A_127, %sign3A_134 : i32
    %rem3A_136 = arith.remsi %sub3A_118, %jit3A_119 : i32
    %ne3A_137 = arith.constant 0 : i32
    %ne3A_138 = arith.cmpi ne, %rem3A_136, %ne3A_137 : i32
    %and3A_139 = arith.andi %ne3A_135, %ne3A_138 : i1
    %sub3A_140 = arith.constant 1 : i32
    %sub3A_141 = arith.subi %div3A_120, %sub3A_140 : i32
    %select_n3A_142 = arith.select %and3A_139, %sub3A_141, %div3A_120 : i32
    %barrier3A_143 = arith.constant 0 : index
    tpu.barrier barrier_id(%barrier3A_143)
    %while3A_144 = arith.constant 0 : i32
    %while3A_145 = arith.constant 0 : i32
    %while3A_146 = arith.subi %select_n3A_142, %while3A_145 : i32
    %while3A_147 = arith.addi %while3A_145, %while3A_146 : i32
    %while3A_148 = arith.constant 1 : i32
    %while3A_149 = arith.divsi %while3A_146, %while3A_148 : i32
    %while3A_150 = arith.muli %while3A_149, %while3A_148 : i32
    %while3A_151 = arith.addi %while3A_145, %while3A_150 : i32
    %while3A_152 = arith.constant 1 : i32
    scf.for %while3A_160 = %while3A_145 to %while3A_151 step %while3A_152  : i32 {
      %mul3A_161 = arith.constant 8 : i32
      %mul3A_162 = arith.muli %while3A_160, %mul3A_161 : i32
      %run_scoped3A_163 = arith.constant 1 : i32
      "tpu.region"() ({
        %run_scoped3A_218 = tpu.sem_alloc : memref<!tpu.dma_semaphore, #tpu.memory_space<semaphore_mem>>
        %dma_start3A = arith.constant 0 : i32
        %dma_start3A_219 = tpu.memref_slice %arg3[%run_scoped3A_163, %arg0, %arg1, %mul3A_162, %dma_start3A] : memref<2x2x16x256x96xi32, #tpu.memory_space<hbm>> -> memref<1x1x1x8x96xi32, #tpu.memory_space<hbm>>
        %dma_start3A_220 = tpu.memref_squeeze %dma_start3A_219 : memref<1x1x1x8x96xi32, #tpu.memory_space<hbm>> -> memref<8x96xi32, #tpu.memory_space<hbm>>
        %dma_start3A_221 = arith.constant 0 : i32
        %dma_start3A_222 = tpu.memref_slice %arg3[%run_scoped3A_163, %arg0, %arg1, %mul3A_162, %dma_start3A_221] : memref<2x2x16x256x96xi32, #tpu.memory_space<hbm>> -> memref<1x1x1x8x96xi32, #tpu.memory_space<hbm>>
        %dma_start3A_223 = tpu.memref_squeeze %dma_start3A_222 : memref<1x1x1x8x96xi32, #tpu.memory_space<hbm>> -> memref<8x96xi32, #tpu.memory_space<hbm>>
        tpu.enqueue_dma source(%dma_start3A_223 : memref<8x96xi32, #tpu.memory_space<hbm>>) target(%arg7 : memref<8x96xi32, #tpu.memory_space<vmem>>) target_semaphore(%run_scoped3A_218 : memref<!tpu.dma_semaphore, #tpu.memory_space<semaphore_mem>>)
        %dma_wait3A = arith.constant 0 : i32
        %dma_wait3A_224 = tpu.memref_slice %arg3[%run_scoped3A_163, %arg0, %arg1, %mul3A_162, %dma_wait3A] : memref<2x2x16x256x96xi32, #tpu.memory_space<hbm>> -> memref<1x1x1x8x96xi32, #tpu.memory_space<hbm>>
        %dma_wait3A_225 = tpu.memref_squeeze %dma_wait3A_224 : memref<1x1x1x8x96xi32, #tpu.memory_space<hbm>> -> memref<8x96xi32, #tpu.memory_space<hbm>>
        %dma_wait3A_226 = arith.constant 0 : i32
        %dma_wait3A_227 = tpu.memref_slice %arg3[%run_scoped3A_163, %arg0, %arg1, %mul3A_162, %dma_wait3A_226] : memref<2x2x16x256x96xi32, #tpu.memory_space<hbm>> -> memref<1x1x1x8x96xi32, #tpu.memory_space<hbm>>
        %dma_wait3A_228 = tpu.memref_squeeze %dma_wait3A_227 : memref<1x1x1x8x96xi32, #tpu.memory_space<hbm>> -> memref<8x96xi32, #tpu.memory_space<hbm>>
        tpu.wait_dma2 semaphore(%run_scoped3A_218 : memref<!tpu.dma_semaphore, #tpu.memory_space<semaphore_mem>>) src(%dma_wait3A_228 : memref<8x96xi32, #tpu.memory_space<hbm>>) dst(%arg7 : memref<8x96xi32, #tpu.memory_space<vmem>>)
        tpu.yield
      }) : () -> ()
      %mul3A_164 = arith.constant 8 : i32
      %mul3A_165 = arith.muli %while3A_160, %mul3A_164 : i32
      %run_scoped3A_166 = arith.constant 1 : i32
      "tpu.region"() ({
        %run_scoped3A_218 = tpu.sem_alloc : memref<!tpu.dma_semaphore, #tpu.memory_space<semaphore_mem>>
        %dma_start3A = arith.constant 0 : i32
        %dma_start3A_219 = tpu.memref_slice %arg4[%run_scoped3A_166, %arg0, %arg1, %mul3A_165, %dma_start3A] : memref<2x2x16x256x96xi32, #tpu.memory_space<hbm>> -> memref<1x1x1x8x96xi32, #tpu.memory_space<hbm>>
        %dma_start3A_220 = tpu.memref_squeeze %dma_start3A_219 : memref<1x1x1x8x96xi32, #tpu.memory_space<hbm>> -> memref<8x96xi32, #tpu.memory_space<hbm>>
        %dma_start3A_221 = arith.constant 0 : i32
        %dma_start3A_222 = tpu.memref_slice %arg4[%run_scoped3A_166, %arg0, %arg1, %mul3A_165, %dma_start3A_221] : memref<2x2x16x256x96xi32, #tpu.memory_space<hbm>> -> memref<1x1x1x8x96xi32, #tpu.memory_space<hbm>>
        %dma_start3A_223 = tpu.memref_squeeze %dma_start3A_222 : memref<1x1x1x8x96xi32, #tpu.memory_space<hbm>> -> memref<8x96xi32, #tpu.memory_space<hbm>>
        tpu.enqueue_dma source(%dma_start3A_223 : memref<8x96xi32, #tpu.memory_space<hbm>>) target(%arg8 : memref<8x96xi32, #tpu.memory_space<vmem>>) target_semaphore(%run_scoped3A_218 : memref<!tpu.dma_semaphore, #tpu.memory_space<semaphore_mem>>)
        %dma_wait3A = arith.constant 0 : i32
        %dma_wait3A_224 = tpu.memref_slice %arg4[%run_scoped3A_166, %arg0, %arg1, %mul3A_165, %dma_wait3A] : memref<2x2x16x256x96xi32, #tpu.memory_space<hbm>> -> memref<1x1x1x8x96xi32, #tpu.memory_space<hbm>>
        %dma_wait3A_225 = tpu.memref_squeeze %dma_wait3A_224 : memref<1x1x1x8x96xi32, #tpu.memory_space<hbm>> -> memref<8x96xi32, #tpu.memory_space<hbm>>
        %dma_wait3A_226 = arith.constant 0 : i32
        %dma_wait3A_227 = tpu.memref_slice %arg4[%run_scoped3A_166, %arg0, %arg1, %mul3A_165, %dma_wait3A_226] : memref<2x2x16x256x96xi32, #tpu.memory_space<hbm>> -> memref<1x1x1x8x96xi32, #tpu.memory_space<hbm>>
        %dma_wait3A_228 = tpu.memref_squeeze %dma_wait3A_227 : memref<1x1x1x8x96xi32, #tpu.memory_space<hbm>> -> memref<8x96xi32, #tpu.memory_space<hbm>>
        tpu.wait_dma2 semaphore(%run_scoped3A_218 : memref<!tpu.dma_semaphore, #tpu.memory_space<semaphore_mem>>) src(%dma_wait3A_228 : memref<8x96xi32, #tpu.memory_space<hbm>>) dst(%arg8 : memref<8x96xi32, #tpu.memory_space<vmem>>)
        tpu.yield
      }) : () -> ()
      %mul3A_167 = arith.constant 8 : i32
      %mul3A_168 = arith.muli %while3A_160, %mul3A_167 : i32
      %lt3A = arith.cmpi slt, %mul3A_168, %select_n3A_114 : i32
      %convert_element_type3A = arith.extui %lt3A : i1 to i32
      %cond3A = arith.constant 0 : i32
      %cond3A_169 = arith.cmpi ne, %convert_element_type3A, %cond3A : i32
      scf.if %cond3A_169 {
        %dma_start3A = arith.constant 0 : i32
        %dma_start3A_218 = arith.constant 0 : i32
        %dma_start3A_219 = arith.constant 0 : i32
        %dma_start3A_220 = tpu.memref_slice %arg7[%dma_start3A, %dma_start3A_219] : memref<8x96xi32, #tpu.memory_space<vmem>> -> memref<1x96xi32, #tpu.memory_space<vmem>>
        %dma_start3A_221 = tpu.memref_squeeze %dma_start3A_220 : memref<1x96xi32, #tpu.memory_space<vmem>> -> memref<96xi32, #tpu.memory_space<vmem>>
        %dma_start3A_222 = arith.constant 0 : i32
        %dma_start3A_223 = arith.constant 0 : i32
        %dma_start3A_224 = tpu.memref_slice %arg12[%dma_start3A_222, %dma_start3A_223] : memref<12808x128xf32, #tpu.memory_space<vmem_shared>> -> memref<12808x128xf32, #tpu.memory_space<vmem_shared>>
        %dma_start3A_225 = tpu.memref_slice %arg13[%dma_start3A_218] : memref<2x!tpu.dma_semaphore, #tpu.memory_space<semaphore_mem>> -> memref<1x!tpu.dma_semaphore, #tpu.memory_space<semaphore_mem>>
        %dma_start3A_226 = tpu.memref_squeeze %dma_start3A_225 : memref<1x!tpu.dma_semaphore, #tpu.memory_space<semaphore_mem>> -> memref<!tpu.dma_semaphore, #tpu.memory_space<semaphore_mem>>
        tpu.enqueue_indirect_dma source(%dma_start3A_224 : memref<12808x128xf32, #tpu.memory_space<vmem_shared>>) target(%arg10 : memref<96x128xf32, #tpu.memory_space<vmem>>) offsets(%dma_start3A_221 : memref<96xi32, #tpu.memory_space<vmem>>) semaphore(%dma_start3A_226 : memref<!tpu.dma_semaphore, #tpu.memory_space<semaphore_mem>>)
      } else {
      }
      %add3A_170 = arith.constant 0 : i32
      %add3A_171 = arith.addi %mul3A_168, %add3A_170 : i32
      %lt3A_172 = arith.cmpi slt, %add3A_171, %select_n3A_114 : i32
      %convert_element_type3A_173 = arith.extui %lt3A_172 : i1 to i32
      %cond3A_174 = arith.constant 0 : i32
      %cond3A_175 = arith.cmpi ne, %convert_element_type3A_173, %cond3A_174 : i32
      scf.if %cond3A_175 {
        %dma_wait3A = arith.constant 0 : i32
        %dma_wait3A_218 = arith.constant 0 : i32
        %dma_wait3A_219 = arith.constant 0 : i32
        %dma_wait3A_220 = tpu.memref_slice %arg2[%dma_wait3A_218, %dma_wait3A_219] : memref<10240x128xf32, #tpu.memory_space<hbm>> -> memref<96x128xf32, #tpu.memory_space<hbm>>
        %dma_wait3A_221 = tpu.memref_slice %arg13[%dma_wait3A] : memref<2x!tpu.dma_semaphore, #tpu.memory_space<semaphore_mem>> -> memref<1x!tpu.dma_semaphore, #tpu.memory_space<semaphore_mem>>
        %dma_wait3A_222 = tpu.memref_squeeze %dma_wait3A_221 : memref<1x!tpu.dma_semaphore, #tpu.memory_space<semaphore_mem>> -> memref<!tpu.dma_semaphore, #tpu.memory_space<semaphore_mem>>
        %dma_wait3A_223 = arith.constant 0 : i32
        %dma_wait3A_224 = arith.constant 0 : i32
        %dma_wait3A_225 = tpu.memref_slice %arg2[%dma_wait3A_223, %dma_wait3A_224] : memref<10240x128xf32, #tpu.memory_space<hbm>> -> memref<96x128xf32, #tpu.memory_space<hbm>>
        tpu.wait_dma2 semaphore(%dma_wait3A_222 : memref<!tpu.dma_semaphore, #tpu.memory_space<semaphore_mem>>) src(%dma_wait3A_225 : memref<96x128xf32, #tpu.memory_space<hbm>>) dst(%arg10 : memref<96x128xf32, #tpu.memory_space<vmem>>)
        %add3A_226 = arith.constant 0 : i32
        %add3A_227 = arith.addi %mul3A_168, %add3A_226 : i32
        %add3A_228 = arith.constant 1 : i32
        %add3A_229 = arith.addi %add3A_227, %add3A_228 : i32
        %lt3A_230 = arith.cmpi slt, %add3A_229, %select_n3A_114 : i32
        %convert_element_type3A_231 = arith.extui %lt3A_230 : i1 to i32
        %cond3A_232 = arith.constant 0 : i32
        %cond3A_233 = arith.cmpi ne, %convert_element_type3A_231, %cond3A_232 : i32
        scf.if %cond3A_233 {
          %dma_start3A = arith.constant 1 : i32
          %dma_start3A_235 = arith.constant 1 : i32
          %dma_start3A_236 = arith.constant 0 : i32
          %dma_start3A_237 = tpu.memref_slice %arg7[%dma_start3A, %dma_start3A_236] : memref<8x96xi32, #tpu.memory_space<vmem>> -> memref<1x96xi32, #tpu.memory_space<vmem>>
          %dma_start3A_238 = tpu.memref_squeeze %dma_start3A_237 : memref<1x96xi32, #tpu.memory_space<vmem>> -> memref<96xi32, #tpu.memory_space<vmem>>
          %dma_start3A_239 = arith.constant 0 : i32
          %dma_start3A_240 = arith.constant 0 : i32
          %dma_start3A_241 = tpu.memref_slice %arg12[%dma_start3A_239, %dma_start3A_240] : memref<12808x128xf32, #tpu.memory_space<vmem_shared>> -> memref<12808x128xf32, #tpu.memory_space<vmem_shared>>
          %dma_start3A_242 = tpu.memref_slice %arg13[%dma_start3A_235] : memref<2x!tpu.dma_semaphore, #tpu.memory_space<semaphore_mem>> -> memref<1x!tpu.dma_semaphore, #tpu.memory_space<semaphore_mem>>
          %dma_start3A_243 = tpu.memref_squeeze %dma_start3A_242 : memref<1x!tpu.dma_semaphore, #tpu.memory_space<semaphore_mem>> -> memref<!tpu.dma_semaphore, #tpu.memory_space<semaphore_mem>>
          tpu.enqueue_indirect_dma source(%dma_start3A_241 : memref<12808x128xf32, #tpu.memory_space<vmem_shared>>) target(%arg11 : memref<96x128xf32, #tpu.memory_space<vmem>>) offsets(%dma_start3A_238 : memref<96xi32, #tpu.memory_space<vmem>>) semaphore(%dma_start3A_243 : memref<!tpu.dma_semaphore, #tpu.memory_space<semaphore_mem>>)
        } else {
        }
        %run_scoped3A_234 = arith.constant 0 : i32
        "tpu.region"() ({
          %run_scoped3A_235 = tpu.sem_alloc : memref<!tpu.dma_semaphore, #tpu.memory_space<semaphore_mem>>
          %dma_start3A = arith.constant 0 : i32
          %dma_start3A_236 = tpu.memref_slice %arg8[%run_scoped3A_234, %dma_start3A] : memref<8x96xi32, #tpu.memory_space<vmem>> -> memref<1x96xi32, #tpu.memory_space<vmem>>
          %dma_start3A_237 = tpu.memref_squeeze %dma_start3A_236 : memref<1x96xi32, #tpu.memory_space<vmem>> -> memref<96xi32, #tpu.memory_space<vmem>>
          %dma_start3A_238 = arith.constant 0 : i32
          %dma_start3A_239 = arith.constant 0 : i32
          %dma_start3A_240 = tpu.memref_slice %arg12[%dma_start3A_238, %dma_start3A_239] : memref<12808x128xf32, #tpu.memory_space<vmem_shared>> -> memref<12808x128xf32, #tpu.memory_space<vmem_shared>>
          tpu.enqueue_indirect_dma source(%arg10 : memref<96x128xf32, #tpu.memory_space<vmem>>) target(%dma_start3A_240 : memref<12808x128xf32, #tpu.memory_space<vmem_shared>>) offsets(%dma_start3A_237 : memref<96xi32, #tpu.memory_space<vmem>>) semaphore(%run_scoped3A_235 : memref<!tpu.dma_semaphore, #tpu.memory_space<semaphore_mem>>) {add = true}
          %dma_wait3A_241 = arith.constant 0 : i32
          %dma_wait3A_242 = tpu.memref_slice %arg8[%run_scoped3A_234, %dma_wait3A_241] : memref<8x96xi32, #tpu.memory_space<vmem>> -> memref<1x96xi32, #tpu.memory_space<vmem>>
          %dma_wait3A_243 = tpu.memref_squeeze %dma_wait3A_242 : memref<1x96xi32, #tpu.memory_space<vmem>> -> memref<96xi32, #tpu.memory_space<vmem>>
          %dma_wait3A_244 = arith.constant 0 : i32
          %dma_wait3A_245 = arith.constant 0 : i32
          %dma_wait3A_246 = tpu.memref_slice %arg12[%dma_wait3A_244, %dma_wait3A_245] : memref<12808x128xf32, #tpu.memory_space<vmem_shared>> -> memref<12808x128xf32, #tpu.memory_space<vmem_shared>>
          tpu.wait_indirect_dma semaphore(%run_scoped3A_235 : memref<!tpu.dma_semaphore, #tpu.memory_space<semaphore_mem>>) src(%arg10 : memref<96x128xf32, #tpu.memory_space<vmem>>) dst(%dma_wait3A_246 : memref<12808x128xf32, #tpu.memory_space<vmem_shared>>)
          tpu.yield
        }) : () -> ()
      } else {
      }
      %add3A_176 = arith.constant 1 : i32
      %add3A_177 = arith.addi %mul3A_168, %add3A_176 : i32
      %lt3A_178 = arith.cmpi slt, %add3A_177, %select_n3A_114 : i32
      %convert_element_type3A_179 = arith.extui %lt3A_178 : i1 to i32
      %cond3A_180 = arith.constant 0 : i32
      %cond3A_181 = arith.cmpi ne, %convert_element_type3A_179, %cond3A_180 : i32
      scf.if %cond3A_181 {
        %dma_wait3A = arith.constant 1 : i32
        %dma_wait3A_218 = arith.constant 0 : i32
        %dma_wait3A_219 = arith.constant 0 : i32
        %dma_wait3A_220 = tpu.memref_slice %arg2[%dma_wait3A_218, %dma_wait3A_219] : memref<10240x128xf32, #tpu.memory_space<hbm>> -> memref<96x128xf32, #tpu.memory_space<hbm>>
        %dma_wait3A_221 = tpu.memref_slice %arg13[%dma_wait3A] : memref<2x!tpu.dma_semaphore, #tpu.memory_space<semaphore_mem>> -> memref<1x!tpu.dma_semaphore, #tpu.memory_space<semaphore_mem>>
        %dma_wait3A_222 = tpu.memref_squeeze %dma_wait3A_221 : memref<1x!tpu.dma_semaphore, #tpu.memory_space<semaphore_mem>> -> memref<!tpu.dma_semaphore, #tpu.memory_space<semaphore_mem>>
        %dma_wait3A_223 = arith.constant 0 : i32
        %dma_wait3A_224 = arith.constant 0 : i32
        %dma_wait3A_225 = tpu.memref_slice %arg2[%dma_wait3A_223, %dma_wait3A_224] : memref<10240x128xf32, #tpu.memory_space<hbm>> -> memref<96x128xf32, #tpu.memory_space<hbm>>
        tpu.wait_dma2 semaphore(%dma_wait3A_222 : memref<!tpu.dma_semaphore, #tpu.memory_space<semaphore_mem>>) src(%dma_wait3A_225 : memref<96x128xf32, #tpu.memory_space<hbm>>) dst(%arg11 : memref<96x128xf32, #tpu.memory_space<vmem>>)
        %add3A_226 = arith.constant 1 : i32
        %add3A_227 = arith.addi %mul3A_168, %add3A_226 : i32
        %add3A_228 = arith.constant 1 : i32
        %add3A_229 = arith.addi %add3A_227, %add3A_228 : i32
        %lt3A_230 = arith.cmpi slt, %add3A_229, %select_n3A_114 : i32
        %convert_element_type3A_231 = arith.extui %lt3A_230 : i1 to i32
        %cond3A_232 = arith.constant 0 : i32
        %cond3A_233 = arith.cmpi ne, %convert_element_type3A_231, %cond3A_232 : i32
        scf.if %cond3A_233 {
          %dma_start3A = arith.constant 2 : i32
          %dma_start3A_235 = arith.constant 0 : i32
          %dma_start3A_236 = arith.constant 0 : i32
          %dma_start3A_237 = tpu.memref_slice %arg7[%dma_start3A, %dma_start3A_236] : memref<8x96xi32, #tpu.memory_space<vmem>> -> memref<1x96xi32, #tpu.memory_space<vmem>>
          %dma_start3A_238 = tpu.memref_squeeze %dma_start3A_237 : memref<1x96xi32, #tpu.memory_space<vmem>> -> memref<96xi32, #tpu.memory_space<vmem>>
          %dma_start3A_239 = arith.constant 0 : i32
          %dma_start3A_240 = arith.constant 0 : i32
          %dma_start3A_241 = tpu.memref_slice %arg12[%dma_start3A_239, %dma_start3A_240] : memref<12808x128xf32, #tpu.memory_space<vmem_shared>> -> memref<12808x128xf32, #tpu.memory_space<vmem_shared>>
          %dma_start3A_242 = tpu.memref_slice %arg13[%dma_start3A_235] : memref<2x!tpu.dma_semaphore, #tpu.memory_space<semaphore_mem>> -> memref<1x!tpu.dma_semaphore, #tpu.memory_space<semaphore_mem>>
          %dma_start3A_243 = tpu.memref_squeeze %dma_start3A_242 : memref<1x!tpu.dma_semaphore, #tpu.memory_space<semaphore_mem>> -> memref<!tpu.dma_semaphore, #tpu.memory_space<semaphore_mem>>
          tpu.enqueue_indirect_dma source(%dma_start3A_241 : memref<12808x128xf32, #tpu.memory_space<vmem_shared>>) target(%arg10 : memref<96x128xf32, #tpu.memory_space<vmem>>) offsets(%dma_start3A_238 : memref<96xi32, #tpu.memory_space<vmem>>) semaphore(%dma_start3A_243 : memref<!tpu.dma_semaphore, #tpu.memory_space<semaphore_mem>>)
        } else {
        }
        %run_scoped3A_234 = arith.constant 1 : i32
        "tpu.region"() ({
          %run_scoped3A_235 = tpu.sem_alloc : memref<!tpu.dma_semaphore, #tpu.memory_space<semaphore_mem>>
          %dma_start3A = arith.constant 0 : i32
          %dma_start3A_236 = tpu.memref_slice %arg8[%run_scoped3A_234, %dma_start3A] : memref<8x96xi32, #tpu.memory_space<vmem>> -> memref<1x96xi32, #tpu.memory_space<vmem>>
          %dma_start3A_237 = tpu.memref_squeeze %dma_start3A_236 : memref<1x96xi32, #tpu.memory_space<vmem>> -> memref<96xi32, #tpu.memory_space<vmem>>
          %dma_start3A_238 = arith.constant 0 : i32
          %dma_start3A_239 = arith.constant 0 : i32
          %dma_start3A_240 = tpu.memref_slice %arg12[%dma_start3A_238, %dma_start3A_239] : memref<12808x128xf32, #tpu.memory_space<vmem_shared>> -> memref<12808x128xf32, #tpu.memory_space<vmem_shared>>
          tpu.enqueue_indirect_dma source(%arg11 : memref<96x128xf32, #tpu.memory_space<vmem>>) target(%dma_start3A_240 : memref<12808x128xf32, #tpu.memory_space<vmem_shared>>) offsets(%dma_start3A_237 : memref<96xi32, #tpu.memory_space<vmem>>) semaphore(%run_scoped3A_235 : memref<!tpu.dma_semaphore, #tpu.memory_space<semaphore_mem>>) {add = true}
          %dma_wait3A_241 = arith.constant 0 : i32
          %dma_wait3A_242 = tpu.memref_slice %arg8[%run_scoped3A_234, %dma_wait3A_241] : memref<8x96xi32, #tpu.memory_space<vmem>> -> memref<1x96xi32, #tpu.memory_space<vmem>>
          %dma_wait3A_243 = tpu.memref_squeeze %dma_wait3A_242 : memref<1x96xi32, #tpu.memory_space<vmem>> -> memref<96xi32, #tpu.memory_space<vmem>>
          %dma_wait3A_244 = arith.constant 0 : i32
          %dma_wait3A_245 = arith.constant 0 : i32
          %dma_wait3A_246 = tpu.memref_slice %arg12[%dma_wait3A_244, %dma_wait3A_245] : memref<12808x128xf32, #tpu.memory_space<vmem_shared>> -> memref<12808x128xf32, #tpu.memory_space<vmem_shared>>
          tpu.wait_indirect_dma semaphore(%run_scoped3A_235 : memref<!tpu.dma_semaphore, #tpu.memory_space<semaphore_mem>>) src(%arg11 : memref<96x128xf32, #tpu.memory_space<vmem>>) dst(%dma_wait3A_246 : memref<12808x128xf32, #tpu.memory_space<vmem_shared>>)
          tpu.yield
        }) : () -> ()
      } else {
      }
      %add3A_182 = arith.constant 2 : i32
      %add3A_183 = arith.addi %mul3A_168, %add3A_182 : i32
      %lt3A_184 = arith.cmpi slt, %add3A_183, %select_n3A_114 : i32
      %convert_element_type3A_185 = arith.extui %lt3A_184 : i1 to i32
      %cond3A_186 = arith.constant 0 : i32
      %cond3A_187 = arith.cmpi ne, %convert_element_type3A_185, %cond3A_186 : i32
      scf.if %cond3A_187 {
        %dma_wait3A = arith.constant 0 : i32
        %dma_wait3A_218 = arith.constant 0 : i32
        %dma_wait3A_219 = arith.constant 0 : i32
        %dma_wait3A_220 = tpu.memref_slice %arg2[%dma_wait3A_218, %dma_wait3A_219] : memref<10240x128xf32, #tpu.memory_space<hbm>> -> memref<96x128xf32, #tpu.memory_space<hbm>>
        %dma_wait3A_221 = tpu.memref_slice %arg13[%dma_wait3A] : memref<2x!tpu.dma_semaphore, #tpu.memory_space<semaphore_mem>> -> memref<1x!tpu.dma_semaphore, #tpu.memory_space<semaphore_mem>>
        %dma_wait3A_222 = tpu.memref_squeeze %dma_wait3A_221 : memref<1x!tpu.dma_semaphore, #tpu.memory_space<semaphore_mem>> -> memref<!tpu.dma_semaphore, #tpu.memory_space<semaphore_mem>>
        %dma_wait3A_223 = arith.constant 0 : i32
        %dma_wait3A_224 = arith.constant 0 : i32
        %dma_wait3A_225 = tpu.memref_slice %arg2[%dma_wait3A_223, %dma_wait3A_224] : memref<10240x128xf32, #tpu.memory_space<hbm>> -> memref<96x128xf32, #tpu.memory_space<hbm>>
        tpu.wait_dma2 semaphore(%dma_wait3A_222 : memref<!tpu.dma_semaphore, #tpu.memory_space<semaphore_mem>>) src(%dma_wait3A_225 : memref<96x128xf32, #tpu.memory_space<hbm>>) dst(%arg10 : memref<96x128xf32, #tpu.memory_space<vmem>>)
        %add3A_226 = arith.constant 2 : i32
        %add3A_227 = arith.addi %mul3A_168, %add3A_226 : i32
        %add3A_228 = arith.constant 1 : i32
        %add3A_229 = arith.addi %add3A_227, %add3A_228 : i32
        %lt3A_230 = arith.cmpi slt, %add3A_229, %select_n3A_114 : i32
        %convert_element_type3A_231 = arith.extui %lt3A_230 : i1 to i32
        %cond3A_232 = arith.constant 0 : i32
        %cond3A_233 = arith.cmpi ne, %convert_element_type3A_231, %cond3A_232 : i32
        scf.if %cond3A_233 {
          %dma_start3A = arith.constant 3 : i32
          %dma_start3A_235 = arith.constant 1 : i32
          %dma_start3A_236 = arith.constant 0 : i32
          %dma_start3A_237 = tpu.memref_slice %arg7[%dma_start3A, %dma_start3A_236] : memref<8x96xi32, #tpu.memory_space<vmem>> -> memref<1x96xi32, #tpu.memory_space<vmem>>
          %dma_start3A_238 = tpu.memref_squeeze %dma_start3A_237 : memref<1x96xi32, #tpu.memory_space<vmem>> -> memref<96xi32, #tpu.memory_space<vmem>>
          %dma_start3A_239 = arith.constant 0 : i32
          %dma_start3A_240 = arith.constant 0 : i32
          %dma_start3A_241 = tpu.memref_slice %arg12[%dma_start3A_239, %dma_start3A_240] : memref<12808x128xf32, #tpu.memory_space<vmem_shared>> -> memref<12808x128xf32, #tpu.memory_space<vmem_shared>>
          %dma_start3A_242 = tpu.memref_slice %arg13[%dma_start3A_235] : memref<2x!tpu.dma_semaphore, #tpu.memory_space<semaphore_mem>> -> memref<1x!tpu.dma_semaphore, #tpu.memory_space<semaphore_mem>>
          %dma_start3A_243 = tpu.memref_squeeze %dma_start3A_242 : memref<1x!tpu.dma_semaphore, #tpu.memory_space<semaphore_mem>> -> memref<!tpu.dma_semaphore, #tpu.memory_space<semaphore_mem>>
          tpu.enqueue_indirect_dma source(%dma_start3A_241 : memref<12808x128xf32, #tpu.memory_space<vmem_shared>>) target(%arg11 : memref<96x128xf32, #tpu.memory_space<vmem>>) offsets(%dma_start3A_238 : memref<96xi32, #tpu.memory_space<vmem>>) semaphore(%dma_start3A_243 : memref<!tpu.dma_semaphore, #tpu.memory_space<semaphore_mem>>)
        } else {
        }
        %run_scoped3A_234 = arith.constant 2 : i32
        "tpu.region"() ({
          %run_scoped3A_235 = tpu.sem_alloc : memref<!tpu.dma_semaphore, #tpu.memory_space<semaphore_mem>>
          %dma_start3A = arith.constant 0 : i32
          %dma_start3A_236 = tpu.memref_slice %arg8[%run_scoped3A_234, %dma_start3A] : memref<8x96xi32, #tpu.memory_space<vmem>> -> memref<1x96xi32, #tpu.memory_space<vmem>>
          %dma_start3A_237 = tpu.memref_squeeze %dma_start3A_236 : memref<1x96xi32, #tpu.memory_space<vmem>> -> memref<96xi32, #tpu.memory_space<vmem>>
          %dma_start3A_238 = arith.constant 0 : i32
          %dma_start3A_239 = arith.constant 0 : i32
          %dma_start3A_240 = tpu.memref_slice %arg12[%dma_start3A_238, %dma_start3A_239] : memref<12808x128xf32, #tpu.memory_space<vmem_shared>> -> memref<12808x128xf32, #tpu.memory_space<vmem_shared>>
          tpu.enqueue_indirect_dma source(%arg10 : memref<96x128xf32, #tpu.memory_space<vmem>>) target(%dma_start3A_240 : memref<12808x128xf32, #tpu.memory_space<vmem_shared>>) offsets(%dma_start3A_237 : memref<96xi32, #tpu.memory_space<vmem>>) semaphore(%run_scoped3A_235 : memref<!tpu.dma_semaphore, #tpu.memory_space<semaphore_mem>>) {add = true}
          %dma_wait3A_241 = arith.constant 0 : i32
          %dma_wait3A_242 = tpu.memref_slice %arg8[%run_scoped3A_234, %dma_wait3A_241] : memref<8x96xi32, #tpu.memory_space<vmem>> -> memref<1x96xi32, #tpu.memory_space<vmem>>
          %dma_wait3A_243 = tpu.memref_squeeze %dma_wait3A_242 : memref<1x96xi32, #tpu.memory_space<vmem>> -> memref<96xi32, #tpu.memory_space<vmem>>
          %dma_wait3A_244 = arith.constant 0 : i32
          %dma_wait3A_245 = arith.constant 0 : i32
          %dma_wait3A_246 = tpu.memref_slice %arg12[%dma_wait3A_244, %dma_wait3A_245] : memref<12808x128xf32, #tpu.memory_space<vmem_shared>> -> memref<12808x128xf32, #tpu.memory_space<vmem_shared>>
          tpu.wait_indirect_dma semaphore(%run_scoped3A_235 : memref<!tpu.dma_semaphore, #tpu.memory_space<semaphore_mem>>) src(%arg10 : memref<96x128xf32, #tpu.memory_space<vmem>>) dst(%dma_wait3A_246 : memref<12808x128xf32, #tpu.memory_space<vmem_shared>>)
          tpu.yield
        }) : () -> ()
      } else {
      }
      %add3A_188 = arith.constant 3 : i32
      %add3A_189 = arith.addi %mul3A_168, %add3A_188 : i32
      %lt3A_190 = arith.cmpi slt, %add3A_189, %select_n3A_114 : i32
      %convert_element_type3A_191 = arith.extui %lt3A_190 : i1 to i32
      %cond3A_192 = arith.constant 0 : i32
      %cond3A_193 = arith.cmpi ne, %convert_element_type3A_191, %cond3A_192 : i32
      scf.if %cond3A_193 {
        %dma_wait3A = arith.constant 1 : i32
        %dma_wait3A_218 = arith.constant 0 : i32
        %dma_wait3A_219 = arith.constant 0 : i32
        %dma_wait3A_220 = tpu.memref_slice %arg2[%dma_wait3A_218, %dma_wait3A_219] : memref<10240x128xf32, #tpu.memory_space<hbm>> -> memref<96x128xf32, #tpu.memory_space<hbm>>
        %dma_wait3A_221 = tpu.memref_slice %arg13[%dma_wait3A] : memref<2x!tpu.dma_semaphore, #tpu.memory_space<semaphore_mem>> -> memref<1x!tpu.dma_semaphore, #tpu.memory_space<semaphore_mem>>
        %dma_wait3A_222 = tpu.memref_squeeze %dma_wait3A_221 : memref<1x!tpu.dma_semaphore, #tpu.memory_space<semaphore_mem>> -> memref<!tpu.dma_semaphore, #tpu.memory_space<semaphore_mem>>
        %dma_wait3A_223 = arith.constant 0 : i32
        %dma_wait3A_224 = arith.constant 0 : i32
        %dma_wait3A_225 = tpu.memref_slice %arg2[%dma_wait3A_223, %dma_wait3A_224] : memref<10240x128xf32, #tpu.memory_space<hbm>> -> memref<96x128xf32, #tpu.memory_space<hbm>>
        tpu.wait_dma2 semaphore(%dma_wait3A_222 : memref<!tpu.dma_semaphore, #tpu.memory_space<semaphore_mem>>) src(%dma_wait3A_225 : memref<96x128xf32, #tpu.memory_space<hbm>>) dst(%arg11 : memref<96x128xf32, #tpu.memory_space<vmem>>)
        %add3A_226 = arith.constant 3 : i32
        %add3A_227 = arith.addi %mul3A_168, %add3A_226 : i32
        %add3A_228 = arith.constant 1 : i32
        %add3A_229 = arith.addi %add3A_227, %add3A_228 : i32
        %lt3A_230 = arith.cmpi slt, %add3A_229, %select_n3A_114 : i32
        %convert_element_type3A_231 = arith.extui %lt3A_230 : i1 to i32
        %cond3A_232 = arith.constant 0 : i32
        %cond3A_233 = arith.cmpi ne, %convert_element_type3A_231, %cond3A_232 : i32
        scf.if %cond3A_233 {
          %dma_start3A = arith.constant 4 : i32
          %dma_start3A_235 = arith.constant 0 : i32
          %dma_start3A_236 = arith.constant 0 : i32
          %dma_start3A_237 = tpu.memref_slice %arg7[%dma_start3A, %dma_start3A_236] : memref<8x96xi32, #tpu.memory_space<vmem>> -> memref<1x96xi32, #tpu.memory_space<vmem>>
          %dma_start3A_238 = tpu.memref_squeeze %dma_start3A_237 : memref<1x96xi32, #tpu.memory_space<vmem>> -> memref<96xi32, #tpu.memory_space<vmem>>
          %dma_start3A_239 = arith.constant 0 : i32
          %dma_start3A_240 = arith.constant 0 : i32
          %dma_start3A_241 = tpu.memref_slice %arg12[%dma_start3A_239, %dma_start3A_240] : memref<12808x128xf32, #tpu.memory_space<vmem_shared>> -> memref<12808x128xf32, #tpu.memory_space<vmem_shared>>
          %dma_start3A_242 = tpu.memref_slice %arg13[%dma_start3A_235] : memref<2x!tpu.dma_semaphore, #tpu.memory_space<semaphore_mem>> -> memref<1x!tpu.dma_semaphore, #tpu.memory_space<semaphore_mem>>
          %dma_start3A_243 = tpu.memref_squeeze %dma_start3A_242 : memref<1x!tpu.dma_semaphore, #tpu.memory_space<semaphore_mem>> -> memref<!tpu.dma_semaphore, #tpu.memory_space<semaphore_mem>>
          tpu.enqueue_indirect_dma source(%dma_start3A_241 : memref<12808x128xf32, #tpu.memory_space<vmem_shared>>) target(%arg10 : memref<96x128xf32, #tpu.memory_space<vmem>>) offsets(%dma_start3A_238 : memref<96xi32, #tpu.memory_space<vmem>>) semaphore(%dma_start3A_243 : memref<!tpu.dma_semaphore, #tpu.memory_space<semaphore_mem>>)
        } else {
        }
        %run_scoped3A_234 = arith.constant 3 : i32
        "tpu.region"() ({
          %run_scoped3A_235 = tpu.sem_alloc : memref<!tpu.dma_semaphore, #tpu.memory_space<semaphore_mem>>
          %dma_start3A = arith.constant 0 : i32
          %dma_start3A_236 = tpu.memref_slice %arg8[%run_scoped3A_234, %dma_start3A] : memref<8x96xi32, #tpu.memory_space<vmem>> -> memref<1x96xi32, #tpu.memory_space<vmem>>
          %dma_start3A_237 = tpu.memref_squeeze %dma_start3A_236 : memref<1x96xi32, #tpu.memory_space<vmem>> -> memref<96xi32, #tpu.memory_space<vmem>>
          %dma_start3A_238 = arith.constant 0 : i32
          %dma_start3A_239 = arith.constant 0 : i32
          %dma_start3A_240 = tpu.memref_slice %arg12[%dma_start3A_238, %dma_start3A_239] : memref<12808x128xf32, #tpu.memory_space<vmem_shared>> -> memref<12808x128xf32, #tpu.memory_space<vmem_shared>>
          tpu.enqueue_indirect_dma source(%arg11 : memref<96x128xf32, #tpu.memory_space<vmem>>) target(%dma_start3A_240 : memref<12808x128xf32, #tpu.memory_space<vmem_shared>>) offsets(%dma_start3A_237 : memref<96xi32, #tpu.memory_space<vmem>>) semaphore(%run_scoped3A_235 : memref<!tpu.dma_semaphore, #tpu.memory_space<semaphore_mem>>) {add = true}
          %dma_wait3A_241 = arith.constant 0 : i32
          %dma_wait3A_242 = tpu.memref_slice %arg8[%run_scoped3A_234, %dma_wait3A_241] : memref<8x96xi32, #tpu.memory_space<vmem>> -> memref<1x96xi32, #tpu.memory_space<vmem>>
          %dma_wait3A_243 = tpu.memref_squeeze %dma_wait3A_242 : memref<1x96xi32, #tpu.memory_space<vmem>> -> memref<96xi32, #tpu.memory_space<vmem>>
          %dma_wait3A_244 = arith.constant 0 : i32
          %dma_wait3A_245 = arith.constant 0 : i32
          %dma_wait3A_246 = tpu.memref_slice %arg12[%dma_wait3A_244, %dma_wait3A_245] : memref<12808x128xf32, #tpu.memory_space<vmem_shared>> -> memref<12808x128xf32, #tpu.memory_space<vmem_shared>>
          tpu.wait_indirect_dma semaphore(%run_scoped3A_235 : memref<!tpu.dma_semaphore, #tpu.memory_space<semaphore_mem>>) src(%arg11 : memref<96x128xf32, #tpu.memory_space<vmem>>) dst(%dma_wait3A_246 : memref<12808x128xf32, #tpu.memory_space<vmem_shared>>)
          tpu.yield
        }) : () -> ()
      } else {
      }
      %add3A_194 = arith.constant 4 : i32
      %add3A_195 = arith.addi %mul3A_168, %add3A_194 : i32
      %lt3A_196 = arith.cmpi slt, %add3A_195, %select_n3A_114 : i32
      %convert_element_type3A_197 = arith.extui %lt3A_196 : i1 to i32
      %cond3A_198 = arith.constant 0 : i32
      %cond3A_199 = arith.cmpi ne, %convert_element_type3A_197, %cond3A_198 : i32
      scf.if %cond3A_199 {
        %dma_wait3A = arith.constant 0 : i32
        %dma_wait3A_218 = arith.constant 0 : i32
        %dma_wait3A_219 = arith.constant 0 : i32
        %dma_wait3A_220 = tpu.memref_slice %arg2[%dma_wait3A_218, %dma_wait3A_219] : memref<10240x128xf32, #tpu.memory_space<hbm>> -> memref<96x128xf32, #tpu.memory_space<hbm>>
        %dma_wait3A_221 = tpu.memref_slice %arg13[%dma_wait3A] : memref<2x!tpu.dma_semaphore, #tpu.memory_space<semaphore_mem>> -> memref<1x!tpu.dma_semaphore, #tpu.memory_space<semaphore_mem>>
        %dma_wait3A_222 = tpu.memref_squeeze %dma_wait3A_221 : memref<1x!tpu.dma_semaphore, #tpu.memory_space<semaphore_mem>> -> memref<!tpu.dma_semaphore, #tpu.memory_space<semaphore_mem>>
        %dma_wait3A_223 = arith.constant 0 : i32
        %dma_wait3A_224 = arith.constant 0 : i32
        %dma_wait3A_225 = tpu.memref_slice %arg2[%dma_wait3A_223, %dma_wait3A_224] : memref<10240x128xf32, #tpu.memory_space<hbm>> -> memref<96x128xf32, #tpu.memory_space<hbm>>
        tpu.wait_dma2 semaphore(%dma_wait3A_222 : memref<!tpu.dma_semaphore, #tpu.memory_space<semaphore_mem>>) src(%dma_wait3A_225 : memref<96x128xf32, #tpu.memory_space<hbm>>) dst(%arg10 : memref<96x128xf32, #tpu.memory_space<vmem>>)
        %add3A_226 = arith.constant 4 : i32
        %add3A_227 = arith.addi %mul3A_168, %add3A_226 : i32
        %add3A_228 = arith.constant 1 : i32
        %add3A_229 = arith.addi %add3A_227, %add3A_228 : i32
        %lt3A_230 = arith.cmpi slt, %add3A_229, %select_n3A_114 : i32
        %convert_element_type3A_231 = arith.extui %lt3A_230 : i1 to i32
        %cond3A_232 = arith.constant 0 : i32
        %cond3A_233 = arith.cmpi ne, %convert_element_type3A_231, %cond3A_232 : i32
        scf.if %cond3A_233 {
          %dma_start3A = arith.constant 5 : i32
          %dma_start3A_235 = arith.constant 1 : i32
          %dma_start3A_236 = arith.constant 0 : i32
          %dma_start3A_237 = tpu.memref_slice %arg7[%dma_start3A, %dma_start3A_236] : memref<8x96xi32, #tpu.memory_space<vmem>> -> memref<1x96xi32, #tpu.memory_space<vmem>>
          %dma_start3A_238 = tpu.memref_squeeze %dma_start3A_237 : memref<1x96xi32, #tpu.memory_space<vmem>> -> memref<96xi32, #tpu.memory_space<vmem>>
          %dma_start3A_239 = arith.constant 0 : i32
          %dma_start3A_240 = arith.constant 0 : i32
          %dma_start3A_241 = tpu.memref_slice %arg12[%dma_start3A_239, %dma_start3A_240] : memref<12808x128xf32, #tpu.memory_space<vmem_shared>> -> memref<12808x128xf32, #tpu.memory_space<vmem_shared>>
          %dma_start3A_242 = tpu.memref_slice %arg13[%dma_start3A_235] : memref<2x!tpu.dma_semaphore, #tpu.memory_space<semaphore_mem>> -> memref<1x!tpu.dma_semaphore, #tpu.memory_space<semaphore_mem>>
          %dma_start3A_243 = tpu.memref_squeeze %dma_start3A_242 : memref<1x!tpu.dma_semaphore, #tpu.memory_space<semaphore_mem>> -> memref<!tpu.dma_semaphore, #tpu.memory_space<semaphore_mem>>
          tpu.enqueue_indirect_dma source(%dma_start3A_241 : memref<12808x128xf32, #tpu.memory_space<vmem_shared>>) target(%arg11 : memref<96x128xf32, #tpu.memory_space<vmem>>) offsets(%dma_start3A_238 : memref<96xi32, #tpu.memory_space<vmem>>) semaphore(%dma_start3A_243 : memref<!tpu.dma_semaphore, #tpu.memory_space<semaphore_mem>>)
        } else {
        }
        %run_scoped3A_234 = arith.constant 4 : i32
        "tpu.region"() ({
          %run_scoped3A_235 = tpu.sem_alloc : memref<!tpu.dma_semaphore, #tpu.memory_space<semaphore_mem>>
          %dma_start3A = arith.constant 0 : i32
          %dma_start3A_236 = tpu.memref_slice %arg8[%run_scoped3A_234, %dma_start3A] : memref<8x96xi32, #tpu.memory_space<vmem>> -> memref<1x96xi32, #tpu.memory_space<vmem>>
          %dma_start3A_237 = tpu.memref_squeeze %dma_start3A_236 : memref<1x96xi32, #tpu.memory_space<vmem>> -> memref<96xi32, #tpu.memory_space<vmem>>
          %dma_start3A_238 = arith.constant 0 : i32
          %dma_start3A_239 = arith.constant 0 : i32
          %dma_start3A_240 = tpu.memref_slice %arg12[%dma_start3A_238, %dma_start3A_239] : memref<12808x128xf32, #tpu.memory_space<vmem_shared>> -> memref<12808x128xf32, #tpu.memory_space<vmem_shared>>
          tpu.enqueue_indirect_dma source(%arg10 : memref<96x128xf32, #tpu.memory_space<vmem>>) target(%dma_start3A_240 : memref<12808x128xf32, #tpu.memory_space<vmem_shared>>) offsets(%dma_start3A_237 : memref<96xi32, #tpu.memory_space<vmem>>) semaphore(%run_scoped3A_235 : memref<!tpu.dma_semaphore, #tpu.memory_space<semaphore_mem>>) {add = true}
          %dma_wait3A_241 = arith.constant 0 : i32
          %dma_wait3A_242 = tpu.memref_slice %arg8[%run_scoped3A_234, %dma_wait3A_241] : memref<8x96xi32, #tpu.memory_space<vmem>> -> memref<1x96xi32, #tpu.memory_space<vmem>>
          %dma_wait3A_243 = tpu.memref_squeeze %dma_wait3A_242 : memref<1x96xi32, #tpu.memory_space<vmem>> -> memref<96xi32, #tpu.memory_space<vmem>>
          %dma_wait3A_244 = arith.constant 0 : i32
          %dma_wait3A_245 = arith.constant 0 : i32
          %dma_wait3A_246 = tpu.memref_slice %arg12[%dma_wait3A_244, %dma_wait3A_245] : memref<12808x128xf32, #tpu.memory_space<vmem_shared>> -> memref<12808x128xf32, #tpu.memory_space<vmem_shared>>
          tpu.wait_indirect_dma semaphore(%run_scoped3A_235 : memref<!tpu.dma_semaphore, #tpu.memory_space<semaphore_mem>>) src(%arg10 : memref<96x128xf32, #tpu.memory_space<vmem>>) dst(%dma_wait3A_246 : memref<12808x128xf32, #tpu.memory_space<vmem_shared>>)
          tpu.yield
        }) : () -> ()
      } else {
      }
      %add3A_200 = arith.constant 5 : i32
      %add3A_201 = arith.addi %mul3A_168, %add3A_200 : i32
      %lt3A_202 = arith.cmpi slt, %add3A_201, %select_n3A_114 : i32
      %convert_element_type3A_203 = arith.extui %lt3A_202 : i1 to i32
      %cond3A_204 = arith.constant 0 : i32
      %cond3A_205 = arith.cmpi ne, %convert_element_type3A_203, %cond3A_204 : i32
      scf.if %cond3A_205 {
        %dma_wait3A = arith.constant 1 : i32
        %dma_wait3A_218 = arith.constant 0 : i32
        %dma_wait3A_219 = arith.constant 0 : i32
        %dma_wait3A_220 = tpu.memref_slice %arg2[%dma_wait3A_218, %dma_wait3A_219] : memref<10240x128xf32, #tpu.memory_space<hbm>> -> memref<96x128xf32, #tpu.memory_space<hbm>>
        %dma_wait3A_221 = tpu.memref_slice %arg13[%dma_wait3A] : memref<2x!tpu.dma_semaphore, #tpu.memory_space<semaphore_mem>> -> memref<1x!tpu.dma_semaphore, #tpu.memory_space<semaphore_mem>>
        %dma_wait3A_222 = tpu.memref_squeeze %dma_wait3A_221 : memref<1x!tpu.dma_semaphore, #tpu.memory_space<semaphore_mem>> -> memref<!tpu.dma_semaphore, #tpu.memory_space<semaphore_mem>>
        %dma_wait3A_223 = arith.constant 0 : i32
        %dma_wait3A_224 = arith.constant 0 : i32
        %dma_wait3A_225 = tpu.memref_slice %arg2[%dma_wait3A_223, %dma_wait3A_224] : memref<10240x128xf32, #tpu.memory_space<hbm>> -> memref<96x128xf32, #tpu.memory_space<hbm>>
        tpu.wait_dma2 semaphore(%dma_wait3A_222 : memref<!tpu.dma_semaphore, #tpu.memory_space<semaphore_mem>>) src(%dma_wait3A_225 : memref<96x128xf32, #tpu.memory_space<hbm>>) dst(%arg11 : memref<96x128xf32, #tpu.memory_space<vmem>>)
        %add3A_226 = arith.constant 5 : i32
        %add3A_227 = arith.addi %mul3A_168, %add3A_226 : i32
        %add3A_228 = arith.constant 1 : i32
        %add3A_229 = arith.addi %add3A_227, %add3A_228 : i32
        %lt3A_230 = arith.cmpi slt, %add3A_229, %select_n3A_114 : i32
        %convert_element_type3A_231 = arith.extui %lt3A_230 : i1 to i32
        %cond3A_232 = arith.constant 0 : i32
        %cond3A_233 = arith.cmpi ne, %convert_element_type3A_231, %cond3A_232 : i32
        scf.if %cond3A_233 {
          %dma_start3A = arith.constant 6 : i32
          %dma_start3A_235 = arith.constant 0 : i32
          %dma_start3A_236 = arith.constant 0 : i32
          %dma_start3A_237 = tpu.memref_slice %arg7[%dma_start3A, %dma_start3A_236] : memref<8x96xi32, #tpu.memory_space<vmem>> -> memref<1x96xi32, #tpu.memory_space<vmem>>
          %dma_start3A_238 = tpu.memref_squeeze %dma_start3A_237 : memref<1x96xi32, #tpu.memory_space<vmem>> -> memref<96xi32, #tpu.memory_space<vmem>>
          %dma_start3A_239 = arith.constant 0 : i32
          %dma_start3A_240 = arith.constant 0 : i32
          %dma_start3A_241 = tpu.memref_slice %arg12[%dma_start3A_239, %dma_start3A_240] : memref<12808x128xf32, #tpu.memory_space<vmem_shared>> -> memref<12808x128xf32, #tpu.memory_space<vmem_shared>>
          %dma_start3A_242 = tpu.memref_slice %arg13[%dma_start3A_235] : memref<2x!tpu.dma_semaphore, #tpu.memory_space<semaphore_mem>> -> memref<1x!tpu.dma_semaphore, #tpu.memory_space<semaphore_mem>>
          %dma_start3A_243 = tpu.memref_squeeze %dma_start3A_242 : memref<1x!tpu.dma_semaphore, #tpu.memory_space<semaphore_mem>> -> memref<!tpu.dma_semaphore, #tpu.memory_space<semaphore_mem>>
          tpu.enqueue_indirect_dma source(%dma_start3A_241 : memref<12808x128xf32, #tpu.memory_space<vmem_shared>>) target(%arg10 : memref<96x128xf32, #tpu.memory_space<vmem>>) offsets(%dma_start3A_238 : memref<96xi32, #tpu.memory_space<vmem>>) semaphore(%dma_start3A_243 : memref<!tpu.dma_semaphore, #tpu.memory_space<semaphore_mem>>)
        } else {
        }
        %run_scoped3A_234 = arith.constant 5 : i32
        "tpu.region"() ({
          %run_scoped3A_235 = tpu.sem_alloc : memref<!tpu.dma_semaphore, #tpu.memory_space<semaphore_mem>>
          %dma_start3A = arith.constant 0 : i32
          %dma_start3A_236 = tpu.memref_slice %arg8[%run_scoped3A_234, %dma_start3A] : memref<8x96xi32, #tpu.memory_space<vmem>> -> memref<1x96xi32, #tpu.memory_space<vmem>>
          %dma_start3A_237 = tpu.memref_squeeze %dma_start3A_236 : memref<1x96xi32, #tpu.memory_space<vmem>> -> memref<96xi32, #tpu.memory_space<vmem>>
          %dma_start3A_238 = arith.constant 0 : i32
          %dma_start3A_239 = arith.constant 0 : i32
          %dma_start3A_240 = tpu.memref_slice %arg12[%dma_start3A_238, %dma_start3A_239] : memref<12808x128xf32, #tpu.memory_space<vmem_shared>> -> memref<12808x128xf32, #tpu.memory_space<vmem_shared>>
          tpu.enqueue_indirect_dma source(%arg11 : memref<96x128xf32, #tpu.memory_space<vmem>>) target(%dma_start3A_240 : memref<12808x128xf32, #tpu.memory_space<vmem_shared>>) offsets(%dma_start3A_237 : memref<96xi32, #tpu.memory_space<vmem>>) semaphore(%run_scoped3A_235 : memref<!tpu.dma_semaphore, #tpu.memory_space<semaphore_mem>>) {add = true}
          %dma_wait3A_241 = arith.constant 0 : i32
          %dma_wait3A_242 = tpu.memref_slice %arg8[%run_scoped3A_234, %dma_wait3A_241] : memref<8x96xi32, #tpu.memory_space<vmem>> -> memref<1x96xi32, #tpu.memory_space<vmem>>
          %dma_wait3A_243 = tpu.memref_squeeze %dma_wait3A_242 : memref<1x96xi32, #tpu.memory_space<vmem>> -> memref<96xi32, #tpu.memory_space<vmem>>
          %dma_wait3A_244 = arith.constant 0 : i32
          %dma_wait3A_245 = arith.constant 0 : i32
          %dma_wait3A_246 = tpu.memref_slice %arg12[%dma_wait3A_244, %dma_wait3A_245] : memref<12808x128xf32, #tpu.memory_space<vmem_shared>> -> memref<12808x128xf32, #tpu.memory_space<vmem_shared>>
          tpu.wait_indirect_dma semaphore(%run_scoped3A_235 : memref<!tpu.dma_semaphore, #tpu.memory_space<semaphore_mem>>) src(%arg11 : memref<96x128xf32, #tpu.memory_space<vmem>>) dst(%dma_wait3A_246 : memref<12808x128xf32, #tpu.memory_space<vmem_shared>>)
          tpu.yield
        }) : () -> ()
      } else {
      }
      %add3A_206 = arith.constant 6 : i32
      %add3A_207 = arith.addi %mul3A_168, %add3A_206 : i32
      %lt3A_208 = arith.cmpi slt, %add3A_207, %select_n3A_114 : i32
      %convert_element_type3A_209 = arith.extui %lt3A_208 : i1 to i32
      %cond3A_210 = arith.constant 0 : i32
      %cond3A_211 = arith.cmpi ne, %convert_element_type3A_209, %cond3A_210 : i32
      scf.if %cond3A_211 {
        %dma_wait3A = arith.constant 0 : i32
        %dma_wait3A_218 = arith.constant 0 : i32
        %dma_wait3A_219 = arith.constant 0 : i32
        %dma_wait3A_220 = tpu.memref_slice %arg2[%dma_wait3A_218, %dma_wait3A_219] : memref<10240x128xf32, #tpu.memory_space<hbm>> -> memref<96x128xf32, #tpu.memory_space<hbm>>
        %dma_wait3A_221 = tpu.memref_slice %arg13[%dma_wait3A] : memref<2x!tpu.dma_semaphore, #tpu.memory_space<semaphore_mem>> -> memref<1x!tpu.dma_semaphore, #tpu.memory_space<semaphore_mem>>
        %dma_wait3A_222 = tpu.memref_squeeze %dma_wait3A_221 : memref<1x!tpu.dma_semaphore, #tpu.memory_space<semaphore_mem>> -> memref<!tpu.dma_semaphore, #tpu.memory_space<semaphore_mem>>
        %dma_wait3A_223 = arith.constant 0 : i32
        %dma_wait3A_224 = arith.constant 0 : i32
        %dma_wait3A_225 = tpu.memref_slice %arg2[%dma_wait3A_223, %dma_wait3A_224] : memref<10240x128xf32, #tpu.memory_space<hbm>> -> memref<96x128xf32, #tpu.memory_space<hbm>>
        tpu.wait_dma2 semaphore(%dma_wait3A_222 : memref<!tpu.dma_semaphore, #tpu.memory_space<semaphore_mem>>) src(%dma_wait3A_225 : memref<96x128xf32, #tpu.memory_space<hbm>>) dst(%arg10 : memref<96x128xf32, #tpu.memory_space<vmem>>)
        %add3A_226 = arith.constant 6 : i32
        %add3A_227 = arith.addi %mul3A_168, %add3A_226 : i32
        %add3A_228 = arith.constant 1 : i32
        %add3A_229 = arith.addi %add3A_227, %add3A_228 : i32
        %lt3A_230 = arith.cmpi slt, %add3A_229, %select_n3A_114 : i32
        %convert_element_type3A_231 = arith.extui %lt3A_230 : i1 to i32
        %cond3A_232 = arith.constant 0 : i32
        %cond3A_233 = arith.cmpi ne, %convert_element_type3A_231, %cond3A_232 : i32
        scf.if %cond3A_233 {
          %dma_start3A = arith.constant 7 : i32
          %dma_start3A_235 = arith.constant 1 : i32
          %dma_start3A_236 = arith.constant 0 : i32
          %dma_start3A_237 = tpu.memref_slice %arg7[%dma_start3A, %dma_start3A_236] : memref<8x96xi32, #tpu.memory_space<vmem>> -> memref<1x96xi32, #tpu.memory_space<vmem>>
          %dma_start3A_238 = tpu.memref_squeeze %dma_start3A_237 : memref<1x96xi32, #tpu.memory_space<vmem>> -> memref<96xi32, #tpu.memory_space<vmem>>
          %dma_start3A_239 = arith.constant 0 : i32
          %dma_start3A_240 = arith.constant 0 : i32
          %dma_start3A_241 = tpu.memref_slice %arg12[%dma_start3A_239, %dma_start3A_240] : memref<12808x128xf32, #tpu.memory_space<vmem_shared>> -> memref<12808x128xf32, #tpu.memory_space<vmem_shared>>
          %dma_start3A_242 = tpu.memref_slice %arg13[%dma_start3A_235] : memref<2x!tpu.dma_semaphore, #tpu.memory_space<semaphore_mem>> -> memref<1x!tpu.dma_semaphore, #tpu.memory_space<semaphore_mem>>
          %dma_start3A_243 = tpu.memref_squeeze %dma_start3A_242 : memref<1x!tpu.dma_semaphore, #tpu.memory_space<semaphore_mem>> -> memref<!tpu.dma_semaphore, #tpu.memory_space<semaphore_mem>>
          tpu.enqueue_indirect_dma source(%dma_start3A_241 : memref<12808x128xf32, #tpu.memory_space<vmem_shared>>) target(%arg11 : memref<96x128xf32, #tpu.memory_space<vmem>>) offsets(%dma_start3A_238 : memref<96xi32, #tpu.memory_space<vmem>>) semaphore(%dma_start3A_243 : memref<!tpu.dma_semaphore, #tpu.memory_space<semaphore_mem>>)
        } else {
        }
        %run_scoped3A_234 = arith.constant 6 : i32
        "tpu.region"() ({
          %run_scoped3A_235 = tpu.sem_alloc : memref<!tpu.dma_semaphore, #tpu.memory_space<semaphore_mem>>
          %dma_start3A = arith.constant 0 : i32
          %dma_start3A_236 = tpu.memref_slice %arg8[%run_scoped3A_234, %dma_start3A] : memref<8x96xi32, #tpu.memory_space<vmem>> -> memref<1x96xi32, #tpu.memory_space<vmem>>
          %dma_start3A_237 = tpu.memref_squeeze %dma_start3A_236 : memref<1x96xi32, #tpu.memory_space<vmem>> -> memref<96xi32, #tpu.memory_space<vmem>>
          %dma_start3A_238 = arith.constant 0 : i32
          %dma_start3A_239 = arith.constant 0 : i32
          %dma_start3A_240 = tpu.memref_slice %arg12[%dma_start3A_238, %dma_start3A_239] : memref<12808x128xf32, #tpu.memory_space<vmem_shared>> -> memref<12808x128xf32, #tpu.memory_space<vmem_shared>>
          tpu.enqueue_indirect_dma source(%arg10 : memref<96x128xf32, #tpu.memory_space<vmem>>) target(%dma_start3A_240 : memref<12808x128xf32, #tpu.memory_space<vmem_shared>>) offsets(%dma_start3A_237 : memref<96xi32, #tpu.memory_space<vmem>>) semaphore(%run_scoped3A_235 : memref<!tpu.dma_semaphore, #tpu.memory_space<semaphore_mem>>) {add = true}
          %dma_wait3A_241 = arith.constant 0 : i32
          %dma_wait3A_242 = tpu.memref_slice %arg8[%run_scoped3A_234, %dma_wait3A_241] : memref<8x96xi32, #tpu.memory_space<vmem>> -> memref<1x96xi32, #tpu.memory_space<vmem>>
          %dma_wait3A_243 = tpu.memref_squeeze %dma_wait3A_242 : memref<1x96xi32, #tpu.memory_space<vmem>> -> memref<96xi32, #tpu.memory_space<vmem>>
          %dma_wait3A_244 = arith.constant 0 : i32
          %dma_wait3A_245 = arith.constant 0 : i32
          %dma_wait3A_246 = tpu.memref_slice %arg12[%dma_wait3A_244, %dma_wait3A_245] : memref<12808x128xf32, #tpu.memory_space<vmem_shared>> -> memref<12808x128xf32, #tpu.memory_space<vmem_shared>>
          tpu.wait_indirect_dma semaphore(%run_scoped3A_235 : memref<!tpu.dma_semaphore, #tpu.memory_space<semaphore_mem>>) src(%arg10 : memref<96x128xf32, #tpu.memory_space<vmem>>) dst(%dma_wait3A_246 : memref<12808x128xf32, #tpu.memory_space<vmem_shared>>)
          tpu.yield
        }) : () -> ()
      } else {
      }
      %add3A_212 = arith.constant 7 : i32
      %add3A_213 = arith.addi %mul3A_168, %add3A_212 : i32
      %lt3A_214 = arith.cmpi slt, %add3A_213, %select_n3A_114 : i32
      %convert_element_type3A_215 = arith.extui %lt3A_214 : i1 to i32
      %cond3A_216 = arith.constant 0 : i32
      %cond3A_217 = arith.cmpi ne, %convert_element_type3A_215, %cond3A_216 : i32
      scf.if %cond3A_217 {
        %dma_wait3A = arith.constant 1 : i32
        %dma_wait3A_218 = arith.constant 0 : i32
        %dma_wait3A_219 = arith.constant 0 : i32
        %dma_wait3A_220 = tpu.memref_slice %arg2[%dma_wait3A_218, %dma_wait3A_219] : memref<10240x128xf32, #tpu.memory_space<hbm>> -> memref<96x128xf32, #tpu.memory_space<hbm>>
        %dma_wait3A_221 = tpu.memref_slice %arg13[%dma_wait3A] : memref<2x!tpu.dma_semaphore, #tpu.memory_space<semaphore_mem>> -> memref<1x!tpu.dma_semaphore, #tpu.memory_space<semaphore_mem>>
        %dma_wait3A_222 = tpu.memref_squeeze %dma_wait3A_221 : memref<1x!tpu.dma_semaphore, #tpu.memory_space<semaphore_mem>> -> memref<!tpu.dma_semaphore, #tpu.memory_space<semaphore_mem>>
        %dma_wait3A_223 = arith.constant 0 : i32
        %dma_wait3A_224 = arith.constant 0 : i32
        %dma_wait3A_225 = tpu.memref_slice %arg2[%dma_wait3A_223, %dma_wait3A_224] : memref<10240x128xf32, #tpu.memory_space<hbm>> -> memref<96x128xf32, #tpu.memory_space<hbm>>
        tpu.wait_dma2 semaphore(%dma_wait3A_222 : memref<!tpu.dma_semaphore, #tpu.memory_space<semaphore_mem>>) src(%dma_wait3A_225 : memref<96x128xf32, #tpu.memory_space<hbm>>) dst(%arg11 : memref<96x128xf32, #tpu.memory_space<vmem>>)
        %run_scoped3A_226 = arith.constant 7 : i32
        "tpu.region"() ({
          %run_scoped3A_227 = tpu.sem_alloc : memref<!tpu.dma_semaphore, #tpu.memory_space<semaphore_mem>>
          %dma_start3A = arith.constant 0 : i32
          %dma_start3A_228 = tpu.memref_slice %arg8[%run_scoped3A_226, %dma_start3A] : memref<8x96xi32, #tpu.memory_space<vmem>> -> memref<1x96xi32, #tpu.memory_space<vmem>>
          %dma_start3A_229 = tpu.memref_squeeze %dma_start3A_228 : memref<1x96xi32, #tpu.memory_space<vmem>> -> memref<96xi32, #tpu.memory_space<vmem>>
          %dma_start3A_230 = arith.constant 0 : i32
          %dma_start3A_231 = arith.constant 0 : i32
          %dma_start3A_232 = tpu.memref_slice %arg12[%dma_start3A_230, %dma_start3A_231] : memref<12808x128xf32, #tpu.memory_space<vmem_shared>> -> memref<12808x128xf32, #tpu.memory_space<vmem_shared>>
          tpu.enqueue_indirect_dma source(%arg11 : memref<96x128xf32, #tpu.memory_space<vmem>>) target(%dma_start3A_232 : memref<12808x128xf32, #tpu.memory_space<vmem_shared>>) offsets(%dma_start3A_229 : memref<96xi32, #tpu.memory_space<vmem>>) semaphore(%run_scoped3A_227 : memref<!tpu.dma_semaphore, #tpu.memory_space<semaphore_mem>>) {add = true}
          %dma_wait3A_233 = arith.constant 0 : i32
          %dma_wait3A_234 = tpu.memref_slice %arg8[%run_scoped3A_226, %dma_wait3A_233] : memref<8x96xi32, #tpu.memory_space<vmem>> -> memref<1x96xi32, #tpu.memory_space<vmem>>
          %dma_wait3A_235 = tpu.memref_squeeze %dma_wait3A_234 : memref<1x96xi32, #tpu.memory_space<vmem>> -> memref<96xi32, #tpu.memory_space<vmem>>
          %dma_wait3A_236 = arith.constant 0 : i32
          %dma_wait3A_237 = arith.constant 0 : i32
          %dma_wait3A_238 = tpu.memref_slice %arg12[%dma_wait3A_236, %dma_wait3A_237] : memref<12808x128xf32, #tpu.memory_space<vmem_shared>> -> memref<12808x128xf32, #tpu.memory_space<vmem_shared>>
          tpu.wait_indirect_dma semaphore(%run_scoped3A_227 : memref<!tpu.dma_semaphore, #tpu.memory_space<semaphore_mem>>) src(%arg11 : memref<96x128xf32, #tpu.memory_space<vmem>>) dst(%dma_wait3A_238 : memref<12808x128xf32, #tpu.memory_space<vmem_shared>>)
          tpu.yield
        }) : () -> ()
      } else {
      }
    }
    %while3A_153 = arith.constant 1 : i32
    scf.for %while3A_160 = %while3A_151 to %while3A_147 step %while3A_153  : i32 {
      %mul3A_161 = arith.constant 8 : i32
      %mul3A_162 = arith.muli %while3A_160, %mul3A_161 : i32
      %run_scoped3A_163 = arith.constant 1 : i32
      "tpu.region"() ({
        %run_scoped3A_218 = tpu.sem_alloc : memref<!tpu.dma_semaphore, #tpu.memory_space<semaphore_mem>>
        %dma_start3A = arith.constant 0 : i32
        %dma_start3A_219 = tpu.memref_slice %arg3[%run_scoped3A_163, %arg0, %arg1, %mul3A_162, %dma_start3A] : memref<2x2x16x256x96xi32, #tpu.memory_space<hbm>> -> memref<1x1x1x8x96xi32, #tpu.memory_space<hbm>>
        %dma_start3A_220 = tpu.memref_squeeze %dma_start3A_219 : memref<1x1x1x8x96xi32, #tpu.memory_space<hbm>> -> memref<8x96xi32, #tpu.memory_space<hbm>>
        %dma_start3A_221 = arith.constant 0 : i32
        %dma_start3A_222 = tpu.memref_slice %arg3[%run_scoped3A_163, %arg0, %arg1, %mul3A_162, %dma_start3A_221] : memref<2x2x16x256x96xi32, #tpu.memory_space<hbm>> -> memref<1x1x1x8x96xi32, #tpu.memory_space<hbm>>
        %dma_start3A_223 = tpu.memref_squeeze %dma_start3A_222 : memref<1x1x1x8x96xi32, #tpu.memory_space<hbm>> -> memref<8x96xi32, #tpu.memory_space<hbm>>
        tpu.enqueue_dma source(%dma_start3A_223 : memref<8x96xi32, #tpu.memory_space<hbm>>) target(%arg7 : memref<8x96xi32, #tpu.memory_space<vmem>>) target_semaphore(%run_scoped3A_218 : memref<!tpu.dma_semaphore, #tpu.memory_space<semaphore_mem>>)
        %dma_wait3A = arith.constant 0 : i32
        %dma_wait3A_224 = tpu.memref_slice %arg3[%run_scoped3A_163, %arg0, %arg1, %mul3A_162, %dma_wait3A] : memref<2x2x16x256x96xi32, #tpu.memory_space<hbm>> -> memref<1x1x1x8x96xi32, #tpu.memory_space<hbm>>
        %dma_wait3A_225 = tpu.memref_squeeze %dma_wait3A_224 : memref<1x1x1x8x96xi32, #tpu.memory_space<hbm>> -> memref<8x96xi32, #tpu.memory_space<hbm>>
        %dma_wait3A_226 = arith.constant 0 : i32
        %dma_wait3A_227 = tpu.memref_slice %arg3[%run_scoped3A_163, %arg0, %arg1, %mul3A_162, %dma_wait3A_226] : memref<2x2x16x256x96xi32, #tpu.memory_space<hbm>> -> memref<1x1x1x8x96xi32, #tpu.memory_space<hbm>>
        %dma_wait3A_228 = tpu.memref_squeeze %dma_wait3A_227 : memref<1x1x1x8x96xi32, #tpu.memory_space<hbm>> -> memref<8x96xi32, #tpu.memory_space<hbm>>
        tpu.wait_dma2 semaphore(%run_scoped3A_218 : memref<!tpu.dma_semaphore, #tpu.memory_space<semaphore_mem>>) src(%dma_wait3A_228 : memref<8x96xi32, #tpu.memory_space<hbm>>) dst(%arg7 : memref<8x96xi32, #tpu.memory_space<vmem>>)
        tpu.yield
      }) : () -> ()
      %mul3A_164 = arith.constant 8 : i32
      %mul3A_165 = arith.muli %while3A_160, %mul3A_164 : i32
      %run_scoped3A_166 = arith.constant 1 : i32
      "tpu.region"() ({
        %run_scoped3A_218 = tpu.sem_alloc : memref<!tpu.dma_semaphore, #tpu.memory_space<semaphore_mem>>
        %dma_start3A = arith.constant 0 : i32
        %dma_start3A_219 = tpu.memref_slice %arg4[%run_scoped3A_166, %arg0, %arg1, %mul3A_165, %dma_start3A] : memref<2x2x16x256x96xi32, #tpu.memory_space<hbm>> -> memref<1x1x1x8x96xi32, #tpu.memory_space<hbm>>
        %dma_start3A_220 = tpu.memref_squeeze %dma_start3A_219 : memref<1x1x1x8x96xi32, #tpu.memory_space<hbm>> -> memref<8x96xi32, #tpu.memory_space<hbm>>
        %dma_start3A_221 = arith.constant 0 : i32
        %dma_start3A_222 = tpu.memref_slice %arg4[%run_scoped3A_166, %arg0, %arg1, %mul3A_165, %dma_start3A_221] : memref<2x2x16x256x96xi32, #tpu.memory_space<hbm>> -> memref<1x1x1x8x96xi32, #tpu.memory_space<hbm>>
        %dma_start3A_223 = tpu.memref_squeeze %dma_start3A_222 : memref<1x1x1x8x96xi32, #tpu.memory_space<hbm>> -> memref<8x96xi32, #tpu.memory_space<hbm>>
        tpu.enqueue_dma source(%dma_start3A_223 : memref<8x96xi32, #tpu.memory_space<hbm>>) target(%arg8 : memref<8x96xi32, #tpu.memory_space<vmem>>) target_semaphore(%run_scoped3A_218 : memref<!tpu.dma_semaphore, #tpu.memory_space<semaphore_mem>>)
        %dma_wait3A = arith.constant 0 : i32
        %dma_wait3A_224 = tpu.memref_slice %arg4[%run_scoped3A_166, %arg0, %arg1, %mul3A_165, %dma_wait3A] : memref<2x2x16x256x96xi32, #tpu.memory_space<hbm>> -> memref<1x1x1x8x96xi32, #tpu.memory_space<hbm>>
        %dma_wait3A_225 = tpu.memref_squeeze %dma_wait3A_224 : memref<1x1x1x8x96xi32, #tpu.memory_space<hbm>> -> memref<8x96xi32, #tpu.memory_space<hbm>>
        %dma_wait3A_226 = arith.constant 0 : i32
        %dma_wait3A_227 = tpu.memref_slice %arg4[%run_scoped3A_166, %arg0, %arg1, %mul3A_165, %dma_wait3A_226] : memref<2x2x16x256x96xi32, #tpu.memory_space<hbm>> -> memref<1x1x1x8x96xi32, #tpu.memory_space<hbm>>
        %dma_wait3A_228 = tpu.memref_squeeze %dma_wait3A_227 : memref<1x1x1x8x96xi32, #tpu.memory_space<hbm>> -> memref<8x96xi32, #tpu.memory_space<hbm>>
        tpu.wait_dma2 semaphore(%run_scoped3A_218 : memref<!tpu.dma_semaphore, #tpu.memory_space<semaphore_mem>>) src(%dma_wait3A_228 : memref<8x96xi32, #tpu.memory_space<hbm>>) dst(%arg8 : memref<8x96xi32, #tpu.memory_space<vmem>>)
        tpu.yield
      }) : () -> ()
      %mul3A_167 = arith.constant 8 : i32
      %mul3A_168 = arith.muli %while3A_160, %mul3A_167 : i32
      %lt3A = arith.cmpi slt, %mul3A_168, %select_n3A_114 : i32
      %convert_element_type3A = arith.extui %lt3A : i1 to i32
      %cond3A = arith.constant 0 : i32
      %cond3A_169 = arith.cmpi ne, %convert_element_type3A, %cond3A : i32
      scf.if %cond3A_169 {
        %dma_start3A = arith.constant 0 : i32
        %dma_start3A_218 = arith.constant 0 : i32
        %dma_start3A_219 = arith.constant 0 : i32
        %dma_start3A_220 = tpu.memref_slice %arg7[%dma_start3A, %dma_start3A_219] : memref<8x96xi32, #tpu.memory_space<vmem>> -> memref<1x96xi32, #tpu.memory_space<vmem>>
        %dma_start3A_221 = tpu.memref_squeeze %dma_start3A_220 : memref<1x96xi32, #tpu.memory_space<vmem>> -> memref<96xi32, #tpu.memory_space<vmem>>
        %dma_start3A_222 = arith.constant 0 : i32
        %dma_start3A_223 = arith.constant 0 : i32
        %dma_start3A_224 = tpu.memref_slice %arg12[%dma_start3A_222, %dma_start3A_223] : memref<12808x128xf32, #tpu.memory_space<vmem_shared>> -> memref<12808x128xf32, #tpu.memory_space<vmem_shared>>
        %dma_start3A_225 = tpu.memref_slice %arg13[%dma_start3A_218] : memref<2x!tpu.dma_semaphore, #tpu.memory_space<semaphore_mem>> -> memref<1x!tpu.dma_semaphore, #tpu.memory_space<semaphore_mem>>
        %dma_start3A_226 = tpu.memref_squeeze %dma_start3A_225 : memref<1x!tpu.dma_semaphore, #tpu.memory_space<semaphore_mem>> -> memref<!tpu.dma_semaphore, #tpu.memory_space<semaphore_mem>>
        tpu.enqueue_indirect_dma source(%dma_start3A_224 : memref<12808x128xf32, #tpu.memory_space<vmem_shared>>) target(%arg10 : memref<96x128xf32, #tpu.memory_space<vmem>>) offsets(%dma_start3A_221 : memref<96xi32, #tpu.memory_space<vmem>>) semaphore(%dma_start3A_226 : memref<!tpu.dma_semaphore, #tpu.memory_space<semaphore_mem>>)
      } else {
      }
      %add3A_170 = arith.constant 0 : i32
      %add3A_171 = arith.addi %mul3A_168, %add3A_170 : i32
      %lt3A_172 = arith.cmpi slt, %add3A_171, %select_n3A_114 : i32
      %convert_element_type3A_173 = arith.extui %lt3A_172 : i1 to i32
      %cond3A_174 = arith.constant 0 : i32
      %cond3A_175 = arith.cmpi ne, %convert_element_type3A_173, %cond3A_174 : i32
      scf.if %cond3A_175 {
        %dma_wait3A = arith.constant 0 : i32
        %dma_wait3A_218 = arith.constant 0 : i32
        %dma_wait3A_219 = arith.constant 0 : i32
        %dma_wait3A_220 = tpu.memref_slice %arg2[%dma_wait3A_218, %dma_wait3A_219] : memref<10240x128xf32, #tpu.memory_space<hbm>> -> memref<96x128xf32, #tpu.memory_space<hbm>>
        %dma_wait3A_221 = tpu.memref_slice %arg13[%dma_wait3A] : memref<2x!tpu.dma_semaphore, #tpu.memory_space<semaphore_mem>> -> memref<1x!tpu.dma_semaphore, #tpu.memory_space<semaphore_mem>>
        %dma_wait3A_222 = tpu.memref_squeeze %dma_wait3A_221 : memref<1x!tpu.dma_semaphore, #tpu.memory_space<semaphore_mem>> -> memref<!tpu.dma_semaphore, #tpu.memory_space<semaphore_mem>>
        %dma_wait3A_223 = arith.constant 0 : i32
        %dma_wait3A_224 = arith.constant 0 : i32
        %dma_wait3A_225 = tpu.memref_slice %arg2[%dma_wait3A_223, %dma_wait3A_224] : memref<10240x128xf32, #tpu.memory_space<hbm>> -> memref<96x128xf32, #tpu.memory_space<hbm>>
        tpu.wait_dma2 semaphore(%dma_wait3A_222 : memref<!tpu.dma_semaphore, #tpu.memory_space<semaphore_mem>>) src(%dma_wait3A_225 : memref<96x128xf32, #tpu.memory_space<hbm>>) dst(%arg10 : memref<96x128xf32, #tpu.memory_space<vmem>>)
        %add3A_226 = arith.constant 0 : i32
        %add3A_227 = arith.addi %mul3A_168, %add3A_226 : i32
        %add3A_228 = arith.constant 1 : i32
        %add3A_229 = arith.addi %add3A_227, %add3A_228 : i32
        %lt3A_230 = arith.cmpi slt, %add3A_229, %select_n3A_114 : i32
        %convert_element_type3A_231 = arith.extui %lt3A_230 : i1 to i32
        %cond3A_232 = arith.constant 0 : i32
        %cond3A_233 = arith.cmpi ne, %convert_element_type3A_231, %cond3A_232 : i32
        scf.if %cond3A_233 {
          %dma_start3A = arith.constant 1 : i32
          %dma_start3A_235 = arith.constant 1 : i32
          %dma_start3A_236 = arith.constant 0 : i32
          %dma_start3A_237 = tpu.memref_slice %arg7[%dma_start3A, %dma_start3A_236] : memref<8x96xi32, #tpu.memory_space<vmem>> -> memref<1x96xi32, #tpu.memory_space<vmem>>
          %dma_start3A_238 = tpu.memref_squeeze %dma_start3A_237 : memref<1x96xi32, #tpu.memory_space<vmem>> -> memref<96xi32, #tpu.memory_space<vmem>>
          %dma_start3A_239 = arith.constant 0 : i32
          %dma_start3A_240 = arith.constant 0 : i32
          %dma_start3A_241 = tpu.memref_slice %arg12[%dma_start3A_239, %dma_start3A_240] : memref<12808x128xf32, #tpu.memory_space<vmem_shared>> -> memref<12808x128xf32, #tpu.memory_space<vmem_shared>>
          %dma_start3A_242 = tpu.memref_slice %arg13[%dma_start3A_235] : memref<2x!tpu.dma_semaphore, #tpu.memory_space<semaphore_mem>> -> memref<1x!tpu.dma_semaphore, #tpu.memory_space<semaphore_mem>>
          %dma_start3A_243 = tpu.memref_squeeze %dma_start3A_242 : memref<1x!tpu.dma_semaphore, #tpu.memory_space<semaphore_mem>> -> memref<!tpu.dma_semaphore, #tpu.memory_space<semaphore_mem>>
          tpu.enqueue_indirect_dma source(%dma_start3A_241 : memref<12808x128xf32, #tpu.memory_space<vmem_shared>>) target(%arg11 : memref<96x128xf32, #tpu.memory_space<vmem>>) offsets(%dma_start3A_238 : memref<96xi32, #tpu.memory_space<vmem>>) semaphore(%dma_start3A_243 : memref<!tpu.dma_semaphore, #tpu.memory_space<semaphore_mem>>)
        } else {
        }
        %run_scoped3A_234 = arith.constant 0 : i32
        "tpu.region"() ({
          %run_scoped3A_235 = tpu.sem_alloc : memref<!tpu.dma_semaphore, #tpu.memory_space<semaphore_mem>>
          %dma_start3A = arith.constant 0 : i32
          %dma_start3A_236 = tpu.memref_slice %arg8[%run_scoped3A_234, %dma_start3A] : memref<8x96xi32, #tpu.memory_space<vmem>> -> memref<1x96xi32, #tpu.memory_space<vmem>>
          %dma_start3A_237 = tpu.memref_squeeze %dma_start3A_236 : memref<1x96xi32, #tpu.memory_space<vmem>> -> memref<96xi32, #tpu.memory_space<vmem>>
          %dma_start3A_238 = arith.constant 0 : i32
          %dma_start3A_239 = arith.constant 0 : i32
          %dma_start3A_240 = tpu.memref_slice %arg12[%dma_start3A_238, %dma_start3A_239] : memref<12808x128xf32, #tpu.memory_space<vmem_shared>> -> memref<12808x128xf32, #tpu.memory_space<vmem_shared>>
          tpu.enqueue_indirect_dma source(%arg10 : memref<96x128xf32, #tpu.memory_space<vmem>>) target(%dma_start3A_240 : memref<12808x128xf32, #tpu.memory_space<vmem_shared>>) offsets(%dma_start3A_237 : memref<96xi32, #tpu.memory_space<vmem>>) semaphore(%run_scoped3A_235 : memref<!tpu.dma_semaphore, #tpu.memory_space<semaphore_mem>>) {add = true}
          %dma_wait3A_241 = arith.constant 0 : i32
          %dma_wait3A_242 = tpu.memref_slice %arg8[%run_scoped3A_234, %dma_wait3A_241] : memref<8x96xi32, #tpu.memory_space<vmem>> -> memref<1x96xi32, #tpu.memory_space<vmem>>
          %dma_wait3A_243 = tpu.memref_squeeze %dma_wait3A_242 : memref<1x96xi32, #tpu.memory_space<vmem>> -> memref<96xi32, #tpu.memory_space<vmem>>
          %dma_wait3A_244 = arith.constant 0 : i32
          %dma_wait3A_245 = arith.constant 0 : i32
          %dma_wait3A_246 = tpu.memref_slice %arg12[%dma_wait3A_244, %dma_wait3A_245] : memref<12808x128xf32, #tpu.memory_space<vmem_shared>> -> memref<12808x128xf32, #tpu.memory_space<vmem_shared>>
          tpu.wait_indirect_dma semaphore(%run_scoped3A_235 : memref<!tpu.dma_semaphore, #tpu.memory_space<semaphore_mem>>) src(%arg10 : memref<96x128xf32, #tpu.memory_space<vmem>>) dst(%dma_wait3A_246 : memref<12808x128xf32, #tpu.memory_space<vmem_shared>>)
          tpu.yield
        }) : () -> ()
      } else {
      }
      %add3A_176 = arith.constant 1 : i32
      %add3A_177 = arith.addi %mul3A_168, %add3A_176 : i32
      %lt3A_178 = arith.cmpi slt, %add3A_177, %select_n3A_114 : i32
      %convert_element_type3A_179 = arith.extui %lt3A_178 : i1 to i32
      %cond3A_180 = arith.constant 0 : i32
      %cond3A_181 = arith.cmpi ne, %convert_element_type3A_179, %cond3A_180 : i32
      scf.if %cond3A_181 {
        %dma_wait3A = arith.constant 1 : i32
        %dma_wait3A_218 = arith.constant 0 : i32
        %dma_wait3A_219 = arith.constant 0 : i32
        %dma_wait3A_220 = tpu.memref_slice %arg2[%dma_wait3A_218, %dma_wait3A_219] : memref<10240x128xf32, #tpu.memory_space<hbm>> -> memref<96x128xf32, #tpu.memory_space<hbm>>
        %dma_wait3A_221 = tpu.memref_slice %arg13[%dma_wait3A] : memref<2x!tpu.dma_semaphore, #tpu.memory_space<semaphore_mem>> -> memref<1x!tpu.dma_semaphore, #tpu.memory_space<semaphore_mem>>
        %dma_wait3A_222 = tpu.memref_squeeze %dma_wait3A_221 : memref<1x!tpu.dma_semaphore, #tpu.memory_space<semaphore_mem>> -> memref<!tpu.dma_semaphore, #tpu.memory_space<semaphore_mem>>
        %dma_wait3A_223 = arith.constant 0 : i32
        %dma_wait3A_224 = arith.constant 0 : i32
        %dma_wait3A_225 = tpu.memref_slice %arg2[%dma_wait3A_223, %dma_wait3A_224] : memref<10240x128xf32, #tpu.memory_space<hbm>> -> memref<96x128xf32, #tpu.memory_space<hbm>>
        tpu.wait_dma2 semaphore(%dma_wait3A_222 : memref<!tpu.dma_semaphore, #tpu.memory_space<semaphore_mem>>) src(%dma_wait3A_225 : memref<96x128xf32, #tpu.memory_space<hbm>>) dst(%arg11 : memref<96x128xf32, #tpu.memory_space<vmem>>)
        %add3A_226 = arith.constant 1 : i32
        %add3A_227 = arith.addi %mul3A_168, %add3A_226 : i32
        %add3A_228 = arith.constant 1 : i32
        %add3A_229 = arith.addi %add3A_227, %add3A_228 : i32
        %lt3A_230 = arith.cmpi slt, %add3A_229, %select_n3A_114 : i32
        %convert_element_type3A_231 = arith.extui %lt3A_230 : i1 to i32
        %cond3A_232 = arith.constant 0 : i32
        %cond3A_233 = arith.cmpi ne, %convert_element_type3A_231, %cond3A_232 : i32
        scf.if %cond3A_233 {
          %dma_start3A = arith.constant 2 : i32
          %dma_start3A_235 = arith.constant 0 : i32
          %dma_start3A_236 = arith.constant 0 : i32
          %dma_start3A_237 = tpu.memref_slice %arg7[%dma_start3A, %dma_start3A_236] : memref<8x96xi32, #tpu.memory_space<vmem>> -> memref<1x96xi32, #tpu.memory_space<vmem>>
          %dma_start3A_238 = tpu.memref_squeeze %dma_start3A_237 : memref<1x96xi32, #tpu.memory_space<vmem>> -> memref<96xi32, #tpu.memory_space<vmem>>
          %dma_start3A_239 = arith.constant 0 : i32
          %dma_start3A_240 = arith.constant 0 : i32
          %dma_start3A_241 = tpu.memref_slice %arg12[%dma_start3A_239, %dma_start3A_240] : memref<12808x128xf32, #tpu.memory_space<vmem_shared>> -> memref<12808x128xf32, #tpu.memory_space<vmem_shared>>
          %dma_start3A_242 = tpu.memref_slice %arg13[%dma_start3A_235] : memref<2x!tpu.dma_semaphore, #tpu.memory_space<semaphore_mem>> -> memref<1x!tpu.dma_semaphore, #tpu.memory_space<semaphore_mem>>
          %dma_start3A_243 = tpu.memref_squeeze %dma_start3A_242 : memref<1x!tpu.dma_semaphore, #tpu.memory_space<semaphore_mem>> -> memref<!tpu.dma_semaphore, #tpu.memory_space<semaphore_mem>>
          tpu.enqueue_indirect_dma source(%dma_start3A_241 : memref<12808x128xf32, #tpu.memory_space<vmem_shared>>) target(%arg10 : memref<96x128xf32, #tpu.memory_space<vmem>>) offsets(%dma_start3A_238 : memref<96xi32, #tpu.memory_space<vmem>>) semaphore(%dma_start3A_243 : memref<!tpu.dma_semaphore, #tpu.memory_space<semaphore_mem>>)
        } else {
        }
        %run_scoped3A_234 = arith.constant 1 : i32
        "tpu.region"() ({
          %run_scoped3A_235 = tpu.sem_alloc : memref<!tpu.dma_semaphore, #tpu.memory_space<semaphore_mem>>
          %dma_start3A = arith.constant 0 : i32
          %dma_start3A_236 = tpu.memref_slice %arg8[%run_scoped3A_234, %dma_start3A] : memref<8x96xi32, #tpu.memory_space<vmem>> -> memref<1x96xi32, #tpu.memory_space<vmem>>
          %dma_start3A_237 = tpu.memref_squeeze %dma_start3A_236 : memref<1x96xi32, #tpu.memory_space<vmem>> -> memref<96xi32, #tpu.memory_space<vmem>>
          %dma_start3A_238 = arith.constant 0 : i32
          %dma_start3A_239 = arith.constant 0 : i32
          %dma_start3A_240 = tpu.memref_slice %arg12[%dma_start3A_238, %dma_start3A_239] : memref<12808x128xf32, #tpu.memory_space<vmem_shared>> -> memref<12808x128xf32, #tpu.memory_space<vmem_shared>>
          tpu.enqueue_indirect_dma source(%arg11 : memref<96x128xf32, #tpu.memory_space<vmem>>) target(%dma_start3A_240 : memref<12808x128xf32, #tpu.memory_space<vmem_shared>>) offsets(%dma_start3A_237 : memref<96xi32, #tpu.memory_space<vmem>>) semaphore(%run_scoped3A_235 : memref<!tpu.dma_semaphore, #tpu.memory_space<semaphore_mem>>) {add = true}
          %dma_wait3A_241 = arith.constant 0 : i32
          %dma_wait3A_242 = tpu.memref_slice %arg8[%run_scoped3A_234, %dma_wait3A_241] : memref<8x96xi32, #tpu.memory_space<vmem>> -> memref<1x96xi32, #tpu.memory_space<vmem>>
          %dma_wait3A_243 = tpu.memref_squeeze %dma_wait3A_242 : memref<1x96xi32, #tpu.memory_space<vmem>> -> memref<96xi32, #tpu.memory_space<vmem>>
          %dma_wait3A_244 = arith.constant 0 : i32
          %dma_wait3A_245 = arith.constant 0 : i32
          %dma_wait3A_246 = tpu.memref_slice %arg12[%dma_wait3A_244, %dma_wait3A_245] : memref<12808x128xf32, #tpu.memory_space<vmem_shared>> -> memref<12808x128xf32, #tpu.memory_space<vmem_shared>>
          tpu.wait_indirect_dma semaphore(%run_scoped3A_235 : memref<!tpu.dma_semaphore, #tpu.memory_space<semaphore_mem>>) src(%arg11 : memref<96x128xf32, #tpu.memory_space<vmem>>) dst(%dma_wait3A_246 : memref<12808x128xf32, #tpu.memory_space<vmem_shared>>)
          tpu.yield
        }) : () -> ()
      } else {
      }
      %add3A_182 = arith.constant 2 : i32
      %add3A_183 = arith.addi %mul3A_168, %add3A_182 : i32
      %lt3A_184 = arith.cmpi slt, %add3A_183, %select_n3A_114 : i32
      %convert_element_type3A_185 = arith.extui %lt3A_184 : i1 to i32
      %cond3A_186 = arith.constant 0 : i32
      %cond3A_187 = arith.cmpi ne, %convert_element_type3A_185, %cond3A_186 : i32
      scf.if %cond3A_187 {
        %dma_wait3A = arith.constant 0 : i32
        %dma_wait3A_218 = arith.constant 0 : i32
        %dma_wait3A_219 = arith.constant 0 : i32
        %dma_wait3A_220 = tpu.memref_slice %arg2[%dma_wait3A_218, %dma_wait3A_219] : memref<10240x128xf32, #tpu.memory_space<hbm>> -> memref<96x128xf32, #tpu.memory_space<hbm>>
        %dma_wait3A_221 = tpu.memref_slice %arg13[%dma_wait3A] : memref<2x!tpu.dma_semaphore, #tpu.memory_space<semaphore_mem>> -> memref<1x!tpu.dma_semaphore, #tpu.memory_space<semaphore_mem>>
        %dma_wait3A_222 = tpu.memref_squeeze %dma_wait3A_221 : memref<1x!tpu.dma_semaphore, #tpu.memory_space<semaphore_mem>> -> memref<!tpu.dma_semaphore, #tpu.memory_space<semaphore_mem>>
        %dma_wait3A_223 = arith.constant 0 : i32
        %dma_wait3A_224 = arith.constant 0 : i32
        %dma_wait3A_225 = tpu.memref_slice %arg2[%dma_wait3A_223, %dma_wait3A_224] : memref<10240x128xf32, #tpu.memory_space<hbm>> -> memref<96x128xf32, #tpu.memory_space<hbm>>
        tpu.wait_dma2 semaphore(%dma_wait3A_222 : memref<!tpu.dma_semaphore, #tpu.memory_space<semaphore_mem>>) src(%dma_wait3A_225 : memref<96x128xf32, #tpu.memory_space<hbm>>) dst(%arg10 : memref<96x128xf32, #tpu.memory_space<vmem>>)
        %add3A_226 = arith.constant 2 : i32
        %add3A_227 = arith.addi %mul3A_168, %add3A_226 : i32
        %add3A_228 = arith.constant 1 : i32
        %add3A_229 = arith.addi %add3A_227, %add3A_228 : i32
        %lt3A_230 = arith.cmpi slt, %add3A_229, %select_n3A_114 : i32
        %convert_element_type3A_231 = arith.extui %lt3A_230 : i1 to i32
        %cond3A_232 = arith.constant 0 : i32
        %cond3A_233 = arith.cmpi ne, %convert_element_type3A_231, %cond3A_232 : i32
        scf.if %cond3A_233 {
          %dma_start3A = arith.constant 3 : i32
          %dma_start3A_235 = arith.constant 1 : i32
          %dma_start3A_236 = arith.constant 0 : i32
          %dma_start3A_237 = tpu.memref_slice %arg7[%dma_start3A, %dma_start3A_236] : memref<8x96xi32, #tpu.memory_space<vmem>> -> memref<1x96xi32, #tpu.memory_space<vmem>>
          %dma_start3A_238 = tpu.memref_squeeze %dma_start3A_237 : memref<1x96xi32, #tpu.memory_space<vmem>> -> memref<96xi32, #tpu.memory_space<vmem>>
          %dma_start3A_239 = arith.constant 0 : i32
          %dma_start3A_240 = arith.constant 0 : i32
          %dma_start3A_241 = tpu.memref_slice %arg12[%dma_start3A_239, %dma_start3A_240] : memref<12808x128xf32, #tpu.memory_space<vmem_shared>> -> memref<12808x128xf32, #tpu.memory_space<vmem_shared>>
          %dma_start3A_242 = tpu.memref_slice %arg13[%dma_start3A_235] : memref<2x!tpu.dma_semaphore, #tpu.memory_space<semaphore_mem>> -> memref<1x!tpu.dma_semaphore, #tpu.memory_space<semaphore_mem>>
          %dma_start3A_243 = tpu.memref_squeeze %dma_start3A_242 : memref<1x!tpu.dma_semaphore, #tpu.memory_space<semaphore_mem>> -> memref<!tpu.dma_semaphore, #tpu.memory_space<semaphore_mem>>
          tpu.enqueue_indirect_dma source(%dma_start3A_241 : memref<12808x128xf32, #tpu.memory_space<vmem_shared>>) target(%arg11 : memref<96x128xf32, #tpu.memory_space<vmem>>) offsets(%dma_start3A_238 : memref<96xi32, #tpu.memory_space<vmem>>) semaphore(%dma_start3A_243 : memref<!tpu.dma_semaphore, #tpu.memory_space<semaphore_mem>>)
        } else {
        }
        %run_scoped3A_234 = arith.constant 2 : i32
        "tpu.region"() ({
          %run_scoped3A_235 = tpu.sem_alloc : memref<!tpu.dma_semaphore, #tpu.memory_space<semaphore_mem>>
          %dma_start3A = arith.constant 0 : i32
          %dma_start3A_236 = tpu.memref_slice %arg8[%run_scoped3A_234, %dma_start3A] : memref<8x96xi32, #tpu.memory_space<vmem>> -> memref<1x96xi32, #tpu.memory_space<vmem>>
          %dma_start3A_237 = tpu.memref_squeeze %dma_start3A_236 : memref<1x96xi32, #tpu.memory_space<vmem>> -> memref<96xi32, #tpu.memory_space<vmem>>
          %dma_start3A_238 = arith.constant 0 : i32
          %dma_start3A_239 = arith.constant 0 : i32
          %dma_start3A_240 = tpu.memref_slice %arg12[%dma_start3A_238, %dma_start3A_239] : memref<12808x128xf32, #tpu.memory_space<vmem_shared>> -> memref<12808x128xf32, #tpu.memory_space<vmem_shared>>
          tpu.enqueue_indirect_dma source(%arg10 : memref<96x128xf32, #tpu.memory_space<vmem>>) target(%dma_start3A_240 : memref<12808x128xf32, #tpu.memory_space<vmem_shared>>) offsets(%dma_start3A_237 : memref<96xi32, #tpu.memory_space<vmem>>) semaphore(%run_scoped3A_235 : memref<!tpu.dma_semaphore, #tpu.memory_space<semaphore_mem>>) {add = true}
          %dma_wait3A_241 = arith.constant 0 : i32
          %dma_wait3A_242 = tpu.memref_slice %arg8[%run_scoped3A_234, %dma_wait3A_241] : memref<8x96xi32, #tpu.memory_space<vmem>> -> memref<1x96xi32, #tpu.memory_space<vmem>>
          %dma_wait3A_243 = tpu.memref_squeeze %dma_wait3A_242 : memref<1x96xi32, #tpu.memory_space<vmem>> -> memref<96xi32, #tpu.memory_space<vmem>>
          %dma_wait3A_244 = arith.constant 0 : i32
          %dma_wait3A_245 = arith.constant 0 : i32
          %dma_wait3A_246 = tpu.memref_slice %arg12[%dma_wait3A_244, %dma_wait3A_245] : memref<12808x128xf32, #tpu.memory_space<vmem_shared>> -> memref<12808x128xf32, #tpu.memory_space<vmem_shared>>
          tpu.wait_indirect_dma semaphore(%run_scoped3A_235 : memref<!tpu.dma_semaphore, #tpu.memory_space<semaphore_mem>>) src(%arg10 : memref<96x128xf32, #tpu.memory_space<vmem>>) dst(%dma_wait3A_246 : memref<12808x128xf32, #tpu.memory_space<vmem_shared>>)
          tpu.yield
        }) : () -> ()
      } else {
      }
      %add3A_188 = arith.constant 3 : i32
      %add3A_189 = arith.addi %mul3A_168, %add3A_188 : i32
      %lt3A_190 = arith.cmpi slt, %add3A_189, %select_n3A_114 : i32
      %convert_element_type3A_191 = arith.extui %lt3A_190 : i1 to i32
      %cond3A_192 = arith.constant 0 : i32
      %cond3A_193 = arith.cmpi ne, %convert_element_type3A_191, %cond3A_192 : i32
      scf.if %cond3A_193 {
        %dma_wait3A = arith.constant 1 : i32
        %dma_wait3A_218 = arith.constant 0 : i32
        %dma_wait3A_219 = arith.constant 0 : i32
        %dma_wait3A_220 = tpu.memref_slice %arg2[%dma_wait3A_218, %dma_wait3A_219] : memref<10240x128xf32, #tpu.memory_space<hbm>> -> memref<96x128xf32, #tpu.memory_space<hbm>>
        %dma_wait3A_221 = tpu.memref_slice %arg13[%dma_wait3A] : memref<2x!tpu.dma_semaphore, #tpu.memory_space<semaphore_mem>> -> memref<1x!tpu.dma_semaphore, #tpu.memory_space<semaphore_mem>>
        %dma_wait3A_222 = tpu.memref_squeeze %dma_wait3A_221 : memref<1x!tpu.dma_semaphore, #tpu.memory_space<semaphore_mem>> -> memref<!tpu.dma_semaphore, #tpu.memory_space<semaphore_mem>>
        %dma_wait3A_223 = arith.constant 0 : i32
        %dma_wait3A_224 = arith.constant 0 : i32
        %dma_wait3A_225 = tpu.memref_slice %arg2[%dma_wait3A_223, %dma_wait3A_224] : memref<10240x128xf32, #tpu.memory_space<hbm>> -> memref<96x128xf32, #tpu.memory_space<hbm>>
        tpu.wait_dma2 semaphore(%dma_wait3A_222 : memref<!tpu.dma_semaphore, #tpu.memory_space<semaphore_mem>>) src(%dma_wait3A_225 : memref<96x128xf32, #tpu.memory_space<hbm>>) dst(%arg11 : memref<96x128xf32, #tpu.memory_space<vmem>>)
        %add3A_226 = arith.constant 3 : i32
        %add3A_227 = arith.addi %mul3A_168, %add3A_226 : i32
        %add3A_228 = arith.constant 1 : i32
        %add3A_229 = arith.addi %add3A_227, %add3A_228 : i32
        %lt3A_230 = arith.cmpi slt, %add3A_229, %select_n3A_114 : i32
        %convert_element_type3A_231 = arith.extui %lt3A_230 : i1 to i32
        %cond3A_232 = arith.constant 0 : i32
        %cond3A_233 = arith.cmpi ne, %convert_element_type3A_231, %cond3A_232 : i32
        scf.if %cond3A_233 {
          %dma_start3A = arith.constant 4 : i32
          %dma_start3A_235 = arith.constant 0 : i32
          %dma_start3A_236 = arith.constant 0 : i32
          %dma_start3A_237 = tpu.memref_slice %arg7[%dma_start3A, %dma_start3A_236] : memref<8x96xi32, #tpu.memory_space<vmem>> -> memref<1x96xi32, #tpu.memory_space<vmem>>
          %dma_start3A_238 = tpu.memref_squeeze %dma_start3A_237 : memref<1x96xi32, #tpu.memory_space<vmem>> -> memref<96xi32, #tpu.memory_space<vmem>>
          %dma_start3A_239 = arith.constant 0 : i32
          %dma_start3A_240 = arith.constant 0 : i32
          %dma_start3A_241 = tpu.memref_slice %arg12[%dma_start3A_239, %dma_start3A_240] : memref<12808x128xf32, #tpu.memory_space<vmem_shared>> -> memref<12808x128xf32, #tpu.memory_space<vmem_shared>>
          %dma_start3A_242 = tpu.memref_slice %arg13[%dma_start3A_235] : memref<2x!tpu.dma_semaphore, #tpu.memory_space<semaphore_mem>> -> memref<1x!tpu.dma_semaphore, #tpu.memory_space<semaphore_mem>>
          %dma_start3A_243 = tpu.memref_squeeze %dma_start3A_242 : memref<1x!tpu.dma_semaphore, #tpu.memory_space<semaphore_mem>> -> memref<!tpu.dma_semaphore, #tpu.memory_space<semaphore_mem>>
          tpu.enqueue_indirect_dma source(%dma_start3A_241 : memref<12808x128xf32, #tpu.memory_space<vmem_shared>>) target(%arg10 : memref<96x128xf32, #tpu.memory_space<vmem>>) offsets(%dma_start3A_238 : memref<96xi32, #tpu.memory_space<vmem>>) semaphore(%dma_start3A_243 : memref<!tpu.dma_semaphore, #tpu.memory_space<semaphore_mem>>)
        } else {
        }
        %run_scoped3A_234 = arith.constant 3 : i32
        "tpu.region"() ({
          %run_scoped3A_235 = tpu.sem_alloc : memref<!tpu.dma_semaphore, #tpu.memory_space<semaphore_mem>>
          %dma_start3A = arith.constant 0 : i32
          %dma_start3A_236 = tpu.memref_slice %arg8[%run_scoped3A_234, %dma_start3A] : memref<8x96xi32, #tpu.memory_space<vmem>> -> memref<1x96xi32, #tpu.memory_space<vmem>>
          %dma_start3A_237 = tpu.memref_squeeze %dma_start3A_236 : memref<1x96xi32, #tpu.memory_space<vmem>> -> memref<96xi32, #tpu.memory_space<vmem>>
          %dma_start3A_238 = arith.constant 0 : i32
          %dma_start3A_239 = arith.constant 0 : i32
          %dma_start3A_240 = tpu.memref_slice %arg12[%dma_start3A_238, %dma_start3A_239] : memref<12808x128xf32, #tpu.memory_space<vmem_shared>> -> memref<12808x128xf32, #tpu.memory_space<vmem_shared>>
          tpu.enqueue_indirect_dma source(%arg11 : memref<96x128xf32, #tpu.memory_space<vmem>>) target(%dma_start3A_240 : memref<12808x128xf32, #tpu.memory_space<vmem_shared>>) offsets(%dma_start3A_237 : memref<96xi32, #tpu.memory_space<vmem>>) semaphore(%run_scoped3A_235 : memref<!tpu.dma_semaphore, #tpu.memory_space<semaphore_mem>>) {add = true}
          %dma_wait3A_241 = arith.constant 0 : i32
          %dma_wait3A_242 = tpu.memref_slice %arg8[%run_scoped3A_234, %dma_wait3A_241] : memref<8x96xi32, #tpu.memory_space<vmem>> -> memref<1x96xi32, #tpu.memory_space<vmem>>
          %dma_wait3A_243 = tpu.memref_squeeze %dma_wait3A_242 : memref<1x96xi32, #tpu.memory_space<vmem>> -> memref<96xi32, #tpu.memory_space<vmem>>
          %dma_wait3A_244 = arith.constant 0 : i32
          %dma_wait3A_245 = arith.constant 0 : i32
          %dma_wait3A_246 = tpu.memref_slice %arg12[%dma_wait3A_244, %dma_wait3A_245] : memref<12808x128xf32, #tpu.memory_space<vmem_shared>> -> memref<12808x128xf32, #tpu.memory_space<vmem_shared>>
          tpu.wait_indirect_dma semaphore(%run_scoped3A_235 : memref<!tpu.dma_semaphore, #tpu.memory_space<semaphore_mem>>) src(%arg11 : memref<96x128xf32, #tpu.memory_space<vmem>>) dst(%dma_wait3A_246 : memref<12808x128xf32, #tpu.memory_space<vmem_shared>>)
          tpu.yield
        }) : () -> ()
      } else {
      }
      %add3A_194 = arith.constant 4 : i32
      %add3A_195 = arith.addi %mul3A_168, %add3A_194 : i32
      %lt3A_196 = arith.cmpi slt, %add3A_195, %select_n3A_114 : i32
      %convert_element_type3A_197 = arith.extui %lt3A_196 : i1 to i32
      %cond3A_198 = arith.constant 0 : i32
      %cond3A_199 = arith.cmpi ne, %convert_element_type3A_197, %cond3A_198 : i32
      scf.if %cond3A_199 {
        %dma_wait3A = arith.constant 0 : i32
        %dma_wait3A_218 = arith.constant 0 : i32
        %dma_wait3A_219 = arith.constant 0 : i32
        %dma_wait3A_220 = tpu.memref_slice %arg2[%dma_wait3A_218, %dma_wait3A_219] : memref<10240x128xf32, #tpu.memory_space<hbm>> -> memref<96x128xf32, #tpu.memory_space<hbm>>
        %dma_wait3A_221 = tpu.memref_slice %arg13[%dma_wait3A] : memref<2x!tpu.dma_semaphore, #tpu.memory_space<semaphore_mem>> -> memref<1x!tpu.dma_semaphore, #tpu.memory_space<semaphore_mem>>
        %dma_wait3A_222 = tpu.memref_squeeze %dma_wait3A_221 : memref<1x!tpu.dma_semaphore, #tpu.memory_space<semaphore_mem>> -> memref<!tpu.dma_semaphore, #tpu.memory_space<semaphore_mem>>
        %dma_wait3A_223 = arith.constant 0 : i32
        %dma_wait3A_224 = arith.constant 0 : i32
        %dma_wait3A_225 = tpu.memref_slice %arg2[%dma_wait3A_223, %dma_wait3A_224] : memref<10240x128xf32, #tpu.memory_space<hbm>> -> memref<96x128xf32, #tpu.memory_space<hbm>>
        tpu.wait_dma2 semaphore(%dma_wait3A_222 : memref<!tpu.dma_semaphore, #tpu.memory_space<semaphore_mem>>) src(%dma_wait3A_225 : memref<96x128xf32, #tpu.memory_space<hbm>>) dst(%arg10 : memref<96x128xf32, #tpu.memory_space<vmem>>)
        %add3A_226 = arith.constant 4 : i32
        %add3A_227 = arith.addi %mul3A_168, %add3A_226 : i32
        %add3A_228 = arith.constant 1 : i32
        %add3A_229 = arith.addi %add3A_227, %add3A_228 : i32
        %lt3A_230 = arith.cmpi slt, %add3A_229, %select_n3A_114 : i32
        %convert_element_type3A_231 = arith.extui %lt3A_230 : i1 to i32
        %cond3A_232 = arith.constant 0 : i32
        %cond3A_233 = arith.cmpi ne, %convert_element_type3A_231, %cond3A_232 : i32
        scf.if %cond3A_233 {
          %dma_start3A = arith.constant 5 : i32
          %dma_start3A_235 = arith.constant 1 : i32
          %dma_start3A_236 = arith.constant 0 : i32
          %dma_start3A_237 = tpu.memref_slice %arg7[%dma_start3A, %dma_start3A_236] : memref<8x96xi32, #tpu.memory_space<vmem>> -> memref<1x96xi32, #tpu.memory_space<vmem>>
          %dma_start3A_238 = tpu.memref_squeeze %dma_start3A_237 : memref<1x96xi32, #tpu.memory_space<vmem>> -> memref<96xi32, #tpu.memory_space<vmem>>
          %dma_start3A_239 = arith.constant 0 : i32
          %dma_start3A_240 = arith.constant 0 : i32
          %dma_start3A_241 = tpu.memref_slice %arg12[%dma_start3A_239, %dma_start3A_240] : memref<12808x128xf32, #tpu.memory_space<vmem_shared>> -> memref<12808x128xf32, #tpu.memory_space<vmem_shared>>
          %dma_start3A_242 = tpu.memref_slice %arg13[%dma_start3A_235] : memref<2x!tpu.dma_semaphore, #tpu.memory_space<semaphore_mem>> -> memref<1x!tpu.dma_semaphore, #tpu.memory_space<semaphore_mem>>
          %dma_start3A_243 = tpu.memref_squeeze %dma_start3A_242 : memref<1x!tpu.dma_semaphore, #tpu.memory_space<semaphore_mem>> -> memref<!tpu.dma_semaphore, #tpu.memory_space<semaphore_mem>>
          tpu.enqueue_indirect_dma source(%dma_start3A_241 : memref<12808x128xf32, #tpu.memory_space<vmem_shared>>) target(%arg11 : memref<96x128xf32, #tpu.memory_space<vmem>>) offsets(%dma_start3A_238 : memref<96xi32, #tpu.memory_space<vmem>>) semaphore(%dma_start3A_243 : memref<!tpu.dma_semaphore, #tpu.memory_space<semaphore_mem>>)
        } else {
        }
        %run_scoped3A_234 = arith.constant 4 : i32
        "tpu.region"() ({
          %run_scoped3A_235 = tpu.sem_alloc : memref<!tpu.dma_semaphore, #tpu.memory_space<semaphore_mem>>
          %dma_start3A = arith.constant 0 : i32
          %dma_start3A_236 = tpu.memref_slice %arg8[%run_scoped3A_234, %dma_start3A] : memref<8x96xi32, #tpu.memory_space<vmem>> -> memref<1x96xi32, #tpu.memory_space<vmem>>
          %dma_start3A_237 = tpu.memref_squeeze %dma_start3A_236 : memref<1x96xi32, #tpu.memory_space<vmem>> -> memref<96xi32, #tpu.memory_space<vmem>>
          %dma_start3A_238 = arith.constant 0 : i32
          %dma_start3A_239 = arith.constant 0 : i32
          %dma_start3A_240 = tpu.memref_slice %arg12[%dma_start3A_238, %dma_start3A_239] : memref<12808x128xf32, #tpu.memory_space<vmem_shared>> -> memref<12808x128xf32, #tpu.memory_space<vmem_shared>>
          tpu.enqueue_indirect_dma source(%arg10 : memref<96x128xf32, #tpu.memory_space<vmem>>) target(%dma_start3A_240 : memref<12808x128xf32, #tpu.memory_space<vmem_shared>>) offsets(%dma_start3A_237 : memref<96xi32, #tpu.memory_space<vmem>>) semaphore(%run_scoped3A_235 : memref<!tpu.dma_semaphore, #tpu.memory_space<semaphore_mem>>) {add = true}
          %dma_wait3A_241 = arith.constant 0 : i32
          %dma_wait3A_242 = tpu.memref_slice %arg8[%run_scoped3A_234, %dma_wait3A_241] : memref<8x96xi32, #tpu.memory_space<vmem>> -> memref<1x96xi32, #tpu.memory_space<vmem>>
          %dma_wait3A_243 = tpu.memref_squeeze %dma_wait3A_242 : memref<1x96xi32, #tpu.memory_space<vmem>> -> memref<96xi32, #tpu.memory_space<vmem>>
          %dma_wait3A_244 = arith.constant 0 : i32
          %dma_wait3A_245 = arith.constant 0 : i32
          %dma_wait3A_246 = tpu.memref_slice %arg12[%dma_wait3A_244, %dma_wait3A_245] : memref<12808x128xf32, #tpu.memory_space<vmem_shared>> -> memref<12808x128xf32, #tpu.memory_space<vmem_shared>>
          tpu.wait_indirect_dma semaphore(%run_scoped3A_235 : memref<!tpu.dma_semaphore, #tpu.memory_space<semaphore_mem>>) src(%arg10 : memref<96x128xf32, #tpu.memory_space<vmem>>) dst(%dma_wait3A_246 : memref<12808x128xf32, #tpu.memory_space<vmem_shared>>)
          tpu.yield
        }) : () -> ()
      } else {
      }
      %add3A_200 = arith.constant 5 : i32
      %add3A_201 = arith.addi %mul3A_168, %add3A_200 : i32
      %lt3A_202 = arith.cmpi slt, %add3A_201, %select_n3A_114 : i32
      %convert_element_type3A_203 = arith.extui %lt3A_202 : i1 to i32
      %cond3A_204 = arith.constant 0 : i32
      %cond3A_205 = arith.cmpi ne, %convert_element_type3A_203, %cond3A_204 : i32
      scf.if %cond3A_205 {
        %dma_wait3A = arith.constant 1 : i32
        %dma_wait3A_218 = arith.constant 0 : i32
        %dma_wait3A_219 = arith.constant 0 : i32
        %dma_wait3A_220 = tpu.memref_slice %arg2[%dma_wait3A_218, %dma_wait3A_219] : memref<10240x128xf32, #tpu.memory_space<hbm>> -> memref<96x128xf32, #tpu.memory_space<hbm>>
        %dma_wait3A_221 = tpu.memref_slice %arg13[%dma_wait3A] : memref<2x!tpu.dma_semaphore, #tpu.memory_space<semaphore_mem>> -> memref<1x!tpu.dma_semaphore, #tpu.memory_space<semaphore_mem>>
        %dma_wait3A_222 = tpu.memref_squeeze %dma_wait3A_221 : memref<1x!tpu.dma_semaphore, #tpu.memory_space<semaphore_mem>> -> memref<!tpu.dma_semaphore, #tpu.memory_space<semaphore_mem>>
        %dma_wait3A_223 = arith.constant 0 : i32
        %dma_wait3A_224 = arith.constant 0 : i32
        %dma_wait3A_225 = tpu.memref_slice %arg2[%dma_wait3A_223, %dma_wait3A_224] : memref<10240x128xf32, #tpu.memory_space<hbm>> -> memref<96x128xf32, #tpu.memory_space<hbm>>
        tpu.wait_dma2 semaphore(%dma_wait3A_222 : memref<!tpu.dma_semaphore, #tpu.memory_space<semaphore_mem>>) src(%dma_wait3A_225 : memref<96x128xf32, #tpu.memory_space<hbm>>) dst(%arg11 : memref<96x128xf32, #tpu.memory_space<vmem>>)
        %add3A_226 = arith.constant 5 : i32
        %add3A_227 = arith.addi %mul3A_168, %add3A_226 : i32
        %add3A_228 = arith.constant 1 : i32
        %add3A_229 = arith.addi %add3A_227, %add3A_228 : i32
        %lt3A_230 = arith.cmpi slt, %add3A_229, %select_n3A_114 : i32
        %convert_element_type3A_231 = arith.extui %lt3A_230 : i1 to i32
        %cond3A_232 = arith.constant 0 : i32
        %cond3A_233 = arith.cmpi ne, %convert_element_type3A_231, %cond3A_232 : i32
        scf.if %cond3A_233 {
          %dma_start3A = arith.constant 6 : i32
          %dma_start3A_235 = arith.constant 0 : i32
          %dma_start3A_236 = arith.constant 0 : i32
          %dma_start3A_237 = tpu.memref_slice %arg7[%dma_start3A, %dma_start3A_236] : memref<8x96xi32, #tpu.memory_space<vmem>> -> memref<1x96xi32, #tpu.memory_space<vmem>>
          %dma_start3A_238 = tpu.memref_squeeze %dma_start3A_237 : memref<1x96xi32, #tpu.memory_space<vmem>> -> memref<96xi32, #tpu.memory_space<vmem>>
          %dma_start3A_239 = arith.constant 0 : i32
          %dma_start3A_240 = arith.constant 0 : i32
          %dma_start3A_241 = tpu.memref_slice %arg12[%dma_start3A_239, %dma_start3A_240] : memref<12808x128xf32, #tpu.memory_space<vmem_shared>> -> memref<12808x128xf32, #tpu.memory_space<vmem_shared>>
          %dma_start3A_242 = tpu.memref_slice %arg13[%dma_start3A_235] : memref<2x!tpu.dma_semaphore, #tpu.memory_space<semaphore_mem>> -> memref<1x!tpu.dma_semaphore, #tpu.memory_space<semaphore_mem>>
          %dma_start3A_243 = tpu.memref_squeeze %dma_start3A_242 : memref<1x!tpu.dma_semaphore, #tpu.memory_space<semaphore_mem>> -> memref<!tpu.dma_semaphore, #tpu.memory_space<semaphore_mem>>
          tpu.enqueue_indirect_dma source(%dma_start3A_241 : memref<12808x128xf32, #tpu.memory_space<vmem_shared>>) target(%arg10 : memref<96x128xf32, #tpu.memory_space<vmem>>) offsets(%dma_start3A_238 : memref<96xi32, #tpu.memory_space<vmem>>) semaphore(%dma_start3A_243 : memref<!tpu.dma_semaphore, #tpu.memory_space<semaphore_mem>>)
        } else {
        }
        %run_scoped3A_234 = arith.constant 5 : i32
        "tpu.region"() ({
          %run_scoped3A_235 = tpu.sem_alloc : memref<!tpu.dma_semaphore, #tpu.memory_space<semaphore_mem>>
          %dma_start3A = arith.constant 0 : i32
          %dma_start3A_236 = tpu.memref_slice %arg8[%run_scoped3A_234, %dma_start3A] : memref<8x96xi32, #tpu.memory_space<vmem>> -> memref<1x96xi32, #tpu.memory_space<vmem>>
          %dma_start3A_237 = tpu.memref_squeeze %dma_start3A_236 : memref<1x96xi32, #tpu.memory_space<vmem>> -> memref<96xi32, #tpu.memory_space<vmem>>
          %dma_start3A_238 = arith.constant 0 : i32
          %dma_start3A_239 = arith.constant 0 : i32
          %dma_start3A_240 = tpu.memref_slice %arg12[%dma_start3A_238, %dma_start3A_239] : memref<12808x128xf32, #tpu.memory_space<vmem_shared>> -> memref<12808x128xf32, #tpu.memory_space<vmem_shared>>
          tpu.enqueue_indirect_dma source(%arg11 : memref<96x128xf32, #tpu.memory_space<vmem>>) target(%dma_start3A_240 : memref<12808x128xf32, #tpu.memory_space<vmem_shared>>) offsets(%dma_start3A_237 : memref<96xi32, #tpu.memory_space<vmem>>) semaphore(%run_scoped3A_235 : memref<!tpu.dma_semaphore, #tpu.memory_space<semaphore_mem>>) {add = true}
          %dma_wait3A_241 = arith.constant 0 : i32
          %dma_wait3A_242 = tpu.memref_slice %arg8[%run_scoped3A_234, %dma_wait3A_241] : memref<8x96xi32, #tpu.memory_space<vmem>> -> memref<1x96xi32, #tpu.memory_space<vmem>>
          %dma_wait3A_243 = tpu.memref_squeeze %dma_wait3A_242 : memref<1x96xi32, #tpu.memory_space<vmem>> -> memref<96xi32, #tpu.memory_space<vmem>>
          %dma_wait3A_244 = arith.constant 0 : i32
          %dma_wait3A_245 = arith.constant 0 : i32
          %dma_wait3A_246 = tpu.memref_slice %arg12[%dma_wait3A_244, %dma_wait3A_245] : memref<12808x128xf32, #tpu.memory_space<vmem_shared>> -> memref<12808x128xf32, #tpu.memory_space<vmem_shared>>
          tpu.wait_indirect_dma semaphore(%run_scoped3A_235 : memref<!tpu.dma_semaphore, #tpu.memory_space<semaphore_mem>>) src(%arg11 : memref<96x128xf32, #tpu.memory_space<vmem>>) dst(%dma_wait3A_246 : memref<12808x128xf32, #tpu.memory_space<vmem_shared>>)
          tpu.yield
        }) : () -> ()
      } else {
      }
      %add3A_206 = arith.constant 6 : i32
      %add3A_207 = arith.addi %mul3A_168, %add3A_206 : i32
      %lt3A_208 = arith.cmpi slt, %add3A_207, %select_n3A_114 : i32
      %convert_element_type3A_209 = arith.extui %lt3A_208 : i1 to i32
      %cond3A_210 = arith.constant 0 : i32
      %cond3A_211 = arith.cmpi ne, %convert_element_type3A_209, %cond3A_210 : i32
      scf.if %cond3A_211 {
        %dma_wait3A = arith.constant 0 : i32
        %dma_wait3A_218 = arith.constant 0 : i32
        %dma_wait3A_219 = arith.constant 0 : i32
        %dma_wait3A_220 = tpu.memref_slice %arg2[%dma_wait3A_218, %dma_wait3A_219] : memref<10240x128xf32, #tpu.memory_space<hbm>> -> memref<96x128xf32, #tpu.memory_space<hbm>>
        %dma_wait3A_221 = tpu.memref_slice %arg13[%dma_wait3A] : memref<2x!tpu.dma_semaphore, #tpu.memory_space<semaphore_mem>> -> memref<1x!tpu.dma_semaphore, #tpu.memory_space<semaphore_mem>>
        %dma_wait3A_222 = tpu.memref_squeeze %dma_wait3A_221 : memref<1x!tpu.dma_semaphore, #tpu.memory_space<semaphore_mem>> -> memref<!tpu.dma_semaphore, #tpu.memory_space<semaphore_mem>>
        %dma_wait3A_223 = arith.constant 0 : i32
        %dma_wait3A_224 = arith.constant 0 : i32
        %dma_wait3A_225 = tpu.memref_slice %arg2[%dma_wait3A_223, %dma_wait3A_224] : memref<10240x128xf32, #tpu.memory_space<hbm>> -> memref<96x128xf32, #tpu.memory_space<hbm>>
        tpu.wait_dma2 semaphore(%dma_wait3A_222 : memref<!tpu.dma_semaphore, #tpu.memory_space<semaphore_mem>>) src(%dma_wait3A_225 : memref<96x128xf32, #tpu.memory_space<hbm>>) dst(%arg10 : memref<96x128xf32, #tpu.memory_space<vmem>>)
        %add3A_226 = arith.constant 6 : i32
        %add3A_227 = arith.addi %mul3A_168, %add3A_226 : i32
        %add3A_228 = arith.constant 1 : i32
        %add3A_229 = arith.addi %add3A_227, %add3A_228 : i32
        %lt3A_230 = arith.cmpi slt, %add3A_229, %select_n3A_114 : i32
        %convert_element_type3A_231 = arith.extui %lt3A_230 : i1 to i32
        %cond3A_232 = arith.constant 0 : i32
        %cond3A_233 = arith.cmpi ne, %convert_element_type3A_231, %cond3A_232 : i32
        scf.if %cond3A_233 {
          %dma_start3A = arith.constant 7 : i32
          %dma_start3A_235 = arith.constant 1 : i32
          %dma_start3A_236 = arith.constant 0 : i32
          %dma_start3A_237 = tpu.memref_slice %arg7[%dma_start3A, %dma_start3A_236] : memref<8x96xi32, #tpu.memory_space<vmem>> -> memref<1x96xi32, #tpu.memory_space<vmem>>
          %dma_start3A_238 = tpu.memref_squeeze %dma_start3A_237 : memref<1x96xi32, #tpu.memory_space<vmem>> -> memref<96xi32, #tpu.memory_space<vmem>>
          %dma_start3A_239 = arith.constant 0 : i32
          %dma_start3A_240 = arith.constant 0 : i32
          %dma_start3A_241 = tpu.memref_slice %arg12[%dma_start3A_239, %dma_start3A_240] : memref<12808x128xf32, #tpu.memory_space<vmem_shared>> -> memref<12808x128xf32, #tpu.memory_space<vmem_shared>>
          %dma_start3A_242 = tpu.memref_slice %arg13[%dma_start3A_235] : memref<2x!tpu.dma_semaphore, #tpu.memory_space<semaphore_mem>> -> memref<1x!tpu.dma_semaphore, #tpu.memory_space<semaphore_mem>>
          %dma_start3A_243 = tpu.memref_squeeze %dma_start3A_242 : memref<1x!tpu.dma_semaphore, #tpu.memory_space<semaphore_mem>> -> memref<!tpu.dma_semaphore, #tpu.memory_space<semaphore_mem>>
          tpu.enqueue_indirect_dma source(%dma_start3A_241 : memref<12808x128xf32, #tpu.memory_space<vmem_shared>>) target(%arg11 : memref<96x128xf32, #tpu.memory_space<vmem>>) offsets(%dma_start3A_238 : memref<96xi32, #tpu.memory_space<vmem>>) semaphore(%dma_start3A_243 : memref<!tpu.dma_semaphore, #tpu.memory_space<semaphore_mem>>)
        } else {
        }
        %run_scoped3A_234 = arith.constant 6 : i32
        "tpu.region"() ({
          %run_scoped3A_235 = tpu.sem_alloc : memref<!tpu.dma_semaphore, #tpu.memory_space<semaphore_mem>>
          %dma_start3A = arith.constant 0 : i32
          %dma_start3A_236 = tpu.memref_slice %arg8[%run_scoped3A_234, %dma_start3A] : memref<8x96xi32, #tpu.memory_space<vmem>> -> memref<1x96xi32, #tpu.memory_space<vmem>>
          %dma_start3A_237 = tpu.memref_squeeze %dma_start3A_236 : memref<1x96xi32, #tpu.memory_space<vmem>> -> memref<96xi32, #tpu.memory_space<vmem>>
          %dma_start3A_238 = arith.constant 0 : i32
          %dma_start3A_239 = arith.constant 0 : i32
          %dma_start3A_240 = tpu.memref_slice %arg12[%dma_start3A_238, %dma_start3A_239] : memref<12808x128xf32, #tpu.memory_space<vmem_shared>> -> memref<12808x128xf32, #tpu.memory_space<vmem_shared>>
          tpu.enqueue_indirect_dma source(%arg10 : memref<96x128xf32, #tpu.memory_space<vmem>>) target(%dma_start3A_240 : memref<12808x128xf32, #tpu.memory_space<vmem_shared>>) offsets(%dma_start3A_237 : memref<96xi32, #tpu.memory_space<vmem>>) semaphore(%run_scoped3A_235 : memref<!tpu.dma_semaphore, #tpu.memory_space<semaphore_mem>>) {add = true}
          %dma_wait3A_241 = arith.constant 0 : i32
          %dma_wait3A_242 = tpu.memref_slice %arg8[%run_scoped3A_234, %dma_wait3A_241] : memref<8x96xi32, #tpu.memory_space<vmem>> -> memref<1x96xi32, #tpu.memory_space<vmem>>
          %dma_wait3A_243 = tpu.memref_squeeze %dma_wait3A_242 : memref<1x96xi32, #tpu.memory_space<vmem>> -> memref<96xi32, #tpu.memory_space<vmem>>
          %dma_wait3A_244 = arith.constant 0 : i32
          %dma_wait3A_245 = arith.constant 0 : i32
          %dma_wait3A_246 = tpu.memref_slice %arg12[%dma_wait3A_244, %dma_wait3A_245] : memref<12808x128xf32, #tpu.memory_space<vmem_shared>> -> memref<12808x128xf32, #tpu.memory_space<vmem_shared>>
          tpu.wait_indirect_dma semaphore(%run_scoped3A_235 : memref<!tpu.dma_semaphore, #tpu.memory_space<semaphore_mem>>) src(%arg10 : memref<96x128xf32, #tpu.memory_space<vmem>>) dst(%dma_wait3A_246 : memref<12808x128xf32, #tpu.memory_space<vmem_shared>>)
          tpu.yield
        }) : () -> ()
      } else {
      }
      %add3A_212 = arith.constant 7 : i32
      %add3A_213 = arith.addi %mul3A_168, %add3A_212 : i32
      %lt3A_214 = arith.cmpi slt, %add3A_213, %select_n3A_114 : i32
      %convert_element_type3A_215 = arith.extui %lt3A_214 : i1 to i32
      %cond3A_216 = arith.constant 0 : i32
      %cond3A_217 = arith.cmpi ne, %convert_element_type3A_215, %cond3A_216 : i32
      scf.if %cond3A_217 {
        %dma_wait3A = arith.constant 1 : i32
        %dma_wait3A_218 = arith.constant 0 : i32
        %dma_wait3A_219 = arith.constant 0 : i32
        %dma_wait3A_220 = tpu.memref_slice %arg2[%dma_wait3A_218, %dma_wait3A_219] : memref<10240x128xf32, #tpu.memory_space<hbm>> -> memref<96x128xf32, #tpu.memory_space<hbm>>
        %dma_wait3A_221 = tpu.memref_slice %arg13[%dma_wait3A] : memref<2x!tpu.dma_semaphore, #tpu.memory_space<semaphore_mem>> -> memref<1x!tpu.dma_semaphore, #tpu.memory_space<semaphore_mem>>
        %dma_wait3A_222 = tpu.memref_squeeze %dma_wait3A_221 : memref<1x!tpu.dma_semaphore, #tpu.memory_space<semaphore_mem>> -> memref<!tpu.dma_semaphore, #tpu.memory_space<semaphore_mem>>
        %dma_wait3A_223 = arith.constant 0 : i32
        %dma_wait3A_224 = arith.constant 0 : i32
        %dma_wait3A_225 = tpu.memref_slice %arg2[%dma_wait3A_223, %dma_wait3A_224] : memref<10240x128xf32, #tpu.memory_space<hbm>> -> memref<96x128xf32, #tpu.memory_space<hbm>>
        tpu.wait_dma2 semaphore(%dma_wait3A_222 : memref<!tpu.dma_semaphore, #tpu.memory_space<semaphore_mem>>) src(%dma_wait3A_225 : memref<96x128xf32, #tpu.memory_space<hbm>>) dst(%arg11 : memref<96x128xf32, #tpu.memory_space<vmem>>)
        %run_scoped3A_226 = arith.constant 7 : i32
        "tpu.region"() ({
          %run_scoped3A_227 = tpu.sem_alloc : memref<!tpu.dma_semaphore, #tpu.memory_space<semaphore_mem>>
          %dma_start3A = arith.constant 0 : i32
          %dma_start3A_228 = tpu.memref_slice %arg8[%run_scoped3A_226, %dma_start3A] : memref<8x96xi32, #tpu.memory_space<vmem>> -> memref<1x96xi32, #tpu.memory_space<vmem>>
          %dma_start3A_229 = tpu.memref_squeeze %dma_start3A_228 : memref<1x96xi32, #tpu.memory_space<vmem>> -> memref<96xi32, #tpu.memory_space<vmem>>
          %dma_start3A_230 = arith.constant 0 : i32
          %dma_start3A_231 = arith.constant 0 : i32
          %dma_start3A_232 = tpu.memref_slice %arg12[%dma_start3A_230, %dma_start3A_231] : memref<12808x128xf32, #tpu.memory_space<vmem_shared>> -> memref<12808x128xf32, #tpu.memory_space<vmem_shared>>
          tpu.enqueue_indirect_dma source(%arg11 : memref<96x128xf32, #tpu.memory_space<vmem>>) target(%dma_start3A_232 : memref<12808x128xf32, #tpu.memory_space<vmem_shared>>) offsets(%dma_start3A_229 : memref<96xi32, #tpu.memory_space<vmem>>) semaphore(%run_scoped3A_227 : memref<!tpu.dma_semaphore, #tpu.memory_space<semaphore_mem>>) {add = true}
          %dma_wait3A_233 = arith.constant 0 : i32
          %dma_wait3A_234 = tpu.memref_slice %arg8[%run_scoped3A_226, %dma_wait3A_233] : memref<8x96xi32, #tpu.memory_space<vmem>> -> memref<1x96xi32, #tpu.memory_space<vmem>>
          %dma_wait3A_235 = tpu.memref_squeeze %dma_wait3A_234 : memref<1x96xi32, #tpu.memory_space<vmem>> -> memref<96xi32, #tpu.memory_space<vmem>>
          %dma_wait3A_236 = arith.constant 0 : i32
          %dma_wait3A_237 = arith.constant 0 : i32
          %dma_wait3A_238 = tpu.memref_slice %arg12[%dma_wait3A_236, %dma_wait3A_237] : memref<12808x128xf32, #tpu.memory_space<vmem_shared>> -> memref<12808x128xf32, #tpu.memory_space<vmem_shared>>
          tpu.wait_indirect_dma semaphore(%run_scoped3A_227 : memref<!tpu.dma_semaphore, #tpu.memory_space<semaphore_mem>>) src(%arg11 : memref<96x128xf32, #tpu.memory_space<vmem>>) dst(%dma_wait3A_238 : memref<12808x128xf32, #tpu.memory_space<vmem_shared>>)
          tpu.yield
        }) : () -> ()
      } else {
      }
    }
    %barrier3A_154 = arith.constant 0 : index
    tpu.barrier barrier_id(%barrier3A_154)
    %mul3A_155 = arith.constant 160 : i32
    %mul3A_156 = arith.muli %arg1, %mul3A_155 : i32
    %add3A_157 = arith.constant 10240 : i32
    %add3A_158 = arith.addi %add3A_157, %mul3A_156 : i32
    %run_scoped3A_159 = arith.constant 1 : i32
    "tpu.region"() ({
      %run_scoped3A_160 = tpu.sem_alloc : memref<!tpu.dma_semaphore, #tpu.memory_space<semaphore_mem>>
      %dma_start3A = arith.constant 0 : i32
      %dma_start3A_161 = tpu.memref_slice %arg6[%run_scoped3A_159, %arg0, %mul3A_156, %dma_start3A] : memref<2x2x2560x128xf32, #tpu.memory_space<hbm>> -> memref<1x1x160x128xf32, #tpu.memory_space<hbm>>
      %dma_start3A_162 = tpu.memref_squeeze %dma_start3A_161 : memref<1x1x160x128xf32, #tpu.memory_space<hbm>> -> memref<160x128xf32, #tpu.memory_space<hbm>>
      %dma_start3A_163 = arith.constant 0 : i32
      %dma_start3A_164 = tpu.memref_slice %arg12[%add3A_158, %dma_start3A_163] : memref<12808x128xf32, #tpu.memory_space<vmem_shared>> -> memref<160x128xf32, #tpu.memory_space<vmem_shared>>
      tpu.enqueue_dma source(%dma_start3A_164 : memref<160x128xf32, #tpu.memory_space<vmem_shared>>) target(%dma_start3A_162 : memref<160x128xf32, #tpu.memory_space<hbm>>) target_semaphore(%run_scoped3A_160 : memref<!tpu.dma_semaphore, #tpu.memory_space<semaphore_mem>>)
      %dma_wait3A = arith.constant 0 : i32
      %dma_wait3A_165 = tpu.memref_slice %arg6[%run_scoped3A_159, %arg0, %mul3A_156, %dma_wait3A] : memref<2x2x2560x128xf32, #tpu.memory_space<hbm>> -> memref<1x1x160x128xf32, #tpu.memory_space<hbm>>
      %dma_wait3A_166 = tpu.memref_squeeze %dma_wait3A_165 : memref<1x1x160x128xf32, #tpu.memory_space<hbm>> -> memref<160x128xf32, #tpu.memory_space<hbm>>
      %dma_wait3A_167 = arith.constant 0 : i32
      %dma_wait3A_168 = tpu.memref_slice %arg12[%add3A_158, %dma_wait3A_167] : memref<12808x128xf32, #tpu.memory_space<vmem_shared>> -> memref<160x128xf32, #tpu.memory_space<vmem_shared>>
      tpu.wait_dma2 semaphore(%run_scoped3A_160 : memref<!tpu.dma_semaphore, #tpu.memory_space<semaphore_mem>>) src(%dma_wait3A_168 : memref<160x128xf32, #tpu.memory_space<vmem_shared>>) dst(%dma_wait3A_166 : memref<160x128xf32, #tpu.memory_space<hbm>>)
      tpu.yield
    }) : () -> ()
    return
  }
}

module attributes {stable_mosaic.version = 14 : i64} {
  func.func @_scale_body(%arg0: i32, %arg1: memref<1280x128xf32, #tpu.memory_space<vmem>>, %arg2: memref<1280x16xf32, #tpu.memory_space<vmem>>, %arg3: memref<1280x128xf32, #tpu.memory_space<vmem>>, %arg4: memref<1280x1xf32, #tpu.memory_space<vmem>>) attributes {dimension_semantics = [#tpu.dimension_semantics<arbitrary>], iteration_bounds = array<i64: 8>, scalar_prefetch = 0 : i64, scratch_operands = 0 : i64, tpu.core_type = #tpu.core_type<tc>, window_params = [{transform_indices = @transform_0, window_bounds = array<i64: 1280, 128>}, {transform_indices = @transform_1, window_bounds = array<i64: 1280, 16>}, {transform_indices = @transform_2, window_bounds = array<i64: 1280, 128>}, {transform_indices = @transform_3, window_bounds = array<i64: 1280, 1>}]} {
    %get3A = arith.constant 0 : index
    %get3A_0 = arith.constant 0 : index
    %get3A_1 = vector.load %arg2[%get3A, %get3A_0] : memref<1280x16xf32, #tpu.memory_space<vmem>>, vector<1280x16xf32>
    %reduce_sum3A = arith.constant dense<0.000000e+00> : vector<1280xf32>
    %reduce_sum3A_2 = vector.multi_reduction <add>, %get3A_1, %reduce_sum3A [1] : vector<1280x16xf32> to vector<1280xf32>
    %broadcast_in_dim3A = vector.shape_cast %reduce_sum3A_2 : vector<1280xf32> to vector<1280x1xf32>
    %add3A = arith.constant 1.000000e+00 : f32
    %add3A_3 = vector.broadcast %add3A : f32 to vector<1280x1xf32>
    %add3A_4 = arith.addf %broadcast_in_dim3A, %add3A_3 : vector<1280x1xf32>
    %rsqrt3A = math.rsqrt %add3A_4 : vector<1280x1xf32>
    %swap3A = arith.constant 0 : index
    %swap3A_5 = arith.constant 0 : index
    %swap3A_6 = vector.load %arg4[%swap3A, %swap3A_5] : memref<1280x1xf32, #tpu.memory_space<vmem>>, vector<1280x1xf32>
    tpu.vector_store %arg4[%swap3A, %swap3A_5], %rsqrt3A {strides = array<i32>} : memref<1280x1xf32, #tpu.memory_space<vmem>>, vector<1280x1xf32>,
    %get3A_7 = arith.constant 0 : index
    %get3A_8 = arith.constant 0 : index
    %get3A_9 = vector.load %arg1[%get3A_7, %get3A_8] : memref<1280x128xf32, #tpu.memory_space<vmem>>, vector<1280x128xf32>
    %mul3A = vector.broadcast %rsqrt3A : vector<1280x1xf32> to vector<1280x128xf32>
    %mul3A_10 = arith.mulf %get3A_9, %mul3A : vector<1280x128xf32>
    %swap3A_11 = arith.constant 0 : index
    %swap3A_12 = arith.constant 0 : index
    %swap3A_13 = vector.load %arg3[%swap3A_11, %swap3A_12] : memref<1280x128xf32, #tpu.memory_space<vmem>>, vector<1280x128xf32>
    tpu.vector_store %arg3[%swap3A_11, %swap3A_12], %mul3A_10 {strides = array<i32>} : memref<1280x128xf32, #tpu.memory_space<vmem>>, vector<1280x128xf32>,
    return
  }
  func.func @transform_0(%arg0: i32) -> (i32, i32) {
    %c0_i32 = arith.constant 0 : i32
    %c0_i32_0 = arith.constant 0 : i32
    return %arg0, %c0_i32 : i32, i32
  }
  func.func @transform_1(%arg0: i32) -> (i32, i32) {
    %c0_i32 = arith.constant 0 : i32
    %c0_i32_0 = arith.constant 0 : i32
    return %arg0, %c0_i32 : i32, i32
  }
  func.func @transform_2(%arg0: i32) -> (i32, i32) {
    %c0_i32 = arith.constant 0 : i32
    %c0_i32_0 = arith.constant 0 : i32
    return %arg0, %c0_i32 : i32, i32
  }
  func.func @transform_3(%arg0: i32) -> (i32, i32) {
    %c0_i32 = arith.constant 0 : i32
    %c0_i32_0 = arith.constant 0 : i32
    return %arg0, %c0_i32 : i32, i32
  }
}

module attributes {stable_mosaic.version = 14 : i64} {
  func.func @_final_body(%arg0: i32, %arg1: memref<1280x128xf32, #tpu.memory_space<vmem>>, %arg2: memref<1280x1xf32, #tpu.memory_space<vmem>>, %arg3: memref<128x128xf32, #tpu.memory_space<vmem>>, %arg4: memref<1x128xf32, #tpu.memory_space<vmem>>, %arg5: memref<1280x128xf32, #tpu.memory_space<vmem>>) attributes {dimension_semantics = [#tpu.dimension_semantics<arbitrary>], iteration_bounds = array<i64: 8>, scalar_prefetch = 0 : i64, scratch_operands = 0 : i64, tpu.core_type = #tpu.core_type<tc>, window_params = [{transform_indices = @transform_0, window_bounds = array<i64: 1280, 128>}, {transform_indices = @transform_1, window_bounds = array<i64: 1280, 1>}, {pipeline_mode = #tpu.pipeline_mode<synchronous>, transform_indices = @transform_2, window_bounds = array<i64: 128, 128>}, {pipeline_mode = #tpu.pipeline_mode<synchronous>, transform_indices = @transform_3, window_bounds = array<i64: 1, 128>}, {transform_indices = @transform_4, window_bounds = array<i64: 1280, 128>}]} {
    %get3A = arith.constant 0 : index
    %get3A_0 = arith.constant 0 : index
    %get3A_1 = vector.load %arg1[%get3A, %get3A_0] : memref<1280x128xf32, #tpu.memory_space<vmem>>, vector<1280x128xf32>
    %get3A_2 = arith.constant 0 : index
    %get3A_3 = arith.constant 0 : index
    %get3A_4 = vector.load %arg2[%get3A_2, %get3A_3] : memref<1280x1xf32, #tpu.memory_space<vmem>>, vector<1280x1xf32>
    %mul3A = vector.broadcast %get3A_4 : vector<1280x1xf32> to vector<1280x128xf32>
    %mul3A_5 = arith.mulf %get3A_1, %mul3A : vector<1280x128xf32>
    %get3A_6 = arith.constant 0 : index
    %get3A_7 = arith.constant 0 : index
    %get3A_8 = vector.load %arg3[%get3A_6, %get3A_7] : memref<128x128xf32, #tpu.memory_space<vmem>>, vector<128x128xf32>
    %dot_general3A = arith.constant dense<0.000000e+00> : vector<1280x128xf32>
    %dot_general3A_9 = tpu.matmul %mul3A_5, %get3A_8, %dot_general3A {dimension_numbers = #tpu.dot_dimension_numbers<[1], [0], [0], [1], [0, 0, 1, 1], [], []>, transpose_lhs_hint = false} : vector<1280x128xf32>, vector<128x128xf32>, vector<1280x128xf32> -> vector<1280x128xf32>
    %get3A_10 = arith.constant 0 : index
    %get3A_11 = arith.constant 0 : index
    %get3A_12 = vector.load %arg4[%get3A_10, %get3A_11] : memref<1x128xf32, #tpu.memory_space<vmem>>, vector<1x128xf32>
    %add3A = vector.broadcast %get3A_12 : vector<1x128xf32> to vector<1280x128xf32>
    %add3A_13 = arith.addf %dot_general3A_9, %add3A : vector<1280x128xf32>
    %max3A = arith.constant 0.000000e+00 : f32
    %max3A_14 = vector.broadcast %max3A : f32 to vector<1280x128xf32>
    %max3A_15 = arith.maximumf %add3A_13, %max3A_14 : vector<1280x128xf32>
    %swap3A = arith.constant 0 : index
    %swap3A_16 = arith.constant 0 : index
    %swap3A_17 = vector.load %arg5[%swap3A, %swap3A_16] : memref<1280x128xf32, #tpu.memory_space<vmem>>, vector<1280x128xf32>
    tpu.vector_store %arg5[%swap3A, %swap3A_16], %max3A_15 {strides = array<i32>} : memref<1280x128xf32, #tpu.memory_space<vmem>>, vector<1280x128xf32>,
    return
  }
  func.func @transform_0(%arg0: i32) -> (i32, i32) {
    %c0_i32 = arith.constant 0 : i32
    %c0_i32_0 = arith.constant 0 : i32
    return %arg0, %c0_i32 : i32, i32
  }
  func.func @transform_1(%arg0: i32) -> (i32, i32) {
    %c0_i32 = arith.constant 0 : i32
    %c0_i32_0 = arith.constant 0 : i32
    return %arg0, %c0_i32 : i32, i32
  }
  func.func @transform_2(%arg0: i32) -> (i32, i32) {
    %c0_i32 = arith.constant 0 : i32
    %c0_i32_0 = arith.constant 0 : i32
    %c0_i32_1 = arith.constant 0 : i32
    return %c0_i32, %c0_i32_0 : i32, i32
  }
  func.func @transform_3(%arg0: i32) -> (i32, i32) {
    %c0_i32 = arith.constant 0 : i32
    %c0_i32_0 = arith.constant 0 : i32
    %c0_i32_1 = arith.constant 0 : i32
    return %c0_i32, %c0_i32_0 : i32, i32
  }
  func.func @transform_4(%arg0: i32) -> (i32, i32) {
    %c0_i32 = arith.constant 0 : i32
    %c0_i32_0 = arith.constant 0 : i32
    return %arg0, %c0_i32 : i32, i32
  }
}

</mosaic_0001>

<sc_bundles>
// kernel: kernel.6.cloned.1.call-start
scs
__scs_entry_jumppad:
0x0: {  	(pc) =	sbr.rel $0x88, $3  }
0x1: {  	(tag) =	ssettag $0x0;
	lr =	simm.s32 $0x1  }
0x2: {  	[smem:$0x3F9D] =	sst lr;
	_ =	strace $0xD0000000  }
0x3: {  	_ = 	snop  }
0x4: {  	_ = 	snop  }
0x5: {  	_ = 	snop  }
0x6: {  	_ = 	snop  }
0x7: {  	_ = 	snop  }
__scs_overlays_trampoline_lowered:
0x8: {  	[smem:$0x3FAC] =	sst s0  }
0x9: {  	[smem:$0x3FAD] =	sst s1  }
0xa: {  	[smem:$0x3FAE] =	sst s2  }
0xb: {  	[smem:$0x3FAF] =	sst s3  }
0xc: {  	[smem:$0x3FB0] =	sst s4  }
0xd: {  	[smem:$0x3FB1] =	sst s5  }
0xe: {  	[smem:$0x3FB2] =	sst s6  }
0xf: {  	[smem:$0x3FB3] =	sst s7  }
0x10: {  	[smem:$0x3FB4] =	sst s8  }
0x11: {  	[smem:$0x3FB5] =	sst s9;
	s0 =	simm.s32 @!p0 $0x0  }
0x12: {  	s1 =	sld [smem:$0x3F9B];
	s0 =	simm.s32 @p0 $0x1  }
0x13: {  	[smem:$0x3FB6] =	sst s0;
	s0 =	simm.s32 @!p1 $0x0  }
0x14: {  	s2 =	sld [smem:$0x3F9A];
	s0 =	simm.s32 @p1 $0x1  }
0x15: {  	[smem:$0x3FB7] =	sst s0;
	s0 =	simm.s32 @!p2 $0x0  }
0x16: {  	s3 =	sld [smem:$0x3FDB];
	s0 =	simm.s32 @p2 $0x1  }
0x17: {  	s4 =	simm.s32 $0x1BF5;
	[smem:$0x3FB9] =	sst s0  }
0x18: {  	s0 =	sld [smem:$0x3F9C];
	_ =	swait.ge [sflag:s4], $0x0  }
0x19: {  	s7 =	sld [smem:$0x3F9D]  }
0x1a: {  	s8 =	sadd.s32 $0xFFFFE003, lr  }
0x1b: {  	s9 =	sadd.s32 $0xFFFFFEF7, lr;
	s5 =	simm.s32 $0xFFFFFFFF;
	p2 =	slt.u32 s8, $0xFFFFF086  }
0x1c: {  	p1 =	slt.u32 s9, $0xF7A;
	s5 =	simm.s32 @!p2 $0x0  }
0x1d: {  	s5 =	simm.s32 @p1 $0x1;
	p0 =	seq.s32 s7, s2  }
0x1e: {  	s7 =	smul.u32 @!p0 $0xF7A, s2;
	p2 =	seq.s32 @!p0 s5, $0x0  }
0x1f: {  	s9 =	smul.u32 $0xF7A, s1;
	s8 =	simm.s32 @!p0 $0x1BF5;
	p2 =	por !p2, p0  }
0x20: {  	[sflag:s8] =	ssyncset.s32 @!p0 $0xFFFFF086;
	s6 =	sadd.s32 @!p0 s3, s7;
	s7 =	simm.s32 @!p0 $0x108  }
0x21: {  	s3 =	sadd.s32 s3, s9;
	s6 =	sadd.s32 @!p0 $0x88, s6;
	s7 =	simm.s32 @p2 $0x1082  }
0x22: {  	[simem:s7], [sflag:s8] =	dma.local @!p0 [hbm:s6], $0xF7A  }
0x23: {  	s9 =	sor.u32 $0xD0000000, s2;
	s6 =	simm.s32 $0x108;
	_ =	swait.ge @!p0 [sflag:s8], $0x0  }
0x24: {  	s3 =	sadd.s32 $0x88, s3;
	s6 =	simm.s32 @!p1 $0x1082;
	[sflag:s4] =	ssyncset.s32 $0xFFFFF086  }
0x25: {  	[simem:s6], [sflag:s4] =	dma.local [hbm:s3], $0xF7A  }
0x26: {  	[smem:$0x3F9D] =	sst s1;
	(tag) =	ssettag s2;
	_ =	strace s9  }
0x27: {  	s1 =	sld [smem:$0x3FAD]  }
0x28: {  	s2 =	sld [smem:$0x3FAE]  }
0x29: {  	s4 =	sld [smem:$0x3FB0]  }
0x2a: {  	p0 =	seq.s32 s5, $0x0;
	s5 =	sld [smem:$0x3FB1]  }
0x2b: {  	s6 =	sld [smem:$0x3FB2]  }
0x2c: {  	s7 =	sld [smem:$0x3FB3]  }
0x2d: {  	s3 =	simm.s32 $0x108;
	s8 =	sld [smem:$0x3FB4]  }
0x2e: {  	s3 =	simm.s32 @!p0 $0x1082;
	s9 =	sld [smem:$0x3FB5]  }
0x2f: {  	lr =	sadd.s32 s0, s3;
	s0 =	sld [smem:$0x3FAC]  }
0x30: {  	s3 =	sld [smem:$0x3FAF]  }
0x31: {  	[smem:$0x3FB8] =	sst s10  }
0x32: {  	s10 =	sld [smem:$0x3FB6];
	_ =	sdelay $0x3  }
0x33: {  	p0 =	seq.s32 s10, $0x1;
	s10 =	sld [smem:$0x3FB8];
	_ =	sdelay $0x3  }
0x34: {  	[smem:$0x3FB8] =	sst s10  }
0x35: {  	s10 =	sld [smem:$0x3FB7];
	_ =	sdelay $0x3  }
0x36: {  	p1 =	seq.s32 s10, $0x1;
	s10 =	sld [smem:$0x3FB8];
	_ =	sdelay $0x3  }
0x37: {  	[smem:$0x3FB8] =	sst s10  }
0x38: {  	s10 =	sld [smem:$0x3FB9]  }
0x39: {  	_ = 	snop;
	(pc) =	sbr.ind lr, $3  }
0x3a: {  	_ = 	snop  }
0x3b: {  	_ = 	snop  }
0x3c: {  	p2 =	seq.s32 s10, $0x1;
	s10 =	sld [smem:$0x3FB8]  }
0x3d: {  	_ =	shalt  }
0x3e: {  	_ =	shalt  }
0x3f: {  	_ =	shalt  }
0x40: {  	_ =	shalt  }
0x41: {  	_ =	shalt  }
0x42: {  	_ =	shalt  }
0x43: {  	_ =	shalt  }
0x44: {  	_ =	shalt  }
0x45: {  	_ =	shalt  }
0x46: {  	_ =	shalt  }
0x47: {  	_ =	shalt  }
0x48: {  	_ =	shalt  }
0x49: {  	_ =	shalt  }
0x4a: {  	_ =	shalt  }
0x4b: {  	_ =	shalt  }
0x4c: {  	_ =	shalt  }
0x4d: {  	_ =	shalt  }
0x4e: {  	_ =	shalt  }
0x4f: {  	_ =	shalt  }
0x50: {  	_ =	shalt  }
0x51: {  	_ =	shalt  }
0x52: {  	_ =	shalt  }
0x53: {  	_ =	shalt  }
0x54: {  	_ =	shalt  }
0x55: {  	_ =	shalt  }
0x56: {  	_ =	shalt  }
0x57: {  	_ =	shalt  }
0x58: {  	_ =	shalt  }
0x59: {  	_ =	shalt  }
0x5a: {  	_ =	shalt  }
0x5b: {  	_ =	shalt  }
0x5c: {  	_ =	shalt  }
0x5d: {  	_ =	shalt  }
0x5e: {  	_ =	shalt  }
0x5f: {  	_ =	shalt  }
0x60: {  	_ =	shalt  }
0x61: {  	_ =	shalt  }
0x62: {  	_ =	shalt  }
0x63: {  	_ =	shalt  }
0x64: {  	_ =	shalt  }
0x65: {  	_ =	shalt  }
0x66: {  	_ =	shalt  }
0x67: {  	_ =	shalt  }
0x68: {  	_ =	shalt  }
0x69: {  	_ =	shalt  }
0x6a: {  	_ =	shalt  }
0x6b: {  	_ =	shalt  }
0x6c: {  	_ =	shalt  }
0x6d: {  	_ =	shalt  }
0x6e: {  	_ =	shalt  }
0x6f: {  	_ =	shalt  }
0x70: {  	_ =	shalt  }
0x71: {  	_ =	shalt  }
0x72: {  	_ =	shalt  }
0x73: {  	_ =	shalt  }
0x74: {  	_ =	shalt  }
0x75: {  	_ =	shalt  }
0x76: {  	_ =	shalt  }
0x77: {  	_ =	shalt  }
0x78: {  	_ =	shalt  }
0x79: {  	_ =	shalt  }
0x7a: {  	_ =	shalt  }
0x7b: {  	_ =	shalt  }
0x7c: {  	_ =	shalt  }
0x7d: {  	_ =	shalt  }
0x7e: {  	_ =	shalt  }
0x7f: {  	_ =	shalt  }
0x80: {  	_ =	shalt  }
0x81: {  	_ =	shalt  }
0x82: {  	_ =	shalt  }
0x83: {  	_ =	shalt  }
0x84: {  	_ =	shalt  }
0x85: {  	_ =	shalt  }
0x86: {  	_ =	shalt  }
0x87: {  	_ =	shalt  }
.Lfunc_end0:
.L_simem_size_0:
called_computation_lowered:
.L_overlay_start_0:
0x88: {  	s2 =	sld [smem:$0x3FD9]  }
0x89: {  	s3 =	sld [smem:$0x3FFE];
	_ =	sdelay $0x1  }
0x8a: {  	s1 =	srdreg.scid  }
0x8b: {  	s0 =	sand.u32 $0x1, s1  }
0x8c: {  	s17 =	sshll.u32 s0, $0xA;
	s2 =	sadd.s32 s3, s2  }
0x8d: {  	s2 =	sadd.s32 s2, s17  }
0x8e: {  	[smem:$0x3FC4] =	sst s2  }
0x8f: {  	_ = 	snop  }
0x90: {  	s2 =	sld [smem:$0x3FD0];
	(tm) =	ssettm $0x1  }
0x91: {  	s18 =	sld [smem:$0x3FFB];
	_ =	sdelay $0x3  }
0x92: {  	_ =	strace s18  }
0x93: {  	s3 =	sld [smem:$0x3FFC];
	_ =	sdelay $0x3  }
0x94: {  	_ =	strace s3  }
0x95: {  	s3 =	sld [smem:$0x3FFD];
	_ =	sdelay $0x3  }
0x96: {  	_ =	strace s3  }
0x97: {  	_ =	strace $0x8FFFFFFF  }
0x98: {  	s19 =	sld [smem:$0x3FDB];
	_ =	sdelay $0x1  }
0x99: {  	s4 =	simm.s32 $_scs_section_size  }
0x9a: {  	s5 =	simm.s32 $_size__tile_overlayer_lowered;
	s6 =	simm.s32 $_tile_overlayer_lowered  }
0x9b: {  	s22 =	simm.s32 $0x1BFF;
	s21 =	sshll.u32 s6, $0x1;
	s3 =	sadd.s32 s4, s19  }
0x9c: {  	s7 =	simm.s32 $0x0;
	s20 =	sshll.u32 s5, $0x1;
	s5 =	sadd.s32 s21, s3  }
0x9d: {  	[timem:s7], [sflag:s22] =	dma.local [hbm:s5], s20  }
0x9e: {  	_ =	swait.ge [sflag:s22], s20  }
0x9f: {  	s4 =	ssub.s32 $0x0, s20;
	[sflag:s22] =	ssyncset.done $0x0  }
0xa0: {  	[sflag:s22] =	ssyncadd.s32 s4;
	_ =	sdelay $0x1  }
0xa1: {  	s23 =	simm.s32 $0x1B8B  }
0xa2: {  	_ =	swait.ge [sflag:s23], $0x1  }
0xa3: {  	[sflag:s23] =	ssyncset.done $0x0  }
0xa4: {  	s25 =	simm.s32 $0x1B8E;
	s24 =	sld [smem:$0x3FFE];
	[sflag:s23] =	ssyncadd.s32 $0xFFFFFFFF  }
0xa5: {  	s26 =	simm.s32 $execute0_lowered;
	[smem:$0x3FD2] =	sst s25  }
0xa6: {  	s5 =	sshll.u32 s26, $0x1;
	_ =	strace $0x80000046;
	[dreg:$0x1] =	wrdreg $0xFFFFFFFF  }
0xa7: {  	s28 =	simm.s32 $_size_execute0_lowered;
	s3 =	sadd.s32 s3, s5;
	[dreg:$0x0] =	wrdreg $0x0  }
0xa8: {  	s5 =	sshll.u32 s28, $0x1;
	[dreg:$0x2] =	wrdreg s3  }
0xa9: {  	[dreg:$0x3] =	wrdreg s5  }
0xaa: {  	[dreg:$0x4] =	wrdreg $0xC0  }
0xab: {  	_ =	task [dreg:s7], $0x5FFFF  }
0xac: {  	[dreg:$0x1] =	wrdreg $0xFFFFFFFF  }
0xad: {  	[dreg:$0x0] =	wrdreg $0x60  }
0xae: {  	[dreg:$0x2] =	wrdreg s2  }
0xaf: {  	[dreg:$0x3] =	wrdreg s24  }
0xb0: {  	[dreg:$0x4] =	wrdreg $0x9  }
0xb1: {  	_ =	task.clear_ibuf [dreg:s7], $0x5FFFF;
	_ =	strace $0x90000046  }
0xb2: {  	s29 =	simm.s32 $0x9;
	_ =	strace $0x80000048  }
0xb3: {  	_ =	swait.ge [sflag:s29], $0x1  }
0xb4: {  	[sflag:s29] =	ssyncadd.s32 $0xFFFFFFFF  }
0xb5: {  	_ =	strace $0x90000048  }
0xb6: {  	_ =	sfence  }
0xb7: {  	s30 =	sld [smem:$0x0];
	_ =	sdelay $0x2  }
0xb8: {  	s31 =	sshll.u32 s1, $0xD;
	s1 =	sshrl.u32 s1, $0x2  }
0xb9: {  	s3 =	sand.u32 $0x4000, s31;
	s1 =	sadd.s32 s1, s30  }
0xba: {  	s0 =	sor.u32 s3, s0;
	s1 =	sshll.u32 s1, $0x11  }
0xbb: {  	s0 =	sor.u32 s1, s0  }
0xbc: {  	s0 =	sadd.s32 $0x8F2B, s0  }
0xbd: {  	[sflag:s0] =	ssyncadd.remote.s32 $0x1  }
0xbe: {  	_ =	sfence.sel $0xFFFF  }
0xbf: {  	[dreg:$0x0] =	wrdreg $0xFFFFFFFF;
	(pc) =	sbr.abs _section_cstart, $3  }
0xc0: {  	[dreg:$0x1] =	wrdreg $0xFFFFFFFF  }
0xc1: {  	_ =	task.clear_ibuf [dreg:s7], $0x2FFFF;
	_ =	strace $0x9FFFFFFF  }
0xc2: {  	(tm) =	ssettm $0x7FFFFFFF  }
0xc3: {  	_ =	shalt  }
tec
execute0_lowered:
.L_overlay_start_1:
0x0: {  	(tag) =	ssettag $0x1  }
0x1: {  	s5 =	rddreg [dreg:$0x0]  }
0x2: {  	s3 =	rddreg [dreg:$0x1]  }
0x3: {  	s2 =	simm.s32 $0x0;
	s4 =	srdreg.scid;
	s0 =	stileid.u32  }
0x4: {  	s19 =	simm.s32 $0x1D080;
	s20 =	simm.s32 $0x5000;
	[smem:$0x7FF] =	sst s2  }
0x5: {  	s4 =	sand.u32 $0x1, s4;
	s6 =	sshrl.u32 s0, $0x3;
	s26 =	smul.u32 $0x6000, s0  }
0x6: {  	s7 =	sshll.u32 s0, $0x7;
	s11 =	sadd.s32 $0x1E00, s3;
	s10 =	smul.u32 $0x28000, s4  }
0x7: {  	s12 =	sadd.s32 $0x15E00, s3;
	s13 =	sadd.s32 $0x45E00, s3;
	s21 =	smul.u32 $0x14000, s6  }
0x8: {  	_ =	strace $0x80000047;
	s8 =	sshll.u32 s4, $0xB;
	s17 =	smul.u32 $0xA00, s4  }
0x9: {  	s9 =	sshll.u32 s6, $0xA;
	s7 =	sand.u32 $0x380, s7;
	s6 =	smul.u32 $0x28000, s6  }
0xa: {  	s23 =	ssub.s32 $0x2, s4;
	s4 =	smul.u32 $0x60000, s4;
	s8 =	sor.u32 s8, s9  }
0xb: {  	s24 =	sshrl.u32 s23, $0x1;
	s8 =	sor.u32 s7, s8;
	s9 =	sadd.s32 s10, s21  }
0xc: {  	s16 =	ssub.s32 s23, s24;
	s25 =	sor.u32 s7, s6;
	s18 =	sadd.s32 $0x1400, s17  }
0xd: {  	s6 =	sadd.s32 s26, s4;
	v0 =	vmov s17;
	s17 =	simm.s32 $0x1;
	s21 =	simm.s32 $0xB000  }
0xe: {  	s23 =	simm.s32 $0x17000;
	s24 =	simm.s32 $0x1D000;
	s8 =	sshrl.u32 s8, $0x3  }
0xf: {  	s22 =	sor.u32 s7, s9;
	s7 =	sshrl.u32 s25, $0x3;
	s28 =	sadd.s32 $0x14000, s25  }
0x10: {  	s30 =	sshrl.u32 s6, $0x3;
	v1 =	vmov s18;
	s18 =	simm.s32 $0x2800;
	s25 =	simm.s32 $0x0  }
0x11: {  	s14 =	sadd.s32 s8, s3;
	s8 =	sshrl.u32 s22, $0x3;
	s29 =	sadd.s32 s5, s7  }
0x12: {  	s4 =	sadd.s32 s11, s7;
	s7 =	sadd.s32 s12, s30;
	s31 =	sadd.s32 $0x18000, s30  }
0x13: {  	s22 =	simm.s32 $0x11000;
	s15 =	sadd.s32 s8, s3;
	[dreg:$0x3] =	wrdreg s29  }
0x14: {  	s8 =	sshrl.u32 s28, $0x3;
	s9 =	sadd.s32 $0x75E00, s14;
	s10 =	sadd.s32 s12, s31  }
0x15: {  	s12 =	sadd.s32 $0x76000, s14;
	s14 =	smax.u32 s16, $0x1;
	s16 =	simm.s32 $0x400  }
0x16: {  	v2 =	vimm.f32 $0.0e+00;
	v3 =	vimm.f32 $1.000000000e+00;
	v4 =	vlaneseq.u32;
	s5 =	sadd.s32 s5, s8;
	s6 =	sadd.s32 s11, s8;
	s8 =	sadd.s32 s13, s30  }
0x17: {  	v5 =	vimm.s32 $0x0;
	v7 =	vimm.s32 $0x3200;
	v6 =	vor.u32 $0x5FF0, v4;
	s11 =	sadd.s32 s13, s31;
	s13 =	sadd.s32 $0xBE00, s15;
	s15 =	simm.s32 $0x80  }
.LBB2_1:
0x18: {  	s26 =	simm.s32 $0x40;
	s28 =	simm.s32 $0x0  }
.LBB2_2:
0x19: {  	p0 =	sne.s32 s26, $0x9FC0;
	[tilespmem:s28+$0x1D080] =	vst v2;
	s28 =	smov.u32 s26;
	s26 =	sadd.s32 $0x40, s26  }
.Ltmp0:
0x1a: {  	(pc) =	sbr.rel @p0 .LBB2_2-.Ltmp0, $2  }
0x1b: {  	_ =	sdelay $0x2  }
0x1c: {  	s28 =	sshra.s32 s28, $0x2  }
0x1d: {  	[tilespmem:s28+$0x1D080] =	vst v2;
	s26 =	simm.s32 $0x0;
	s0 =	rddreg [dreg:$0x3]  }
0x1e: {  	[tilespmem:s26], [sflag:$0x1] =	stream.strided.gather [hbm4b:s0+s15], $0x2800, s16, s15, $0x38;
	[tilespmem:$0x1F880] =	vst v63  }
0x1f: {  	_ =	swait.ge [sflag:s17], $0x2800  }
0x20: {  	[sflag:s17] =	ssyncset.done $0x0  }
0x21: {  	[sflag:s17] =	ssyncadd.s32 $0xFFFFD800  }
0x22: {  	[tilespmem:s18], [sflag:$0x1] =	stream.strided.gather [hbm4b:s4+s15], $0x2800, s16, s15, $0x38;
	[tilespmem:$0x1F880] =	vst v63  }
0x23: {  	_ =	swait.ge [sflag:s17], $0x2800  }
0x24: {  	[sflag:s17] =	ssyncset.done $0x0  }
0x25: {  	s28 =	simm.s32 $0x0;
	[sflag:s17] =	ssyncadd.s32 $0xFFFFD800  }
0x26: {  	v8 =	vld [tilespmem:s28+$0x2800];
	_ =	sdelay $0x4  }
0x27: {  	v9 =	vsub.s32 v8, v0  }
0x28: {  	vm0 =	vlt.u32 v9, $0xA00  }
0x29: {  	v10 =	vsub.s32 v8, v1;
	v11 =	vsel vm0, $0x1, v5  }
0x2a: {  	vm1 =	vlt.u32 v10, $0xA00;
	(xrf0) =	vadd.scan.msk.s32 $0xffff, v11  }
0x2b: {  	v11 =	vsel vm1, $0x1, v5  }
0x2c: {  	(xrf0) =	vadd.scan.msk.s32 $0xffff, v11  }
0x2d: {  	v11 =	vmov s26  }
0x2e: {  	v11 =	vadd.s32 $0xFFFFFFFF, v11  }
0x2f: {  	v11 =	vbroadcast v11, $0x0  }
0x30: {  	v12, _, _ =	vpop (xrf0)  }
0x31: {  	v13 =	vadd.s32 v12, v11;
	(v2sf) =	vpush v12, $0xF  }
0x32: {  	v14 =	vld [tilespmem:s28+$0x0];
	v63, _, _ =	vpop (xrf0);
	v13 =	vsel vm0, v13, v6  }
0x33: {  	v11 =	vadd.s32 v63, v11;
	(v2sf) =	vpush v63, $0xF  }
0x34: {  	v11 =	vsel vm1, v11, v6;
	_ =	sdelay $0x1  }
0x35: {  	[tilespmem:v8+s19+$0x0] =	vst.idx.add.f32.msk $0xffff, v3  }
0x36: {  	v8 =	vadd.s32 $0x2800, v9;
	[tilespmem:v13+s20+$0x0] =	vst.idx.msk $0xffff, v14  }
0x37: {  	[tilespmem:v13+s21+$0x0] =	vst.idx.msk $0xffff, v8  }
0x38: {  	v8 =	vadd.s32 $0x2800, v10;
	[tilespmem:v11+s22+$0x0] =	vst.idx.msk $0xffff, v14  }
0x39: {  	s29 =	simm.s32 $0x10;
	[tilespmem:v11+s23+$0x0] =	vst.idx.msk $0xffff, v8  }
0x3a: {  	v9 =	vld [tilespmem:s29+$0x2800];
	_ =	sdelay $0x4  }
0x3b: {  	s31 =	simm.s32 $0x80;
	s28 =	simm.s32 $0x0;
	v10 =	vsub.s32 v9, v0;
	v8 =	vsub.s32 v9, v1;
	s30 =	spop (v2sf)  }
.LBB2_4:
0x3c: {  	s26 =	sadd.s32 s26, s30  }
0x3d: {  	vm1 =	vlt.u32 v10, $0xA00;
	vm0 =	vlt.u32 v8, $0xA00;
	s30 =	spop (v2sf);
	s0 =	smov.u32 s31;
	s1 =	sadd.s32 $0x40, s31  }
0x3e: {  	p0 =	sne.s32 s31, $0x9FC0;
	v11 =	vsel vm1, $0x1, v5;
	v12 =	vmov s26;
	v13 =	vsel vm0, $0x1, v5;
	s28 =	sadd.s32 s28, s30  }
0x3f: {  	v12 =	vadd.s32 $0xFFFFFFFF, v12;
	v14 =	vmov s28;
	(xrf0) =	vadd.scan.msk.s32 $0xffff, v11  }
0x40: {  	v11 =	vadd.s32 $0xFFFFFFFF, v14;
	(xrf0) =	vadd.scan.msk.s32 $0xffff, v13;
	_ =	sdelay $0x3  }
0x41: {  	v12 =	vbroadcast v12, $0x0  }
0x42: {  	v11 =	vbroadcast v11, $0x0;
	v13, _, _ =	vpop (xrf0)  }
0x43: {  	v12 =	vadd.s32 v13, v12;
	(v2sf) =	vpush v13, $0xF;
	v13, _, _ =	vpop (xrf0)  }
0x44: {  	v14 =	vld [tilespmem:s29+$0x0];
	v12 =	vsel vm1, v12, v6;
	v11 =	vadd.s32 v13, v11;
	(v2sf) =	vpush v13, $0xF;
	_ =	sdelay $0x1  }
0x45: {  	v11 =	vsel vm0, v11, v6;
	_ =	sdelay $0x1  }
0x46: {  	[tilespmem:v9+s19+$0x0] =	vst.idx.add.f32.msk $0xffff, v3  }
0x47: {  	v9 =	vadd.s32 $0x2800, v10;
	[tilespmem:v12+s20+$0x0] =	vst.idx.msk $0xffff, v14  }
0x48: {  	[tilespmem:v12+s21+$0x0] =	vst.idx.msk $0xffff, v9  }
0x49: {  	v8 =	vadd.s32 $0x2800, v8;
	[tilespmem:v11+s22+$0x0] =	vst.idx.msk $0xffff, v14  }
0x4a: {  	s29 =	sshra.s32 s0, $0x2;
	[tilespmem:v11+s23+$0x0] =	vst.idx.msk $0xffff, v8  }
0x4b: {  	v9 =	vld [tilespmem:s29+$0x2800]  }
.Ltmp1:
0x4c: {  	(pc) =	sbr.rel @p0 .LBB2_4-.Ltmp1, $2  }
0x4d: {  	_ =	sdelay $0x2  }
0x4e: {  	s31 =	smov.u32 s1;
	v10 =	vsub.s32 v9, v0;
	v8 =	vsub.s32 v9, v1;
	s30 =	spop (v2sf)  }
0x4f: {  	vm0 =	vlt.u32 v10, $0xA00  }
0x50: {  	vm1 =	vlt.u32 v8, $0xA00;
	v11 =	vsel vm0, $0x1, v5  }
0x51: {  	v12 =	vsel vm1, $0x1, v5;
	(xrf0) =	vadd.scan.msk.s32 $0xffff, v11  }
0x52: {  	(xrf0) =	vadd.scan.msk.s32 $0xffff, v12;
	_ =	sdelay $0x4  }
0x53: {  	s0 =	sadd.s32 s26, s30;
	v11, _, _ =	vpop (xrf0)  }
0x54: {  	s1 =	spop (v2sf);
	v13 =	vmov s0;
	(v2sf) =	vpush v11, $0xF;
	v12, _, _ =	vpop (xrf0)  }
0x55: {  	s1 =	sadd.s32 s28, s1;
	v13 =	vadd.s32 $0xFFFFFFFF, v13;
	(v2sf) =	vpush v12, $0xF  }
0x56: {  	v14 =	vmov s1;
	v13 =	vbroadcast v13, $0x0  }
0x57: {  	v14 =	vadd.s32 $0xFFFFFFFF, v14  }
0x58: {  	v14 =	vbroadcast v14, $0x0;
	v11 =	vadd.s32 v11, v13  }
0x59: {  	v59 =	vld [tilespmem:s29+$0x0];
	v11 =	vsel vm0, v11, v6  }
0x5a: {  	v12 =	vadd.s32 v12, v14  }
0x5b: {  	v12 =	vsel vm1, v12, v6;
	_ =	sdelay $0x1  }
0x5c: {  	[tilespmem:v9+s19+$0x0] =	vst.idx.add.f32.msk $0xffff, v3  }
0x5d: {  	v9 =	vadd.s32 $0x2800, v10;
	[tilespmem:v11+s20+$0x0] =	vst.idx.msk $0xffff, v59  }
0x5e: {  	[tilespmem:v11+s21+$0x0] =	vst.idx.msk $0xffff, v9  }
0x5f: {  	v8 =	vadd.s32 $0x2800, v8;
	[tilespmem:v12+s22+$0x0] =	vst.idx.msk $0xffff, v59  }
0x60: {  	s28 =	simm.s32 $0x0;
	[tilespmem:v12+s23+$0x0] =	vst.idx.msk $0xffff, v8  }
0x61: {  	[tilespmem:s28], [sflag:$0x1] =	stream.strided.gather [hbm4b:s5+s15], $0x2800, s16, s15, $0x38;
	[tilespmem:$0x1F880] =	vst v63  }
0x62: {  	s3 =	spop (v2sf)  }
0x63: {  	s29 =	spop (v2sf)  }
0x64: {  	_ =	swait.ge [sflag:s17], $0x2800  }
0x65: {  	[sflag:s17] =	ssyncset.done $0x0  }
0x66: {  	[sflag:s17] =	ssyncadd.s32 $0xFFFFD800  }
0x67: {  	[tilespmem:s18], [sflag:$0x1] =	stream.strided.gather [hbm4b:s6+s15], $0x2800, s16, s15, $0x38;
	[tilespmem:$0x1F880] =	vst v63  }
0x68: {  	_ =	swait.ge [sflag:s17], $0x2800  }
0x69: {  	[sflag:s17] =	ssyncset.done $0x0  }
0x6a: {  	s30 =	simm.s32 $0x0;
	[sflag:s17] =	ssyncadd.s32 $0xFFFFD800  }
0x6b: {  	v8 =	vld [tilespmem:s30+$0x2800];
	_ =	sdelay $0x4  }
0x6c: {  	v9 =	vsub.s32 v8, v0  }
0x6d: {  	vm14 =	vlt.u32 v9, $0xA00  }
0x6e: {  	v10 =	vsub.s32 v8, v1;
	v11 =	vsel vm14, $0x1, v5  }
0x6f: {  	vm15 =	vlt.u32 v10, $0xA00;
	(xrf0) =	vadd.scan.msk.s32 $0xffff, v11  }
0x70: {  	v11 =	vsel vm15, $0x1, v5  }
0x71: {  	s28 =	sadd.s32 s0, s3;
	(xrf0) =	vadd.scan.msk.s32 $0xffff, v11  }
0x72: {  	v11 =	vmov s28  }
0x73: {  	s26 =	sadd.s32 s1, s29;
	v11 =	vadd.s32 $0xFFFFFFFF, v11  }
0x74: {  	v60 =	vmov s26;
	v11 =	vbroadcast v11, $0x0  }
0x75: {  	v12 =	vadd.s32 $0xFFFFFFFF, v60;
	v61, _, _ =	vpop (xrf0)  }
0x76: {  	v12 =	vbroadcast v12, $0x0;
	v11 =	vadd.s32 v61, v11;
	(v2sf) =	vpush v61, $0xF  }
0x77: {  	v63 =	vld [tilespmem:s30+$0x0];
	v62, _, _ =	vpop (xrf0);
	v11 =	vsel vm14, v11, v6  }
0x78: {  	v12 =	vadd.s32 v62, v12;
	(v2sf) =	vpush v62, $0xF  }
0x79: {  	v12 =	vsel vm15, v12, v6;
	_ =	sdelay $0x1  }
0x7a: {  	[tilespmem:v8+s19+$0x0] =	vst.idx.add.f32.msk $0xffff, v3  }
0x7b: {  	v8 =	vadd.s32 $0x2800, v9;
	[tilespmem:v11+s20+$0x0] =	vst.idx.msk $0xffff, v63  }
0x7c: {  	[tilespmem:v11+s21+$0x0] =	vst.idx.msk $0xffff, v8  }
0x7d: {  	v8 =	vadd.s32 $0x2800, v10;
	[tilespmem:v12+s22+$0x0] =	vst.idx.msk $0xffff, v63  }
0x7e: {  	s29 =	simm.s32 $0x10;
	[tilespmem:v12+s23+$0x0] =	vst.idx.msk $0xffff, v8  }
0x7f: {  	v9 =	vld [tilespmem:s29+$0x2800];
	_ =	sdelay $0x4  }
0x80: {  	s31 =	simm.s32 $0x80;
	v10 =	vsub.s32 v9, v0;
	v8 =	vsub.s32 v9, v1;
	s30 =	spop (v2sf)  }
.LBB2_6:
0x81: {  	s28 =	sadd.s32 s28, s30  }
0x82: {  	vm1 =	vlt.u32 v10, $0xA00;
	vm0 =	vlt.u32 v8, $0xA00;
	s0 =	spop (v2sf);
	s1 =	smov.u32 s31;
	s3 =	sadd.s32 $0x40, s31  }
0x83: {  	p0 =	sne.s32 s31, $0x9FC0;
	v11 =	vsel vm1, $0x1, v5;
	v12 =	vmov s28;
	v13 =	vsel vm0, $0x1, v5;
	s26 =	sadd.s32 s26, s0  }
0x84: {  	v12 =	vadd.s32 $0xFFFFFFFF, v12;
	v14 =	vmov s26;
	(xrf0) =	vadd.scan.msk.s32 $0xffff, v11  }
0x85: {  	v11 =	vadd.s32 $0xFFFFFFFF, v14;
	(xrf0) =	vadd.scan.msk.s32 $0xffff, v13;
	_ =	sdelay $0x3  }
0x86: {  	v12 =	vbroadcast v12, $0x0  }
0x87: {  	v11 =	vbroadcast v11, $0x0;
	v13, _, _ =	vpop (xrf0)  }
0x88: {  	v12 =	vadd.s32 v13, v12;
	(v2sf) =	vpush v13, $0xF;
	v13, _, _ =	vpop (xrf0)  }
0x89: {  	v14 =	vld [tilespmem:s29+$0x0];
	v12 =	vsel vm1, v12, v6;
	v11 =	vadd.s32 v13, v11;
	(v2sf) =	vpush v13, $0xF;
	_ =	sdelay $0x1  }
0x8a: {  	v11 =	vsel vm0, v11, v6;
	_ =	sdelay $0x1  }
0x8b: {  	[tilespmem:v9+s19+$0x0] =	vst.idx.add.f32.msk $0xffff, v3  }
0x8c: {  	v9 =	vadd.s32 $0x2800, v10;
	[tilespmem:v12+s20+$0x0] =	vst.idx.msk $0xffff, v14  }
0x8d: {  	[tilespmem:v12+s21+$0x0] =	vst.idx.msk $0xffff, v9  }
0x8e: {  	v8 =	vadd.s32 $0x2800, v8;
	[tilespmem:v11+s22+$0x0] =	vst.idx.msk $0xffff, v14  }
0x8f: {  	s29 =	sshra.s32 s1, $0x2;
	[tilespmem:v11+s23+$0x0] =	vst.idx.msk $0xffff, v8  }
0x90: {  	v9 =	vld [tilespmem:s29+$0x2800]  }
.Ltmp2:
0x91: {  	(pc) =	sbr.rel @p0 .LBB2_6-.Ltmp2, $2  }
0x92: {  	_ =	sdelay $0x2  }
0x93: {  	s31 =	smov.u32 s3;
	v10 =	vsub.s32 v9, v0;
	v8 =	vsub.s32 v9, v1;
	s30 =	spop (v2sf)  }
0x94: {  	vm0 =	vlt.u32 v10, $0xA00  }
0x95: {  	v11 =	vsel vm0, $0x1, v5  }
0x96: {  	(xrf0) =	vadd.scan.msk.s32 $0xffff, v11;
	_ =	sdelay $0x5  }
0x97: {  	v11, _, _ =	vpop (xrf0)  }
0x98: {  	(v2sf) =	vpush v11, $0xF;
	_ =	sdelay $0x4  }
0x99: {  	vm1 =	vlt.u32 v8, $0xA00  }
0x9a: {  	v12 =	vsel vm1, $0x1, v5  }
0x9b: {  	s0 =	sadd.s32 s28, s30;
	(xrf0) =	vadd.scan.msk.s32 $0xffff, v12  }
0x9c: {  	s1 =	spop (v2sf);
	v50 =	vmov s0  }
0x9d: {  	s26 =	sadd.s32 s26, s1;
	v12 =	vadd.s32 $0xFFFFFFFF, v50  }
0x9e: {  	v13 =	vmov s26;
	v12 =	vbroadcast v12, $0x0  }
0x9f: {  	v13 =	vadd.s32 $0xFFFFFFFF, v13  }
0xa0: {  	v13 =	vbroadcast v13, $0x0;
	v11 =	vadd.s32 v11, v12  }
0xa1: {  	v14 =	vld [tilespmem:s29+$0x0];
	v11 =	vsel vm0, v11, v6;
	v51, _, _ =	vpop (xrf0)  }
0xa2: {  	v13 =	vadd.s32 v51, v13  }
0xa3: {  	v13 =	vsel vm1, v13, v6;
	s29 =	spop (v2sf)  }
0xa4: {  	s0 =	sadd.s32 s0, s29  }
0xa5: {  	[tilespmem:v9+s19+$0x0] =	vst.idx.add.f32.msk $0xffff, v3;
	v52 =	vadd.s32 s0, v4  }
0xa6: {  	v53 =	vadd.s32 $0x2800, v10;
	[tilespmem:v11+s20+$0x0] =	vst.idx.msk $0xffff, v14;
	s1 =	sadd.s32 $0x10, s0  }
0xa7: {  	[tilespmem:v11+s21+$0x0] =	vst.idx.msk $0xffff, v53;
	v54 =	vadd.s32 s1, v4  }
0xa8: {  	v8 =	vadd.s32 $0x2800, v8;
	[tilespmem:v13+s22+$0x0] =	vst.idx.msk $0xffff, v14;
	s30 =	sadd.s32 $0x20, s0  }
0xa9: {  	[tilespmem:v13+s23+$0x0] =	vst.idx.msk $0xffff, v8;
	v8 =	vadd.s32 s30, v4  }
0xaa: {  	(v2sf) =	vpush v51, $0xF;
	s31 =	sadd.s32 $0x30, s0;
	[tilespmem:v52+s20+$0x0] =	vst.idx.msk $0xffff, v5  }
0xab: {  	v55 =	vadd.s32 s31, v4;
	[tilespmem:v52+s21+$0x0] =	vst.idx.msk $0xffff, v7  }
0xac: {  	s3 =	sadd.s32 $0x40, s0;
	[tilespmem:v54+s20+$0x0] =	vst.idx.msk $0xffff, v5  }
0xad: {  	v56 =	vadd.s32 s3, v4;
	[tilespmem:v54+s21+$0x0] =	vst.idx.msk $0xffff, v7  }
0xae: {  	s28 =	sadd.s32 $0x50, s0;
	[tilespmem:v8+s20+$0x0] =	vst.idx.msk $0xffff, v5  }
0xaf: {  	[tilespmem:v8+s21+$0x0] =	vst.idx.msk $0xffff, v7;
	v8 =	vadd.s32 s28, v4  }
0xb0: {  	s29 =	sadd.s32 $0x60, s0;
	[tilespmem:v55+s20+$0x0] =	vst.idx.msk $0xffff, v5  }
0xb1: {  	v57 =	vadd.s32 s29, v4;
	[tilespmem:v55+s21+$0x0] =	vst.idx.msk $0xffff, v7  }
0xb2: {  	s30 =	sadd.s32 $0x70, s0;
	[tilespmem:v56+s20+$0x0] =	vst.idx.msk $0xffff, v5  }
0xb3: {  	v58 =	vadd.s32 s30, v4;
	[tilespmem:v56+s21+$0x0] =	vst.idx.msk $0xffff, v7  }
0xb4: {  	[tilespmem:v8+s20+$0x0] =	vst.idx.msk $0xffff, v5  }
0xb5: {  	[tilespmem:v8+s21+$0x0] =	vst.idx.msk $0xffff, v7  }
0xb6: {  	[tilespmem:v57+s20+$0x0] =	vst.idx.msk $0xffff, v5  }
0xb7: {  	[tilespmem:v57+s21+$0x0] =	vst.idx.msk $0xffff, v7  }
0xb8: {  	[tilespmem:v58+s20+$0x0] =	vst.idx.msk $0xffff, v5  }
0xb9: {  	s31 =	spop (v2sf);
	[tilespmem:v58+s21+$0x0] =	vst.idx.msk $0xffff, v7  }
0xba: {  	[hbm4b:s7+s2] =	stream.linear.scatter [tilespmem:s20], [sflag:$0x1], $0x6000, $0x38;
	[tilespmem:$0x1F880] =	vst v63  }
0xbb: {  	_ =	swait.ge [sflag:s17], $0x6000  }
0xbc: {  	[sflag:s17] =	ssyncset.done $0x0  }
0xbd: {  	[sflag:s17] =	ssyncadd.s32 $0xFFFFA000  }
0xbe: {  	[hbm4b:s8+s2] =	stream.linear.scatter [tilespmem:s21], [sflag:$0x1], $0x6000, $0x38;
	[tilespmem:$0x1F880] =	vst v63  }
0xbf: {  	_ =	swait.ge [sflag:s17], $0x6000  }
0xc0: {  	[sflag:s17] =	ssyncset.done $0x0  }
0xc1: {  	v8 =	vmov s0;
	s0 =	sadd.s32 s26, s31;
	[sflag:s17] =	ssyncadd.s32 $0xFFFFA000  }
0xc2: {  	s1 =	sadd.s32 $0x10, s0;
	[tilespmem:$0x1D000] =	vst v8;
	v8 =	vadd.s32 s0, v4  }
0xc3: {  	[hbm4b:s9+s2] =	stream.linear.scatter [tilespmem:s24], [sflag:$0x1], $0x80, $0x38;
	[tilespmem:$0x1F880] =	vst v63  }
0xc4: {  	v59 =	vadd.s32 s1, v4;
	_ =	swait.ge [sflag:s17], $0x80  }
0xc5: {  	s3 =	sadd.s32 $0x20, s0;
	[sflag:s17] =	ssyncset.done $0x0  }
0xc6: {  	v60 =	vadd.s32 s3, v4;
	[sflag:s17] =	ssyncadd.s32 $0xFFFFFF80  }
0xc7: {  	s26 =	sadd.s32 $0x30, s0;
	[tilespmem:v8+s22+$0x0] =	vst.idx.msk $0xffff, v5  }
0xc8: {  	[tilespmem:v8+s23+$0x0] =	vst.idx.msk $0xffff, v7;
	v8 =	vadd.s32 s26, v4  }
0xc9: {  	s28 =	sadd.s32 $0x40, s0;
	[tilespmem:v59+s22+$0x0] =	vst.idx.msk $0xffff, v5  }
0xca: {  	v61 =	vadd.s32 s28, v4;
	[tilespmem:v59+s23+$0x0] =	vst.idx.msk $0xffff, v7  }
0xcb: {  	s29 =	sadd.s32 $0x50, s0;
	[tilespmem:v60+s22+$0x0] =	vst.idx.msk $0xffff, v5  }
0xcc: {  	v62 =	vadd.s32 s29, v4;
	[tilespmem:v60+s23+$0x0] =	vst.idx.msk $0xffff, v7  }
0xcd: {  	s30 =	sadd.s32 $0x60, s0;
	[tilespmem:v8+s22+$0x0] =	vst.idx.msk $0xffff, v5  }
0xce: {  	[tilespmem:v8+s23+$0x0] =	vst.idx.msk $0xffff, v7;
	v8 =	vadd.s32 s30, v4  }
0xcf: {  	s31 =	sadd.s32 $0x70, s0;
	[tilespmem:v61+s22+$0x0] =	vst.idx.msk $0xffff, v5  }
0xd0: {  	v63 =	vadd.s32 s31, v4;
	[tilespmem:v61+s23+$0x0] =	vst.idx.msk $0xffff, v7  }
0xd1: {  	[tilespmem:v62+s22+$0x0] =	vst.idx.msk $0xffff, v5  }
0xd2: {  	[tilespmem:v62+s23+$0x0] =	vst.idx.msk $0xffff, v7  }
0xd3: {  	[tilespmem:v8+s22+$0x0] =	vst.idx.msk $0xffff, v5  }
0xd4: {  	[tilespmem:v8+s23+$0x0] =	vst.idx.msk $0xffff, v7  }
0xd5: {  	[tilespmem:v63+s22+$0x0] =	vst.idx.msk $0xffff, v5  }
0xd6: {  	[tilespmem:v63+s23+$0x0] =	vst.idx.msk $0xffff, v7  }
0xd7: {  	[hbm4b:s10+s2] =	stream.linear.scatter [tilespmem:s22], [sflag:$0x1], $0x6000, $0x38;
	[tilespmem:$0x1F880] =	vst v63  }
0xd8: {  	_ =	swait.ge [sflag:s17], $0x6000  }
0xd9: {  	[sflag:s17] =	ssyncset.done $0x0  }
0xda: {  	[sflag:s17] =	ssyncadd.s32 $0xFFFFA000  }
0xdb: {  	[hbm4b:s11+s2] =	stream.linear.scatter [tilespmem:s23], [sflag:$0x1], $0x6000, $0x38;
	[tilespmem:$0x1F880] =	vst v63  }
0xdc: {  	_ =	swait.ge [sflag:s17], $0x6000  }
0xdd: {  	[sflag:s17] =	ssyncset.done $0x0  }
0xde: {  	v8 =	vmov s0;
	[sflag:s17] =	ssyncadd.s32 $0xFFFFA000  }
0xdf: {  	[tilespmem:$0x1D000] =	vst v8  }
0xe0: {  	[hbm4b:s12+s2] =	stream.linear.scatter [tilespmem:s24], [sflag:$0x1], $0x80, $0x38;
	[tilespmem:$0x1F880] =	vst v63  }
0xe1: {  	s25 =	sadd.s32 $0x1, s25;
	_ =	swait.ge [sflag:s17], $0x80  }
0xe2: {  	p0 =	sne.s32 s25, s14;
	[sflag:s17] =	ssyncset.done $0x0  }
.Ltmp3:
0xe3: {  	[sflag:s17] =	ssyncadd.s32 $0xFFFFFF80;
	(pc) =	sbr.rel @p0 .LBB2_1-.Ltmp3, $4  }
0xe4: {  	[hbm4b:s13+s15] =	stream.strided.scatter [tilespmem:s19], [sflag:$0x1], $0x2800, s16, s15, $0x38;
	[tilespmem:$0x1F880] =	vst v63  }
0xe5: {  	_ =	swait.ge [sflag:s17], $0x2800  }
0xe6: {  	[sflag:s17] =	ssyncset.done $0x0  }
0xe7: {  	[sflag:s17] =	ssyncadd.s32 $0xFFFFD800  }
0xe8: {  	_ =	sfence.sel $0x180000  }
0xe9: {  	[bflag:$0x0] =	sbarrier.arrive $0xFFFF  }
0xea: {  	_ =	strace $0x90000047  }
0xeb: {  	s0 =	stileid.u32;
	[bflag:$0x2] =	sbarrier.arrive $0xFFFF  }
0xec: {  	p0 =	sne.s32 s0, $0x0;
	s0 =	rddreg [dreg:$0x2]  }
0xed: {  	s0 =	sadd.s32 @!p0 $0x100000, s0  }
0xee: {  	[sflag:s0] =	ssyncadd.tile.s32 @!p0 $0x1;
	_ =	shalt  }
.Lfunc_end2:
_tile_overlayer_lowered:
.L_overlay_start_2:
0xef: {  	(tag) =	ssettag $0x2  }
0xf0: {  	s0 =	rddreg [dreg:$0x0];
	s2 =	stileid.u32  }
0xf1: {  	s1 =	rddreg [dreg:$0x1];
	p0 =	sne.s32 s2, $0x0  }
0xf2: {  	s3 =	rddreg [dreg:$0x2];
	[bflag:$0x3] =	sbarrier.arrive $0xFFFF;
	s2 =	simm.s32 @!p0 $0x1C01  }
0xf3: {  	[timem:s3], [sflag:s2] =	dma.local @!p0 [hbm:s0], s1  }
0xf4: {  	s0 =	simm.s32 @!p0 $0x1  }
0xf5: {  	_ =	swait.ge @!p0 [sflag:s0], s1  }
0xf6: {  	s1 =	ssub.s32 @!p0 $0x0, s1;
	[sflag:s0] =	ssyncset.done @!p0 $0x0  }
0xf7: {  	[sflag:s0] =	ssyncadd.s32 @!p0 s1  }
0xf8: {  	[bflag:$0x3] =	sbarrier.arrive $0xFFFF  }
0xf9: {  	_ =	shalt  }

// kernel: kernel.9.cloned.1.call-start
scs
__scs_entry_jumppad:
0x0: {  	(pc) =	sbr.rel $0x88, $3  }
0x1: {  	(tag) =	ssettag $0x0;
	lr =	simm.s32 $0x1  }
0x2: {  	[smem:$0x3F9D] =	sst lr;
	_ =	strace $0xD0000000  }
0x3: {  	_ = 	snop  }
0x4: {  	_ = 	snop  }
0x5: {  	_ = 	snop  }
0x6: {  	_ = 	snop  }
0x7: {  	_ = 	snop  }
__scs_overlays_trampoline_lowered:
0x8: {  	[smem:$0x3FAC] =	sst s0  }
0x9: {  	[smem:$0x3FAD] =	sst s1  }
0xa: {  	[smem:$0x3FAE] =	sst s2  }
0xb: {  	[smem:$0x3FAF] =	sst s3  }
0xc: {  	[smem:$0x3FB0] =	sst s4  }
0xd: {  	[smem:$0x3FB1] =	sst s5  }
0xe: {  	[smem:$0x3FB2] =	sst s6  }
0xf: {  	[smem:$0x3FB3] =	sst s7  }
0x10: {  	[smem:$0x3FB4] =	sst s8  }
0x11: {  	[smem:$0x3FB5] =	sst s9;
	s0 =	simm.s32 @!p0 $0x0  }
0x12: {  	s1 =	sld [smem:$0x3F9B];
	s0 =	simm.s32 @p0 $0x1  }
0x13: {  	[smem:$0x3FB6] =	sst s0;
	s0 =	simm.s32 @!p1 $0x0  }
0x14: {  	s2 =	sld [smem:$0x3F9A];
	s0 =	simm.s32 @p1 $0x1  }
0x15: {  	[smem:$0x3FB7] =	sst s0;
	s0 =	simm.s32 @!p2 $0x0  }
0x16: {  	s3 =	sld [smem:$0x3FDB];
	s0 =	simm.s32 @p2 $0x1  }
0x17: {  	s4 =	simm.s32 $0x1BF5;
	[smem:$0x3FB9] =	sst s0  }
0x18: {  	s0 =	sld [smem:$0x3F9C];
	_ =	swait.ge [sflag:s4], $0x0  }
0x19: {  	s7 =	sld [smem:$0x3F9D]  }
0x1a: {  	s8 =	sadd.s32 $0xFFFFE003, lr  }
0x1b: {  	s9 =	sadd.s32 $0xFFFFFEF7, lr;
	s5 =	simm.s32 $0xFFFFFFFF;
	p2 =	slt.u32 s8, $0xFFFFF086  }
0x1c: {  	p1 =	slt.u32 s9, $0xF7A;
	s5 =	simm.s32 @!p2 $0x0  }
0x1d: {  	s5 =	simm.s32 @p1 $0x1;
	p0 =	seq.s32 s7, s2  }
0x1e: {  	s7 =	smul.u32 @!p0 $0xF7A, s2;
	p2 =	seq.s32 @!p0 s5, $0x0  }
0x1f: {  	s9 =	smul.u32 $0xF7A, s1;
	s8 =	simm.s32 @!p0 $0x1BF5;
	p2 =	por !p2, p0  }
0x20: {  	[sflag:s8] =	ssyncset.s32 @!p0 $0xFFFFF086;
	s6 =	sadd.s32 @!p0 s3, s7;
	s7 =	simm.s32 @!p0 $0x108  }
0x21: {  	s3 =	sadd.s32 s3, s9;
	s6 =	sadd.s32 @!p0 $0x88, s6;
	s7 =	simm.s32 @p2 $0x1082  }
0x22: {  	[simem:s7], [sflag:s8] =	dma.local @!p0 [hbm:s6], $0xF7A  }
0x23: {  	s9 =	sor.u32 $0xD0000000, s2;
	s6 =	simm.s32 $0x108;
	_ =	swait.ge @!p0 [sflag:s8], $0x0  }
0x24: {  	s3 =	sadd.s32 $0x88, s3;
	s6 =	simm.s32 @!p1 $0x1082;
	[sflag:s4] =	ssyncset.s32 $0xFFFFF086  }
0x25: {  	[simem:s6], [sflag:s4] =	dma.local [hbm:s3], $0xF7A  }
0x26: {  	[smem:$0x3F9D] =	sst s1;
	(tag) =	ssettag s2;
	_ =	strace s9  }
0x27: {  	s1 =	sld [smem:$0x3FAD]  }
0x28: {  	s2 =	sld [smem:$0x3FAE]  }
0x29: {  	s4 =	sld [smem:$0x3FB0]  }
0x2a: {  	p0 =	seq.s32 s5, $0x0;
	s5 =	sld [smem:$0x3FB1]  }
0x2b: {  	s6 =	sld [smem:$0x3FB2]  }
0x2c: {  	s7 =	sld [smem:$0x3FB3]  }
0x2d: {  	s3 =	simm.s32 $0x108;
	s8 =	sld [smem:$0x3FB4]  }
0x2e: {  	s3 =	simm.s32 @!p0 $0x1082;
	s9 =	sld [smem:$0x3FB5]  }
0x2f: {  	lr =	sadd.s32 s0, s3;
	s0 =	sld [smem:$0x3FAC]  }
0x30: {  	s3 =	sld [smem:$0x3FAF]  }
0x31: {  	[smem:$0x3FB8] =	sst s10  }
0x32: {  	s10 =	sld [smem:$0x3FB6];
	_ =	sdelay $0x3  }
0x33: {  	p0 =	seq.s32 s10, $0x1;
	s10 =	sld [smem:$0x3FB8];
	_ =	sdelay $0x3  }
0x34: {  	[smem:$0x3FB8] =	sst s10  }
0x35: {  	s10 =	sld [smem:$0x3FB7];
	_ =	sdelay $0x3  }
0x36: {  	p1 =	seq.s32 s10, $0x1;
	s10 =	sld [smem:$0x3FB8];
	_ =	sdelay $0x3  }
0x37: {  	[smem:$0x3FB8] =	sst s10  }
0x38: {  	s10 =	sld [smem:$0x3FB9]  }
0x39: {  	_ = 	snop;
	(pc) =	sbr.ind lr, $3  }
0x3a: {  	_ = 	snop  }
0x3b: {  	_ = 	snop  }
0x3c: {  	p2 =	seq.s32 s10, $0x1;
	s10 =	sld [smem:$0x3FB8]  }
0x3d: {  	_ =	shalt  }
0x3e: {  	_ =	shalt  }
0x3f: {  	_ =	shalt  }
0x40: {  	_ =	shalt  }
0x41: {  	_ =	shalt  }
0x42: {  	_ =	shalt  }
0x43: {  	_ =	shalt  }
0x44: {  	_ =	shalt  }
0x45: {  	_ =	shalt  }
0x46: {  	_ =	shalt  }
0x47: {  	_ =	shalt  }
0x48: {  	_ =	shalt  }
0x49: {  	_ =	shalt  }
0x4a: {  	_ =	shalt  }
0x4b: {  	_ =	shalt  }
0x4c: {  	_ =	shalt  }
0x4d: {  	_ =	shalt  }
0x4e: {  	_ =	shalt  }
0x4f: {  	_ =	shalt  }
0x50: {  	_ =	shalt  }
0x51: {  	_ =	shalt  }
0x52: {  	_ =	shalt  }
0x53: {  	_ =	shalt  }
0x54: {  	_ =	shalt  }
0x55: {  	_ =	shalt  }
0x56: {  	_ =	shalt  }
0x57: {  	_ =	shalt  }
0x58: {  	_ =	shalt  }
0x59: {  	_ =	shalt  }
0x5a: {  	_ =	shalt  }
0x5b: {  	_ =	shalt  }
0x5c: {  	_ =	shalt  }
0x5d: {  	_ =	shalt  }
0x5e: {  	_ =	shalt  }
0x5f: {  	_ =	shalt  }
0x60: {  	_ =	shalt  }
0x61: {  	_ =	shalt  }
0x62: {  	_ =	shalt  }
0x63: {  	_ =	shalt  }
0x64: {  	_ =	shalt  }
0x65: {  	_ =	shalt  }
0x66: {  	_ =	shalt  }
0x67: {  	_ =	shalt  }
0x68: {  	_ =	shalt  }
0x69: {  	_ =	shalt  }
0x6a: {  	_ =	shalt  }
0x6b: {  	_ =	shalt  }
0x6c: {  	_ =	shalt  }
0x6d: {  	_ =	shalt  }
0x6e: {  	_ =	shalt  }
0x6f: {  	_ =	shalt  }
0x70: {  	_ =	shalt  }
0x71: {  	_ =	shalt  }
0x72: {  	_ =	shalt  }
0x73: {  	_ =	shalt  }
0x74: {  	_ =	shalt  }
0x75: {  	_ =	shalt  }
0x76: {  	_ =	shalt  }
0x77: {  	_ =	shalt  }
0x78: {  	_ =	shalt  }
0x79: {  	_ =	shalt  }
0x7a: {  	_ =	shalt  }
0x7b: {  	_ =	shalt  }
0x7c: {  	_ =	shalt  }
0x7d: {  	_ =	shalt  }
0x7e: {  	_ =	shalt  }
0x7f: {  	_ =	shalt  }
0x80: {  	_ =	shalt  }
0x81: {  	_ =	shalt  }
0x82: {  	_ =	shalt  }
0x83: {  	_ =	shalt  }
0x84: {  	_ =	shalt  }
0x85: {  	_ =	shalt  }
0x86: {  	_ =	shalt  }
0x87: {  	_ =	shalt  }
.Lfunc_end0:
.L_simem_size_0:
called_computation.1_lowered:
.L_overlay_start_0:
0x88: {  	s2 =	sld [smem:$0x3FD9]  }
0x89: {  	s3 =	sld [smem:$0x3FFE];
	_ =	sdelay $0x1  }
0x8a: {  	s1 =	srdreg.scid  }
0x8b: {  	s0 =	sand.u32 $0x1, s1  }
0x8c: {  	s16 =	sshll.u32 s0, $0xA;
	s2 =	sadd.s32 s3, s2  }
0x8d: {  	s2 =	sadd.s32 s2, s16  }
0x8e: {  	[smem:$0x3FC4] =	sst s2  }
0x8f: {  	_ = 	snop  }
0x90: {  	(tm) =	ssettm $0x1  }
0x91: {  	s17 =	sld [smem:$0x3FFB];
	_ =	sdelay $0x3  }
0x92: {  	_ =	strace s17  }
0x93: {  	s2 =	sld [smem:$0x3FFC];
	_ =	sdelay $0x3  }
0x94: {  	_ =	strace s2  }
0x95: {  	s2 =	sld [smem:$0x3FFD];
	_ =	sdelay $0x3  }
0x96: {  	_ =	strace s2  }
0x97: {  	_ =	strace $0x8FFFFFFF  }
0x98: {  	s18 =	sld [smem:$0x3FDB];
	_ =	sdelay $0x1  }
0x99: {  	s19 =	simm.s32 $_scs_section_size  }
0x9a: {  	s4 =	simm.s32 $_size__tile_overlayer_lowered;
	s5 =	simm.s32 $_tile_overlayer_lowered  }
0x9b: {  	s22 =	simm.s32 $0x1BFF;
	s21 =	sshll.u32 s5, $0x1;
	s2 =	sadd.s32 s19, s18  }
0x9c: {  	s6 =	simm.s32 $0x0;
	s20 =	sshll.u32 s4, $0x1;
	s4 =	sadd.s32 s21, s2  }
0x9d: {  	[timem:s6], [sflag:s22] =	dma.local [hbm:s4], s20  }
0x9e: {  	_ =	swait.ge [sflag:s22], s20  }
0x9f: {  	s3 =	ssub.s32 $0x0, s20;
	[sflag:s22] =	ssyncset.done $0x0  }
0xa0: {  	[sflag:s22] =	ssyncadd.s32 s3;
	_ =	sdelay $0x1  }
0xa1: {  	s23 =	simm.s32 $0x1B8B  }
0xa2: {  	_ =	swait.ge [sflag:s23], $0x1  }
0xa3: {  	[sflag:s23] =	ssyncset.done $0x0  }
0xa4: {  	s25 =	simm.s32 $0x1B8E;
	s24 =	sld [smem:$0x3FFE];
	[sflag:s23] =	ssyncadd.s32 $0xFFFFFFFF  }
0xa5: {  	s26 =	simm.s32 $execute0_lowered;
	[smem:$0x3FD2] =	sst s25  }
0xa6: {  	s4 =	sshll.u32 s26, $0x1;
	_ =	strace $0x80000049;
	[dreg:$0x1] =	wrdreg $0xFFFFFFFF  }
0xa7: {  	s28 =	simm.s32 $_size_execute0_lowered;
	s2 =	sadd.s32 s2, s4;
	[dreg:$0x0] =	wrdreg $0x0  }
0xa8: {  	s4 =	sshll.u32 s28, $0x1;
	[dreg:$0x2] =	wrdreg s2  }
0xa9: {  	[dreg:$0x3] =	wrdreg s4  }
0xaa: {  	[dreg:$0x4] =	wrdreg $0xC0  }
0xab: {  	_ =	task [dreg:s6], $0x5FFFF  }
0xac: {  	[dreg:$0x1] =	wrdreg $0xFFFFFFFF  }
0xad: {  	[dreg:$0x0] =	wrdreg $0x60  }
0xae: {  	[dreg:$0x2] =	wrdreg s24  }
0xaf: {  	[dreg:$0x3] =	wrdreg $0x68800  }
0xb0: {  	[dreg:$0x4] =	wrdreg $0x9  }
0xb1: {  	_ =	task.clear_ibuf [dreg:s6], $0x5FFFF;
	_ =	strace $0x90000049  }
0xb2: {  	s29 =	simm.s32 $0x9;
	_ =	strace $0x8000004B  }
0xb3: {  	_ =	swait.ge [sflag:s29], $0x1  }
0xb4: {  	[sflag:s29] =	ssyncadd.s32 $0xFFFFFFFF  }
0xb5: {  	_ =	strace $0x9000004B  }
0xb6: {  	_ =	sfence  }
0xb7: {  	s30 =	sld [smem:$0x0];
	_ =	sdelay $0x2  }
0xb8: {  	s31 =	sshll.u32 s1, $0xD;
	s1 =	sshrl.u32 s1, $0x2  }
0xb9: {  	s3 =	sand.u32 $0x4000, s31;
	s1 =	sadd.s32 s1, s30  }
0xba: {  	s0 =	sor.u32 s3, s0;
	s1 =	sshll.u32 s1, $0x11  }
0xbb: {  	s0 =	sor.u32 s1, s0  }
0xbc: {  	s0 =	sadd.s32 $0x8F2B, s0  }
0xbd: {  	[sflag:s0] =	ssyncadd.remote.s32 $0x1  }
0xbe: {  	_ =	sfence.sel $0xFFFF  }
0xbf: {  	[dreg:$0x0] =	wrdreg $0xFFFFFFFF;
	(pc) =	sbr.abs _section_cstart, $3  }
0xc0: {  	[dreg:$0x1] =	wrdreg $0xFFFFFFFF  }
0xc1: {  	_ =	task.clear_ibuf [dreg:s6], $0x2FFFF;
	_ =	strace $0x9FFFFFFF  }
0xc2: {  	(tm) =	ssettm $0x7FFFFFFF  }
0xc3: {  	_ =	shalt  }
tec
execute0_lowered:
.L_overlay_start_1:
0x0: {  	(tag) =	ssettag $0x1  }
0x1: {  	s0 =	rddreg [dreg:$0x0]  }
0x2: {  	s1 =	rddreg [dreg:$0x1];
	s14 =	stileid.u32  }
0x3: {  	s2 =	simm.s32 $0x0;
	s3 =	srdreg.scid;
	s10 =	smul.u32 $0x5000, s14  }
0x4: {  	[smem:$0x7FF] =	sst s2;
	s6 =	sadd.s32 $0x41E00, s0;
	s18 =	smul.u32 $0x50000, s14  }
0x5: {  	s3 =	sand.u32 $0x1, s3;
	s4 =	sadd.s32 $0x76200, s0;
	s19 =	smul.u32 $0x2800, s14  }
0x6: {  	s9 =	sshll.u32 s14, $0x4;
	s5 =	sadd.s32 $0x1E00, s0;
	s12 =	smul.u32 $0xA0, s14  }
0x7: {  	s13 =	smul.u32 $0x14000, s14;
	s24 =	sshll.u32 s14, $0x6;
	s28 =	sshll.u32 s14, $0xF  }
0x8: {  	_ =	strace $0x8000004A;
	s7 =	smul.u32 $0x50000, s3;
	s8 =	sshll.u32 s3, $0x8  }
0x9: {  	s11 =	ssub.s32 $0x2, s3;
	s22 =	smul.u32 $0xA00, s3;
	s3 =	sshll.u32 s3, $0x13  }
0xa: {  	s8 =	sor.u32 s8, s9;
	s20 =	sshrl.u32 s11, $0x1;
	s21 =	sshrl.u32 s18, $0x2  }
0xb: {  	s23 =	sadd.s32 s6, s19;
	s25 =	sshrl.u32 s13, $0x2;
	s14 =	sor.u32 s28, s3  }
0xc: {  	s18 =	simm.s32 $0x3;
	s8 =	sadd.s32 s8, s0;
	s7 =	sadd.s32 s10, s7  }
0xd: {  	s15 =	ssub.s32 s11, s20;
	s17 =	sadd.s32 s21, s1;
	[dreg:$0x3] =	wrdreg s23  }
0xe: {  	s9 =	sadd.s32 s12, s22;
	s10 =	sadd.s32 s25, s1;
	s16 =	sor.u32 $0x100000, s14  }
0xf: {  	s21 =	simm.s32 $0x4;
	s22 =	simm.s32 $0x400;
	s23 =	simm.s32 $0x0  }
0x10: {  	s7 =	sshrl.u32 s7, $0x3;
	s26 =	sadd.s32 $0x75E00, s8;
	s9 =	sshll.u32 s9, $0x4  }
0x11: {  	s8 =	sadd.s32 $0x76000, s8;
	s31 =	smax.u32 s15, $0x1;
	[dreg:$0x4] =	wrdreg s26  }
.Ltmp0:
0x12: {  	s0 =	sadd.s32 s7, s0;
	[dreg:$0x6] =	wrdreg s8;
	(pc) =	sbr.rel .LBB2_1-.Ltmp0, $4  }
0x13: {  	s9 =	sadd.s32 s6, s9;
	[dreg:$0x9] =	wrdreg s31;
	s29 =	sadd.s32 $0xB6200, s0  }
0x14: {  	s10 =	sadd.s32 $0x140000, s10;
	s30 =	sadd.s32 $0x14000, s9;
	[dreg:$0x5] =	wrdreg s29  }
0x15: {  	s17 =	sshrl.u32 s17, $0x3;
	s0 =	sadd.s32 $0xCA200, s0;
	[dreg:$0x7] =	wrdreg s30  }
0x16: {  	s7 =	sor.u32 $0x1C03, s24;
	s20 =	sshrl.u32 s10, $0x3;
	[dreg:$0x8] =	wrdreg s0  }
.LBB2_9:
0x17: {  	_ = 	snop  }
.LBB2_12:
0x18: {  	p0 =	por p2, !p0  }
0x19: {  	_ =	swait.ge @!p0 [sflag:s10], $0x3000  }
0x1a: {  	[sflag:s10] =	ssyncset.done @!p0 $0x0  }
0x1b: {  	s6 =	sadd.s32 s4, s8;
	[sflag:s10] =	ssyncadd.s32 @!p0 $0xFFFFD000  }
0x1c: {  	[tilespmem:s2], [sflag:$0x4] =	stream.linear.gather [hbm4b:s6+s2], $0x400, $0x38;
	[tilespmem:$0x1F8C0] =	vst v63  }
0x1d: {  	_ =	swait.ge [sflag:s21], $0x400  }
0x1e: {  	[sflag:s21] =	ssyncset.done $0x0  }
0x1f: {  	s19 =	sadd.s32 s5, s8;
	p0 =	sge.s32 s3, s0;
	[sflag:s21] =	ssyncadd.s32 $0xFFFFFC00  }
0x20: {  	[tilespmem:s22], [sflag:$0x4] =	stream.linear.gather [hbm4b:s19+s2], $0x400, $0x38;
	[tilespmem:$0x1F8C0] =	vst v63  }
0x21: {  	s0 =	simm.s32 @!p0 $0x60;
	_ =	swait.ge [sflag:s21], $0x400  }
0x22: {  	s6 =	simm.s32 @!p0 $0x0;
	s8 =	simm.s32 @!p0 $0x880;
	[sflag:s21] =	ssyncset.done $0x0  }
0x23: {  	s10 =	simm.s32 @!p0 $0x1;
	p1 =	sge.s32 @!p0 s3, s31;
	[sflag:s21] =	ssyncadd.s32 $0xFFFFFC00  }
0x24: {  	[tilespmem:s8], [sflag:$0x1] =	stream.indirect.gather @!p0 [spmem:s1], $0x80, s6, s0, $0xb8;
	[tilespmem:$0x1F8C0] =	vst v63  }
0x25: {  	p1 =	por p1, p0;
	_ =	swait.ge @!p0 [sflag:s10], $0x3000  }
0x26: {  	s11 =	simm.s32 @!p1 $0x80;
	[sflag:s10] =	ssyncset.done @!p0 $0x0  }
0x27: {  	s6 =	simm.s32 @!p1 $0x60;
	[sflag:s10] =	ssyncadd.s32 @!p0 $0xFFFFD000;
	s10 =	simm.s32 @!p1 $0x3880  }
0x28: {  	[tilespmem:s10], [sflag:$0x2] =	stream.indirect.gather @!p1 [spmem:s1], $0x80, s11, s6, $0xb8;
	[tilespmem:$0x1F8C0] =	vst v63  }
0x29: {  	s6 =	simm.s32 @!p0 $0x400;
	s10 =	simm.s32 @!p0 $0x4  }
0x2a: {  	[spmem:s1] =	stream.indirect.scatter.add.f32 @!p0 [tilespmem:s8], [sflag:$0x4], $0x80, s6, s0, $0xb8;
	[tilespmem:$0x1F8C0] =	vst v63  }
0x2b: {  	_ =	swait.ge @!p0 [sflag:s10], $0x3000  }
0x2c: {  	p1 =	sge.s32 s3, s31;
	[sflag:s10] =	ssyncset.done @!p0 $0x0  }
0x2d: {  	p2 =	sge.s32 @!p1 s3, s30;
	s0 =	simm.s32 @!p1 $0x2;
	[sflag:s10] =	ssyncadd.s32 @!p0 $0xFFFFD000  }
0x2e: {  	p0 =	por p2, p1;
	_ =	swait.ge @!p1 [sflag:s0], $0x3000  }
0x2f: {  	s8 =	simm.s32 @!p1 $0x3880;
	s6 =	simm.s32 @!p0 $0x880;
	[sflag:s0] =	ssyncset.done @!p1 $0x0  }
0x30: {  	s10 =	simm.s32 @!p0 $0x60;
	s11 =	simm.s32 @!p0 $0x100;
	[sflag:s0] =	ssyncadd.s32 @!p1 $0xFFFFD000  }
0x31: {  	[tilespmem:s6], [sflag:$0x1] =	stream.indirect.gather @!p0 [spmem:s1], $0x80, s11, s10, $0xb8;
	[tilespmem:$0x1F8C0] =	vst v63  }
0x32: {  	s0 =	simm.s32 @!p1 $0x60;
	s6 =	simm.s32 @!p1 $0x480;
	s10 =	simm.s32 @!p1 $0x4  }
0x33: {  	[spmem:s1] =	stream.indirect.scatter.add.f32 @!p1 [tilespmem:s8], [sflag:$0x4], $0x80, s6, s0, $0xb8;
	[tilespmem:$0x1F8C0] =	vst v63  }
0x34: {  	_ =	swait.ge @!p1 [sflag:s10], $0x3000  }
0x35: {  	p0 =	sge.s32 s3, s30;
	[sflag:s10] =	ssyncset.done @!p1 $0x0  }
0x36: {  	p2 =	sge.s32 @!p0 s3, s29;
	s0 =	simm.s32 @!p0 $0x1;
	[sflag:s10] =	ssyncadd.s32 @!p1 $0xFFFFD000  }
0x37: {  	p1 =	por p2, p0;
	_ =	swait.ge @!p0 [sflag:s0], $0x3000  }
0x38: {  	s8 =	simm.s32 @!p0 $0x880;
	s6 =	simm.s32 @!p1 $0x3880;
	[sflag:s0] =	ssyncset.done @!p0 $0x0  }
0x39: {  	s10 =	simm.s32 @!p1 $0x60;
	s11 =	simm.s32 @!p1 $0x180;
	[sflag:s0] =	ssyncadd.s32 @!p0 $0xFFFFD000  }
0x3a: {  	[tilespmem:s6], [sflag:$0x2] =	stream.indirect.gather @!p1 [spmem:s1], $0x80, s11, s10, $0xb8;
	[tilespmem:$0x1F8C0] =	vst v63  }
0x3b: {  	s0 =	simm.s32 @!p0 $0x60;
	s6 =	simm.s32 @!p0 $0x500;
	s10 =	simm.s32 @!p0 $0x4  }
0x3c: {  	[spmem:s1] =	stream.indirect.scatter.add.f32 @!p0 [tilespmem:s8], [sflag:$0x4], $0x80, s6, s0, $0xb8;
	[tilespmem:$0x1F8C0] =	vst v63  }
0x3d: {  	_ =	swait.ge @!p0 [sflag:s10], $0x3000  }
0x3e: {  	p1 =	sge.s32 s3, s29;
	[sflag:s10] =	ssyncset.done @!p0 $0x0  }
0x3f: {  	p2 =	sge.s32 @!p1 s3, s28;
	s0 =	simm.s32 @!p1 $0x2;
	[sflag:s10] =	ssyncadd.s32 @!p0 $0xFFFFD000  }
0x40: {  	p0 =	por p2, p1;
	_ =	swait.ge @!p1 [sflag:s0], $0x3000  }
0x41: {  	s8 =	simm.s32 @!p1 $0x3880;
	s6 =	simm.s32 @!p0 $0x880;
	[sflag:s0] =	ssyncset.done @!p1 $0x0  }
0x42: {  	s10 =	simm.s32 @!p0 $0x60;
	s11 =	simm.s32 @!p0 $0x200;
	[sflag:s0] =	ssyncadd.s32 @!p1 $0xFFFFD000  }
0x43: {  	[tilespmem:s6], [sflag:$0x1] =	stream.indirect.gather @!p0 [spmem:s1], $0x80, s11, s10, $0xb8;
	[tilespmem:$0x1F8C0] =	vst v63  }
0x44: {  	s0 =	simm.s32 @!p1 $0x60;
	s6 =	simm.s32 @!p1 $0x580;
	s10 =	simm.s32 @!p1 $0x4  }
0x45: {  	[spmem:s1] =	stream.indirect.scatter.add.f32 @!p1 [tilespmem:s8], [sflag:$0x4], $0x80, s6, s0, $0xb8;
	[tilespmem:$0x1F8C0] =	vst v63  }
0x46: {  	_ =	swait.ge @!p1 [sflag:s10], $0x3000  }
0x47: {  	p0 =	sge.s32 s3, s28;
	[sflag:s10] =	ssyncset.done @!p1 $0x0  }
0x48: {  	p2 =	sge.s32 @!p0 s3, s26;
	s0 =	simm.s32 @!p0 $0x1;
	[sflag:s10] =	ssyncadd.s32 @!p1 $0xFFFFD000  }
0x49: {  	p1 =	por p2, p0;
	_ =	swait.ge @!p0 [sflag:s0], $0x3000  }
0x4a: {  	s8 =	simm.s32 @!p0 $0x880;
	s6 =	simm.s32 @!p1 $0x3880;
	[sflag:s0] =	ssyncset.done @!p0 $0x0  }
0x4b: {  	s10 =	simm.s32 @!p1 $0x60;
	s11 =	simm.s32 @!p1 $0x280;
	[sflag:s0] =	ssyncadd.s32 @!p0 $0xFFFFD000  }
0x4c: {  	[tilespmem:s6], [sflag:$0x2] =	stream.indirect.gather @!p1 [spmem:s1], $0x80, s11, s10, $0xb8;
	[tilespmem:$0x1F8C0] =	vst v63  }
0x4d: {  	s0 =	simm.s32 @!p0 $0x60;
	s6 =	simm.s32 @!p0 $0x600;
	s10 =	simm.s32 @!p0 $0x4  }
0x4e: {  	[spmem:s1] =	stream.indirect.scatter.add.f32 @!p0 [tilespmem:s8], [sflag:$0x4], $0x80, s6, s0, $0xb8;
	[tilespmem:$0x1F8C0] =	vst v63  }
0x4f: {  	_ =	swait.ge @!p0 [sflag:s10], $0x3000  }
0x50: {  	p1 =	sge.s32 s3, s26;
	[sflag:s10] =	ssyncset.done @!p0 $0x0  }
0x51: {  	p2 =	sge.s32 @!p1 s3, s25;
	s0 =	simm.s32 @!p1 $0x2;
	[sflag:s10] =	ssyncadd.s32 @!p0 $0xFFFFD000  }
0x52: {  	p0 =	por p2, p1;
	_ =	swait.ge @!p1 [sflag:s0], $0x3000  }
0x53: {  	s8 =	simm.s32 @!p1 $0x3880;
	s6 =	simm.s32 @!p0 $0x880;
	[sflag:s0] =	ssyncset.done @!p1 $0x0  }
0x54: {  	s10 =	simm.s32 @!p0 $0x60;
	s11 =	simm.s32 @!p0 $0x300;
	[sflag:s0] =	ssyncadd.s32 @!p1 $0xFFFFD000  }
0x55: {  	[tilespmem:s6], [sflag:$0x1] =	stream.indirect.gather @!p0 [spmem:s1], $0x80, s11, s10, $0xb8;
	[tilespmem:$0x1F8C0] =	vst v63  }
0x56: {  	s0 =	simm.s32 @!p1 $0x60;
	s6 =	simm.s32 @!p1 $0x680;
	s10 =	simm.s32 @!p1 $0x4  }
0x57: {  	[spmem:s1] =	stream.indirect.scatter.add.f32 @!p1 [tilespmem:s8], [sflag:$0x4], $0x80, s6, s0, $0xb8;
	[tilespmem:$0x1F8C0] =	vst v63  }
0x58: {  	_ =	swait.ge @!p1 [sflag:s10], $0x3000  }
0x59: {  	p0 =	sge.s32 s3, s25;
	[sflag:s10] =	ssyncset.done @!p1 $0x0  }
0x5a: {  	p2 =	sge.s32 @!p0 s3, s24;
	s0 =	simm.s32 @!p0 $0x1;
	[sflag:s10] =	ssyncadd.s32 @!p1 $0xFFFFD000  }
0x5b: {  	p1 =	por p2, p0;
	_ =	swait.ge @!p0 [sflag:s0], $0x3000  }
0x5c: {  	s8 =	simm.s32 @!p0 $0x880;
	s6 =	simm.s32 @!p1 $0x3880;
	[sflag:s0] =	ssyncset.done @!p0 $0x0  }
0x5d: {  	s10 =	simm.s32 @!p1 $0x60;
	s11 =	simm.s32 @!p1 $0x380;
	[sflag:s0] =	ssyncadd.s32 @!p0 $0xFFFFD000  }
0x5e: {  	[tilespmem:s6], [sflag:$0x2] =	stream.indirect.gather @!p1 [spmem:s1], $0x80, s11, s10, $0xb8;
	[tilespmem:$0x1F8C0] =	vst v63  }
0x5f: {  	s0 =	simm.s32 @!p0 $0x60;
	s6 =	simm.s32 @!p0 $0x700;
	s10 =	simm.s32 @!p0 $0x4  }
0x60: {  	[spmem:s1] =	stream.indirect.scatter.add.f32 @!p0 [tilespmem:s8], [sflag:$0x4], $0x80, s6, s0, $0xb8;
	[tilespmem:$0x1F8C0] =	vst v63  }
0x61: {  	_ =	swait.ge @!p0 [sflag:s10], $0x3000  }
0x62: {  	p1 =	sge.s32 s3, s24;
	[sflag:s10] =	ssyncset.done @!p0 $0x0  }
0x63: {  	s0 =	simm.s32 @!p1 $0x2;
	[sflag:s10] =	ssyncadd.s32 @!p0 $0xFFFFD000  }
0x64: {  	_ =	swait.ge @!p1 [sflag:s0], $0x3000  }
0x65: {  	s3 =	simm.s32 @!p1 $0x3880;
	s6 =	simm.s32 @!p1 $0x60;
	[sflag:s0] =	ssyncset.done @!p1 $0x0  }
0x66: {  	s8 =	simm.s32 @!p1 $0x780;
	[sflag:s0] =	ssyncadd.s32 @!p1 $0xFFFFD000;
	s0 =	simm.s32 @!p1 $0x3  }
0x67: {  	[spmem:s1] =	stream.indirect.scatter.add.f32 @!p1 [tilespmem:s3], [sflag:$0x3], $0x80, s8, s6, $0xb8;
	[tilespmem:$0x1F8C0] =	vst v63  }
0x68: {  	_ =	swait.ge @!p1 [sflag:s0], $0x3000  }
0x69: {  	[sflag:s0] =	ssyncset.done @!p1 $0x0  }
0x6a: {  	[sflag:s0] =	ssyncadd.s32 @!p1 $0xFFFFD000  }
.LBB2_13:
0x6b: {  	[bflag:$0x0] =	sbarrier.arrive $0xFFFF  }
0x6c: {  	s0 =	rddreg [dreg:$0x8]  }
0x6d: {  	[hbm:s0], [sflag:s7] =	dma.local [spmem:s20], $0xA00  }
0x6e: {  	_ =	swait.ge [sflag:s18], $0xA00  }
0x6f: {  	s23 =	sadd.s32 $0x1, s23;
	s31 =	rddreg [dreg:$0x9]  }
0x70: {  	p0 =	sne.s32 s23, s31  }
.Ltmp1:
0x71: {  	_ = 	snop;
	(pc) =	sbr.rel @!p0 .LBB2_14-.Ltmp1, $3  }
0x72: {  	_ =	sdelay $0x1  }
0x73: {  	[sflag:s18] =	ssyncset.done $0x0  }
0x74: {  	[sflag:s18] =	ssyncadd.s32 $0xFFFFF600  }
.LBB2_1:
0x75: {  	s0 =	rddreg [dreg:$0x3]  }
0x76: {  	[spmem:s17], [sflag:s7] =	dma.local [hbm:s0], $0x2800  }
0x77: {  	_ =	swait.ge [sflag:s18], $0x2800  }
0x78: {  	[sflag:s18] =	ssyncset.done $0x0  }
0x79: {  	s3 =	simm.s32 $0x800;
	s24 =	rddreg [dreg:$0x4];
	[sflag:s18] =	ssyncadd.s32 $0xFFFFD800  }
0x7a: {  	[tilespmem:s3], [sflag:$0x3] =	stream.linear.gather [hbm4b:s24+s2], $0x80, $0x38;
	[tilespmem:$0x1F8C0] =	vst v63  }
0x7b: {  	_ =	swait.ge [sflag:s18], $0x80  }
0x7c: {  	[sflag:s18] =	ssyncset.done $0x0  }
0x7d: {  	[sflag:s18] =	ssyncadd.s32 $0xFFFFFF80  }
0x7e: {  	[spmem:s20], [sflag:s7] =	dma.local [hbm:s9], $0xA00  }
0x7f: {  	_ =	swait.ge [sflag:s18], $0xA00  }
0x80: {  	[sflag:s18] =	ssyncset.done $0x0  }
0x81: {  	[sflag:s18] =	ssyncadd.s32 $0xFFFFF600  }
0x82: {  	v0 =	vld [tilespmem:$0x800];
	_ =	sdelay $0x4  }
0x83: {  	(v2sf) =	vpush v0, $0x0;
	_ =	sdelay $0xe  }
0x84: {  	s25 =	spop (v2sf)  }
0x85: {  	s26 =	sadd.s32 $0x5F, s25  }
0x86: {  	s6 =	smulhi.u32 $0x2AAAAAAB, s26;
	s8 =	sshra.s32 s26, $0x1F  }
0x87: {  	s8 =	smul.u32 $0x2AAAAAAB, s8;
	_ =	sdelay $0x1  }
0x88: {  	s6 =	sadd.s32 s8, s6  }
0x89: {  	s8 =	sshrl.u32 s6, $0x1F;
	s6 =	sshra.s32 s6, $0x4  }
0x8a: {  	s6 =	sadd.s32 s8, s6  }
0x8b: {  	s8 =	smul.u32 $0xFFFFFFA0, s6  }
0x8c: {  	s0 =	ssub.s32 $0xFFFFFFA1, s25  }
0x8d: {  	p0 =	slt.s32 s26, $0x1;
	p1 =	sne.s32 s8, s0  }
0x8e: {  	p0 =	por !p0, !p1  }
0x8f: {  	s0 =	simm.s32 $0x1;
	p0 =	por !p0, !p0  }
0x90: {  	s0 =	simm.s32 @!p0 $0x0  }
0x91: {  	s0 =	ssub.s32 s6, s0  }
0x92: {  	s28 =	sadd.s32 $0x7, s0  }
0x93: {  	s29 =	sand.u32 $0x7, s28  }
0x94: {  	p5 =	slt.s32 s0, $0xFFFFFFFA;
	s30 =	sshra.s32 s28, $0x1F;
	p6 =	sne.s32 s29, $0x0  }
0x95: {  	s31 =	sshrl.u32 s30, $0x1D;
	p0 =	por !p5, !p6  }
0x96: {  	s6 =	simm.s32 $0x1;
	s3 =	sadd.s32 s31, s28;
	p0 =	por !p0, !p0  }
0x97: {  	s3 =	sshra.s32 s3, $0x3;
	s6 =	simm.s32 @!p0 $0x0  }
0x98: {  	s3 =	ssub.s32 s3, s6  }
0x99: {  	p0 =	slt.s32 s3, $0x1  }
.Ltmp2:
0x9a: {  	_ = 	snop;
	(pc) =	sbr.rel @p0 .LBB2_7-.Ltmp2, $2  }
0x9b: {  	_ =	sdelay $0x1  }
0x9c: {  	[bflag:$0x0] =	sbarrier.arrive $0xFFFF;
	_ =	sdelay $0x1  }
0x9d: {  	s6 =	sadd.s32 $0xFFFFFFFF, s3  }
0x9e: {  	p1 =	sne.s32 s6, $0x0  }
.Ltmp3:
0x9f: {  	_ = 	snop;
	(pc) =	sbr.rel @!p1 .LBB2_3-.Ltmp3, $4  }
0xa0: {  	s31 =	sadd.s32 $0xFFFFFFFF, s0  }
0xa1: {  	s30 =	sadd.s32 $0xFFFFFFFE, s0;
	s29 =	sadd.s32 $0xFFFFFFFD, s0;
	s28 =	sadd.s32 $0xFFFFFFFC, s0  }
0xa2: {  	s26 =	sadd.s32 $0xFFFFFFFB, s0;
	s25 =	sadd.s32 $0xFFFFFFFA, s0;
	s24 =	sadd.s32 $0xFFFFFFF9, s0  }
0xa3: {  	s3 =	simm.s32 $0x0;
	s8 =	sshrl.u32 s14, $0x3;
	p0 =	por $0x0, $0x0  }
0xa4: {  	s3 =	sadd.s32 s4, s8  }
0xa5: {  	[tilespmem:s2], [sflag:$0x4] =	stream.linear.gather [hbm4b:s3+s2], $0x400, $0x38;
	[tilespmem:$0x1F8C0] =	vst v63  }
0xa6: {  	_ =	swait.ge [sflag:s21], $0x400  }
0xa7: {  	[sflag:s21] =	ssyncset.done $0x0  }
0xa8: {  	s19 =	sadd.s32 s5, s8;
	p0 =	sle.s32 s0, $0x0;
	[sflag:s21] =	ssyncadd.s32 $0xFFFFFC00  }
0xa9: {  	[tilespmem:s22], [sflag:$0x4] =	stream.linear.gather [hbm4b:s19+s2], $0x400, $0x38;
	[tilespmem:$0x1F8C0] =	vst v63  }
0xaa: {  	s3 =	simm.s32 @!p0 $0x60;
	_ =	swait.ge [sflag:s21], $0x400  }
0xab: {  	s8 =	simm.s32 @!p0 $0x0;
	s10 =	simm.s32 @!p0 $0x880;
	[sflag:s21] =	ssyncset.done $0x0  }
0xac: {  	p1 =	sle.s32 @!p0 s31, $0x0;
	s19 =	simm.s32 @!p0 $0x1;
	[sflag:s21] =	ssyncadd.s32 $0xFFFFFC00  }
0xad: {  	[tilespmem:s10], [sflag:$0x1] =	stream.indirect.gather @!p0 [spmem:s1], $0x80, s8, s3, $0xb8;
	[tilespmem:$0x1F8C0] =	vst v63  }
0xae: {  	p1 =	por p1, p0;
	_ =	swait.ge @!p0 [sflag:s19], $0x3000  }
0xaf: {  	s11 =	simm.s32 @!p1 $0x80;
	[sflag:s19] =	ssyncset.done @!p0 $0x0  }
0xb0: {  	s8 =	simm.s32 @!p1 $0x60;
	[sflag:s19] =	ssyncadd.s32 @!p0 $0xFFFFD000;
	s19 =	simm.s32 @!p1 $0x3880  }
0xb1: {  	[tilespmem:s19], [sflag:$0x2] =	stream.indirect.gather @!p1 [spmem:s1], $0x80, s11, s8, $0xb8;
	[tilespmem:$0x1F8C0] =	vst v63  }
0xb2: {  	s8 =	simm.s32 @!p0 $0x400;
	s11 =	simm.s32 @!p0 $0x4  }
0xb3: {  	[spmem:s1] =	stream.indirect.scatter.add.f32 @!p0 [tilespmem:s10], [sflag:$0x4], $0x80, s8, s3, $0xb8;
	[tilespmem:$0x1F8C0] =	vst v63  }
0xb4: {  	_ =	swait.ge @!p0 [sflag:s11], $0x3000  }
0xb5: {  	p1 =	sle.s32 s31, $0x0;
	[sflag:s11] =	ssyncset.done @!p0 $0x0  }
0xb6: {  	p2 =	sle.s32 @!p1 s30, $0x0;
	s3 =	simm.s32 @!p1 $0x2;
	[sflag:s11] =	ssyncadd.s32 @!p0 $0xFFFFD000  }
0xb7: {  	p0 =	por p2, p1;
	_ =	swait.ge @!p1 [sflag:s3], $0x3000  }
0xb8: {  	s10 =	simm.s32 @!p1 $0x3880;
	s8 =	simm.s32 @!p0 $0x880;
	[sflag:s3] =	ssyncset.done @!p1 $0x0  }
0xb9: {  	s11 =	simm.s32 @!p0 $0x60;
	s19 =	simm.s32 @!p0 $0x100;
	[sflag:s3] =	ssyncadd.s32 @!p1 $0xFFFFD000  }
0xba: {  	[tilespmem:s8], [sflag:$0x1] =	stream.indirect.gather @!p0 [spmem:s1], $0x80, s19, s11, $0xb8;
	[tilespmem:$0x1F8C0] =	vst v63  }
0xbb: {  	s3 =	simm.s32 @!p1 $0x60;
	s8 =	simm.s32 @!p1 $0x480;
	s11 =	simm.s32 @!p1 $0x4  }
0xbc: {  	[spmem:s1] =	stream.indirect.scatter.add.f32 @!p1 [tilespmem:s10], [sflag:$0x4], $0x80, s8, s3, $0xb8;
	[tilespmem:$0x1F8C0] =	vst v63  }
0xbd: {  	_ =	swait.ge @!p1 [sflag:s11], $0x3000  }
0xbe: {  	p0 =	sle.s32 s30, $0x0;
	[sflag:s11] =	ssyncset.done @!p1 $0x0  }
0xbf: {  	p2 =	sle.s32 @!p0 s29, $0x0;
	s3 =	simm.s32 @!p0 $0x1;
	[sflag:s11] =	ssyncadd.s32 @!p1 $0xFFFFD000  }
0xc0: {  	p1 =	por p2, p0;
	_ =	swait.ge @!p0 [sflag:s3], $0x3000  }
0xc1: {  	s10 =	simm.s32 @!p0 $0x880;
	s8 =	simm.s32 @!p1 $0x3880;
	[sflag:s3] =	ssyncset.done @!p0 $0x0  }
0xc2: {  	s11 =	simm.s32 @!p1 $0x60;
	s19 =	simm.s32 @!p1 $0x180;
	[sflag:s3] =	ssyncadd.s32 @!p0 $0xFFFFD000  }
0xc3: {  	[tilespmem:s8], [sflag:$0x2] =	stream.indirect.gather @!p1 [spmem:s1], $0x80, s19, s11, $0xb8;
	[tilespmem:$0x1F8C0] =	vst v63  }
0xc4: {  	s3 =	simm.s32 @!p0 $0x60;
	s8 =	simm.s32 @!p0 $0x500;
	s11 =	simm.s32 @!p0 $0x4  }
0xc5: {  	[spmem:s1] =	stream.indirect.scatter.add.f32 @!p0 [tilespmem:s10], [sflag:$0x4], $0x80, s8, s3, $0xb8;
	[tilespmem:$0x1F8C0] =	vst v63  }
0xc6: {  	_ =	swait.ge @!p0 [sflag:s11], $0x3000  }
0xc7: {  	p1 =	sle.s32 s29, $0x0;
	[sflag:s11] =	ssyncset.done @!p0 $0x0  }
0xc8: {  	p2 =	sle.s32 @!p1 s28, $0x0;
	s3 =	simm.s32 @!p1 $0x2;
	[sflag:s11] =	ssyncadd.s32 @!p0 $0xFFFFD000  }
0xc9: {  	p0 =	por p2, p1;
	_ =	swait.ge @!p1 [sflag:s3], $0x3000  }
0xca: {  	s10 =	simm.s32 @!p1 $0x3880;
	s8 =	simm.s32 @!p0 $0x880;
	[sflag:s3] =	ssyncset.done @!p1 $0x0  }
0xcb: {  	s11 =	simm.s32 @!p0 $0x60;
	s19 =	simm.s32 @!p0 $0x200;
	[sflag:s3] =	ssyncadd.s32 @!p1 $0xFFFFD000  }
0xcc: {  	[tilespmem:s8], [sflag:$0x1] =	stream.indirect.gather @!p0 [spmem:s1], $0x80, s19, s11, $0xb8;
	[tilespmem:$0x1F8C0] =	vst v63  }
0xcd: {  	s3 =	simm.s32 @!p1 $0x60;
	s8 =	simm.s32 @!p1 $0x580;
	s11 =	simm.s32 @!p1 $0x4  }
0xce: {  	[spmem:s1] =	stream.indirect.scatter.add.f32 @!p1 [tilespmem:s10], [sflag:$0x4], $0x80, s8, s3, $0xb8;
	[tilespmem:$0x1F8C0] =	vst v63  }
0xcf: {  	_ =	swait.ge @!p1 [sflag:s11], $0x3000  }
0xd0: {  	p0 =	sle.s32 s28, $0x0;
	[sflag:s11] =	ssyncset.done @!p1 $0x0  }
0xd1: {  	p2 =	sle.s32 @!p0 s26, $0x0;
	s3 =	simm.s32 @!p0 $0x1;
	[sflag:s11] =	ssyncadd.s32 @!p1 $0xFFFFD000  }
0xd2: {  	p1 =	por p2, p0;
	_ =	swait.ge @!p0 [sflag:s3], $0x3000  }
0xd3: {  	s10 =	simm.s32 @!p0 $0x880;
	s8 =	simm.s32 @!p1 $0x3880;
	[sflag:s3] =	ssyncset.done @!p0 $0x0  }
0xd4: {  	s11 =	simm.s32 @!p1 $0x60;
	s19 =	simm.s32 @!p1 $0x280;
	[sflag:s3] =	ssyncadd.s32 @!p0 $0xFFFFD000  }
0xd5: {  	[tilespmem:s8], [sflag:$0x2] =	stream.indirect.gather @!p1 [spmem:s1], $0x80, s19, s11, $0xb8;
	[tilespmem:$0x1F8C0] =	vst v63  }
0xd6: {  	s3 =	simm.s32 @!p0 $0x60;
	s8 =	simm.s32 @!p0 $0x600;
	s11 =	simm.s32 @!p0 $0x4  }
0xd7: {  	[spmem:s1] =	stream.indirect.scatter.add.f32 @!p0 [tilespmem:s10], [sflag:$0x4], $0x80, s8, s3, $0xb8;
	[tilespmem:$0x1F8C0] =	vst v63  }
0xd8: {  	_ =	swait.ge @!p0 [sflag:s11], $0x3000  }
0xd9: {  	p1 =	sle.s32 s26, $0x0;
	[sflag:s11] =	ssyncset.done @!p0 $0x0  }
0xda: {  	p2 =	sle.s32 @!p1 s25, $0x0;
	s3 =	simm.s32 @!p1 $0x2;
	[sflag:s11] =	ssyncadd.s32 @!p0 $0xFFFFD000  }
0xdb: {  	p0 =	por p2, p1;
	_ =	swait.ge @!p1 [sflag:s3], $0x3000  }
0xdc: {  	s10 =	simm.s32 @!p1 $0x3880;
	s8 =	simm.s32 @!p0 $0x880;
	[sflag:s3] =	ssyncset.done @!p1 $0x0  }
0xdd: {  	s11 =	simm.s32 @!p0 $0x60;
	s19 =	simm.s32 @!p0 $0x300;
	[sflag:s3] =	ssyncadd.s32 @!p1 $0xFFFFD000  }
0xde: {  	[tilespmem:s8], [sflag:$0x1] =	stream.indirect.gather @!p0 [spmem:s1], $0x80, s19, s11, $0xb8;
	[tilespmem:$0x1F8C0] =	vst v63  }
0xdf: {  	s3 =	simm.s32 @!p1 $0x60;
	s8 =	simm.s32 @!p1 $0x680;
	s11 =	simm.s32 @!p1 $0x4  }
0xe0: {  	[spmem:s1] =	stream.indirect.scatter.add.f32 @!p1 [tilespmem:s10], [sflag:$0x4], $0x80, s8, s3, $0xb8;
	[tilespmem:$0x1F8C0] =	vst v63  }
0xe1: {  	_ =	swait.ge @!p1 [sflag:s11], $0x3000  }
0xe2: {  	p0 =	sle.s32 s25, $0x0;
	[sflag:s11] =	ssyncset.done @!p1 $0x0  }
0xe3: {  	p2 =	sle.s32 @!p0 s24, $0x0;
	s3 =	simm.s32 @!p0 $0x1;
	[sflag:s11] =	ssyncadd.s32 @!p1 $0xFFFFD000  }
0xe4: {  	p1 =	por p2, p0;
	_ =	swait.ge @!p0 [sflag:s3], $0x3000  }
0xe5: {  	s10 =	simm.s32 @!p0 $0x880;
	s8 =	simm.s32 @!p1 $0x3880;
	[sflag:s3] =	ssyncset.done @!p0 $0x0  }
0xe6: {  	s11 =	simm.s32 @!p1 $0x60;
	s19 =	simm.s32 @!p1 $0x380;
	[sflag:s3] =	ssyncadd.s32 @!p0 $0xFFFFD000  }
0xe7: {  	[tilespmem:s8], [sflag:$0x2] =	stream.indirect.gather @!p1 [spmem:s1], $0x80, s19, s11, $0xb8;
	[tilespmem:$0x1F8C0] =	vst v63  }
0xe8: {  	s3 =	simm.s32 @!p0 $0x60;
	s8 =	simm.s32 @!p0 $0x700;
	s11 =	simm.s32 @!p0 $0x4  }
0xe9: {  	[spmem:s1] =	stream.indirect.scatter.add.f32 @!p0 [tilespmem:s10], [sflag:$0x4], $0x80, s8, s3, $0xb8;
	[tilespmem:$0x1F8C0] =	vst v63  }
0xea: {  	_ =	swait.ge @!p0 [sflag:s11], $0x3000  }
0xeb: {  	s6 =	sadd.s32 $0xFFFFFFFF, s6;
	p2 =	sle.s32 s24, $0x0;
	[sflag:s11] =	ssyncset.done @!p0 $0x0  }
0xec: {  	p1 =	sne.s32 s6, $0x0;
	s3 =	simm.s32 @!p2 $0x2;
	[sflag:s11] =	ssyncadd.s32 @!p0 $0xFFFFD000  }
.Ltmp4:
0xed: {  	s19 =	sadd.s32 $0x400, s14;
	_ =	swait.ge @!p2 [sflag:s3], $0x3000;
	(pc) =	sbr.rel @!p1 .LBB2_6-.Ltmp4, $4  }
0xee: {  	s8 =	simm.s32 @!p2 $0x3880;
	s10 =	simm.s32 @!p2 $0x60;
	[sflag:s3] =	ssyncset.done @!p2 $0x0  }
0xef: {  	s11 =	simm.s32 @!p2 $0x780;
	p0 =	por $0x1, $0x1;
	[sflag:s3] =	ssyncadd.s32 @!p2 $0xFFFFD000  }
0xf0: {  	[spmem:s1] =	stream.indirect.scatter.add.f32 @!p2 [tilespmem:s8], [sflag:$0x3], $0x80, s11, s10, $0xb8;
	[tilespmem:$0x1F8C0] =	vst v63  }
0xf1: {  	s3 =	simm.s32 $0x8;
	s8 =	sshrl.u32 s19, $0x3;
	s10 =	simm.s32 @!p2 $0x3  }
.LBB2_5:
0xf2: {  	s6 =	sadd.s32 $0xFFFFFFFF, s6;
	s11 =	sadd.s32 s4, s8;
	_ =	swait.ge @!p2 [sflag:s10], $0x3000  }
0xf3: {  	p1 =	sne.s32 s6, $0x0;
	[sflag:s10] =	ssyncset.done @!p2 $0x0  }
0xf4: {  	[sflag:s10] =	ssyncadd.s32 @!p2 $0xFFFFD000  }
0xf5: {  	[tilespmem:s2], [sflag:$0x4] =	stream.linear.gather [hbm4b:s11+s2], $0x400, $0x38;
	[tilespmem:$0x1F8C0] =	vst v63  }
0xf6: {  	s8 =	sadd.s32 s5, s8;
	_ =	swait.ge [sflag:s21], $0x400  }
0xf7: {  	[sflag:s21] =	ssyncset.done $0x0  }
0xf8: {  	p2 =	sge.s32 s3, s0;
	[sflag:s21] =	ssyncadd.s32 $0xFFFFFC00  }
0xf9: {  	[tilespmem:s22], [sflag:$0x4] =	stream.linear.gather [hbm4b:s8+s2], $0x400, $0x38;
	[tilespmem:$0x1F8C0] =	vst v63  }
0xfa: {  	s10 =	simm.s32 @!p2 $0x0;
	s8 =	simm.s32 @!p2 $0x60;
	_ =	swait.ge [sflag:s21], $0x400  }
0xfb: {  	s11 =	simm.s32 @!p2 $0x880;
	s12 =	simm.s32 @!p2 $0x1;
	[sflag:s21] =	ssyncset.done $0x0  }
0xfc: {  	p3 =	sge.s32 @!p2 s3, s31;
	[sflag:s21] =	ssyncadd.s32 $0xFFFFFC00  }
0xfd: {  	[tilespmem:s11], [sflag:$0x1] =	stream.indirect.gather @!p2 [spmem:s1], $0x80, s10, s8, $0xb8;
	[tilespmem:$0x1F8C0] =	vst v63  }
0xfe: {  	p3 =	por p3, p2;
	_ =	swait.ge @!p2 [sflag:s12], $0x3000  }
0xff: {  	s13 =	simm.s32 @!p3 $0x80;
	s10 =	simm.s32 @!p3 $0x60;
	[sflag:s12] =	ssyncset.done @!p2 $0x0  }
0x100: {  	s15 =	simm.s32 @!p2 $0x400;
	[sflag:s12] =	ssyncadd.s32 @!p2 $0xFFFFD000;
	s12 =	simm.s32 @!p3 $0x3880  }
0x101: {  	[tilespmem:s12], [sflag:$0x2] =	stream.indirect.gather @!p3 [spmem:s1], $0x80, s13, s10, $0xb8;
	[tilespmem:$0x1F8C0] =	vst v63  }
0x102: {  	s10 =	simm.s32 @!p2 $0x4  }
0x103: {  	[spmem:s1] =	stream.indirect.scatter.add.f32 @!p2 [tilespmem:s11], [sflag:$0x4], $0x80, s15, s8, $0xb8;
	[tilespmem:$0x1F8C0] =	vst v63  }
0x104: {  	p3 =	sge.s32 s3, s31;
	_ =	swait.ge @!p2 [sflag:s10], $0x3000  }
0x105: {  	p4 =	sge.s32 @!p3 s3, s30;
	s8 =	simm.s32 @!p3 $0x2;
	[sflag:s10] =	ssyncset.done @!p2 $0x0  }
0x106: {  	[sflag:s10] =	ssyncadd.s32 @!p2 $0xFFFFD000;
	p2 =	por p4, p3  }
0x107: {  	s11 =	simm.s32 @!p3 $0x3880;
	_ =	swait.ge @!p3 [sflag:s8], $0x3000;
	s10 =	simm.s32 @!p2 $0x880  }
0x108: {  	s12 =	simm.s32 @!p2 $0x60;
	s13 =	simm.s32 @!p2 $0x100;
	[sflag:s8] =	ssyncset.done @!p3 $0x0  }
0x109: {  	s15 =	simm.s32 @!p3 $0x480;
	[sflag:s8] =	ssyncadd.s32 @!p3 $0xFFFFD000;
	s8 =	simm.s32 @!p3 $0x60  }
0x10a: {  	[tilespmem:s10], [sflag:$0x1] =	stream.indirect.gather @!p2 [spmem:s1], $0x80, s13, s12, $0xb8;
	[tilespmem:$0x1F8C0] =	vst v63  }
0x10b: {  	s10 =	simm.s32 @!p3 $0x4  }
0x10c: {  	[spmem:s1] =	stream.indirect.scatter.add.f32 @!p3 [tilespmem:s11], [sflag:$0x4], $0x80, s15, s8, $0xb8;
	[tilespmem:$0x1F8C0] =	vst v63  }
0x10d: {  	p2 =	sge.s32 s3, s30;
	_ =	swait.ge @!p3 [sflag:s10], $0x3000  }
0x10e: {  	p4 =	sge.s32 @!p2 s3, s29;
	s8 =	simm.s32 @!p2 $0x1;
	[sflag:s10] =	ssyncset.done @!p3 $0x0  }
0x10f: {  	[sflag:s10] =	ssyncadd.s32 @!p3 $0xFFFFD000;
	p3 =	por p4, p2  }
0x110: {  	s11 =	simm.s32 @!p2 $0x880;
	_ =	swait.ge @!p2 [sflag:s8], $0x3000;
	s10 =	simm.s32 @!p3 $0x3880  }
0x111: {  	s12 =	simm.s32 @!p3 $0x60;
	s13 =	simm.s32 @!p3 $0x180;
	[sflag:s8] =	ssyncset.done @!p2 $0x0  }
0x112: {  	s15 =	simm.s32 @!p2 $0x500;
	[sflag:s8] =	ssyncadd.s32 @!p2 $0xFFFFD000;
	s8 =	simm.s32 @!p2 $0x60  }
0x113: {  	[tilespmem:s10], [sflag:$0x2] =	stream.indirect.gather @!p3 [spmem:s1], $0x80, s13, s12, $0xb8;
	[tilespmem:$0x1F8C0] =	vst v63  }
0x114: {  	s10 =	simm.s32 @!p2 $0x4  }
0x115: {  	[spmem:s1] =	stream.indirect.scatter.add.f32 @!p2 [tilespmem:s11], [sflag:$0x4], $0x80, s15, s8, $0xb8;
	[tilespmem:$0x1F8C0] =	vst v63  }
0x116: {  	p3 =	sge.s32 s3, s29;
	_ =	swait.ge @!p2 [sflag:s10], $0x3000  }
0x117: {  	p4 =	sge.s32 @!p3 s3, s28;
	s8 =	simm.s32 @!p3 $0x2;
	[sflag:s10] =	ssyncset.done @!p2 $0x0  }
0x118: {  	[sflag:s10] =	ssyncadd.s32 @!p2 $0xFFFFD000;
	p2 =	por p4, p3  }
0x119: {  	s11 =	simm.s32 @!p3 $0x3880;
	_ =	swait.ge @!p3 [sflag:s8], $0x3000;
	s10 =	simm.s32 @!p2 $0x880  }
0x11a: {  	s12 =	simm.s32 @!p2 $0x60;
	s13 =	simm.s32 @!p2 $0x200;
	[sflag:s8] =	ssyncset.done @!p3 $0x0  }
0x11b: {  	s15 =	simm.s32 @!p3 $0x580;
	[sflag:s8] =	ssyncadd.s32 @!p3 $0xFFFFD000;
	s8 =	simm.s32 @!p3 $0x60  }
0x11c: {  	[tilespmem:s10], [sflag:$0x1] =	stream.indirect.gather @!p2 [spmem:s1], $0x80, s13, s12, $0xb8;
	[tilespmem:$0x1F8C0] =	vst v63  }
0x11d: {  	s10 =	simm.s32 @!p3 $0x4  }
0x11e: {  	[spmem:s1] =	stream.indirect.scatter.add.f32 @!p3 [tilespmem:s11], [sflag:$0x4], $0x80, s15, s8, $0xb8;
	[tilespmem:$0x1F8C0] =	vst v63  }
0x11f: {  	p2 =	sge.s32 s3, s28;
	_ =	swait.ge @!p3 [sflag:s10], $0x3000  }
0x120: {  	p4 =	sge.s32 @!p2 s3, s26;
	s8 =	simm.s32 @!p2 $0x1;
	[sflag:s10] =	ssyncset.done @!p3 $0x0  }
0x121: {  	[sflag:s10] =	ssyncadd.s32 @!p3 $0xFFFFD000;
	p3 =	por p4, p2  }
0x122: {  	s11 =	simm.s32 @!p2 $0x880;
	_ =	swait.ge @!p2 [sflag:s8], $0x3000;
	s10 =	simm.s32 @!p3 $0x3880  }
0x123: {  	s12 =	simm.s32 @!p3 $0x60;
	s13 =	simm.s32 @!p3 $0x280;
	[sflag:s8] =	ssyncset.done @!p2 $0x0  }
0x124: {  	s15 =	simm.s32 @!p2 $0x600;
	[sflag:s8] =	ssyncadd.s32 @!p2 $0xFFFFD000;
	s8 =	simm.s32 @!p2 $0x60  }
0x125: {  	[tilespmem:s10], [sflag:$0x2] =	stream.indirect.gather @!p3 [spmem:s1], $0x80, s13, s12, $0xb8;
	[tilespmem:$0x1F8C0] =	vst v63  }
0x126: {  	s10 =	simm.s32 @!p2 $0x4  }
0x127: {  	[spmem:s1] =	stream.indirect.scatter.add.f32 @!p2 [tilespmem:s11], [sflag:$0x4], $0x80, s15, s8, $0xb8;
	[tilespmem:$0x1F8C0] =	vst v63  }
0x128: {  	p3 =	sge.s32 s3, s26;
	_ =	swait.ge @!p2 [sflag:s10], $0x3000  }
0x129: {  	p4 =	sge.s32 @!p3 s3, s25;
	s8 =	simm.s32 @!p3 $0x2;
	[sflag:s10] =	ssyncset.done @!p2 $0x0  }
0x12a: {  	[sflag:s10] =	ssyncadd.s32 @!p2 $0xFFFFD000;
	p2 =	por p4, p3  }
0x12b: {  	s11 =	simm.s32 @!p3 $0x3880;
	_ =	swait.ge @!p3 [sflag:s8], $0x3000;
	s10 =	simm.s32 @!p2 $0x880  }
0x12c: {  	s12 =	simm.s32 @!p2 $0x60;
	s13 =	simm.s32 @!p2 $0x300;
	[sflag:s8] =	ssyncset.done @!p3 $0x0  }
0x12d: {  	s15 =	simm.s32 @!p3 $0x680;
	[sflag:s8] =	ssyncadd.s32 @!p3 $0xFFFFD000;
	s8 =	simm.s32 @!p3 $0x60  }
0x12e: {  	[tilespmem:s10], [sflag:$0x1] =	stream.indirect.gather @!p2 [spmem:s1], $0x80, s13, s12, $0xb8;
	[tilespmem:$0x1F8C0] =	vst v63  }
0x12f: {  	s10 =	simm.s32 @!p3 $0x4  }
0x130: {  	[spmem:s1] =	stream.indirect.scatter.add.f32 @!p3 [tilespmem:s11], [sflag:$0x4], $0x80, s15, s8, $0xb8;
	[tilespmem:$0x1F8C0] =	vst v63  }
0x131: {  	p4 =	sge.s32 s3, s25;
	_ =	swait.ge @!p3 [sflag:s10], $0x3000  }
0x132: {  	p2 =	sge.s32 @!p4 s3, s24;
	s8 =	simm.s32 @!p4 $0x1;
	[sflag:s10] =	ssyncset.done @!p3 $0x0  }
0x133: {  	p2 =	por p2, p4;
	[sflag:s10] =	ssyncadd.s32 @!p3 $0xFFFFD000  }
0x134: {  	s11 =	simm.s32 @!p4 $0x880;
	s10 =	simm.s32 @!p2 $0x3880;
	_ =	swait.ge @!p4 [sflag:s8], $0x3000  }
0x135: {  	s12 =	simm.s32 @!p2 $0x60;
	s13 =	simm.s32 @!p2 $0x380;
	[sflag:s8] =	ssyncset.done @!p4 $0x0  }
0x136: {  	s15 =	simm.s32 @!p4 $0x700;
	[sflag:s8] =	ssyncadd.s32 @!p4 $0xFFFFD000;
	s8 =	simm.s32 @!p4 $0x60  }
0x137: {  	[tilespmem:s10], [sflag:$0x2] =	stream.indirect.gather @!p2 [spmem:s1], $0x80, s13, s12, $0xb8;
	[tilespmem:$0x1F8C0] =	vst v63  }
0x138: {  	s10 =	simm.s32 @!p4 $0x4  }
0x139: {  	[spmem:s1] =	stream.indirect.scatter.add.f32 @!p4 [tilespmem:s11], [sflag:$0x4], $0x80, s15, s8, $0xb8;
	[tilespmem:$0x1F8C0] =	vst v63  }
0x13a: {  	p2 =	sge.s32 s3, s24;
	_ =	swait.ge @!p4 [sflag:s10], $0x3000  }
0x13b: {  	s11 =	simm.s32 @!p2 $0x2;
	[sflag:s10] =	ssyncset.done @!p4 $0x0  }
.Ltmp5:
0x13c: {  	s3 =	sadd.s32 $0x8, s3;
	[sflag:s10] =	ssyncadd.s32 @!p4 $0xFFFFD000;
	(pc) =	sbr.rel @p1 .LBB2_5-.Ltmp5, $4  }
0x13d: {  	s19 =	sadd.s32 $0x400, s19;
	s12 =	simm.s32 @!p2 $0x3880;
	_ =	swait.ge @!p2 [sflag:s11], $0x3000  }
0x13e: {  	s13 =	simm.s32 @!p2 $0x60;
	s15 =	simm.s32 @!p2 $0x780;
	[sflag:s11] =	ssyncset.done @!p2 $0x0  }
0x13f: {  	s8 =	sshrl.u32 s19, $0x3;
	s10 =	simm.s32 @!p2 $0x3;
	[sflag:s11] =	ssyncadd.s32 @!p2 $0xFFFFD000  }
0x140: {  	[spmem:s1] =	stream.indirect.scatter.add.f32 @!p2 [tilespmem:s12], [sflag:$0x3], $0x80, s15, s13, $0xb8;
	[tilespmem:$0x1F8C0] =	vst v63  }
.LBB2_6:
0x141: {  	p0 =	por p2, !p0  }
0x142: {  	_ =	swait.ge @!p0 [sflag:s10], $0x3000  }
0x143: {  	[sflag:s10] =	ssyncset.done @!p0 $0x0  }
0x144: {  	s6 =	sadd.s32 s4, s8;
	[sflag:s10] =	ssyncadd.s32 @!p0 $0xFFFFD000  }
0x145: {  	[tilespmem:s2], [sflag:$0x4] =	stream.linear.gather [hbm4b:s6+s2], $0x400, $0x38;
	[tilespmem:$0x1F8C0] =	vst v63  }
0x146: {  	_ =	swait.ge [sflag:s21], $0x400  }
0x147: {  	[sflag:s21] =	ssyncset.done $0x0  }
0x148: {  	s19 =	sadd.s32 s5, s8;
	p0 =	sge.s32 s3, s0;
	[sflag:s21] =	ssyncadd.s32 $0xFFFFFC00  }
0x149: {  	[tilespmem:s22], [sflag:$0x4] =	stream.linear.gather [hbm4b:s19+s2], $0x400, $0x38;
	[tilespmem:$0x1F8C0] =	vst v63  }
0x14a: {  	s0 =	simm.s32 @!p0 $0x60;
	_ =	swait.ge [sflag:s21], $0x400  }
0x14b: {  	s6 =	simm.s32 @!p0 $0x0;
	s8 =	simm.s32 @!p0 $0x880;
	[sflag:s21] =	ssyncset.done $0x0  }
0x14c: {  	s10 =	simm.s32 @!p0 $0x1;
	p1 =	sge.s32 @!p0 s3, s31;
	[sflag:s21] =	ssyncadd.s32 $0xFFFFFC00  }
0x14d: {  	[tilespmem:s8], [sflag:$0x1] =	stream.indirect.gather @!p0 [spmem:s1], $0x80, s6, s0, $0xb8;
	[tilespmem:$0x1F8C0] =	vst v63  }
0x14e: {  	p1 =	por p1, p0;
	_ =	swait.ge @!p0 [sflag:s10], $0x3000  }
0x14f: {  	s11 =	simm.s32 @!p1 $0x80;
	[sflag:s10] =	ssyncset.done @!p0 $0x0  }
0x150: {  	s6 =	simm.s32 @!p1 $0x60;
	[sflag:s10] =	ssyncadd.s32 @!p0 $0xFFFFD000;
	s10 =	simm.s32 @!p1 $0x3880  }
0x151: {  	[tilespmem:s10], [sflag:$0x2] =	stream.indirect.gather @!p1 [spmem:s1], $0x80, s11, s6, $0xb8;
	[tilespmem:$0x1F8C0] =	vst v63  }
0x152: {  	s6 =	simm.s32 @!p0 $0x400;
	s10 =	simm.s32 @!p0 $0x4  }
0x153: {  	[spmem:s1] =	stream.indirect.scatter.add.f32 @!p0 [tilespmem:s8], [sflag:$0x4], $0x80, s6, s0, $0xb8;
	[tilespmem:$0x1F8C0] =	vst v63  }
0x154: {  	_ =	swait.ge @!p0 [sflag:s10], $0x3000  }
0x155: {  	p1 =	sge.s32 s3, s31;
	[sflag:s10] =	ssyncset.done @!p0 $0x0  }
0x156: {  	p2 =	sge.s32 @!p1 s3, s30;
	s0 =	simm.s32 @!p1 $0x2;
	[sflag:s10] =	ssyncadd.s32 @!p0 $0xFFFFD000  }
0x157: {  	p0 =	por p2, p1;
	_ =	swait.ge @!p1 [sflag:s0], $0x3000  }
0x158: {  	s8 =	simm.s32 @!p1 $0x3880;
	s6 =	simm.s32 @!p0 $0x880;
	[sflag:s0] =	ssyncset.done @!p1 $0x0  }
0x159: {  	s10 =	simm.s32 @!p0 $0x60;
	s11 =	simm.s32 @!p0 $0x100;
	[sflag:s0] =	ssyncadd.s32 @!p1 $0xFFFFD000  }
0x15a: {  	[tilespmem:s6], [sflag:$0x1] =	stream.indirect.gather @!p0 [spmem:s1], $0x80, s11, s10, $0xb8;
	[tilespmem:$0x1F8C0] =	vst v63  }
0x15b: {  	s0 =	simm.s32 @!p1 $0x60;
	s6 =	simm.s32 @!p1 $0x480;
	s10 =	simm.s32 @!p1 $0x4  }
0x15c: {  	[spmem:s1] =	stream.indirect.scatter.add.f32 @!p1 [tilespmem:s8], [sflag:$0x4], $0x80, s6, s0, $0xb8;
	[tilespmem:$0x1F8C0] =	vst v63  }
0x15d: {  	_ =	swait.ge @!p1 [sflag:s10], $0x3000  }
0x15e: {  	p0 =	sge.s32 s3, s30;
	[sflag:s10] =	ssyncset.done @!p1 $0x0  }
0x15f: {  	p2 =	sge.s32 @!p0 s3, s29;
	s0 =	simm.s32 @!p0 $0x1;
	[sflag:s10] =	ssyncadd.s32 @!p1 $0xFFFFD000  }
0x160: {  	p1 =	por p2, p0;
	_ =	swait.ge @!p0 [sflag:s0], $0x3000  }
0x161: {  	s8 =	simm.s32 @!p0 $0x880;
	s6 =	simm.s32 @!p1 $0x3880;
	[sflag:s0] =	ssyncset.done @!p0 $0x0  }
0x162: {  	s10 =	simm.s32 @!p1 $0x60;
	s11 =	simm.s32 @!p1 $0x180;
	[sflag:s0] =	ssyncadd.s32 @!p0 $0xFFFFD000  }
0x163: {  	[tilespmem:s6], [sflag:$0x2] =	stream.indirect.gather @!p1 [spmem:s1], $0x80, s11, s10, $0xb8;
	[tilespmem:$0x1F8C0] =	vst v63  }
0x164: {  	s0 =	simm.s32 @!p0 $0x60;
	s6 =	simm.s32 @!p0 $0x500;
	s10 =	simm.s32 @!p0 $0x4  }
0x165: {  	[spmem:s1] =	stream.indirect.scatter.add.f32 @!p0 [tilespmem:s8], [sflag:$0x4], $0x80, s6, s0, $0xb8;
	[tilespmem:$0x1F8C0] =	vst v63  }
0x166: {  	_ =	swait.ge @!p0 [sflag:s10], $0x3000  }
0x167: {  	p1 =	sge.s32 s3, s29;
	[sflag:s10] =	ssyncset.done @!p0 $0x0  }
0x168: {  	p2 =	sge.s32 @!p1 s3, s28;
	s0 =	simm.s32 @!p1 $0x2;
	[sflag:s10] =	ssyncadd.s32 @!p0 $0xFFFFD000  }
0x169: {  	p0 =	por p2, p1;
	_ =	swait.ge @!p1 [sflag:s0], $0x3000  }
0x16a: {  	s8 =	simm.s32 @!p1 $0x3880;
	s6 =	simm.s32 @!p0 $0x880;
	[sflag:s0] =	ssyncset.done @!p1 $0x0  }
0x16b: {  	s10 =	simm.s32 @!p0 $0x60;
	s11 =	simm.s32 @!p0 $0x200;
	[sflag:s0] =	ssyncadd.s32 @!p1 $0xFFFFD000  }
0x16c: {  	[tilespmem:s6], [sflag:$0x1] =	stream.indirect.gather @!p0 [spmem:s1], $0x80, s11, s10, $0xb8;
	[tilespmem:$0x1F8C0] =	vst v63  }
0x16d: {  	s0 =	simm.s32 @!p1 $0x60;
	s6 =	simm.s32 @!p1 $0x580;
	s10 =	simm.s32 @!p1 $0x4  }
0x16e: {  	[spmem:s1] =	stream.indirect.scatter.add.f32 @!p1 [tilespmem:s8], [sflag:$0x4], $0x80, s6, s0, $0xb8;
	[tilespmem:$0x1F8C0] =	vst v63  }
0x16f: {  	_ =	swait.ge @!p1 [sflag:s10], $0x3000  }
0x170: {  	p0 =	sge.s32 s3, s28;
	[sflag:s10] =	ssyncset.done @!p1 $0x0  }
0x171: {  	p2 =	sge.s32 @!p0 s3, s26;
	s0 =	simm.s32 @!p0 $0x1;
	[sflag:s10] =	ssyncadd.s32 @!p1 $0xFFFFD000  }
0x172: {  	p1 =	por p2, p0;
	_ =	swait.ge @!p0 [sflag:s0], $0x3000  }
0x173: {  	s8 =	simm.s32 @!p0 $0x880;
	s6 =	simm.s32 @!p1 $0x3880;
	[sflag:s0] =	ssyncset.done @!p0 $0x0  }
0x174: {  	s10 =	simm.s32 @!p1 $0x60;
	s11 =	simm.s32 @!p1 $0x280;
	[sflag:s0] =	ssyncadd.s32 @!p0 $0xFFFFD000  }
0x175: {  	[tilespmem:s6], [sflag:$0x2] =	stream.indirect.gather @!p1 [spmem:s1], $0x80, s11, s10, $0xb8;
	[tilespmem:$0x1F8C0] =	vst v63  }
0x176: {  	s0 =	simm.s32 @!p0 $0x60;
	s6 =	simm.s32 @!p0 $0x600;
	s10 =	simm.s32 @!p0 $0x4  }
0x177: {  	[spmem:s1] =	stream.indirect.scatter.add.f32 @!p0 [tilespmem:s8], [sflag:$0x4], $0x80, s6, s0, $0xb8;
	[tilespmem:$0x1F8C0] =	vst v63  }
0x178: {  	_ =	swait.ge @!p0 [sflag:s10], $0x3000  }
0x179: {  	p1 =	sge.s32 s3, s26;
	[sflag:s10] =	ssyncset.done @!p0 $0x0  }
0x17a: {  	p2 =	sge.s32 @!p1 s3, s25;
	s0 =	simm.s32 @!p1 $0x2;
	[sflag:s10] =	ssyncadd.s32 @!p0 $0xFFFFD000  }
0x17b: {  	p0 =	por p2, p1;
	_ =	swait.ge @!p1 [sflag:s0], $0x3000  }
0x17c: {  	s8 =	simm.s32 @!p1 $0x3880;
	s6 =	simm.s32 @!p0 $0x880;
	[sflag:s0] =	ssyncset.done @!p1 $0x0  }
0x17d: {  	s10 =	simm.s32 @!p0 $0x60;
	s11 =	simm.s32 @!p0 $0x300;
	[sflag:s0] =	ssyncadd.s32 @!p1 $0xFFFFD000  }
0x17e: {  	[tilespmem:s6], [sflag:$0x1] =	stream.indirect.gather @!p0 [spmem:s1], $0x80, s11, s10, $0xb8;
	[tilespmem:$0x1F8C0] =	vst v63  }
0x17f: {  	s0 =	simm.s32 @!p1 $0x60;
	s6 =	simm.s32 @!p1 $0x680;
	s10 =	simm.s32 @!p1 $0x4  }
0x180: {  	[spmem:s1] =	stream.indirect.scatter.add.f32 @!p1 [tilespmem:s8], [sflag:$0x4], $0x80, s6, s0, $0xb8;
	[tilespmem:$0x1F8C0] =	vst v63  }
0x181: {  	_ =	swait.ge @!p1 [sflag:s10], $0x3000  }
0x182: {  	p0 =	sge.s32 s3, s25;
	[sflag:s10] =	ssyncset.done @!p1 $0x0  }
0x183: {  	p2 =	sge.s32 @!p0 s3, s24;
	s0 =	simm.s32 @!p0 $0x1;
	[sflag:s10] =	ssyncadd.s32 @!p1 $0xFFFFD000  }
0x184: {  	p1 =	por p2, p0;
	_ =	swait.ge @!p0 [sflag:s0], $0x3000  }
0x185: {  	s8 =	simm.s32 @!p0 $0x880;
	s6 =	simm.s32 @!p1 $0x3880;
	[sflag:s0] =	ssyncset.done @!p0 $0x0  }
0x186: {  	s10 =	simm.s32 @!p1 $0x60;
	s11 =	simm.s32 @!p1 $0x380;
	[sflag:s0] =	ssyncadd.s32 @!p0 $0xFFFFD000  }
0x187: {  	[tilespmem:s6], [sflag:$0x2] =	stream.indirect.gather @!p1 [spmem:s1], $0x80, s11, s10, $0xb8;
	[tilespmem:$0x1F8C0] =	vst v63  }
0x188: {  	s0 =	simm.s32 @!p0 $0x60;
	s6 =	simm.s32 @!p0 $0x700;
	s10 =	simm.s32 @!p0 $0x4  }
0x189: {  	[spmem:s1] =	stream.indirect.scatter.add.f32 @!p0 [tilespmem:s8], [sflag:$0x4], $0x80, s6, s0, $0xb8;
	[tilespmem:$0x1F8C0] =	vst v63  }
0x18a: {  	_ =	swait.ge @!p0 [sflag:s10], $0x3000  }
0x18b: {  	p1 =	sge.s32 s3, s24;
	[sflag:s10] =	ssyncset.done @!p0 $0x0  }
0x18c: {  	s0 =	simm.s32 @!p1 $0x2;
	[sflag:s10] =	ssyncadd.s32 @!p0 $0xFFFFD000  }
0x18d: {  	_ =	swait.ge @!p1 [sflag:s0], $0x3000  }
0x18e: {  	s3 =	simm.s32 @!p1 $0x3880;
	s6 =	simm.s32 @!p1 $0x60;
	[sflag:s0] =	ssyncset.done @!p1 $0x0  }
0x18f: {  	s8 =	simm.s32 @!p1 $0x780;
	[sflag:s0] =	ssyncadd.s32 @!p1 $0xFFFFD000;
	s0 =	simm.s32 @!p1 $0x3  }
0x190: {  	[spmem:s1] =	stream.indirect.scatter.add.f32 @!p1 [tilespmem:s3], [sflag:$0x3], $0x80, s8, s6, $0xb8;
	[tilespmem:$0x1F8C0] =	vst v63  }
0x191: {  	_ =	swait.ge @!p1 [sflag:s0], $0x3000  }
0x192: {  	[sflag:s0] =	ssyncset.done @!p1 $0x0  }
0x193: {  	[sflag:s0] =	ssyncadd.s32 @!p1 $0xFFFFD000  }
.LBB2_7:
0x194: {  	[bflag:$0x0] =	sbarrier.arrive $0xFFFF  }
0x195: {  	s0 =	rddreg [dreg:$0x5]  }
0x196: {  	[hbm:s0], [sflag:s7] =	dma.local [spmem:s20], $0xA00  }
0x197: {  	_ =	swait.ge [sflag:s18], $0xA00  }
0x198: {  	[sflag:s18] =	ssyncset.done $0x0  }
0x199: {  	s3 =	simm.s32 $0x800;
	s19 =	rddreg [dreg:$0x6];
	[sflag:s18] =	ssyncadd.s32 $0xFFFFF600  }
0x19a: {  	[tilespmem:s3], [sflag:$0x3] =	stream.linear.gather [hbm4b:s19+s2], $0x80, $0x38;
	[tilespmem:$0x1F8C0] =	vst v63  }
0x19b: {  	_ =	swait.ge [sflag:s18], $0x80  }
0x19c: {  	[sflag:s18] =	ssyncset.done $0x0  }
0x19d: {  	s24 =	rddreg [dreg:$0x7];
	[sflag:s18] =	ssyncadd.s32 $0xFFFFFF80  }
0x19e: {  	[spmem:s20], [sflag:s7] =	dma.local [hbm:s24], $0xA00  }
0x19f: {  	_ =	swait.ge [sflag:s18], $0xA00  }
0x1a0: {  	[sflag:s18] =	ssyncset.done $0x0  }
0x1a1: {  	[sflag:s18] =	ssyncadd.s32 $0xFFFFF600  }
0x1a2: {  	v0 =	vld [tilespmem:$0x800];
	_ =	sdelay $0x4  }
0x1a3: {  	(v2sf) =	vpush v0, $0x0;
	_ =	sdelay $0xe  }
0x1a4: {  	s25 =	spop (v2sf)  }
0x1a5: {  	s26 =	sadd.s32 $0x5F, s25  }
0x1a6: {  	s6 =	smulhi.u32 $0x2AAAAAAB, s26;
	s8 =	sshra.s32 s26, $0x1F  }
0x1a7: {  	s8 =	smul.u32 $0x2AAAAAAB, s8;
	_ =	sdelay $0x1  }
0x1a8: {  	s6 =	sadd.s32 s8, s6  }
0x1a9: {  	s8 =	sshrl.u32 s6, $0x1F;
	s6 =	sshra.s32 s6, $0x4  }
0x1aa: {  	s6 =	sadd.s32 s8, s6  }
0x1ab: {  	s8 =	smul.u32 $0xFFFFFFA0, s6  }
0x1ac: {  	s0 =	ssub.s32 $0xFFFFFFA1, s25  }
0x1ad: {  	p0 =	slt.s32 s26, $0x1;
	p1 =	sne.s32 s8, s0  }
0x1ae: {  	p0 =	por !p0, !p1  }
0x1af: {  	s0 =	simm.s32 $0x1;
	p0 =	por !p0, !p0  }
0x1b0: {  	s0 =	simm.s32 @!p0 $0x0  }
0x1b1: {  	s0 =	ssub.s32 s6, s0  }
0x1b2: {  	s28 =	sadd.s32 $0x7, s0  }
0x1b3: {  	s29 =	sand.u32 $0x7, s28  }
0x1b4: {  	p5 =	slt.s32 s0, $0xFFFFFFFA;
	s30 =	sshra.s32 s28, $0x1F;
	p6 =	sne.s32 s29, $0x0  }
0x1b5: {  	s31 =	sshrl.u32 s30, $0x1D;
	p0 =	por !p5, !p6  }
0x1b6: {  	s6 =	simm.s32 $0x1;
	s3 =	sadd.s32 s31, s28;
	p0 =	por !p0, !p0  }
0x1b7: {  	s3 =	sshra.s32 s3, $0x3;
	s6 =	simm.s32 @!p0 $0x0  }
0x1b8: {  	s3 =	ssub.s32 s3, s6  }
0x1b9: {  	p0 =	slt.s32 s3, $0x1  }
.Ltmp6:
0x1ba: {  	_ = 	snop;
	(pc) =	sbr.rel @p0 .LBB2_13-.Ltmp6, $2  }
0x1bb: {  	_ =	sdelay $0x1  }
0x1bc: {  	[bflag:$0x0] =	sbarrier.arrive $0xFFFF;
	_ =	sdelay $0x1  }
0x1bd: {  	s6 =	sadd.s32 $0xFFFFFFFF, s3  }
0x1be: {  	p1 =	sne.s32 s6, $0x0  }
.Ltmp7:
0x1bf: {  	_ = 	snop;
	(pc) =	sbr.rel @!p1 .LBB2_9-.Ltmp7, $4  }
0x1c0: {  	s31 =	sadd.s32 $0xFFFFFFFF, s0  }
0x1c1: {  	s30 =	sadd.s32 $0xFFFFFFFE, s0;
	s29 =	sadd.s32 $0xFFFFFFFD, s0;
	s28 =	sadd.s32 $0xFFFFFFFC, s0  }
0x1c2: {  	s26 =	sadd.s32 $0xFFFFFFFB, s0;
	s25 =	sadd.s32 $0xFFFFFFFA, s0;
	s24 =	sadd.s32 $0xFFFFFFF9, s0  }
0x1c3: {  	s3 =	simm.s32 $0x0;
	s8 =	sshrl.u32 s16, $0x3;
	p0 =	por $0x0, $0x0  }
0x1c4: {  	s3 =	sadd.s32 s4, s8  }
0x1c5: {  	[tilespmem:s2], [sflag:$0x4] =	stream.linear.gather [hbm4b:s3+s2], $0x400, $0x38;
	[tilespmem:$0x1F8C0] =	vst v63  }
0x1c6: {  	_ =	swait.ge [sflag:s21], $0x400  }
0x1c7: {  	[sflag:s21] =	ssyncset.done $0x0  }
0x1c8: {  	s19 =	sadd.s32 s5, s8;
	p0 =	sle.s32 s0, $0x0;
	[sflag:s21] =	ssyncadd.s32 $0xFFFFFC00  }
0x1c9: {  	[tilespmem:s22], [sflag:$0x4] =	stream.linear.gather [hbm4b:s19+s2], $0x400, $0x38;
	[tilespmem:$0x1F8C0] =	vst v63  }
0x1ca: {  	s3 =	simm.s32 @!p0 $0x60;
	_ =	swait.ge [sflag:s21], $0x400  }
0x1cb: {  	s8 =	simm.s32 @!p0 $0x0;
	s10 =	simm.s32 @!p0 $0x880;
	[sflag:s21] =	ssyncset.done $0x0  }
0x1cc: {  	s11 =	simm.s32 @!p0 $0x1;
	p1 =	sle.s32 @!p0 s31, $0x0;
	[sflag:s21] =	ssyncadd.s32 $0xFFFFFC00  }
0x1cd: {  	[tilespmem:s10], [sflag:$0x1] =	stream.indirect.gather @!p0 [spmem:s1], $0x80, s8, s3, $0xb8;
	[tilespmem:$0x1F8C0] =	vst v63  }
0x1ce: {  	p1 =	por p1, p0;
	_ =	swait.ge @!p0 [sflag:s11], $0x3000  }
0x1cf: {  	s12 =	simm.s32 @!p1 $0x80;
	[sflag:s11] =	ssyncset.done @!p0 $0x0  }
0x1d0: {  	s8 =	simm.s32 @!p1 $0x60;
	[sflag:s11] =	ssyncadd.s32 @!p0 $0xFFFFD000;
	s11 =	simm.s32 @!p1 $0x3880  }
0x1d1: {  	[tilespmem:s11], [sflag:$0x2] =	stream.indirect.gather @!p1 [spmem:s1], $0x80, s12, s8, $0xb8;
	[tilespmem:$0x1F8C0] =	vst v63  }
0x1d2: {  	s8 =	simm.s32 @!p0 $0x400;
	s11 =	simm.s32 @!p0 $0x4  }
0x1d3: {  	[spmem:s1] =	stream.indirect.scatter.add.f32 @!p0 [tilespmem:s10], [sflag:$0x4], $0x80, s8, s3, $0xb8;
	[tilespmem:$0x1F8C0] =	vst v63  }
0x1d4: {  	_ =	swait.ge @!p0 [sflag:s11], $0x3000  }
0x1d5: {  	p1 =	sle.s32 s31, $0x0;
	[sflag:s11] =	ssyncset.done @!p0 $0x0  }
0x1d6: {  	p2 =	sle.s32 @!p1 s30, $0x0;
	s3 =	simm.s32 @!p1 $0x2;
	[sflag:s11] =	ssyncadd.s32 @!p0 $0xFFFFD000  }
0x1d7: {  	p0 =	por p2, p1;
	_ =	swait.ge @!p1 [sflag:s3], $0x3000  }
0x1d8: {  	s10 =	simm.s32 @!p1 $0x3880;
	s8 =	simm.s32 @!p0 $0x880;
	[sflag:s3] =	ssyncset.done @!p1 $0x0  }
0x1d9: {  	s11 =	simm.s32 @!p0 $0x60;
	s12 =	simm.s32 @!p0 $0x100;
	[sflag:s3] =	ssyncadd.s32 @!p1 $0xFFFFD000  }
0x1da: {  	[tilespmem:s8], [sflag:$0x1] =	stream.indirect.gather @!p0 [spmem:s1], $0x80, s12, s11, $0xb8;
	[tilespmem:$0x1F8C0] =	vst v63  }
0x1db: {  	s3 =	simm.s32 @!p1 $0x60;
	s8 =	simm.s32 @!p1 $0x480;
	s11 =	simm.s32 @!p1 $0x4  }
0x1dc: {  	[spmem:s1] =	stream.indirect.scatter.add.f32 @!p1 [tilespmem:s10], [sflag:$0x4], $0x80, s8, s3, $0xb8;
	[tilespmem:$0x1F8C0] =	vst v63  }
0x1dd: {  	_ =	swait.ge @!p1 [sflag:s11], $0x3000  }
0x1de: {  	p0 =	sle.s32 s30, $0x0;
	[sflag:s11] =	ssyncset.done @!p1 $0x0  }
0x1df: {  	p2 =	sle.s32 @!p0 s29, $0x0;
	s3 =	simm.s32 @!p0 $0x1;
	[sflag:s11] =	ssyncadd.s32 @!p1 $0xFFFFD000  }
0x1e0: {  	p1 =	por p2, p0;
	_ =	swait.ge @!p0 [sflag:s3], $0x3000  }
0x1e1: {  	s10 =	simm.s32 @!p0 $0x880;
	s8 =	simm.s32 @!p1 $0x3880;
	[sflag:s3] =	ssyncset.done @!p0 $0x0  }
0x1e2: {  	s11 =	simm.s32 @!p1 $0x60;
	s12 =	simm.s32 @!p1 $0x180;
	[sflag:s3] =	ssyncadd.s32 @!p0 $0xFFFFD000  }
0x1e3: {  	[tilespmem:s8], [sflag:$0x2] =	stream.indirect.gather @!p1 [spmem:s1], $0x80, s12, s11, $0xb8;
	[tilespmem:$0x1F8C0] =	vst v63  }
0x1e4: {  	s3 =	simm.s32 @!p0 $0x60;
	s8 =	simm.s32 @!p0 $0x500;
	s11 =	simm.s32 @!p0 $0x4  }
0x1e5: {  	[spmem:s1] =	stream.indirect.scatter.add.f32 @!p0 [tilespmem:s10], [sflag:$0x4], $0x80, s8, s3, $0xb8;
	[tilespmem:$0x1F8C0] =	vst v63  }
0x1e6: {  	_ =	swait.ge @!p0 [sflag:s11], $0x3000  }
0x1e7: {  	p1 =	sle.s32 s29, $0x0;
	[sflag:s11] =	ssyncset.done @!p0 $0x0  }
0x1e8: {  	p2 =	sle.s32 @!p1 s28, $0x0;
	s3 =	simm.s32 @!p1 $0x2;
	[sflag:s11] =	ssyncadd.s32 @!p0 $0xFFFFD000  }
0x1e9: {  	p0 =	por p2, p1;
	_ =	swait.ge @!p1 [sflag:s3], $0x3000  }
0x1ea: {  	s10 =	simm.s32 @!p1 $0x3880;
	s8 =	simm.s32 @!p0 $0x880;
	[sflag:s3] =	ssyncset.done @!p1 $0x0  }
0x1eb: {  	s11 =	simm.s32 @!p0 $0x60;
	s12 =	simm.s32 @!p0 $0x200;
	[sflag:s3] =	ssyncadd.s32 @!p1 $0xFFFFD000  }
0x1ec: {  	[tilespmem:s8], [sflag:$0x1] =	stream.indirect.gather @!p0 [spmem:s1], $0x80, s12, s11, $0xb8;
	[tilespmem:$0x1F8C0] =	vst v63  }
0x1ed: {  	s3 =	simm.s32 @!p1 $0x60;
	s8 =	simm.s32 @!p1 $0x580;
	s11 =	simm.s32 @!p1 $0x4  }
0x1ee: {  	[spmem:s1] =	stream.indirect.scatter.add.f32 @!p1 [tilespmem:s10], [sflag:$0x4], $0x80, s8, s3, $0xb8;
	[tilespmem:$0x1F8C0] =	vst v63  }
0x1ef: {  	_ =	swait.ge @!p1 [sflag:s11], $0x3000  }
0x1f0: {  	p0 =	sle.s32 s28, $0x0;
	[sflag:s11] =	ssyncset.done @!p1 $0x0  }
0x1f1: {  	p2 =	sle.s32 @!p0 s26, $0x0;
	s3 =	simm.s32 @!p0 $0x1;
	[sflag:s11] =	ssyncadd.s32 @!p1 $0xFFFFD000  }
0x1f2: {  	p1 =	por p2, p0;
	_ =	swait.ge @!p0 [sflag:s3], $0x3000  }
0x1f3: {  	s10 =	simm.s32 @!p0 $0x880;
	s8 =	simm.s32 @!p1 $0x3880;
	[sflag:s3] =	ssyncset.done @!p0 $0x0  }
0x1f4: {  	s11 =	simm.s32 @!p1 $0x60;
	s12 =	simm.s32 @!p1 $0x280;
	[sflag:s3] =	ssyncadd.s32 @!p0 $0xFFFFD000  }
0x1f5: {  	[tilespmem:s8], [sflag:$0x2] =	stream.indirect.gather @!p1 [spmem:s1], $0x80, s12, s11, $0xb8;
	[tilespmem:$0x1F8C0] =	vst v63  }
0x1f6: {  	s3 =	simm.s32 @!p0 $0x60;
	s8 =	simm.s32 @!p0 $0x600;
	s11 =	simm.s32 @!p0 $0x4  }
0x1f7: {  	[spmem:s1] =	stream.indirect.scatter.add.f32 @!p0 [tilespmem:s10], [sflag:$0x4], $0x80, s8, s3, $0xb8;
	[tilespmem:$0x1F8C0] =	vst v63  }
0x1f8: {  	_ =	swait.ge @!p0 [sflag:s11], $0x3000  }
0x1f9: {  	p1 =	sle.s32 s26, $0x0;
	[sflag:s11] =	ssyncset.done @!p0 $0x0  }
0x1fa: {  	p2 =	sle.s32 @!p1 s25, $0x0;
	s3 =	simm.s32 @!p1 $0x2;
	[sflag:s11] =	ssyncadd.s32 @!p0 $0xFFFFD000  }
0x1fb: {  	p0 =	por p2, p1;
	_ =	swait.ge @!p1 [sflag:s3], $0x3000  }
0x1fc: {  	s10 =	simm.s32 @!p1 $0x3880;
	s8 =	simm.s32 @!p0 $0x880;
	[sflag:s3] =	ssyncset.done @!p1 $0x0  }
0x1fd: {  	s11 =	simm.s32 @!p0 $0x60;
	s12 =	simm.s32 @!p0 $0x300;
	[sflag:s3] =	ssyncadd.s32 @!p1 $0xFFFFD000  }
0x1fe: {  	[tilespmem:s8], [sflag:$0x1] =	stream.indirect.gather @!p0 [spmem:s1], $0x80, s12, s11, $0xb8;
	[tilespmem:$0x1F8C0] =	vst v63  }
0x1ff: {  	s3 =	simm.s32 @!p1 $0x60;
	s8 =	simm.s32 @!p1 $0x680;
	s11 =	simm.s32 @!p1 $0x4  }
0x200: {  	[spmem:s1] =	stream.indirect.scatter.add.f32 @!p1 [tilespmem:s10], [sflag:$0x4], $0x80, s8, s3, $0xb8;
	[tilespmem:$0x1F8C0] =	vst v63  }
0x201: {  	_ =	swait.ge @!p1 [sflag:s11], $0x3000  }
0x202: {  	p0 =	sle.s32 s25, $0x0;
	[sflag:s11] =	ssyncset.done @!p1 $0x0  }
0x203: {  	p2 =	sle.s32 @!p0 s24, $0x0;
	s3 =	simm.s32 @!p0 $0x1;
	[sflag:s11] =	ssyncadd.s32 @!p1 $0xFFFFD000  }
0x204: {  	p1 =	por p2, p0;
	_ =	swait.ge @!p0 [sflag:s3], $0x3000  }
0x205: {  	s10 =	simm.s32 @!p0 $0x880;
	s8 =	simm.s32 @!p1 $0x3880;
	[sflag:s3] =	ssyncset.done @!p0 $0x0  }
0x206: {  	s11 =	simm.s32 @!p1 $0x60;
	s12 =	simm.s32 @!p1 $0x380;
	[sflag:s3] =	ssyncadd.s32 @!p0 $0xFFFFD000  }
0x207: {  	[tilespmem:s8], [sflag:$0x2] =	stream.indirect.gather @!p1 [spmem:s1], $0x80, s12, s11, $0xb8;
	[tilespmem:$0x1F8C0] =	vst v63  }
0x208: {  	s3 =	simm.s32 @!p0 $0x60;
	s8 =	simm.s32 @!p0 $0x700;
	s11 =	simm.s32 @!p0 $0x4  }
0x209: {  	[spmem:s1] =	stream.indirect.scatter.add.f32 @!p0 [tilespmem:s10], [sflag:$0x4], $0x80, s8, s3, $0xb8;
	[tilespmem:$0x1F8C0] =	vst v63  }
0x20a: {  	_ =	swait.ge @!p0 [sflag:s11], $0x3000  }
0x20b: {  	s6 =	sadd.s32 $0xFFFFFFFF, s6;
	p2 =	sle.s32 s24, $0x0;
	[sflag:s11] =	ssyncset.done @!p0 $0x0  }
0x20c: {  	p1 =	sne.s32 s6, $0x0;
	s3 =	simm.s32 @!p2 $0x2;
	[sflag:s11] =	ssyncadd.s32 @!p0 $0xFFFFD000  }
.Ltmp8:
0x20d: {  	s19 =	sadd.s32 $0x400, s16;
	_ =	swait.ge @!p2 [sflag:s3], $0x3000;
	(pc) =	sbr.rel @!p1 .LBB2_12-.Ltmp8, $4  }
0x20e: {  	s8 =	simm.s32 @!p2 $0x3880;
	s10 =	simm.s32 @!p2 $0x60;
	[sflag:s3] =	ssyncset.done @!p2 $0x0  }
0x20f: {  	s11 =	simm.s32 @!p2 $0x780;
	p0 =	por $0x1, $0x1;
	[sflag:s3] =	ssyncadd.s32 @!p2 $0xFFFFD000  }
0x210: {  	[spmem:s1] =	stream.indirect.scatter.add.f32 @!p2 [tilespmem:s8], [sflag:$0x3], $0x80, s11, s10, $0xb8;
	[tilespmem:$0x1F8C0] =	vst v63  }
0x211: {  	s3 =	simm.s32 $0x8;
	s8 =	sshrl.u32 s19, $0x3;
	s10 =	simm.s32 @!p2 $0x3  }
.LBB2_11:
0x212: {  	s6 =	sadd.s32 $0xFFFFFFFF, s6;
	s11 =	sadd.s32 s4, s8;
	_ =	swait.ge @!p2 [sflag:s10], $0x3000  }
0x213: {  	p1 =	sne.s32 s6, $0x0;
	[sflag:s10] =	ssyncset.done @!p2 $0x0  }
0x214: {  	[sflag:s10] =	ssyncadd.s32 @!p2 $0xFFFFD000  }
0x215: {  	[tilespmem:s2], [sflag:$0x4] =	stream.linear.gather [hbm4b:s11+s2], $0x400, $0x38;
	[tilespmem:$0x1F8C0] =	vst v63  }
0x216: {  	s8 =	sadd.s32 s5, s8;
	_ =	swait.ge [sflag:s21], $0x400  }
0x217: {  	[sflag:s21] =	ssyncset.done $0x0  }
0x218: {  	p2 =	sge.s32 s3, s0;
	[sflag:s21] =	ssyncadd.s32 $0xFFFFFC00  }
0x219: {  	[tilespmem:s22], [sflag:$0x4] =	stream.linear.gather [hbm4b:s8+s2], $0x400, $0x38;
	[tilespmem:$0x1F8C0] =	vst v63  }
0x21a: {  	s10 =	simm.s32 @!p2 $0x0;
	s8 =	simm.s32 @!p2 $0x60;
	_ =	swait.ge [sflag:s21], $0x400  }
0x21b: {  	s11 =	simm.s32 @!p2 $0x880;
	s12 =	simm.s32 @!p2 $0x1;
	[sflag:s21] =	ssyncset.done $0x0  }
0x21c: {  	p3 =	sge.s32 @!p2 s3, s31;
	[sflag:s21] =	ssyncadd.s32 $0xFFFFFC00  }
0x21d: {  	[tilespmem:s11], [sflag:$0x1] =	stream.indirect.gather @!p2 [spmem:s1], $0x80, s10, s8, $0xb8;
	[tilespmem:$0x1F8C0] =	vst v63  }
0x21e: {  	p3 =	por p3, p2;
	_ =	swait.ge @!p2 [sflag:s12], $0x3000  }
0x21f: {  	s13 =	simm.s32 @!p3 $0x80;
	s10 =	simm.s32 @!p3 $0x60;
	[sflag:s12] =	ssyncset.done @!p2 $0x0  }
0x220: {  	s15 =	simm.s32 @!p2 $0x400;
	[sflag:s12] =	ssyncadd.s32 @!p2 $0xFFFFD000;
	s12 =	simm.s32 @!p3 $0x3880  }
0x221: {  	[tilespmem:s12], [sflag:$0x2] =	stream.indirect.gather @!p3 [spmem:s1], $0x80, s13, s10, $0xb8;
	[tilespmem:$0x1F8C0] =	vst v63  }
0x222: {  	s10 =	simm.s32 @!p2 $0x4  }
0x223: {  	[spmem:s1] =	stream.indirect.scatter.add.f32 @!p2 [tilespmem:s11], [sflag:$0x4], $0x80, s15, s8, $0xb8;
	[tilespmem:$0x1F8C0] =	vst v63  }
0x224: {  	p3 =	sge.s32 s3, s31;
	_ =	swait.ge @!p2 [sflag:s10], $0x3000  }
0x225: {  	p4 =	sge.s32 @!p3 s3, s30;
	s8 =	simm.s32 @!p3 $0x2;
	[sflag:s10] =	ssyncset.done @!p2 $0x0  }
0x226: {  	[sflag:s10] =	ssyncadd.s32 @!p2 $0xFFFFD000;
	p2 =	por p4, p3  }
0x227: {  	s11 =	simm.s32 @!p3 $0x3880;
	_ =	swait.ge @!p3 [sflag:s8], $0x3000;
	s10 =	simm.s32 @!p2 $0x880  }
0x228: {  	s12 =	simm.s32 @!p2 $0x60;
	s13 =	simm.s32 @!p2 $0x100;
	[sflag:s8] =	ssyncset.done @!p3 $0x0  }
0x229: {  	s15 =	simm.s32 @!p3 $0x480;
	[sflag:s8] =	ssyncadd.s32 @!p3 $0xFFFFD000;
	s8 =	simm.s32 @!p3 $0x60  }
0x22a: {  	[tilespmem:s10], [sflag:$0x1] =	stream.indirect.gather @!p2 [spmem:s1], $0x80, s13, s12, $0xb8;
	[tilespmem:$0x1F8C0] =	vst v63  }
0x22b: {  	s10 =	simm.s32 @!p3 $0x4  }
0x22c: {  	[spmem:s1] =	stream.indirect.scatter.add.f32 @!p3 [tilespmem:s11], [sflag:$0x4], $0x80, s15, s8, $0xb8;
	[tilespmem:$0x1F8C0] =	vst v63  }
0x22d: {  	p2 =	sge.s32 s3, s30;
	_ =	swait.ge @!p3 [sflag:s10], $0x3000  }
0x22e: {  	p4 =	sge.s32 @!p2 s3, s29;
	s8 =	simm.s32 @!p2 $0x1;
	[sflag:s10] =	ssyncset.done @!p3 $0x0  }
0x22f: {  	[sflag:s10] =	ssyncadd.s32 @!p3 $0xFFFFD000;
	p3 =	por p4, p2  }
0x230: {  	s11 =	simm.s32 @!p2 $0x880;
	_ =	swait.ge @!p2 [sflag:s8], $0x3000;
	s10 =	simm.s32 @!p3 $0x3880  }
0x231: {  	s12 =	simm.s32 @!p3 $0x60;
	s13 =	simm.s32 @!p3 $0x180;
	[sflag:s8] =	ssyncset.done @!p2 $0x0  }
0x232: {  	s15 =	simm.s32 @!p2 $0x500;
	[sflag:s8] =	ssyncadd.s32 @!p2 $0xFFFFD000;
	s8 =	simm.s32 @!p2 $0x60  }
0x233: {  	[tilespmem:s10], [sflag:$0x2] =	stream.indirect.gather @!p3 [spmem:s1], $0x80, s13, s12, $0xb8;
	[tilespmem:$0x1F8C0] =	vst v63  }
0x234: {  	s10 =	simm.s32 @!p2 $0x4  }
0x235: {  	[spmem:s1] =	stream.indirect.scatter.add.f32 @!p2 [tilespmem:s11], [sflag:$0x4], $0x80, s15, s8, $0xb8;
	[tilespmem:$0x1F8C0] =	vst v63  }
0x236: {  	p3 =	sge.s32 s3, s29;
	_ =	swait.ge @!p2 [sflag:s10], $0x3000  }
0x237: {  	p4 =	sge.s32 @!p3 s3, s28;
	s8 =	simm.s32 @!p3 $0x2;
	[sflag:s10] =	ssyncset.done @!p2 $0x0  }
0x238: {  	[sflag:s10] =	ssyncadd.s32 @!p2 $0xFFFFD000;
	p2 =	por p4, p3  }
0x239: {  	s11 =	simm.s32 @!p3 $0x3880;
	_ =	swait.ge @!p3 [sflag:s8], $0x3000;
	s10 =	simm.s32 @!p2 $0x880  }
0x23a: {  	s12 =	simm.s32 @!p2 $0x60;
	s13 =	simm.s32 @!p2 $0x200;
	[sflag:s8] =	ssyncset.done @!p3 $0x0  }
0x23b: {  	s15 =	simm.s32 @!p3 $0x580;
	[sflag:s8] =	ssyncadd.s32 @!p3 $0xFFFFD000;
	s8 =	simm.s32 @!p3 $0x60  }
0x23c: {  	[tilespmem:s10], [sflag:$0x1] =	stream.indirect.gather @!p2 [spmem:s1], $0x80, s13, s12, $0xb8;
	[tilespmem:$0x1F8C0] =	vst v63  }
0x23d: {  	s10 =	simm.s32 @!p3 $0x4  }
0x23e: {  	[spmem:s1] =	stream.indirect.scatter.add.f32 @!p3 [tilespmem:s11], [sflag:$0x4], $0x80, s15, s8, $0xb8;
	[tilespmem:$0x1F8C0] =	vst v63  }
0x23f: {  	p2 =	sge.s32 s3, s28;
	_ =	swait.ge @!p3 [sflag:s10], $0x3000  }
0x240: {  	p4 =	sge.s32 @!p2 s3, s26;
	s8 =	simm.s32 @!p2 $0x1;
	[sflag:s10] =	ssyncset.done @!p3 $0x0  }
0x241: {  	[sflag:s10] =	ssyncadd.s32 @!p3 $0xFFFFD000;
	p3 =	por p4, p2  }
0x242: {  	s11 =	simm.s32 @!p2 $0x880;
	_ =	swait.ge @!p2 [sflag:s8], $0x3000;
	s10 =	simm.s32 @!p3 $0x3880  }
0x243: {  	s12 =	simm.s32 @!p3 $0x60;
	s13 =	simm.s32 @!p3 $0x280;
	[sflag:s8] =	ssyncset.done @!p2 $0x0  }
0x244: {  	s15 =	simm.s32 @!p2 $0x600;
	[sflag:s8] =	ssyncadd.s32 @!p2 $0xFFFFD000;
	s8 =	simm.s32 @!p2 $0x60  }
0x245: {  	[tilespmem:s10], [sflag:$0x2] =	stream.indirect.gather @!p3 [spmem:s1], $0x80, s13, s12, $0xb8;
	[tilespmem:$0x1F8C0] =	vst v63  }
0x246: {  	s10 =	simm.s32 @!p2 $0x4  }
0x247: {  	[spmem:s1] =	stream.indirect.scatter.add.f32 @!p2 [tilespmem:s11], [sflag:$0x4], $0x80, s15, s8, $0xb8;
	[tilespmem:$0x1F8C0] =	vst v63  }
0x248: {  	p3 =	sge.s32 s3, s26;
	_ =	swait.ge @!p2 [sflag:s10], $0x3000  }
0x249: {  	p4 =	sge.s32 @!p3 s3, s25;
	s8 =	simm.s32 @!p3 $0x2;
	[sflag:s10] =	ssyncset.done @!p2 $0x0  }
0x24a: {  	[sflag:s10] =	ssyncadd.s32 @!p2 $0xFFFFD000;
	p2 =	por p4, p3  }
0x24b: {  	s11 =	simm.s32 @!p3 $0x3880;
	_ =	swait.ge @!p3 [sflag:s8], $0x3000;
	s10 =	simm.s32 @!p2 $0x880  }
0x24c: {  	s12 =	simm.s32 @!p2 $0x60;
	s13 =	simm.s32 @!p2 $0x300;
	[sflag:s8] =	ssyncset.done @!p3 $0x0  }
0x24d: {  	s15 =	simm.s32 @!p3 $0x680;
	[sflag:s8] =	ssyncadd.s32 @!p3 $0xFFFFD000;
	s8 =	simm.s32 @!p3 $0x60  }
0x24e: {  	[tilespmem:s10], [sflag:$0x1] =	stream.indirect.gather @!p2 [spmem:s1], $0x80, s13, s12, $0xb8;
	[tilespmem:$0x1F8C0] =	vst v63  }
0x24f: {  	s10 =	simm.s32 @!p3 $0x4  }
0x250: {  	[spmem:s1] =	stream.indirect.scatter.add.f32 @!p3 [tilespmem:s11], [sflag:$0x4], $0x80, s15, s8, $0xb8;
	[tilespmem:$0x1F8C0] =	vst v63  }
0x251: {  	p4 =	sge.s32 s3, s25;
	_ =	swait.ge @!p3 [sflag:s10], $0x3000  }
0x252: {  	p2 =	sge.s32 @!p4 s3, s24;
	s8 =	simm.s32 @!p4 $0x1;
	[sflag:s10] =	ssyncset.done @!p3 $0x0  }
0x253: {  	p2 =	por p2, p4;
	[sflag:s10] =	ssyncadd.s32 @!p3 $0xFFFFD000  }
0x254: {  	s11 =	simm.s32 @!p4 $0x880;
	s10 =	simm.s32 @!p2 $0x3880;
	_ =	swait.ge @!p4 [sflag:s8], $0x3000  }
0x255: {  	s12 =	simm.s32 @!p2 $0x60;
	s13 =	simm.s32 @!p2 $0x380;
	[sflag:s8] =	ssyncset.done @!p4 $0x0  }
0x256: {  	s15 =	simm.s32 @!p4 $0x700;
	[sflag:s8] =	ssyncadd.s32 @!p4 $0xFFFFD000;
	s8 =	simm.s32 @!p4 $0x60  }
0x257: {  	[tilespmem:s10], [sflag:$0x2] =	stream.indirect.gather @!p2 [spmem:s1], $0x80, s13, s12, $0xb8;
	[tilespmem:$0x1F8C0] =	vst v63  }
0x258: {  	s10 =	simm.s32 @!p4 $0x4  }
0x259: {  	[spmem:s1] =	stream.indirect.scatter.add.f32 @!p4 [tilespmem:s11], [sflag:$0x4], $0x80, s15, s8, $0xb8;
	[tilespmem:$0x1F8C0] =	vst v63  }
0x25a: {  	p2 =	sge.s32 s3, s24;
	_ =	swait.ge @!p4 [sflag:s10], $0x3000  }
0x25b: {  	s11 =	simm.s32 @!p2 $0x2;
	[sflag:s10] =	ssyncset.done @!p4 $0x0  }
.Ltmp9:
0x25c: {  	s3 =	sadd.s32 $0x8, s3;
	[sflag:s10] =	ssyncadd.s32 @!p4 $0xFFFFD000;
	(pc) =	sbr.rel @p1 .LBB2_11-.Ltmp9, $4  }
0x25d: {  	s19 =	sadd.s32 $0x400, s19;
	s12 =	simm.s32 @!p2 $0x3880;
	_ =	swait.ge @!p2 [sflag:s11], $0x3000  }
0x25e: {  	s13 =	simm.s32 @!p2 $0x60;
	s15 =	simm.s32 @!p2 $0x780;
	[sflag:s11] =	ssyncset.done @!p2 $0x0  }
0x25f: {  	s8 =	sshrl.u32 s19, $0x3;
	s10 =	simm.s32 @!p2 $0x3;
	[sflag:s11] =	ssyncadd.s32 @!p2 $0xFFFFD000  }
0x260: {  	[spmem:s1] =	stream.indirect.scatter.add.f32 @!p2 [tilespmem:s12], [sflag:$0x3], $0x80, s15, s13, $0xb8;
	[tilespmem:$0x1F8C0] =	vst v63  }
.Ltmp10:
0x261: {  	_ = 	snop;
	(pc) =	sbr.rel .LBB2_12-.Ltmp10, $1  }
0x262: {  	_ =	sdelay $0x3  }
.LBB2_3:
.Ltmp11:
0x263: {  	(pc) =	sbr.rel .LBB2_6-.Ltmp11, $2  }
0x264: {  	_ =	sdelay $0x2  }
0x265: {  	_ = 	snop  }
.LBB2_14:
0x266: {  	_ =	sfence.sel $0x180000  }
0x267: {  	[bflag:$0x0] =	sbarrier.arrive $0xFFFF  }
0x268: {  	_ =	strace $0x9000004A  }
0x269: {  	s0 =	stileid.u32;
	[bflag:$0x2] =	sbarrier.arrive $0xFFFF  }
0x26a: {  	p0 =	sne.s32 s0, $0x0;
	s0 =	rddreg [dreg:$0x2]  }
0x26b: {  	s0 =	sadd.s32 @!p0 $0x100000, s0  }
0x26c: {  	[sflag:s0] =	ssyncadd.tile.s32 @!p0 $0x1;
	_ =	shalt  }
.Lfunc_end2:
_tile_overlayer_lowered:
.L_overlay_start_2:
0x26d: {  	(tag) =	ssettag $0x2  }
0x26e: {  	s0 =	rddreg [dreg:$0x0];
	s2 =	stileid.u32  }
0x26f: {  	s1 =	rddreg [dreg:$0x1];
	p0 =	sne.s32 s2, $0x0  }
0x270: {  	s3 =	rddreg [dreg:$0x2];
	[bflag:$0x3] =	sbarrier.arrive $0xFFFF;
	s2 =	simm.s32 @!p0 $0x1C03  }
0x271: {  	[timem:s3], [sflag:s2] =	dma.local @!p0 [hbm:s0], s1  }
0x272: {  	s0 =	simm.s32 @!p0 $0x3  }
0x273: {  	_ =	swait.ge @!p0 [sflag:s0], s1  }
0x274: {  	s1 =	ssub.s32 @!p0 $0x0, s1;
	[sflag:s0] =	ssyncset.done @!p0 $0x0  }
0x275: {  	[sflag:s0] =	ssyncadd.s32 @!p0 s1  }
0x276: {  	[bflag:$0x3] =	sbarrier.arrive $0xFFFF  }
0x277: {  	_ =	shalt  }

</sc_bundles>
